<compile_context>
chip_gen: v7x
topology: tpu7x:2x2x1
jax: 0.10.2.dev20260603
libtpu: 0.0.44.dev20260713+nightly
codegen_flags: <defaults>
</compile_context>

<pallas_src>
import functools

import jax
import jax.numpy as jnp
from jax import lax
from jax.experimental import pallas as pl
from jax.experimental.pallas import tpu as pltpu
from jax.experimental.pallas import tpu_sc as plsc

N = 10000
D = 128
G = 256
E = 320000

NC = 2
NS = 16
NW = NC * NS

C = 100
NCHUNK = 100
HALF = 25
NBUF = 3
PER_TILE = NCHUNK * C
N_PAD = 10240
ROWS_PER_TILE = N_PAD // NS

_PREC = jax.lax.Precision.DEFAULT


def _sc_segment_partials(feats, src3, dst3):
  mesh = plsc.VectorSubcoreMesh(core_axis_name="c", subcore_axis_name="s")

  @functools.partial(
      pl.kernel,
      out_type=jax.ShapeDtypeStruct((NC, N_PAD, D), jnp.float32),
      mesh=mesh,
      scratch_types=[
          pltpu.VMEM((HALF, C), jnp.int32),
          pltpu.VMEM((HALF, C), jnp.int32),
          pltpu.VMEM((C, D), jnp.float32),
          pltpu.VMEM((C, D), jnp.float32),
          pltpu.VMEM((C, D), jnp.float32),
          pltpu.VMEM_SHARED((N_PAD, D), jnp.float32),
          pltpu.SemaphoreType.DMA,
          pltpu.SemaphoreType.DMA,
          pltpu.SemaphoreType.DMA,
      ],
  )
  def k(feats_hbm, src_hbm, dst_hbm, out_hbm, sidx, didx, rows0, rows1, rows2,
        accum, sem0, sem1, sem2):
    cid = lax.axis_index("c")
    sid = lax.axis_index("s")
    wid = cid * NS + sid

    def zfill(r, carry):
      for j in range(D // 16):
        rows0[r, pl.ds(j * 16, 16)] = jnp.zeros((16,), jnp.float32)
      return carry

    lax.fori_loop(0, C, zfill, 0)

    def zcopy(j, carry):
      pltpu.sync_copy(rows0, accum.at[pl.ds(sid * ROWS_PER_TILE + j * C, C)])
      return carry

    lax.fori_loop(0, ROWS_PER_TILE // C, zcopy, 0)
    pltpu.sync_copy(
        rows0.at[pl.ds(0, ROWS_PER_TILE % C)],
        accum.at[pl.ds(sid * ROWS_PER_TILE + (ROWS_PER_TILE // C) * C,
                       ROWS_PER_TILE % C)])
    plsc.subcore_barrier()

    bufs = [(rows0, sem0), (rows1, sem1), (rows2, sem2)]

    for h in range(NCHUNK // HALF):
      pltpu.sync_copy(src_hbm.at[wid, h], sidx)
      pltpu.sync_copy(dst_hbm.at[wid, h], didx)
      for b in range(NBUF):
        pltpu.async_copy(feats_hbm.at[sidx.at[b]], bufs[b][0], bufs[b][1])

      def chunk(i, carry):
        j = NBUF * i
        for b in range(NBUF):
          rws, sm = bufs[b]
          pltpu.make_async_copy(feats_hbm.at[sidx.at[j + b]], rws, sm).wait()
          pltpu.sync_copy(rws, accum.at[didx.at[j + b]], add=True)

          @pl.when(j + b + NBUF < HALF)
          def _():
            pltpu.async_copy(feats_hbm.at[sidx.at[j + b + NBUF]], rws, sm)

        return carry

      lax.fori_loop(0, HALF // NBUF, chunk, 0)
      pltpu.make_async_copy(feats_hbm.at[sidx.at[HALF - 1]], bufs[0][0],
                            bufs[0][1]).wait()
      pltpu.sync_copy(bufs[0][0], accum.at[didx.at[HALF - 1]], add=True)
    plsc.subcore_barrier()

    pltpu.sync_copy(
        accum.at[pl.ds(sid * ROWS_PER_TILE, ROWS_PER_TILE)],
        out_hbm.at[cid, pl.ds(sid * ROWS_PER_TILE, ROWS_PER_TILE)],
    )

  return k(feats, src3, dst3)


def _tc_mm_body(x_ref, w_ref, b_ref, o_ref):
  o_ref[...] = lax.dot_general(x_ref[...], w_ref[...], (((1,), (0,)), ((), ())),
                               precision=_PREC,
                               preferred_element_type=jnp.float32) + b_ref[...]


def _tc_mm(x, w, b):
  R = 2000
  grid = N // R
  return pl.pallas_call(
      _tc_mm_body,
      grid=(grid,),
      in_specs=[
          pl.BlockSpec((R, D), lambda i: (i, 0)),
          pl.BlockSpec((D, D), lambda i: (0, 0)),
          pl.BlockSpec((1, D), lambda i: (0, 0)),
      ],
      out_specs=pl.BlockSpec((R, D), lambda i: (i, 0)),
      out_shape=jax.ShapeDtypeStruct((N, D), jnp.float32),
  )(x, w, b)


def _tc_layer_body(p_ref, t_ref, wr_ref, h_ref):
  agg = p_ref[0] + p_ref[1]
  h = lax.dot_general(agg, wr_ref[...], (((1,), (0,)), ((), ())),
                      precision=_PREC, preferred_element_type=jnp.float32)
  h_ref[...] = jnp.maximum(h + t_ref[...], 0.0)


def _tc_layer(p, t, w_rel):
  R = 2000
  grid = N // R
  return pl.pallas_call(
      _tc_layer_body,
      grid=(grid,),
      in_specs=[
          pl.BlockSpec((NC, R, D), lambda i: (0, i, 0)),
          pl.BlockSpec((R, D), lambda i: (i, 0)),
          pl.BlockSpec((D, D), lambda i: (0, 0)),
      ],
      out_specs=pl.BlockSpec((R, D), lambda i: (i, 0)),
      out_shape=jax.ShapeDtypeStruct((N, D), jnp.float32),
  )(p, t, w_rel)


R2 = 2000
GRID2 = N // R2


def _tc_layer_pool_body(q_ref, t_ref, wr_ref, batch_ref,
                        out_ref, acc_ref, cnt_ref):
  step = pl.program_id(0)

  @pl.when(step == 0)
  def _():
    acc_ref[...] = jnp.zeros_like(acc_ref)
    cnt_ref[...] = jnp.zeros_like(cnt_ref)

  agg = q_ref[0] + q_ref[1]
  h2 = lax.dot_general(agg, wr_ref[...], (((1,), (0,)), ((), ())),
                       precision=_PREC, preferred_element_type=jnp.float32)
  h2 = jnp.maximum(h2 + t_ref[...], 0.0)

  bb = batch_ref[0, 0, :]
  iota_g = lax.broadcasted_iota(jnp.int32, (G, R2), 0)
  onehot = (iota_g == bb[None, :]).astype(jnp.float32)
  acc_ref[...] += lax.dot_general(onehot, h2, (((1,), (0,)), ((), ())),
                                  precision=_PREC,
                                  preferred_element_type=jnp.float32)
  cnt_ref[...] += jnp.broadcast_to(
      jnp.sum(onehot, axis=1, keepdims=True), (G, D))

  @pl.when(step == GRID2 - 1)
  def _():
    out_ref[...] = acc_ref[...] / jnp.maximum(cnt_ref[...], 1.0)


def _tc_layer_pool(q, t, w_rel, batch3d):
  return pl.pallas_call(
      _tc_layer_pool_body,
      grid=(GRID2,),
      in_specs=[
          pl.BlockSpec((NC, R2, D), lambda i: (0, i, 0)),
          pl.BlockSpec((R2, D), lambda i: (i, 0)),
          pl.BlockSpec((D, D), lambda i: (0, 0)),
          pl.BlockSpec((1, 1, R2), lambda i: (i, 0, 0)),
      ],
      out_specs=pl.BlockSpec((G, D), lambda i: (0, 0)),
      out_shape=jax.ShapeDtypeStruct((G, D), jnp.float32),
      scratch_shapes=[
          pltpu.VMEM((G, D), jnp.float32),
          pltpu.VMEM((G, D), jnp.float32),
      ],
  )(q, t, w_rel, batch3d)


def kernel(x, edge_index, batch, W_rel1, b_rel1, W_root1, W_rel2, b_rel2, W_root2):
  src3 = edge_index[0].reshape(NW, NCHUNK // HALF, HALF, C)
  dst3 = edge_index[1].reshape(NW, NCHUNK // HALF, HALF, C)

  b1 = b_rel1.reshape(1, D)
  b2 = b_rel2.reshape(1, D)
  batch3d = batch.reshape(GRID2, 1, R2)

  t1 = _tc_mm(x, W_root1, b1)
  p = _sc_segment_partials(x, src3, dst3)
  h = _tc_layer(p, t1, W_rel1)
  t2 = _tc_mm(h, W_root2, b2)
  q = _sc_segment_partials(h, src3, dst3)
  out = _tc_layer_pool(q, t2, W_rel2, batch3d)
  return out

# --- scband reference (transcript-rebuilt; emitter-appended) ---
"""Pipeline reference for scband-node-convolution-10986526343835 (READ-ONLY COPY).

The authoritative reference and input builder live on the scoring server;
editing this copy changes nothing except your own understanding.
"""

import jax, jax.numpy as jnp
import numpy as np

N = 10000
E = 320000
D = 128
G = 256

def setup_inputs(seed: int = 0) -> dict:
    key = jax.random.key(seed)
    ks = jax.random.split(key, 9)
    x = jax.random.normal(ks[0], (N, D), dtype=jnp.float32)
    edge_index = jax.random.randint(ks[1], (2, E), 0, N, dtype=jnp.int32)
    batch = jnp.sort(jax.random.randint(ks[2], (N,), 0, G, dtype=jnp.int32))
    s = 1.0 / np.sqrt(D)
    W_rel1 = jax.random.uniform(ks[3], (D, D), dtype=jnp.float32, minval=-s, maxval=s)
    b_rel1 = jnp.zeros((D,), dtype=jnp.float32)
    W_root1 = jax.random.uniform(ks[4], (D, D), dtype=jnp.float32, minval=-s, maxval=s)
    W_rel2 = jax.random.uniform(ks[5], (D, D), dtype=jnp.float32, minval=-s, maxval=s)
    b_rel2 = jnp.zeros((D,), dtype=jnp.float32)
    W_root2 = jax.random.uniform(ks[6], (D, D), dtype=jnp.float32, minval=-s, maxval=s)
    return {"x": x, "edge_index": edge_index, "batch": batch,
            "W_rel1": W_rel1, "b_rel1": b_rel1, "W_root1": W_root1,
            "W_rel2": W_rel2, "b_rel2": b_rel2, "W_root2": W_root2}

def reference(x, edge_index, batch, W_rel1, b_rel1, W_root1, W_rel2, b_rel2, W_root2):
    # GraphConv layer 1: out[i] = lin_rel(sum_{j->i} x[j]) + lin_root(x[i])
    src = edge_index[0]
    dst = edge_index[1]
    agg1 = jax.ops.segment_sum(jnp.take(x, src, axis=0), dst, num_segments=N)
    h = agg1 @ W_rel1 + b_rel1 + x @ W_root1
    h = jax.nn.relu(h)
    # GraphConv layer 2
    agg2 = jax.ops.segment_sum(jnp.take(h, src, axis=0), dst, num_segments=N)
    h2 = agg2 @ W_rel2 + b_rel2 + h @ W_root2
    h2 = jax.nn.relu(h2)
    # global_mean_pool over batch segment ids
    sums = jax.ops.segment_sum(h2, batch, num_segments=G)
    counts = jax.ops.segment_sum(jnp.ones((N,), dtype=jnp.float32), batch, num_segments=G)
    out = sums / jnp.maximum(counts, 1.0)[:, None]
    return out

if __name__ == "__main__":
    import jax
    _d = setup_inputs()
    print(jax.jit(kernel)(*tuple(_d.values())))

</pallas_src>

<mosaic_0001>
#map = affine_map<(d0, d1) -> (0, 0)>
#map1 = affine_map<(d0, d1) -> (0, 0, 0, 0)>
#map2 = affine_map<(d0, d1) -> (0, 0, 0)>
module attributes {stable_mosaic.version = 14 : i64} {
  func.func @k(%arg0: i32, %arg1: i32, %arg2: memref<10000x128xf32, #tpu.memory_space<hbm>>, %arg3: memref<32x4x25x100xi32, #tpu.memory_space<hbm>>, %arg4: memref<32x4x25x100xi32, #tpu.memory_space<hbm>>, %arg5: memref<2x10240x128xf32, #tpu.memory_space<hbm>>, %arg6: memref<25x100xi32, #tpu.memory_space<vmem>>, %arg7: memref<25x100xi32, #tpu.memory_space<vmem>>, %arg8: memref<100x128xf32, #tpu.memory_space<vmem>>, %arg9: memref<100x128xf32, #tpu.memory_space<vmem>>, %arg10: memref<100x128xf32, #tpu.memory_space<vmem>>, %arg11: memref<10240x128xf32, #tpu.memory_space<vmem_shared>>, %arg12: memref<!tpu.dma_semaphore, #tpu.memory_space<semaphore_mem>>, %arg13: memref<!tpu.dma_semaphore, #tpu.memory_space<semaphore_mem>>, %arg14: memref<!tpu.dma_semaphore, #tpu.memory_space<semaphore_mem>>) attributes {dimension_semantics = [#tpu.dimension_semantics<core_parallel>, #tpu.dimension_semantics<subcore_parallel>], iteration_bounds = array<i64: 2, 16>, scalar_prefetch = 0 : i64, scratch_operands = 9 : i64, tpu.core_type = #tpu.core_type<sc_vector_subcore>, window_params = [{transform_indices = #map}, {transform_indices = #map1}, {transform_indices = #map1}, {transform_indices = #map2}]} {
    %mul3A = arith.constant 16 : i32
    %mul3A_0 = arith.muli %arg0, %mul3A : i32
    %add3A = arith.addi %mul3A_0, %arg1 : i32
    %scan3A = arith.constant 0 : i32
    %scan3A_1 = arith.constant 0 : i32
    %scan3A_2 = arith.constant 100 : i32
    %scan3A_3 = arith.addi %scan3A_1, %scan3A_2 : i32
    %scan3A_4 = arith.constant 1 : i32
    scf.for %scan3A_166 = %scan3A_1 to %scan3A_3 step %scan3A_4  : i32 {
      %broadcast_in_dim3A = arith.constant 0.000000e+00 : f32
      %broadcast_in_dim3A_167 = vector.broadcast %broadcast_in_dim3A : f32 to vector<16xf32>
      %swap3A = arith.index_cast %scan3A_166 : i32 to index
      %swap3A_168 = arith.constant 0 : index
      %swap3A_169 = tpu.vector_load %arg8[%swap3A, %swap3A_168] {strides = array<i32>} : memref<100x128xf32, #tpu.memory_space<vmem>>, vector<1x16xf32>,
      %swap3A_170 = vector.shape_cast %swap3A_169 : vector<1x16xf32> to vector<16xf32>
      %swap3A_171 = vector.shape_cast %broadcast_in_dim3A_167 : vector<16xf32> to vector<1x16xf32>
      tpu.vector_store %arg8[%swap3A, %swap3A_168], %swap3A_171 {strides = array<i32>} : memref<100x128xf32, #tpu.memory_space<vmem>>, vector<1x16xf32>,
      %broadcast_in_dim3A_172 = arith.constant 0.000000e+00 : f32
      %broadcast_in_dim3A_173 = vector.broadcast %broadcast_in_dim3A_172 : f32 to vector<16xf32>
      %swap3A_174 = arith.index_cast %scan3A_166 : i32 to index
      %swap3A_175 = arith.constant 16 : index
      %swap3A_176 = tpu.vector_load %arg8[%swap3A_174, %swap3A_175] {strides = array<i32>} : memref<100x128xf32, #tpu.memory_space<vmem>>, vector<1x16xf32>,
      %swap3A_177 = vector.shape_cast %swap3A_176 : vector<1x16xf32> to vector<16xf32>
      %swap3A_178 = vector.shape_cast %broadcast_in_dim3A_173 : vector<16xf32> to vector<1x16xf32>
      tpu.vector_store %arg8[%swap3A_174, %swap3A_175], %swap3A_178 {strides = array<i32>} : memref<100x128xf32, #tpu.memory_space<vmem>>, vector<1x16xf32>,
      %broadcast_in_dim3A_179 = arith.constant 0.000000e+00 : f32
      %broadcast_in_dim3A_180 = vector.broadcast %broadcast_in_dim3A_179 : f32 to vector<16xf32>
      %swap3A_181 = arith.index_cast %scan3A_166 : i32 to index
      %swap3A_182 = arith.constant 32 : index
      %swap3A_183 = tpu.vector_load %arg8[%swap3A_181, %swap3A_182] {strides = array<i32>} : memref<100x128xf32, #tpu.memory_space<vmem>>, vector<1x16xf32>,
      %swap3A_184 = vector.shape_cast %swap3A_183 : vector<1x16xf32> to vector<16xf32>
      %swap3A_185 = vector.shape_cast %broadcast_in_dim3A_180 : vector<16xf32> to vector<1x16xf32>
      tpu.vector_store %arg8[%swap3A_181, %swap3A_182], %swap3A_185 {strides = array<i32>} : memref<100x128xf32, #tpu.memory_space<vmem>>, vector<1x16xf32>,
      %broadcast_in_dim3A_186 = arith.constant 0.000000e+00 : f32
      %broadcast_in_dim3A_187 = vector.broadcast %broadcast_in_dim3A_186 : f32 to vector<16xf32>
      %swap3A_188 = arith.index_cast %scan3A_166 : i32 to index
      %swap3A_189 = arith.constant 48 : index
      %swap3A_190 = tpu.vector_load %arg8[%swap3A_188, %swap3A_189] {strides = array<i32>} : memref<100x128xf32, #tpu.memory_space<vmem>>, vector<1x16xf32>,
      %swap3A_191 = vector.shape_cast %swap3A_190 : vector<1x16xf32> to vector<16xf32>
      %swap3A_192 = vector.shape_cast %broadcast_in_dim3A_187 : vector<16xf32> to vector<1x16xf32>
      tpu.vector_store %arg8[%swap3A_188, %swap3A_189], %swap3A_192 {strides = array<i32>} : memref<100x128xf32, #tpu.memory_space<vmem>>, vector<1x16xf32>,
      %broadcast_in_dim3A_193 = arith.constant 0.000000e+00 : f32
      %broadcast_in_dim3A_194 = vector.broadcast %broadcast_in_dim3A_193 : f32 to vector<16xf32>
      %swap3A_195 = arith.index_cast %scan3A_166 : i32 to index
      %swap3A_196 = arith.constant 64 : index
      %swap3A_197 = tpu.vector_load %arg8[%swap3A_195, %swap3A_196] {strides = array<i32>} : memref<100x128xf32, #tpu.memory_space<vmem>>, vector<1x16xf32>,
      %swap3A_198 = vector.shape_cast %swap3A_197 : vector<1x16xf32> to vector<16xf32>
      %swap3A_199 = vector.shape_cast %broadcast_in_dim3A_194 : vector<16xf32> to vector<1x16xf32>
      tpu.vector_store %arg8[%swap3A_195, %swap3A_196], %swap3A_199 {strides = array<i32>} : memref<100x128xf32, #tpu.memory_space<vmem>>, vector<1x16xf32>,
      %broadcast_in_dim3A_200 = arith.constant 0.000000e+00 : f32
      %broadcast_in_dim3A_201 = vector.broadcast %broadcast_in_dim3A_200 : f32 to vector<16xf32>
      %swap3A_202 = arith.index_cast %scan3A_166 : i32 to index
      %swap3A_203 = arith.constant 80 : index
      %swap3A_204 = tpu.vector_load %arg8[%swap3A_202, %swap3A_203] {strides = array<i32>} : memref<100x128xf32, #tpu.memory_space<vmem>>, vector<1x16xf32>,
      %swap3A_205 = vector.shape_cast %swap3A_204 : vector<1x16xf32> to vector<16xf32>
      %swap3A_206 = vector.shape_cast %broadcast_in_dim3A_201 : vector<16xf32> to vector<1x16xf32>
      tpu.vector_store %arg8[%swap3A_202, %swap3A_203], %swap3A_206 {strides = array<i32>} : memref<100x128xf32, #tpu.memory_space<vmem>>, vector<1x16xf32>,
      %broadcast_in_dim3A_207 = arith.constant 0.000000e+00 : f32
      %broadcast_in_dim3A_208 = vector.broadcast %broadcast_in_dim3A_207 : f32 to vector<16xf32>
      %swap3A_209 = arith.index_cast %scan3A_166 : i32 to index
      %swap3A_210 = arith.constant 96 : index
      %swap3A_211 = tpu.vector_load %arg8[%swap3A_209, %swap3A_210] {strides = array<i32>} : memref<100x128xf32, #tpu.memory_space<vmem>>, vector<1x16xf32>,
      %swap3A_212 = vector.shape_cast %swap3A_211 : vector<1x16xf32> to vector<16xf32>
      %swap3A_213 = vector.shape_cast %broadcast_in_dim3A_208 : vector<16xf32> to vector<1x16xf32>
      tpu.vector_store %arg8[%swap3A_209, %swap3A_210], %swap3A_213 {strides = array<i32>} : memref<100x128xf32, #tpu.memory_space<vmem>>, vector<1x16xf32>,
      %broadcast_in_dim3A_214 = arith.constant 0.000000e+00 : f32
      %broadcast_in_dim3A_215 = vector.broadcast %broadcast_in_dim3A_214 : f32 to vector<16xf32>
      %swap3A_216 = arith.index_cast %scan3A_166 : i32 to index
      %swap3A_217 = arith.constant 112 : index
      %swap3A_218 = tpu.vector_load %arg8[%swap3A_216, %swap3A_217] {strides = array<i32>} : memref<100x128xf32, #tpu.memory_space<vmem>>, vector<1x16xf32>,
      %swap3A_219 = vector.shape_cast %swap3A_218 : vector<1x16xf32> to vector<16xf32>
      %swap3A_220 = vector.shape_cast %broadcast_in_dim3A_215 : vector<16xf32> to vector<1x16xf32>
      tpu.vector_store %arg8[%swap3A_216, %swap3A_217], %swap3A_220 {strides = array<i32>} : memref<100x128xf32, #tpu.memory_space<vmem>>, vector<1x16xf32>,
    }
    %scan3A_5 = arith.constant 100 : i32
    %scan3A_6 = arith.constant 0 : i32
    %scan3A_7 = arith.constant 0 : i32
    %scan3A_8 = arith.constant 6 : i32
    %scan3A_9 = arith.addi %scan3A_7, %scan3A_8 : i32
    %scan3A_10 = arith.constant 1 : i32
    scf.for %scan3A_166 = %scan3A_7 to %scan3A_9 step %scan3A_10  : i32 {
      %mul3A_167 = arith.constant 640 : i32
      %mul3A_168 = arith.muli %arg1, %mul3A_167 : i32
      %mul3A_169 = arith.constant 100 : i32
      %mul3A_170 = arith.muli %scan3A_166, %mul3A_169 : i32
      %add3A_171 = arith.addi %mul3A_168, %mul3A_170 : i32
      "tpu.region"() ({
        %run_scoped3A_172 = tpu.sem_alloc : memref<!tpu.dma_semaphore, #tpu.memory_space<semaphore_mem>>
        %dma_start3A_173 = arith.constant 0 : i32
        %dma_start3A_174 = tpu.memref_slice %arg11[%add3A_171, %dma_start3A_173] : memref<10240x128xf32, #tpu.memory_space<vmem_shared>> -> memref<100x128xf32, #tpu.memory_space<vmem_shared>>
        %dma_start3A_175 = arith.constant 0 : i32
        %dma_start3A_176 = tpu.memref_slice %arg11[%add3A_171, %dma_start3A_175] : memref<10240x128xf32, #tpu.memory_space<vmem_shared>> -> memref<100x128xf32, #tpu.memory_space<vmem_shared>>
        tpu.enqueue_dma source(%arg8 : memref<100x128xf32, #tpu.memory_space<vmem>>) target(%dma_start3A_176 : memref<100x128xf32, #tpu.memory_space<vmem_shared>>) target_semaphore(%run_scoped3A_172 : memref<!tpu.dma_semaphore, #tpu.memory_space<semaphore_mem>>)
        %dma_wait3A_177 = arith.constant 0 : i32
        %dma_wait3A_178 = tpu.memref_slice %arg11[%add3A_171, %dma_wait3A_177] : memref<10240x128xf32, #tpu.memory_space<vmem_shared>> -> memref<100x128xf32, #tpu.memory_space<vmem_shared>>
        %dma_wait3A_179 = arith.constant 0 : i32
        %dma_wait3A_180 = tpu.memref_slice %arg11[%add3A_171, %dma_wait3A_179] : memref<10240x128xf32, #tpu.memory_space<vmem_shared>> -> memref<100x128xf32, #tpu.memory_space<vmem_shared>>
        tpu.wait_dma2 semaphore(%run_scoped3A_172 : memref<!tpu.dma_semaphore, #tpu.memory_space<semaphore_mem>>) src(%arg8 : memref<100x128xf32, #tpu.memory_space<vmem>>) dst(%dma_wait3A_180 : memref<100x128xf32, #tpu.memory_space<vmem_shared>>)
        tpu.yield
      }) : () -> ()
    }
    %scan3A_11 = arith.constant 6 : i32
    %mul3A_12 = arith.constant 640 : i32
    %mul3A_13 = arith.muli %arg1, %mul3A_12 : i32
    %add3A_14 = arith.constant 600 : i32
    %add3A_15 = arith.addi %mul3A_13, %add3A_14 : i32
    "tpu.region"() ({
      %run_scoped3A_166 = tpu.sem_alloc : memref<!tpu.dma_semaphore, #tpu.memory_space<semaphore_mem>>
      %dma_start3A_167 = arith.constant 0 : i32
      %dma_start3A_168 = arith.constant 0 : i32
      %dma_start3A_169 = tpu.memref_slice %arg8[%dma_start3A_167, %dma_start3A_168] : memref<100x128xf32, #tpu.memory_space<vmem>> -> memref<40x128xf32, #tpu.memory_space<vmem>>
      %dma_start3A_170 = arith.constant 0 : i32
      %dma_start3A_171 = tpu.memref_slice %arg11[%add3A_15, %dma_start3A_170] : memref<10240x128xf32, #tpu.memory_space<vmem_shared>> -> memref<40x128xf32, #tpu.memory_space<vmem_shared>>
      %dma_start3A_172 = arith.constant 0 : i32
      %dma_start3A_173 = tpu.memref_slice %arg11[%add3A_15, %dma_start3A_172] : memref<10240x128xf32, #tpu.memory_space<vmem_shared>> -> memref<40x128xf32, #tpu.memory_space<vmem_shared>>
      %dma_start3A_174 = arith.constant 0 : i32
      %dma_start3A_175 = arith.constant 0 : i32
      %dma_start3A_176 = tpu.memref_slice %arg8[%dma_start3A_174, %dma_start3A_175] : memref<100x128xf32, #tpu.memory_space<vmem>> -> memref<40x128xf32, #tpu.memory_space<vmem>>
      tpu.enqueue_dma source(%dma_start3A_176 : memref<40x128xf32, #tpu.memory_space<vmem>>) target(%dma_start3A_173 : memref<40x128xf32, #tpu.memory_space<vmem_shared>>) target_semaphore(%run_scoped3A_166 : memref<!tpu.dma_semaphore, #tpu.memory_space<semaphore_mem>>)
      %dma_wait3A_177 = arith.constant 0 : i32
      %dma_wait3A_178 = arith.constant 0 : i32
      %dma_wait3A_179 = tpu.memref_slice %arg8[%dma_wait3A_177, %dma_wait3A_178] : memref<100x128xf32, #tpu.memory_space<vmem>> -> memref<40x128xf32, #tpu.memory_space<vmem>>
      %dma_wait3A_180 = arith.constant 0 : i32
      %dma_wait3A_181 = tpu.memref_slice %arg11[%add3A_15, %dma_wait3A_180] : memref<10240x128xf32, #tpu.memory_space<vmem_shared>> -> memref<40x128xf32, #tpu.memory_space<vmem_shared>>
      %dma_wait3A_182 = arith.constant 0 : i32
      %dma_wait3A_183 = tpu.memref_slice %arg11[%add3A_15, %dma_wait3A_182] : memref<10240x128xf32, #tpu.memory_space<vmem_shared>> -> memref<40x128xf32, #tpu.memory_space<vmem_shared>>
      %dma_wait3A_184 = arith.constant 0 : i32
      %dma_wait3A_185 = arith.constant 0 : i32
      %dma_wait3A_186 = tpu.memref_slice %arg8[%dma_wait3A_184, %dma_wait3A_185] : memref<100x128xf32, #tpu.memory_space<vmem>> -> memref<40x128xf32, #tpu.memory_space<vmem>>
      tpu.wait_dma2 semaphore(%run_scoped3A_166 : memref<!tpu.dma_semaphore, #tpu.memory_space<semaphore_mem>>) src(%dma_wait3A_186 : memref<40x128xf32, #tpu.memory_space<vmem>>) dst(%dma_wait3A_183 : memref<40x128xf32, #tpu.memory_space<vmem_shared>>)
      tpu.yield
    }) : () -> ()
    %barrier3A = arith.constant 0 : index
    tpu.barrier barrier_id(%barrier3A)
    %run_scoped3A = arith.constant 0 : i32
    "tpu.region"() ({
      %run_scoped3A_166 = tpu.sem_alloc : memref<!tpu.dma_semaphore, #tpu.memory_space<semaphore_mem>>
      %dma_start3A_167 = arith.constant 0 : i32
      %dma_start3A_168 = arith.constant 0 : i32
      %dma_start3A_169 = tpu.memref_slice %arg3[%add3A, %run_scoped3A, %dma_start3A_167, %dma_start3A_168] : memref<32x4x25x100xi32, #tpu.memory_space<hbm>> -> memref<1x1x25x100xi32, #tpu.memory_space<hbm>>
      %dma_start3A_170 = tpu.memref_squeeze %dma_start3A_169 : memref<1x1x25x100xi32, #tpu.memory_space<hbm>> -> memref<25x100xi32, #tpu.memory_space<hbm>>
      %dma_start3A_171 = arith.constant 0 : i32
      %dma_start3A_172 = arith.constant 0 : i32
      %dma_start3A_173 = tpu.memref_slice %arg3[%add3A, %run_scoped3A, %dma_start3A_171, %dma_start3A_172] : memref<32x4x25x100xi32, #tpu.memory_space<hbm>> -> memref<1x1x25x100xi32, #tpu.memory_space<hbm>>
      %dma_start3A_174 = tpu.memref_squeeze %dma_start3A_173 : memref<1x1x25x100xi32, #tpu.memory_space<hbm>> -> memref<25x100xi32, #tpu.memory_space<hbm>>
      tpu.enqueue_dma source(%dma_start3A_174 : memref<25x100xi32, #tpu.memory_space<hbm>>) target(%arg6 : memref<25x100xi32, #tpu.memory_space<vmem>>) target_semaphore(%run_scoped3A_166 : memref<!tpu.dma_semaphore, #tpu.memory_space<semaphore_mem>>)
      %dma_wait3A_175 = arith.constant 0 : i32
      %dma_wait3A_176 = arith.constant 0 : i32
      %dma_wait3A_177 = tpu.memref_slice %arg3[%add3A, %run_scoped3A, %dma_wait3A_175, %dma_wait3A_176] : memref<32x4x25x100xi32, #tpu.memory_space<hbm>> -> memref<1x1x25x100xi32, #tpu.memory_space<hbm>>
      %dma_wait3A_178 = tpu.memref_squeeze %dma_wait3A_177 : memref<1x1x25x100xi32, #tpu.memory_space<hbm>> -> memref<25x100xi32, #tpu.memory_space<hbm>>
      %dma_wait3A_179 = arith.constant 0 : i32
      %dma_wait3A_180 = arith.constant 0 : i32
      %dma_wait3A_181 = tpu.memref_slice %arg3[%add3A, %run_scoped3A, %dma_wait3A_179, %dma_wait3A_180] : memref<32x4x25x100xi32, #tpu.memory_space<hbm>> -> memref<1x1x25x100xi32, #tpu.memory_space<hbm>>
      %dma_wait3A_182 = tpu.memref_squeeze %dma_wait3A_181 : memref<1x1x25x100xi32, #tpu.memory_space<hbm>> -> memref<25x100xi32, #tpu.memory_space<hbm>>
      tpu.wait_dma2 semaphore(%run_scoped3A_166 : memref<!tpu.dma_semaphore, #tpu.memory_space<semaphore_mem>>) src(%dma_wait3A_182 : memref<25x100xi32, #tpu.memory_space<hbm>>) dst(%arg6 : memref<25x100xi32, #tpu.memory_space<vmem>>)
      tpu.yield
    }) : () -> ()
    %run_scoped3A_16 = arith.constant 0 : i32
    "tpu.region"() ({
      %run_scoped3A_166 = tpu.sem_alloc : memref<!tpu.dma_semaphore, #tpu.memory_space<semaphore_mem>>
      %dma_start3A_167 = arith.constant 0 : i32
      %dma_start3A_168 = arith.constant 0 : i32
      %dma_start3A_169 = tpu.memref_slice %arg4[%add3A, %run_scoped3A_16, %dma_start3A_167, %dma_start3A_168] : memref<32x4x25x100xi32, #tpu.memory_space<hbm>> -> memref<1x1x25x100xi32, #tpu.memory_space<hbm>>
      %dma_start3A_170 = tpu.memref_squeeze %dma_start3A_169 : memref<1x1x25x100xi32, #tpu.memory_space<hbm>> -> memref<25x100xi32, #tpu.memory_space<hbm>>
      %dma_start3A_171 = arith.constant 0 : i32
      %dma_start3A_172 = arith.constant 0 : i32
      %dma_start3A_173 = tpu.memref_slice %arg4[%add3A, %run_scoped3A_16, %dma_start3A_171, %dma_start3A_172] : memref<32x4x25x100xi32, #tpu.memory_space<hbm>> -> memref<1x1x25x100xi32, #tpu.memory_space<hbm>>
      %dma_start3A_174 = tpu.memref_squeeze %dma_start3A_173 : memref<1x1x25x100xi32, #tpu.memory_space<hbm>> -> memref<25x100xi32, #tpu.memory_space<hbm>>
      tpu.enqueue_dma source(%dma_start3A_174 : memref<25x100xi32, #tpu.memory_space<hbm>>) target(%arg7 : memref<25x100xi32, #tpu.memory_space<vmem>>) target_semaphore(%run_scoped3A_166 : memref<!tpu.dma_semaphore, #tpu.memory_space<semaphore_mem>>)
      %dma_wait3A_175 = arith.constant 0 : i32
      %dma_wait3A_176 = arith.constant 0 : i32
      %dma_wait3A_177 = tpu.memref_slice %arg4[%add3A, %run_scoped3A_16, %dma_wait3A_175, %dma_wait3A_176] : memref<32x4x25x100xi32, #tpu.memory_space<hbm>> -> memref<1x1x25x100xi32, #tpu.memory_space<hbm>>
      %dma_wait3A_178 = tpu.memref_squeeze %dma_wait3A_177 : memref<1x1x25x100xi32, #tpu.memory_space<hbm>> -> memref<25x100xi32, #tpu.memory_space<hbm>>
      %dma_wait3A_179 = arith.constant 0 : i32
      %dma_wait3A_180 = arith.constant 0 : i32
      %dma_wait3A_181 = tpu.memref_slice %arg4[%add3A, %run_scoped3A_16, %dma_wait3A_179, %dma_wait3A_180] : memref<32x4x25x100xi32, #tpu.memory_space<hbm>> -> memref<1x1x25x100xi32, #tpu.memory_space<hbm>>
      %dma_wait3A_182 = tpu.memref_squeeze %dma_wait3A_181 : memref<1x1x25x100xi32, #tpu.memory_space<hbm>> -> memref<25x100xi32, #tpu.memory_space<hbm>>
      tpu.wait_dma2 semaphore(%run_scoped3A_166 : memref<!tpu.dma_semaphore, #tpu.memory_space<semaphore_mem>>) src(%dma_wait3A_182 : memref<25x100xi32, #tpu.memory_space<hbm>>) dst(%arg7 : memref<25x100xi32, #tpu.memory_space<vmem>>)
      tpu.yield
    }) : () -> ()
    %dma_start3A = arith.constant 0 : i32
    %dma_start3A_17 = arith.constant 0 : i32
    %dma_start3A_18 = tpu.memref_slice %arg6[%dma_start3A, %dma_start3A_17] : memref<25x100xi32, #tpu.memory_space<vmem>> -> memref<1x100xi32, #tpu.memory_space<vmem>>
    %dma_start3A_19 = tpu.memref_squeeze %dma_start3A_18 : memref<1x100xi32, #tpu.memory_space<vmem>> -> memref<100xi32, #tpu.memory_space<vmem>>
    %dma_start3A_20 = arith.constant 0 : i32
    %dma_start3A_21 = arith.constant 0 : i32
    %dma_start3A_22 = tpu.memref_slice %arg2[%dma_start3A_20, %dma_start3A_21] : memref<10000x128xf32, #tpu.memory_space<hbm>> -> memref<10000x128xf32, #tpu.memory_space<hbm>>
    tpu.enqueue_indirect_dma source(%dma_start3A_22 : memref<10000x128xf32, #tpu.memory_space<hbm>>) target(%arg8 : memref<100x128xf32, #tpu.memory_space<vmem>>) offsets(%dma_start3A_19 : memref<100xi32, #tpu.memory_space<vmem>>) semaphore(%arg12 : memref<!tpu.dma_semaphore, #tpu.memory_space<semaphore_mem>>)
    %dma_start3A_23 = arith.constant 1 : i32
    %dma_start3A_24 = arith.constant 0 : i32
    %dma_start3A_25 = tpu.memref_slice %arg6[%dma_start3A_23, %dma_start3A_24] : memref<25x100xi32, #tpu.memory_space<vmem>> -> memref<1x100xi32, #tpu.memory_space<vmem>>
    %dma_start3A_26 = tpu.memref_squeeze %dma_start3A_25 : memref<1x100xi32, #tpu.memory_space<vmem>> -> memref<100xi32, #tpu.memory_space<vmem>>
    %dma_start3A_27 = arith.constant 0 : i32
    %dma_start3A_28 = arith.constant 0 : i32
    %dma_start3A_29 = tpu.memref_slice %arg2[%dma_start3A_27, %dma_start3A_28] : memref<10000x128xf32, #tpu.memory_space<hbm>> -> memref<10000x128xf32, #tpu.memory_space<hbm>>
    tpu.enqueue_indirect_dma source(%dma_start3A_29 : memref<10000x128xf32, #tpu.memory_space<hbm>>) target(%arg9 : memref<100x128xf32, #tpu.memory_space<vmem>>) offsets(%dma_start3A_26 : memref<100xi32, #tpu.memory_space<vmem>>) semaphore(%arg13 : memref<!tpu.dma_semaphore, #tpu.memory_space<semaphore_mem>>)
    %dma_start3A_30 = arith.constant 2 : i32
    %dma_start3A_31 = arith.constant 0 : i32
    %dma_start3A_32 = tpu.memref_slice %arg6[%dma_start3A_30, %dma_start3A_31] : memref<25x100xi32, #tpu.memory_space<vmem>> -> memref<1x100xi32, #tpu.memory_space<vmem>>
    %dma_start3A_33 = tpu.memref_squeeze %dma_start3A_32 : memref<1x100xi32, #tpu.memory_space<vmem>> -> memref<100xi32, #tpu.memory_space<vmem>>
    %dma_start3A_34 = arith.constant 0 : i32
    %dma_start3A_35 = arith.constant 0 : i32
    %dma_start3A_36 = tpu.memref_slice %arg2[%dma_start3A_34, %dma_start3A_35] : memref<10000x128xf32, #tpu.memory_space<hbm>> -> memref<10000x128xf32, #tpu.memory_space<hbm>>
    tpu.enqueue_indirect_dma source(%dma_start3A_36 : memref<10000x128xf32, #tpu.memory_space<hbm>>) target(%arg10 : memref<100x128xf32, #tpu.memory_space<vmem>>) offsets(%dma_start3A_33 : memref<100xi32, #tpu.memory_space<vmem>>) semaphore(%arg14 : memref<!tpu.dma_semaphore, #tpu.memory_space<semaphore_mem>>)
    %scan3A_37 = arith.constant 0 : i32
    %scan3A_38 = arith.constant 0 : i32
    %scan3A_39 = arith.constant 8 : i32
    %scan3A_40 = arith.addi %scan3A_38, %scan3A_39 : i32
    %scan3A_41 = arith.constant 1 : i32
    scf.for %scan3A_166 = %scan3A_38 to %scan3A_40 step %scan3A_41  : i32 {
      %mul3A_167 = arith.constant 3 : i32
      %mul3A_168 = arith.muli %mul3A_167, %scan3A_166 : i32
      %add3A_169 = arith.constant 0 : i32
      %add3A_170 = arith.addi %mul3A_168, %add3A_169 : i32
      %dma_wait3A_171 = arith.constant 0 : i32
      %dma_wait3A_172 = tpu.memref_slice %arg6[%add3A_170, %dma_wait3A_171] : memref<25x100xi32, #tpu.memory_space<vmem>> -> memref<1x100xi32, #tpu.memory_space<vmem>>
      %dma_wait3A_173 = tpu.memref_squeeze %dma_wait3A_172 : memref<1x100xi32, #tpu.memory_space<vmem>> -> memref<100xi32, #tpu.memory_space<vmem>>
      %dma_wait3A_174 = arith.constant 0 : i32
      %dma_wait3A_175 = arith.constant 0 : i32
      %dma_wait3A_176 = tpu.memref_slice %arg2[%dma_wait3A_174, %dma_wait3A_175] : memref<10000x128xf32, #tpu.memory_space<hbm>> -> memref<10000x128xf32, #tpu.memory_space<hbm>>
      tpu.wait_indirect_dma semaphore(%arg12 : memref<!tpu.dma_semaphore, #tpu.memory_space<semaphore_mem>>) src(%dma_wait3A_176 : memref<10000x128xf32, #tpu.memory_space<hbm>>) dst(%arg8 : memref<100x128xf32, #tpu.memory_space<vmem>>)
      %add3A_177 = arith.constant 0 : i32
      %add3A_178 = arith.addi %mul3A_168, %add3A_177 : i32
      "tpu.region"() ({
        %run_scoped3A_223 = tpu.sem_alloc : memref<!tpu.dma_semaphore, #tpu.memory_space<semaphore_mem>>
        %dma_start3A_224 = arith.constant 0 : i32
        %dma_start3A_225 = tpu.memref_slice %arg7[%add3A_178, %dma_start3A_224] : memref<25x100xi32, #tpu.memory_space<vmem>> -> memref<1x100xi32, #tpu.memory_space<vmem>>
        %dma_start3A_226 = tpu.memref_squeeze %dma_start3A_225 : memref<1x100xi32, #tpu.memory_space<vmem>> -> memref<100xi32, #tpu.memory_space<vmem>>
        %dma_start3A_227 = arith.constant 0 : i32
        %dma_start3A_228 = arith.constant 0 : i32
        %dma_start3A_229 = tpu.memref_slice %arg11[%dma_start3A_227, %dma_start3A_228] : memref<10240x128xf32, #tpu.memory_space<vmem_shared>> -> memref<10240x128xf32, #tpu.memory_space<vmem_shared>>
        tpu.enqueue_indirect_dma source(%arg8 : memref<100x128xf32, #tpu.memory_space<vmem>>) target(%dma_start3A_229 : memref<10240x128xf32, #tpu.memory_space<vmem_shared>>) offsets(%dma_start3A_226 : memref<100xi32, #tpu.memory_space<vmem>>) semaphore(%run_scoped3A_223 : memref<!tpu.dma_semaphore, #tpu.memory_space<semaphore_mem>>) {add = true}
        %dma_wait3A_230 = arith.constant 0 : i32
        %dma_wait3A_231 = tpu.memref_slice %arg7[%add3A_178, %dma_wait3A_230] : memref<25x100xi32, #tpu.memory_space<vmem>> -> memref<1x100xi32, #tpu.memory_space<vmem>>
        %dma_wait3A_232 = tpu.memref_squeeze %dma_wait3A_231 : memref<1x100xi32, #tpu.memory_space<vmem>> -> memref<100xi32, #tpu.memory_space<vmem>>
        %dma_wait3A_233 = arith.constant 0 : i32
        %dma_wait3A_234 = arith.constant 0 : i32
        %dma_wait3A_235 = tpu.memref_slice %arg11[%dma_wait3A_233, %dma_wait3A_234] : memref<10240x128xf32, #tpu.memory_space<vmem_shared>> -> memref<10240x128xf32, #tpu.memory_space<vmem_shared>>
        tpu.wait_indirect_dma semaphore(%run_scoped3A_223 : memref<!tpu.dma_semaphore, #tpu.memory_space<semaphore_mem>>) src(%arg8 : memref<100x128xf32, #tpu.memory_space<vmem>>) dst(%dma_wait3A_235 : memref<10240x128xf32, #tpu.memory_space<vmem_shared>>)
        tpu.yield
      }) : () -> ()
      %add3A_179 = arith.constant 0 : i32
      %add3A_180 = arith.addi %mul3A_168, %add3A_179 : i32
      %add3A_181 = arith.constant 3 : i32
      %add3A_182 = arith.addi %add3A_180, %add3A_181 : i32
      %lt3A = arith.constant 25 : i32
      %lt3A_183 = arith.cmpi slt, %add3A_182, %lt3A : i32
      %convert_element_type3A = arith.extui %lt3A_183 : i1 to i32
      %cond3A = arith.constant 0 : i32
      %cond3A_184 = arith.cmpi ne, %convert_element_type3A, %cond3A : i32
      scf.if %cond3A_184 {
        %add3A_223 = arith.constant 0 : i32
        %add3A_224 = arith.addi %mul3A_168, %add3A_223 : i32
        %add3A_225 = arith.constant 3 : i32
        %add3A_226 = arith.addi %add3A_224, %add3A_225 : i32
        %dma_start3A_227 = arith.constant 0 : i32
        %dma_start3A_228 = tpu.memref_slice %arg6[%add3A_226, %dma_start3A_227] : memref<25x100xi32, #tpu.memory_space<vmem>> -> memref<1x100xi32, #tpu.memory_space<vmem>>
        %dma_start3A_229 = tpu.memref_squeeze %dma_start3A_228 : memref<1x100xi32, #tpu.memory_space<vmem>> -> memref<100xi32, #tpu.memory_space<vmem>>
        %dma_start3A_230 = arith.constant 0 : i32
        %dma_start3A_231 = arith.constant 0 : i32
        %dma_start3A_232 = tpu.memref_slice %arg2[%dma_start3A_230, %dma_start3A_231] : memref<10000x128xf32, #tpu.memory_space<hbm>> -> memref<10000x128xf32, #tpu.memory_space<hbm>>
        tpu.enqueue_indirect_dma source(%dma_start3A_232 : memref<10000x128xf32, #tpu.memory_space<hbm>>) target(%arg8 : memref<100x128xf32, #tpu.memory_space<vmem>>) offsets(%dma_start3A_229 : memref<100xi32, #tpu.memory_space<vmem>>) semaphore(%arg12 : memref<!tpu.dma_semaphore, #tpu.memory_space<semaphore_mem>>)
      } else {
      }
      %add3A_185 = arith.constant 1 : i32
      %add3A_186 = arith.addi %mul3A_168, %add3A_185 : i32
      %dma_wait3A_187 = arith.constant 0 : i32
      %dma_wait3A_188 = tpu.memref_slice %arg6[%add3A_186, %dma_wait3A_187] : memref<25x100xi32, #tpu.memory_space<vmem>> -> memref<1x100xi32, #tpu.memory_space<vmem>>
      %dma_wait3A_189 = tpu.memref_squeeze %dma_wait3A_188 : memref<1x100xi32, #tpu.memory_space<vmem>> -> memref<100xi32, #tpu.memory_space<vmem>>
      %dma_wait3A_190 = arith.constant 0 : i32
      %dma_wait3A_191 = arith.constant 0 : i32
      %dma_wait3A_192 = tpu.memref_slice %arg2[%dma_wait3A_190, %dma_wait3A_191] : memref<10000x128xf32, #tpu.memory_space<hbm>> -> memref<10000x128xf32, #tpu.memory_space<hbm>>
      tpu.wait_indirect_dma semaphore(%arg13 : memref<!tpu.dma_semaphore, #tpu.memory_space<semaphore_mem>>) src(%dma_wait3A_192 : memref<10000x128xf32, #tpu.memory_space<hbm>>) dst(%arg9 : memref<100x128xf32, #tpu.memory_space<vmem>>)
      %add3A_193 = arith.constant 1 : i32
      %add3A_194 = arith.addi %mul3A_168, %add3A_193 : i32
      "tpu.region"() ({
        %run_scoped3A_223 = tpu.sem_alloc : memref<!tpu.dma_semaphore, #tpu.memory_space<semaphore_mem>>
        %dma_start3A_224 = arith.constant 0 : i32
        %dma_start3A_225 = tpu.memref_slice %arg7[%add3A_194, %dma_start3A_224] : memref<25x100xi32, #tpu.memory_space<vmem>> -> memref<1x100xi32, #tpu.memory_space<vmem>>
        %dma_start3A_226 = tpu.memref_squeeze %dma_start3A_225 : memref<1x100xi32, #tpu.memory_space<vmem>> -> memref<100xi32, #tpu.memory_space<vmem>>
        %dma_start3A_227 = arith.constant 0 : i32
        %dma_start3A_228 = arith.constant 0 : i32
        %dma_start3A_229 = tpu.memref_slice %arg11[%dma_start3A_227, %dma_start3A_228] : memref<10240x128xf32, #tpu.memory_space<vmem_shared>> -> memref<10240x128xf32, #tpu.memory_space<vmem_shared>>
        tpu.enqueue_indirect_dma source(%arg9 : memref<100x128xf32, #tpu.memory_space<vmem>>) target(%dma_start3A_229 : memref<10240x128xf32, #tpu.memory_space<vmem_shared>>) offsets(%dma_start3A_226 : memref<100xi32, #tpu.memory_space<vmem>>) semaphore(%run_scoped3A_223 : memref<!tpu.dma_semaphore, #tpu.memory_space<semaphore_mem>>) {add = true}
        %dma_wait3A_230 = arith.constant 0 : i32
        %dma_wait3A_231 = tpu.memref_slice %arg7[%add3A_194, %dma_wait3A_230] : memref<25x100xi32, #tpu.memory_space<vmem>> -> memref<1x100xi32, #tpu.memory_space<vmem>>
        %dma_wait3A_232 = tpu.memref_squeeze %dma_wait3A_231 : memref<1x100xi32, #tpu.memory_space<vmem>> -> memref<100xi32, #tpu.memory_space<vmem>>
        %dma_wait3A_233 = arith.constant 0 : i32
        %dma_wait3A_234 = arith.constant 0 : i32
        %dma_wait3A_235 = tpu.memref_slice %arg11[%dma_wait3A_233, %dma_wait3A_234] : memref<10240x128xf32, #tpu.memory_space<vmem_shared>> -> memref<10240x128xf32, #tpu.memory_space<vmem_shared>>
        tpu.wait_indirect_dma semaphore(%run_scoped3A_223 : memref<!tpu.dma_semaphore, #tpu.memory_space<semaphore_mem>>) src(%arg9 : memref<100x128xf32, #tpu.memory_space<vmem>>) dst(%dma_wait3A_235 : memref<10240x128xf32, #tpu.memory_space<vmem_shared>>)
        tpu.yield
      }) : () -> ()
      %add3A_195 = arith.constant 1 : i32
      %add3A_196 = arith.addi %mul3A_168, %add3A_195 : i32
      %add3A_197 = arith.constant 3 : i32
      %add3A_198 = arith.addi %add3A_196, %add3A_197 : i32
      %lt3A_199 = arith.constant 25 : i32
      %lt3A_200 = arith.cmpi slt, %add3A_198, %lt3A_199 : i32
      %convert_element_type3A_201 = arith.extui %lt3A_200 : i1 to i32
      %cond3A_202 = arith.constant 0 : i32
      %cond3A_203 = arith.cmpi ne, %convert_element_type3A_201, %cond3A_202 : i32
      scf.if %cond3A_203 {
        %add3A_223 = arith.constant 1 : i32
        %add3A_224 = arith.addi %mul3A_168, %add3A_223 : i32
        %add3A_225 = arith.constant 3 : i32
        %add3A_226 = arith.addi %add3A_224, %add3A_225 : i32
        %dma_start3A_227 = arith.constant 0 : i32
        %dma_start3A_228 = tpu.memref_slice %arg6[%add3A_226, %dma_start3A_227] : memref<25x100xi32, #tpu.memory_space<vmem>> -> memref<1x100xi32, #tpu.memory_space<vmem>>
        %dma_start3A_229 = tpu.memref_squeeze %dma_start3A_228 : memref<1x100xi32, #tpu.memory_space<vmem>> -> memref<100xi32, #tpu.memory_space<vmem>>
        %dma_start3A_230 = arith.constant 0 : i32
        %dma_start3A_231 = arith.constant 0 : i32
        %dma_start3A_232 = tpu.memref_slice %arg2[%dma_start3A_230, %dma_start3A_231] : memref<10000x128xf32, #tpu.memory_space<hbm>> -> memref<10000x128xf32, #tpu.memory_space<hbm>>
        tpu.enqueue_indirect_dma source(%dma_start3A_232 : memref<10000x128xf32, #tpu.memory_space<hbm>>) target(%arg9 : memref<100x128xf32, #tpu.memory_space<vmem>>) offsets(%dma_start3A_229 : memref<100xi32, #tpu.memory_space<vmem>>) semaphore(%arg13 : memref<!tpu.dma_semaphore, #tpu.memory_space<semaphore_mem>>)
      } else {
      }
      %add3A_204 = arith.constant 2 : i32
      %add3A_205 = arith.addi %mul3A_168, %add3A_204 : i32
      %dma_wait3A_206 = arith.constant 0 : i32
      %dma_wait3A_207 = tpu.memref_slice %arg6[%add3A_205, %dma_wait3A_206] : memref<25x100xi32, #tpu.memory_space<vmem>> -> memref<1x100xi32, #tpu.memory_space<vmem>>
      %dma_wait3A_208 = tpu.memref_squeeze %dma_wait3A_207 : memref<1x100xi32, #tpu.memory_space<vmem>> -> memref<100xi32, #tpu.memory_space<vmem>>
      %dma_wait3A_209 = arith.constant 0 : i32
      %dma_wait3A_210 = arith.constant 0 : i32
      %dma_wait3A_211 = tpu.memref_slice %arg2[%dma_wait3A_209, %dma_wait3A_210] : memref<10000x128xf32, #tpu.memory_space<hbm>> -> memref<10000x128xf32, #tpu.memory_space<hbm>>
      tpu.wait_indirect_dma semaphore(%arg14 : memref<!tpu.dma_semaphore, #tpu.memory_space<semaphore_mem>>) src(%dma_wait3A_211 : memref<10000x128xf32, #tpu.memory_space<hbm>>) dst(%arg10 : memref<100x128xf32, #tpu.memory_space<vmem>>)
      %add3A_212 = arith.constant 2 : i32
      %add3A_213 = arith.addi %mul3A_168, %add3A_212 : i32
      "tpu.region"() ({
        %run_scoped3A_223 = tpu.sem_alloc : memref<!tpu.dma_semaphore, #tpu.memory_space<semaphore_mem>>
        %dma_start3A_224 = arith.constant 0 : i32
        %dma_start3A_225 = tpu.memref_slice %arg7[%add3A_213, %dma_start3A_224] : memref<25x100xi32, #tpu.memory_space<vmem>> -> memref<1x100xi32, #tpu.memory_space<vmem>>
        %dma_start3A_226 = tpu.memref_squeeze %dma_start3A_225 : memref<1x100xi32, #tpu.memory_space<vmem>> -> memref<100xi32, #tpu.memory_space<vmem>>
        %dma_start3A_227 = arith.constant 0 : i32
        %dma_start3A_228 = arith.constant 0 : i32
        %dma_start3A_229 = tpu.memref_slice %arg11[%dma_start3A_227, %dma_start3A_228] : memref<10240x128xf32, #tpu.memory_space<vmem_shared>> -> memref<10240x128xf32, #tpu.memory_space<vmem_shared>>
        tpu.enqueue_indirect_dma source(%arg10 : memref<100x128xf32, #tpu.memory_space<vmem>>) target(%dma_start3A_229 : memref<10240x128xf32, #tpu.memory_space<vmem_shared>>) offsets(%dma_start3A_226 : memref<100xi32, #tpu.memory_space<vmem>>) semaphore(%run_scoped3A_223 : memref<!tpu.dma_semaphore, #tpu.memory_space<semaphore_mem>>) {add = true}
        %dma_wait3A_230 = arith.constant 0 : i32
        %dma_wait3A_231 = tpu.memref_slice %arg7[%add3A_213, %dma_wait3A_230] : memref<25x100xi32, #tpu.memory_space<vmem>> -> memref<1x100xi32, #tpu.memory_space<vmem>>
        %dma_wait3A_232 = tpu.memref_squeeze %dma_wait3A_231 : memref<1x100xi32, #tpu.memory_space<vmem>> -> memref<100xi32, #tpu.memory_space<vmem>>
        %dma_wait3A_233 = arith.constant 0 : i32
        %dma_wait3A_234 = arith.constant 0 : i32
        %dma_wait3A_235 = tpu.memref_slice %arg11[%dma_wait3A_233, %dma_wait3A_234] : memref<10240x128xf32, #tpu.memory_space<vmem_shared>> -> memref<10240x128xf32, #tpu.memory_space<vmem_shared>>
        tpu.wait_indirect_dma semaphore(%run_scoped3A_223 : memref<!tpu.dma_semaphore, #tpu.memory_space<semaphore_mem>>) src(%arg10 : memref<100x128xf32, #tpu.memory_space<vmem>>) dst(%dma_wait3A_235 : memref<10240x128xf32, #tpu.memory_space<vmem_shared>>)
        tpu.yield
      }) : () -> ()
      %add3A_214 = arith.constant 2 : i32
      %add3A_215 = arith.addi %mul3A_168, %add3A_214 : i32
      %add3A_216 = arith.constant 3 : i32
      %add3A_217 = arith.addi %add3A_215, %add3A_216 : i32
      %lt3A_218 = arith.constant 25 : i32
      %lt3A_219 = arith.cmpi slt, %add3A_217, %lt3A_218 : i32
      %convert_element_type3A_220 = arith.extui %lt3A_219 : i1 to i32
      %cond3A_221 = arith.constant 0 : i32
      %cond3A_222 = arith.cmpi ne, %convert_element_type3A_220, %cond3A_221 : i32
      scf.if %cond3A_222 {
        %add3A_223 = arith.constant 2 : i32
        %add3A_224 = arith.addi %mul3A_168, %add3A_223 : i32
        %add3A_225 = arith.constant 3 : i32
        %add3A_226 = arith.addi %add3A_224, %add3A_225 : i32
        %dma_start3A_227 = arith.constant 0 : i32
        %dma_start3A_228 = tpu.memref_slice %arg6[%add3A_226, %dma_start3A_227] : memref<25x100xi32, #tpu.memory_space<vmem>> -> memref<1x100xi32, #tpu.memory_space<vmem>>
        %dma_start3A_229 = tpu.memref_squeeze %dma_start3A_228 : memref<1x100xi32, #tpu.memory_space<vmem>> -> memref<100xi32, #tpu.memory_space<vmem>>
        %dma_start3A_230 = arith.constant 0 : i32
        %dma_start3A_231 = arith.constant 0 : i32
        %dma_start3A_232 = tpu.memref_slice %arg2[%dma_start3A_230, %dma_start3A_231] : memref<10000x128xf32, #tpu.memory_space<hbm>> -> memref<10000x128xf32, #tpu.memory_space<hbm>>
        tpu.enqueue_indirect_dma source(%dma_start3A_232 : memref<10000x128xf32, #tpu.memory_space<hbm>>) target(%arg10 : memref<100x128xf32, #tpu.memory_space<vmem>>) offsets(%dma_start3A_229 : memref<100xi32, #tpu.memory_space<vmem>>) semaphore(%arg14 : memref<!tpu.dma_semaphore, #tpu.memory_space<semaphore_mem>>)
      } else {
      }
    }
    %scan3A_42 = arith.constant 8 : i32
    %dma_wait3A = arith.constant 24 : i32
    %dma_wait3A_43 = arith.constant 0 : i32
    %dma_wait3A_44 = tpu.memref_slice %arg6[%dma_wait3A, %dma_wait3A_43] : memref<25x100xi32, #tpu.memory_space<vmem>> -> memref<1x100xi32, #tpu.memory_space<vmem>>
    %dma_wait3A_45 = tpu.memref_squeeze %dma_wait3A_44 : memref<1x100xi32, #tpu.memory_space<vmem>> -> memref<100xi32, #tpu.memory_space<vmem>>
    %dma_wait3A_46 = arith.constant 0 : i32
    %dma_wait3A_47 = arith.constant 0 : i32
    %dma_wait3A_48 = tpu.memref_slice %arg2[%dma_wait3A_46, %dma_wait3A_47] : memref<10000x128xf32, #tpu.memory_space<hbm>> -> memref<10000x128xf32, #tpu.memory_space<hbm>>
    tpu.wait_indirect_dma semaphore(%arg12 : memref<!tpu.dma_semaphore, #tpu.memory_space<semaphore_mem>>) src(%dma_wait3A_48 : memref<10000x128xf32, #tpu.memory_space<hbm>>) dst(%arg8 : memref<100x128xf32, #tpu.memory_space<vmem>>)
    %run_scoped3A_49 = arith.constant 24 : i32
    "tpu.region"() ({
      %run_scoped3A_166 = tpu.sem_alloc : memref<!tpu.dma_semaphore, #tpu.memory_space<semaphore_mem>>
      %dma_start3A_167 = arith.constant 0 : i32
      %dma_start3A_168 = tpu.memref_slice %arg7[%run_scoped3A_49, %dma_start3A_167] : memref<25x100xi32, #tpu.memory_space<vmem>> -> memref<1x100xi32, #tpu.memory_space<vmem>>
      %dma_start3A_169 = tpu.memref_squeeze %dma_start3A_168 : memref<1x100xi32, #tpu.memory_space<vmem>> -> memref<100xi32, #tpu.memory_space<vmem>>
      %dma_start3A_170 = arith.constant 0 : i32
      %dma_start3A_171 = arith.constant 0 : i32
      %dma_start3A_172 = tpu.memref_slice %arg11[%dma_start3A_170, %dma_start3A_171] : memref<10240x128xf32, #tpu.memory_space<vmem_shared>> -> memref<10240x128xf32, #tpu.memory_space<vmem_shared>>
      tpu.enqueue_indirect_dma source(%arg8 : memref<100x128xf32, #tpu.memory_space<vmem>>) target(%dma_start3A_172 : memref<10240x128xf32, #tpu.memory_space<vmem_shared>>) offsets(%dma_start3A_169 : memref<100xi32, #tpu.memory_space<vmem>>) semaphore(%run_scoped3A_166 : memref<!tpu.dma_semaphore, #tpu.memory_space<semaphore_mem>>) {add = true}
      %dma_wait3A_173 = arith.constant 0 : i32
      %dma_wait3A_174 = tpu.memref_slice %arg7[%run_scoped3A_49, %dma_wait3A_173] : memref<25x100xi32, #tpu.memory_space<vmem>> -> memref<1x100xi32, #tpu.memory_space<vmem>>
      %dma_wait3A_175 = tpu.memref_squeeze %dma_wait3A_174 : memref<1x100xi32, #tpu.memory_space<vmem>> -> memref<100xi32, #tpu.memory_space<vmem>>
      %dma_wait3A_176 = arith.constant 0 : i32
      %dma_wait3A_177 = arith.constant 0 : i32
      %dma_wait3A_178 = tpu.memref_slice %arg11[%dma_wait3A_176, %dma_wait3A_177] : memref<10240x128xf32, #tpu.memory_space<vmem_shared>> -> memref<10240x128xf32, #tpu.memory_space<vmem_shared>>
      tpu.wait_indirect_dma semaphore(%run_scoped3A_166 : memref<!tpu.dma_semaphore, #tpu.memory_space<semaphore_mem>>) src(%arg8 : memref<100x128xf32, #tpu.memory_space<vmem>>) dst(%dma_wait3A_178 : memref<10240x128xf32, #tpu.memory_space<vmem_shared>>)
      tpu.yield
    }) : () -> ()
    %run_scoped3A_50 = arith.constant 1 : i32
    "tpu.region"() ({
      %run_scoped3A_166 = tpu.sem_alloc : memref<!tpu.dma_semaphore, #tpu.memory_space<semaphore_mem>>
      %dma_start3A_167 = arith.constant 0 : i32
      %dma_start3A_168 = arith.constant 0 : i32
      %dma_start3A_169 = tpu.memref_slice %arg3[%add3A, %run_scoped3A_50, %dma_start3A_167, %dma_start3A_168] : memref<32x4x25x100xi32, #tpu.memory_space<hbm>> -> memref<1x1x25x100xi32, #tpu.memory_space<hbm>>
      %dma_start3A_170 = tpu.memref_squeeze %dma_start3A_169 : memref<1x1x25x100xi32, #tpu.memory_space<hbm>> -> memref<25x100xi32, #tpu.memory_space<hbm>>
      %dma_start3A_171 = arith.constant 0 : i32
      %dma_start3A_172 = arith.constant 0 : i32
      %dma_start3A_173 = tpu.memref_slice %arg3[%add3A, %run_scoped3A_50, %dma_start3A_171, %dma_start3A_172] : memref<32x4x25x100xi32, #tpu.memory_space<hbm>> -> memref<1x1x25x100xi32, #tpu.memory_space<hbm>>
      %dma_start3A_174 = tpu.memref_squeeze %dma_start3A_173 : memref<1x1x25x100xi32, #tpu.memory_space<hbm>> -> memref<25x100xi32, #tpu.memory_space<hbm>>
      tpu.enqueue_dma source(%dma_start3A_174 : memref<25x100xi32, #tpu.memory_space<hbm>>) target(%arg6 : memref<25x100xi32, #tpu.memory_space<vmem>>) target_semaphore(%run_scoped3A_166 : memref<!tpu.dma_semaphore, #tpu.memory_space<semaphore_mem>>)
      %dma_wait3A_175 = arith.constant 0 : i32
      %dma_wait3A_176 = arith.constant 0 : i32
      %dma_wait3A_177 = tpu.memref_slice %arg3[%add3A, %run_scoped3A_50, %dma_wait3A_175, %dma_wait3A_176] : memref<32x4x25x100xi32, #tpu.memory_space<hbm>> -> memref<1x1x25x100xi32, #tpu.memory_space<hbm>>
      %dma_wait3A_178 = tpu.memref_squeeze %dma_wait3A_177 : memref<1x1x25x100xi32, #tpu.memory_space<hbm>> -> memref<25x100xi32, #tpu.memory_space<hbm>>
      %dma_wait3A_179 = arith.constant 0 : i32
      %dma_wait3A_180 = arith.constant 0 : i32
      %dma_wait3A_181 = tpu.memref_slice %arg3[%add3A, %run_scoped3A_50, %dma_wait3A_179, %dma_wait3A_180] : memref<32x4x25x100xi32, #tpu.memory_space<hbm>> -> memref<1x1x25x100xi32, #tpu.memory_space<hbm>>
      %dma_wait3A_182 = tpu.memref_squeeze %dma_wait3A_181 : memref<1x1x25x100xi32, #tpu.memory_space<hbm>> -> memref<25x100xi32, #tpu.memory_space<hbm>>
      tpu.wait_dma2 semaphore(%run_scoped3A_166 : memref<!tpu.dma_semaphore, #tpu.memory_space<semaphore_mem>>) src(%dma_wait3A_182 : memref<25x100xi32, #tpu.memory_space<hbm>>) dst(%arg6 : memref<25x100xi32, #tpu.memory_space<vmem>>)
      tpu.yield
    }) : () -> ()
    %run_scoped3A_51 = arith.constant 1 : i32
    "tpu.region"() ({
      %run_scoped3A_166 = tpu.sem_alloc : memref<!tpu.dma_semaphore, #tpu.memory_space<semaphore_mem>>
      %dma_start3A_167 = arith.constant 0 : i32
      %dma_start3A_168 = arith.constant 0 : i32
      %dma_start3A_169 = tpu.memref_slice %arg4[%add3A, %run_scoped3A_51, %dma_start3A_167, %dma_start3A_168] : memref<32x4x25x100xi32, #tpu.memory_space<hbm>> -> memref<1x1x25x100xi32, #tpu.memory_space<hbm>>
      %dma_start3A_170 = tpu.memref_squeeze %dma_start3A_169 : memref<1x1x25x100xi32, #tpu.memory_space<hbm>> -> memref<25x100xi32, #tpu.memory_space<hbm>>
      %dma_start3A_171 = arith.constant 0 : i32
      %dma_start3A_172 = arith.constant 0 : i32
      %dma_start3A_173 = tpu.memref_slice %arg4[%add3A, %run_scoped3A_51, %dma_start3A_171, %dma_start3A_172] : memref<32x4x25x100xi32, #tpu.memory_space<hbm>> -> memref<1x1x25x100xi32, #tpu.memory_space<hbm>>
      %dma_start3A_174 = tpu.memref_squeeze %dma_start3A_173 : memref<1x1x25x100xi32, #tpu.memory_space<hbm>> -> memref<25x100xi32, #tpu.memory_space<hbm>>
      tpu.enqueue_dma source(%dma_start3A_174 : memref<25x100xi32, #tpu.memory_space<hbm>>) target(%arg7 : memref<25x100xi32, #tpu.memory_space<vmem>>) target_semaphore(%run_scoped3A_166 : memref<!tpu.dma_semaphore, #tpu.memory_space<semaphore_mem>>)
      %dma_wait3A_175 = arith.constant 0 : i32
      %dma_wait3A_176 = arith.constant 0 : i32
      %dma_wait3A_177 = tpu.memref_slice %arg4[%add3A, %run_scoped3A_51, %dma_wait3A_175, %dma_wait3A_176] : memref<32x4x25x100xi32, #tpu.memory_space<hbm>> -> memref<1x1x25x100xi32, #tpu.memory_space<hbm>>
      %dma_wait3A_178 = tpu.memref_squeeze %dma_wait3A_177 : memref<1x1x25x100xi32, #tpu.memory_space<hbm>> -> memref<25x100xi32, #tpu.memory_space<hbm>>
      %dma_wait3A_179 = arith.constant 0 : i32
      %dma_wait3A_180 = arith.constant 0 : i32
      %dma_wait3A_181 = tpu.memref_slice %arg4[%add3A, %run_scoped3A_51, %dma_wait3A_179, %dma_wait3A_180] : memref<32x4x25x100xi32, #tpu.memory_space<hbm>> -> memref<1x1x25x100xi32, #tpu.memory_space<hbm>>
      %dma_wait3A_182 = tpu.memref_squeeze %dma_wait3A_181 : memref<1x1x25x100xi32, #tpu.memory_space<hbm>> -> memref<25x100xi32, #tpu.memory_space<hbm>>
      tpu.wait_dma2 semaphore(%run_scoped3A_166 : memref<!tpu.dma_semaphore, #tpu.memory_space<semaphore_mem>>) src(%dma_wait3A_182 : memref<25x100xi32, #tpu.memory_space<hbm>>) dst(%arg7 : memref<25x100xi32, #tpu.memory_space<vmem>>)
      tpu.yield
    }) : () -> ()
    %dma_start3A_52 = arith.constant 0 : i32
    %dma_start3A_53 = arith.constant 0 : i32
    %dma_start3A_54 = tpu.memref_slice %arg6[%dma_start3A_52, %dma_start3A_53] : memref<25x100xi32, #tpu.memory_space<vmem>> -> memref<1x100xi32, #tpu.memory_space<vmem>>
    %dma_start3A_55 = tpu.memref_squeeze %dma_start3A_54 : memref<1x100xi32, #tpu.memory_space<vmem>> -> memref<100xi32, #tpu.memory_space<vmem>>
    %dma_start3A_56 = arith.constant 0 : i32
    %dma_start3A_57 = arith.constant 0 : i32
    %dma_start3A_58 = tpu.memref_slice %arg2[%dma_start3A_56, %dma_start3A_57] : memref<10000x128xf32, #tpu.memory_space<hbm>> -> memref<10000x128xf32, #tpu.memory_space<hbm>>
    tpu.enqueue_indirect_dma source(%dma_start3A_58 : memref<10000x128xf32, #tpu.memory_space<hbm>>) target(%arg8 : memref<100x128xf32, #tpu.memory_space<vmem>>) offsets(%dma_start3A_55 : memref<100xi32, #tpu.memory_space<vmem>>) semaphore(%arg12 : memref<!tpu.dma_semaphore, #tpu.memory_space<semaphore_mem>>)
    %dma_start3A_59 = arith.constant 1 : i32
    %dma_start3A_60 = arith.constant 0 : i32
    %dma_start3A_61 = tpu.memref_slice %arg6[%dma_start3A_59, %dma_start3A_60] : memref<25x100xi32, #tpu.memory_space<vmem>> -> memref<1x100xi32, #tpu.memory_space<vmem>>
    %dma_start3A_62 = tpu.memref_squeeze %dma_start3A_61 : memref<1x100xi32, #tpu.memory_space<vmem>> -> memref<100xi32, #tpu.memory_space<vmem>>
    %dma_start3A_63 = arith.constant 0 : i32
    %dma_start3A_64 = arith.constant 0 : i32
    %dma_start3A_65 = tpu.memref_slice %arg2[%dma_start3A_63, %dma_start3A_64] : memref<10000x128xf32, #tpu.memory_space<hbm>> -> memref<10000x128xf32, #tpu.memory_space<hbm>>
    tpu.enqueue_indirect_dma source(%dma_start3A_65 : memref<10000x128xf32, #tpu.memory_space<hbm>>) target(%arg9 : memref<100x128xf32, #tpu.memory_space<vmem>>) offsets(%dma_start3A_62 : memref<100xi32, #tpu.memory_space<vmem>>) semaphore(%arg13 : memref<!tpu.dma_semaphore, #tpu.memory_space<semaphore_mem>>)
    %dma_start3A_66 = arith.constant 2 : i32
    %dma_start3A_67 = arith.constant 0 : i32
    %dma_start3A_68 = tpu.memref_slice %arg6[%dma_start3A_66, %dma_start3A_67] : memref<25x100xi32, #tpu.memory_space<vmem>> -> memref<1x100xi32, #tpu.memory_space<vmem>>
    %dma_start3A_69 = tpu.memref_squeeze %dma_start3A_68 : memref<1x100xi32, #tpu.memory_space<vmem>> -> memref<100xi32, #tpu.memory_space<vmem>>
    %dma_start3A_70 = arith.constant 0 : i32
    %dma_start3A_71 = arith.constant 0 : i32
    %dma_start3A_72 = tpu.memref_slice %arg2[%dma_start3A_70, %dma_start3A_71] : memref<10000x128xf32, #tpu.memory_space<hbm>> -> memref<10000x128xf32, #tpu.memory_space<hbm>>
    tpu.enqueue_indirect_dma source(%dma_start3A_72 : memref<10000x128xf32, #tpu.memory_space<hbm>>) target(%arg10 : memref<100x128xf32, #tpu.memory_space<vmem>>) offsets(%dma_start3A_69 : memref<100xi32, #tpu.memory_space<vmem>>) semaphore(%arg14 : memref<!tpu.dma_semaphore, #tpu.memory_space<semaphore_mem>>)
    %scan3A_73 = arith.constant 0 : i32
    %scan3A_74 = arith.constant 0 : i32
    %scan3A_75 = arith.constant 8 : i32
    %scan3A_76 = arith.addi %scan3A_74, %scan3A_75 : i32
    %scan3A_77 = arith.constant 1 : i32
    scf.for %scan3A_166 = %scan3A_74 to %scan3A_76 step %scan3A_77  : i32 {
      %mul3A_167 = arith.constant 3 : i32
      %mul3A_168 = arith.muli %mul3A_167, %scan3A_166 : i32
      %add3A_169 = arith.constant 0 : i32
      %add3A_170 = arith.addi %mul3A_168, %add3A_169 : i32
      %dma_wait3A_171 = arith.constant 0 : i32
      %dma_wait3A_172 = tpu.memref_slice %arg6[%add3A_170, %dma_wait3A_171] : memref<25x100xi32, #tpu.memory_space<vmem>> -> memref<1x100xi32, #tpu.memory_space<vmem>>
      %dma_wait3A_173 = tpu.memref_squeeze %dma_wait3A_172 : memref<1x100xi32, #tpu.memory_space<vmem>> -> memref<100xi32, #tpu.memory_space<vmem>>
      %dma_wait3A_174 = arith.constant 0 : i32
      %dma_wait3A_175 = arith.constant 0 : i32
      %dma_wait3A_176 = tpu.memref_slice %arg2[%dma_wait3A_174, %dma_wait3A_175] : memref<10000x128xf32, #tpu.memory_space<hbm>> -> memref<10000x128xf32, #tpu.memory_space<hbm>>
      tpu.wait_indirect_dma semaphore(%arg12 : memref<!tpu.dma_semaphore, #tpu.memory_space<semaphore_mem>>) src(%dma_wait3A_176 : memref<10000x128xf32, #tpu.memory_space<hbm>>) dst(%arg8 : memref<100x128xf32, #tpu.memory_space<vmem>>)
      %add3A_177 = arith.constant 0 : i32
      %add3A_178 = arith.addi %mul3A_168, %add3A_177 : i32
      "tpu.region"() ({
        %run_scoped3A_223 = tpu.sem_alloc : memref<!tpu.dma_semaphore, #tpu.memory_space<semaphore_mem>>
        %dma_start3A_224 = arith.constant 0 : i32
        %dma_start3A_225 = tpu.memref_slice %arg7[%add3A_178, %dma_start3A_224] : memref<25x100xi32, #tpu.memory_space<vmem>> -> memref<1x100xi32, #tpu.memory_space<vmem>>
        %dma_start3A_226 = tpu.memref_squeeze %dma_start3A_225 : memref<1x100xi32, #tpu.memory_space<vmem>> -> memref<100xi32, #tpu.memory_space<vmem>>
        %dma_start3A_227 = arith.constant 0 : i32
        %dma_start3A_228 = arith.constant 0 : i32
        %dma_start3A_229 = tpu.memref_slice %arg11[%dma_start3A_227, %dma_start3A_228] : memref<10240x128xf32, #tpu.memory_space<vmem_shared>> -> memref<10240x128xf32, #tpu.memory_space<vmem_shared>>
        tpu.enqueue_indirect_dma source(%arg8 : memref<100x128xf32, #tpu.memory_space<vmem>>) target(%dma_start3A_229 : memref<10240x128xf32, #tpu.memory_space<vmem_shared>>) offsets(%dma_start3A_226 : memref<100xi32, #tpu.memory_space<vmem>>) semaphore(%run_scoped3A_223 : memref<!tpu.dma_semaphore, #tpu.memory_space<semaphore_mem>>) {add = true}
        %dma_wait3A_230 = arith.constant 0 : i32
        %dma_wait3A_231 = tpu.memref_slice %arg7[%add3A_178, %dma_wait3A_230] : memref<25x100xi32, #tpu.memory_space<vmem>> -> memref<1x100xi32, #tpu.memory_space<vmem>>
        %dma_wait3A_232 = tpu.memref_squeeze %dma_wait3A_231 : memref<1x100xi32, #tpu.memory_space<vmem>> -> memref<100xi32, #tpu.memory_space<vmem>>
        %dma_wait3A_233 = arith.constant 0 : i32
        %dma_wait3A_234 = arith.constant 0 : i32
        %dma_wait3A_235 = tpu.memref_slice %arg11[%dma_wait3A_233, %dma_wait3A_234] : memref<10240x128xf32, #tpu.memory_space<vmem_shared>> -> memref<10240x128xf32, #tpu.memory_space<vmem_shared>>
        tpu.wait_indirect_dma semaphore(%run_scoped3A_223 : memref<!tpu.dma_semaphore, #tpu.memory_space<semaphore_mem>>) src(%arg8 : memref<100x128xf32, #tpu.memory_space<vmem>>) dst(%dma_wait3A_235 : memref<10240x128xf32, #tpu.memory_space<vmem_shared>>)
        tpu.yield
      }) : () -> ()
      %add3A_179 = arith.constant 0 : i32
      %add3A_180 = arith.addi %mul3A_168, %add3A_179 : i32
      %add3A_181 = arith.constant 3 : i32
      %add3A_182 = arith.addi %add3A_180, %add3A_181 : i32
      %lt3A = arith.constant 25 : i32
      %lt3A_183 = arith.cmpi slt, %add3A_182, %lt3A : i32
      %convert_element_type3A = arith.extui %lt3A_183 : i1 to i32
      %cond3A = arith.constant 0 : i32
      %cond3A_184 = arith.cmpi ne, %convert_element_type3A, %cond3A : i32
      scf.if %cond3A_184 {
        %add3A_223 = arith.constant 0 : i32
        %add3A_224 = arith.addi %mul3A_168, %add3A_223 : i32
        %add3A_225 = arith.constant 3 : i32
        %add3A_226 = arith.addi %add3A_224, %add3A_225 : i32
        %dma_start3A_227 = arith.constant 0 : i32
        %dma_start3A_228 = tpu.memref_slice %arg6[%add3A_226, %dma_start3A_227] : memref<25x100xi32, #tpu.memory_space<vmem>> -> memref<1x100xi32, #tpu.memory_space<vmem>>
        %dma_start3A_229 = tpu.memref_squeeze %dma_start3A_228 : memref<1x100xi32, #tpu.memory_space<vmem>> -> memref<100xi32, #tpu.memory_space<vmem>>
        %dma_start3A_230 = arith.constant 0 : i32
        %dma_start3A_231 = arith.constant 0 : i32
        %dma_start3A_232 = tpu.memref_slice %arg2[%dma_start3A_230, %dma_start3A_231] : memref<10000x128xf32, #tpu.memory_space<hbm>> -> memref<10000x128xf32, #tpu.memory_space<hbm>>
        tpu.enqueue_indirect_dma source(%dma_start3A_232 : memref<10000x128xf32, #tpu.memory_space<hbm>>) target(%arg8 : memref<100x128xf32, #tpu.memory_space<vmem>>) offsets(%dma_start3A_229 : memref<100xi32, #tpu.memory_space<vmem>>) semaphore(%arg12 : memref<!tpu.dma_semaphore, #tpu.memory_space<semaphore_mem>>)
      } else {
      }
      %add3A_185 = arith.constant 1 : i32
      %add3A_186 = arith.addi %mul3A_168, %add3A_185 : i32
      %dma_wait3A_187 = arith.constant 0 : i32
      %dma_wait3A_188 = tpu.memref_slice %arg6[%add3A_186, %dma_wait3A_187] : memref<25x100xi32, #tpu.memory_space<vmem>> -> memref<1x100xi32, #tpu.memory_space<vmem>>
      %dma_wait3A_189 = tpu.memref_squeeze %dma_wait3A_188 : memref<1x100xi32, #tpu.memory_space<vmem>> -> memref<100xi32, #tpu.memory_space<vmem>>
      %dma_wait3A_190 = arith.constant 0 : i32
      %dma_wait3A_191 = arith.constant 0 : i32
      %dma_wait3A_192 = tpu.memref_slice %arg2[%dma_wait3A_190, %dma_wait3A_191] : memref<10000x128xf32, #tpu.memory_space<hbm>> -> memref<10000x128xf32, #tpu.memory_space<hbm>>
      tpu.wait_indirect_dma semaphore(%arg13 : memref<!tpu.dma_semaphore, #tpu.memory_space<semaphore_mem>>) src(%dma_wait3A_192 : memref<10000x128xf32, #tpu.memory_space<hbm>>) dst(%arg9 : memref<100x128xf32, #tpu.memory_space<vmem>>)
      %add3A_193 = arith.constant 1 : i32
      %add3A_194 = arith.addi %mul3A_168, %add3A_193 : i32
      "tpu.region"() ({
        %run_scoped3A_223 = tpu.sem_alloc : memref<!tpu.dma_semaphore, #tpu.memory_space<semaphore_mem>>
        %dma_start3A_224 = arith.constant 0 : i32
        %dma_start3A_225 = tpu.memref_slice %arg7[%add3A_194, %dma_start3A_224] : memref<25x100xi32, #tpu.memory_space<vmem>> -> memref<1x100xi32, #tpu.memory_space<vmem>>
        %dma_start3A_226 = tpu.memref_squeeze %dma_start3A_225 : memref<1x100xi32, #tpu.memory_space<vmem>> -> memref<100xi32, #tpu.memory_space<vmem>>
        %dma_start3A_227 = arith.constant 0 : i32
        %dma_start3A_228 = arith.constant 0 : i32
        %dma_start3A_229 = tpu.memref_slice %arg11[%dma_start3A_227, %dma_start3A_228] : memref<10240x128xf32, #tpu.memory_space<vmem_shared>> -> memref<10240x128xf32, #tpu.memory_space<vmem_shared>>
        tpu.enqueue_indirect_dma source(%arg9 : memref<100x128xf32, #tpu.memory_space<vmem>>) target(%dma_start3A_229 : memref<10240x128xf32, #tpu.memory_space<vmem_shared>>) offsets(%dma_start3A_226 : memref<100xi32, #tpu.memory_space<vmem>>) semaphore(%run_scoped3A_223 : memref<!tpu.dma_semaphore, #tpu.memory_space<semaphore_mem>>) {add = true}
        %dma_wait3A_230 = arith.constant 0 : i32
        %dma_wait3A_231 = tpu.memref_slice %arg7[%add3A_194, %dma_wait3A_230] : memref<25x100xi32, #tpu.memory_space<vmem>> -> memref<1x100xi32, #tpu.memory_space<vmem>>
        %dma_wait3A_232 = tpu.memref_squeeze %dma_wait3A_231 : memref<1x100xi32, #tpu.memory_space<vmem>> -> memref<100xi32, #tpu.memory_space<vmem>>
        %dma_wait3A_233 = arith.constant 0 : i32
        %dma_wait3A_234 = arith.constant 0 : i32
        %dma_wait3A_235 = tpu.memref_slice %arg11[%dma_wait3A_233, %dma_wait3A_234] : memref<10240x128xf32, #tpu.memory_space<vmem_shared>> -> memref<10240x128xf32, #tpu.memory_space<vmem_shared>>
        tpu.wait_indirect_dma semaphore(%run_scoped3A_223 : memref<!tpu.dma_semaphore, #tpu.memory_space<semaphore_mem>>) src(%arg9 : memref<100x128xf32, #tpu.memory_space<vmem>>) dst(%dma_wait3A_235 : memref<10240x128xf32, #tpu.memory_space<vmem_shared>>)
        tpu.yield
      }) : () -> ()
      %add3A_195 = arith.constant 1 : i32
      %add3A_196 = arith.addi %mul3A_168, %add3A_195 : i32
      %add3A_197 = arith.constant 3 : i32
      %add3A_198 = arith.addi %add3A_196, %add3A_197 : i32
      %lt3A_199 = arith.constant 25 : i32
      %lt3A_200 = arith.cmpi slt, %add3A_198, %lt3A_199 : i32
      %convert_element_type3A_201 = arith.extui %lt3A_200 : i1 to i32
      %cond3A_202 = arith.constant 0 : i32
      %cond3A_203 = arith.cmpi ne, %convert_element_type3A_201, %cond3A_202 : i32
      scf.if %cond3A_203 {
        %add3A_223 = arith.constant 1 : i32
        %add3A_224 = arith.addi %mul3A_168, %add3A_223 : i32
        %add3A_225 = arith.constant 3 : i32
        %add3A_226 = arith.addi %add3A_224, %add3A_225 : i32
        %dma_start3A_227 = arith.constant 0 : i32
        %dma_start3A_228 = tpu.memref_slice %arg6[%add3A_226, %dma_start3A_227] : memref<25x100xi32, #tpu.memory_space<vmem>> -> memref<1x100xi32, #tpu.memory_space<vmem>>
        %dma_start3A_229 = tpu.memref_squeeze %dma_start3A_228 : memref<1x100xi32, #tpu.memory_space<vmem>> -> memref<100xi32, #tpu.memory_space<vmem>>
        %dma_start3A_230 = arith.constant 0 : i32
        %dma_start3A_231 = arith.constant 0 : i32
        %dma_start3A_232 = tpu.memref_slice %arg2[%dma_start3A_230, %dma_start3A_231] : memref<10000x128xf32, #tpu.memory_space<hbm>> -> memref<10000x128xf32, #tpu.memory_space<hbm>>
        tpu.enqueue_indirect_dma source(%dma_start3A_232 : memref<10000x128xf32, #tpu.memory_space<hbm>>) target(%arg9 : memref<100x128xf32, #tpu.memory_space<vmem>>) offsets(%dma_start3A_229 : memref<100xi32, #tpu.memory_space<vmem>>) semaphore(%arg13 : memref<!tpu.dma_semaphore, #tpu.memory_space<semaphore_mem>>)
      } else {
      }
      %add3A_204 = arith.constant 2 : i32
      %add3A_205 = arith.addi %mul3A_168, %add3A_204 : i32
      %dma_wait3A_206 = arith.constant 0 : i32
      %dma_wait3A_207 = tpu.memref_slice %arg6[%add3A_205, %dma_wait3A_206] : memref<25x100xi32, #tpu.memory_space<vmem>> -> memref<1x100xi32, #tpu.memory_space<vmem>>
      %dma_wait3A_208 = tpu.memref_squeeze %dma_wait3A_207 : memref<1x100xi32, #tpu.memory_space<vmem>> -> memref<100xi32, #tpu.memory_space<vmem>>
      %dma_wait3A_209 = arith.constant 0 : i32
      %dma_wait3A_210 = arith.constant 0 : i32
      %dma_wait3A_211 = tpu.memref_slice %arg2[%dma_wait3A_209, %dma_wait3A_210] : memref<10000x128xf32, #tpu.memory_space<hbm>> -> memref<10000x128xf32, #tpu.memory_space<hbm>>
      tpu.wait_indirect_dma semaphore(%arg14 : memref<!tpu.dma_semaphore, #tpu.memory_space<semaphore_mem>>) src(%dma_wait3A_211 : memref<10000x128xf32, #tpu.memory_space<hbm>>) dst(%arg10 : memref<100x128xf32, #tpu.memory_space<vmem>>)
      %add3A_212 = arith.constant 2 : i32
      %add3A_213 = arith.addi %mul3A_168, %add3A_212 : i32
      "tpu.region"() ({
        %run_scoped3A_223 = tpu.sem_alloc : memref<!tpu.dma_semaphore, #tpu.memory_space<semaphore_mem>>
        %dma_start3A_224 = arith.constant 0 : i32
        %dma_start3A_225 = tpu.memref_slice %arg7[%add3A_213, %dma_start3A_224] : memref<25x100xi32, #tpu.memory_space<vmem>> -> memref<1x100xi32, #tpu.memory_space<vmem>>
        %dma_start3A_226 = tpu.memref_squeeze %dma_start3A_225 : memref<1x100xi32, #tpu.memory_space<vmem>> -> memref<100xi32, #tpu.memory_space<vmem>>
        %dma_start3A_227 = arith.constant 0 : i32
        %dma_start3A_228 = arith.constant 0 : i32
        %dma_start3A_229 = tpu.memref_slice %arg11[%dma_start3A_227, %dma_start3A_228] : memref<10240x128xf32, #tpu.memory_space<vmem_shared>> -> memref<10240x128xf32, #tpu.memory_space<vmem_shared>>
        tpu.enqueue_indirect_dma source(%arg10 : memref<100x128xf32, #tpu.memory_space<vmem>>) target(%dma_start3A_229 : memref<10240x128xf32, #tpu.memory_space<vmem_shared>>) offsets(%dma_start3A_226 : memref<100xi32, #tpu.memory_space<vmem>>) semaphore(%run_scoped3A_223 : memref<!tpu.dma_semaphore, #tpu.memory_space<semaphore_mem>>) {add = true}
        %dma_wait3A_230 = arith.constant 0 : i32
        %dma_wait3A_231 = tpu.memref_slice %arg7[%add3A_213, %dma_wait3A_230] : memref<25x100xi32, #tpu.memory_space<vmem>> -> memref<1x100xi32, #tpu.memory_space<vmem>>
        %dma_wait3A_232 = tpu.memref_squeeze %dma_wait3A_231 : memref<1x100xi32, #tpu.memory_space<vmem>> -> memref<100xi32, #tpu.memory_space<vmem>>
        %dma_wait3A_233 = arith.constant 0 : i32
        %dma_wait3A_234 = arith.constant 0 : i32
        %dma_wait3A_235 = tpu.memref_slice %arg11[%dma_wait3A_233, %dma_wait3A_234] : memref<10240x128xf32, #tpu.memory_space<vmem_shared>> -> memref<10240x128xf32, #tpu.memory_space<vmem_shared>>
        tpu.wait_indirect_dma semaphore(%run_scoped3A_223 : memref<!tpu.dma_semaphore, #tpu.memory_space<semaphore_mem>>) src(%arg10 : memref<100x128xf32, #tpu.memory_space<vmem>>) dst(%dma_wait3A_235 : memref<10240x128xf32, #tpu.memory_space<vmem_shared>>)
        tpu.yield
      }) : () -> ()
      %add3A_214 = arith.constant 2 : i32
      %add3A_215 = arith.addi %mul3A_168, %add3A_214 : i32
      %add3A_216 = arith.constant 3 : i32
      %add3A_217 = arith.addi %add3A_215, %add3A_216 : i32
      %lt3A_218 = arith.constant 25 : i32
      %lt3A_219 = arith.cmpi slt, %add3A_217, %lt3A_218 : i32
      %convert_element_type3A_220 = arith.extui %lt3A_219 : i1 to i32
      %cond3A_221 = arith.constant 0 : i32
      %cond3A_222 = arith.cmpi ne, %convert_element_type3A_220, %cond3A_221 : i32
      scf.if %cond3A_222 {
        %add3A_223 = arith.constant 2 : i32
        %add3A_224 = arith.addi %mul3A_168, %add3A_223 : i32
        %add3A_225 = arith.constant 3 : i32
        %add3A_226 = arith.addi %add3A_224, %add3A_225 : i32
        %dma_start3A_227 = arith.constant 0 : i32
        %dma_start3A_228 = tpu.memref_slice %arg6[%add3A_226, %dma_start3A_227] : memref<25x100xi32, #tpu.memory_space<vmem>> -> memref<1x100xi32, #tpu.memory_space<vmem>>
        %dma_start3A_229 = tpu.memref_squeeze %dma_start3A_228 : memref<1x100xi32, #tpu.memory_space<vmem>> -> memref<100xi32, #tpu.memory_space<vmem>>
        %dma_start3A_230 = arith.constant 0 : i32
        %dma_start3A_231 = arith.constant 0 : i32
        %dma_start3A_232 = tpu.memref_slice %arg2[%dma_start3A_230, %dma_start3A_231] : memref<10000x128xf32, #tpu.memory_space<hbm>> -> memref<10000x128xf32, #tpu.memory_space<hbm>>
        tpu.enqueue_indirect_dma source(%dma_start3A_232 : memref<10000x128xf32, #tpu.memory_space<hbm>>) target(%arg10 : memref<100x128xf32, #tpu.memory_space<vmem>>) offsets(%dma_start3A_229 : memref<100xi32, #tpu.memory_space<vmem>>) semaphore(%arg14 : memref<!tpu.dma_semaphore, #tpu.memory_space<semaphore_mem>>)
      } else {
      }
    }
    %scan3A_78 = arith.constant 8 : i32
    %dma_wait3A_79 = arith.constant 24 : i32
    %dma_wait3A_80 = arith.constant 0 : i32
    %dma_wait3A_81 = tpu.memref_slice %arg6[%dma_wait3A_79, %dma_wait3A_80] : memref<25x100xi32, #tpu.memory_space<vmem>> -> memref<1x100xi32, #tpu.memory_space<vmem>>
    %dma_wait3A_82 = tpu.memref_squeeze %dma_wait3A_81 : memref<1x100xi32, #tpu.memory_space<vmem>> -> memref<100xi32, #tpu.memory_space<vmem>>
    %dma_wait3A_83 = arith.constant 0 : i32
    %dma_wait3A_84 = arith.constant 0 : i32
    %dma_wait3A_85 = tpu.memref_slice %arg2[%dma_wait3A_83, %dma_wait3A_84] : memref<10000x128xf32, #tpu.memory_space<hbm>> -> memref<10000x128xf32, #tpu.memory_space<hbm>>
    tpu.wait_indirect_dma semaphore(%arg12 : memref<!tpu.dma_semaphore, #tpu.memory_space<semaphore_mem>>) src(%dma_wait3A_85 : memref<10000x128xf32, #tpu.memory_space<hbm>>) dst(%arg8 : memref<100x128xf32, #tpu.memory_space<vmem>>)
    %run_scoped3A_86 = arith.constant 24 : i32
    "tpu.region"() ({
      %run_scoped3A_166 = tpu.sem_alloc : memref<!tpu.dma_semaphore, #tpu.memory_space<semaphore_mem>>
      %dma_start3A_167 = arith.constant 0 : i32
      %dma_start3A_168 = tpu.memref_slice %arg7[%run_scoped3A_86, %dma_start3A_167] : memref<25x100xi32, #tpu.memory_space<vmem>> -> memref<1x100xi32, #tpu.memory_space<vmem>>
      %dma_start3A_169 = tpu.memref_squeeze %dma_start3A_168 : memref<1x100xi32, #tpu.memory_space<vmem>> -> memref<100xi32, #tpu.memory_space<vmem>>
      %dma_start3A_170 = arith.constant 0 : i32
      %dma_start3A_171 = arith.constant 0 : i32
      %dma_start3A_172 = tpu.memref_slice %arg11[%dma_start3A_170, %dma_start3A_171] : memref<10240x128xf32, #tpu.memory_space<vmem_shared>> -> memref<10240x128xf32, #tpu.memory_space<vmem_shared>>
      tpu.enqueue_indirect_dma source(%arg8 : memref<100x128xf32, #tpu.memory_space<vmem>>) target(%dma_start3A_172 : memref<10240x128xf32, #tpu.memory_space<vmem_shared>>) offsets(%dma_start3A_169 : memref<100xi32, #tpu.memory_space<vmem>>) semaphore(%run_scoped3A_166 : memref<!tpu.dma_semaphore, #tpu.memory_space<semaphore_mem>>) {add = true}
      %dma_wait3A_173 = arith.constant 0 : i32
      %dma_wait3A_174 = tpu.memref_slice %arg7[%run_scoped3A_86, %dma_wait3A_173] : memref<25x100xi32, #tpu.memory_space<vmem>> -> memref<1x100xi32, #tpu.memory_space<vmem>>
      %dma_wait3A_175 = tpu.memref_squeeze %dma_wait3A_174 : memref<1x100xi32, #tpu.memory_space<vmem>> -> memref<100xi32, #tpu.memory_space<vmem>>
      %dma_wait3A_176 = arith.constant 0 : i32
      %dma_wait3A_177 = arith.constant 0 : i32
      %dma_wait3A_178 = tpu.memref_slice %arg11[%dma_wait3A_176, %dma_wait3A_177] : memref<10240x128xf32, #tpu.memory_space<vmem_shared>> -> memref<10240x128xf32, #tpu.memory_space<vmem_shared>>
      tpu.wait_indirect_dma semaphore(%run_scoped3A_166 : memref<!tpu.dma_semaphore, #tpu.memory_space<semaphore_mem>>) src(%arg8 : memref<100x128xf32, #tpu.memory_space<vmem>>) dst(%dma_wait3A_178 : memref<10240x128xf32, #tpu.memory_space<vmem_shared>>)
      tpu.yield
    }) : () -> ()
    %run_scoped3A_87 = arith.constant 2 : i32
    "tpu.region"() ({
      %run_scoped3A_166 = tpu.sem_alloc : memref<!tpu.dma_semaphore, #tpu.memory_space<semaphore_mem>>
      %dma_start3A_167 = arith.constant 0 : i32
      %dma_start3A_168 = arith.constant 0 : i32
      %dma_start3A_169 = tpu.memref_slice %arg3[%add3A, %run_scoped3A_87, %dma_start3A_167, %dma_start3A_168] : memref<32x4x25x100xi32, #tpu.memory_space<hbm>> -> memref<1x1x25x100xi32, #tpu.memory_space<hbm>>
      %dma_start3A_170 = tpu.memref_squeeze %dma_start3A_169 : memref<1x1x25x100xi32, #tpu.memory_space<hbm>> -> memref<25x100xi32, #tpu.memory_space<hbm>>
      %dma_start3A_171 = arith.constant 0 : i32
      %dma_start3A_172 = arith.constant 0 : i32
      %dma_start3A_173 = tpu.memref_slice %arg3[%add3A, %run_scoped3A_87, %dma_start3A_171, %dma_start3A_172] : memref<32x4x25x100xi32, #tpu.memory_space<hbm>> -> memref<1x1x25x100xi32, #tpu.memory_space<hbm>>
      %dma_start3A_174 = tpu.memref_squeeze %dma_start3A_173 : memref<1x1x25x100xi32, #tpu.memory_space<hbm>> -> memref<25x100xi32, #tpu.memory_space<hbm>>
      tpu.enqueue_dma source(%dma_start3A_174 : memref<25x100xi32, #tpu.memory_space<hbm>>) target(%arg6 : memref<25x100xi32, #tpu.memory_space<vmem>>) target_semaphore(%run_scoped3A_166 : memref<!tpu.dma_semaphore, #tpu.memory_space<semaphore_mem>>)
      %dma_wait3A_175 = arith.constant 0 : i32
      %dma_wait3A_176 = arith.constant 0 : i32
      %dma_wait3A_177 = tpu.memref_slice %arg3[%add3A, %run_scoped3A_87, %dma_wait3A_175, %dma_wait3A_176] : memref<32x4x25x100xi32, #tpu.memory_space<hbm>> -> memref<1x1x25x100xi32, #tpu.memory_space<hbm>>
      %dma_wait3A_178 = tpu.memref_squeeze %dma_wait3A_177 : memref<1x1x25x100xi32, #tpu.memory_space<hbm>> -> memref<25x100xi32, #tpu.memory_space<hbm>>
      %dma_wait3A_179 = arith.constant 0 : i32
      %dma_wait3A_180 = arith.constant 0 : i32
      %dma_wait3A_181 = tpu.memref_slice %arg3[%add3A, %run_scoped3A_87, %dma_wait3A_179, %dma_wait3A_180] : memref<32x4x25x100xi32, #tpu.memory_space<hbm>> -> memref<1x1x25x100xi32, #tpu.memory_space<hbm>>
      %dma_wait3A_182 = tpu.memref_squeeze %dma_wait3A_181 : memref<1x1x25x100xi32, #tpu.memory_space<hbm>> -> memref<25x100xi32, #tpu.memory_space<hbm>>
      tpu.wait_dma2 semaphore(%run_scoped3A_166 : memref<!tpu.dma_semaphore, #tpu.memory_space<semaphore_mem>>) src(%dma_wait3A_182 : memref<25x100xi32, #tpu.memory_space<hbm>>) dst(%arg6 : memref<25x100xi32, #tpu.memory_space<vmem>>)
      tpu.yield
    }) : () -> ()
    %run_scoped3A_88 = arith.constant 2 : i32
    "tpu.region"() ({
      %run_scoped3A_166 = tpu.sem_alloc : memref<!tpu.dma_semaphore, #tpu.memory_space<semaphore_mem>>
      %dma_start3A_167 = arith.constant 0 : i32
      %dma_start3A_168 = arith.constant 0 : i32
      %dma_start3A_169 = tpu.memref_slice %arg4[%add3A, %run_scoped3A_88, %dma_start3A_167, %dma_start3A_168] : memref<32x4x25x100xi32, #tpu.memory_space<hbm>> -> memref<1x1x25x100xi32, #tpu.memory_space<hbm>>
      %dma_start3A_170 = tpu.memref_squeeze %dma_start3A_169 : memref<1x1x25x100xi32, #tpu.memory_space<hbm>> -> memref<25x100xi32, #tpu.memory_space<hbm>>
      %dma_start3A_171 = arith.constant 0 : i32
      %dma_start3A_172 = arith.constant 0 : i32
      %dma_start3A_173 = tpu.memref_slice %arg4[%add3A, %run_scoped3A_88, %dma_start3A_171, %dma_start3A_172] : memref<32x4x25x100xi32, #tpu.memory_space<hbm>> -> memref<1x1x25x100xi32, #tpu.memory_space<hbm>>
      %dma_start3A_174 = tpu.memref_squeeze %dma_start3A_173 : memref<1x1x25x100xi32, #tpu.memory_space<hbm>> -> memref<25x100xi32, #tpu.memory_space<hbm>>
      tpu.enqueue_dma source(%dma_start3A_174 : memref<25x100xi32, #tpu.memory_space<hbm>>) target(%arg7 : memref<25x100xi32, #tpu.memory_space<vmem>>) target_semaphore(%run_scoped3A_166 : memref<!tpu.dma_semaphore, #tpu.memory_space<semaphore_mem>>)
      %dma_wait3A_175 = arith.constant 0 : i32
      %dma_wait3A_176 = arith.constant 0 : i32
      %dma_wait3A_177 = tpu.memref_slice %arg4[%add3A, %run_scoped3A_88, %dma_wait3A_175, %dma_wait3A_176] : memref<32x4x25x100xi32, #tpu.memory_space<hbm>> -> memref<1x1x25x100xi32, #tpu.memory_space<hbm>>
      %dma_wait3A_178 = tpu.memref_squeeze %dma_wait3A_177 : memref<1x1x25x100xi32, #tpu.memory_space<hbm>> -> memref<25x100xi32, #tpu.memory_space<hbm>>
      %dma_wait3A_179 = arith.constant 0 : i32
      %dma_wait3A_180 = arith.constant 0 : i32
      %dma_wait3A_181 = tpu.memref_slice %arg4[%add3A, %run_scoped3A_88, %dma_wait3A_179, %dma_wait3A_180] : memref<32x4x25x100xi32, #tpu.memory_space<hbm>> -> memref<1x1x25x100xi32, #tpu.memory_space<hbm>>
      %dma_wait3A_182 = tpu.memref_squeeze %dma_wait3A_181 : memref<1x1x25x100xi32, #tpu.memory_space<hbm>> -> memref<25x100xi32, #tpu.memory_space<hbm>>
      tpu.wait_dma2 semaphore(%run_scoped3A_166 : memref<!tpu.dma_semaphore, #tpu.memory_space<semaphore_mem>>) src(%dma_wait3A_182 : memref<25x100xi32, #tpu.memory_space<hbm>>) dst(%arg7 : memref<25x100xi32, #tpu.memory_space<vmem>>)
      tpu.yield
    }) : () -> ()
    %dma_start3A_89 = arith.constant 0 : i32
    %dma_start3A_90 = arith.constant 0 : i32
    %dma_start3A_91 = tpu.memref_slice %arg6[%dma_start3A_89, %dma_start3A_90] : memref<25x100xi32, #tpu.memory_space<vmem>> -> memref<1x100xi32, #tpu.memory_space<vmem>>
    %dma_start3A_92 = tpu.memref_squeeze %dma_start3A_91 : memref<1x100xi32, #tpu.memory_space<vmem>> -> memref<100xi32, #tpu.memory_space<vmem>>
    %dma_start3A_93 = arith.constant 0 : i32
    %dma_start3A_94 = arith.constant 0 : i32
    %dma_start3A_95 = tpu.memref_slice %arg2[%dma_start3A_93, %dma_start3A_94] : memref<10000x128xf32, #tpu.memory_space<hbm>> -> memref<10000x128xf32, #tpu.memory_space<hbm>>
    tpu.enqueue_indirect_dma source(%dma_start3A_95 : memref<10000x128xf32, #tpu.memory_space<hbm>>) target(%arg8 : memref<100x128xf32, #tpu.memory_space<vmem>>) offsets(%dma_start3A_92 : memref<100xi32, #tpu.memory_space<vmem>>) semaphore(%arg12 : memref<!tpu.dma_semaphore, #tpu.memory_space<semaphore_mem>>)
    %dma_start3A_96 = arith.constant 1 : i32
    %dma_start3A_97 = arith.constant 0 : i32
    %dma_start3A_98 = tpu.memref_slice %arg6[%dma_start3A_96, %dma_start3A_97] : memref<25x100xi32, #tpu.memory_space<vmem>> -> memref<1x100xi32, #tpu.memory_space<vmem>>
    %dma_start3A_99 = tpu.memref_squeeze %dma_start3A_98 : memref<1x100xi32, #tpu.memory_space<vmem>> -> memref<100xi32, #tpu.memory_space<vmem>>
    %dma_start3A_100 = arith.constant 0 : i32
    %dma_start3A_101 = arith.constant 0 : i32
    %dma_start3A_102 = tpu.memref_slice %arg2[%dma_start3A_100, %dma_start3A_101] : memref<10000x128xf32, #tpu.memory_space<hbm>> -> memref<10000x128xf32, #tpu.memory_space<hbm>>
    tpu.enqueue_indirect_dma source(%dma_start3A_102 : memref<10000x128xf32, #tpu.memory_space<hbm>>) target(%arg9 : memref<100x128xf32, #tpu.memory_space<vmem>>) offsets(%dma_start3A_99 : memref<100xi32, #tpu.memory_space<vmem>>) semaphore(%arg13 : memref<!tpu.dma_semaphore, #tpu.memory_space<semaphore_mem>>)
    %dma_start3A_103 = arith.constant 2 : i32
    %dma_start3A_104 = arith.constant 0 : i32
    %dma_start3A_105 = tpu.memref_slice %arg6[%dma_start3A_103, %dma_start3A_104] : memref<25x100xi32, #tpu.memory_space<vmem>> -> memref<1x100xi32, #tpu.memory_space<vmem>>
    %dma_start3A_106 = tpu.memref_squeeze %dma_start3A_105 : memref<1x100xi32, #tpu.memory_space<vmem>> -> memref<100xi32, #tpu.memory_space<vmem>>
    %dma_start3A_107 = arith.constant 0 : i32
    %dma_start3A_108 = arith.constant 0 : i32
    %dma_start3A_109 = tpu.memref_slice %arg2[%dma_start3A_107, %dma_start3A_108] : memref<10000x128xf32, #tpu.memory_space<hbm>> -> memref<10000x128xf32, #tpu.memory_space<hbm>>
    tpu.enqueue_indirect_dma source(%dma_start3A_109 : memref<10000x128xf32, #tpu.memory_space<hbm>>) target(%arg10 : memref<100x128xf32, #tpu.memory_space<vmem>>) offsets(%dma_start3A_106 : memref<100xi32, #tpu.memory_space<vmem>>) semaphore(%arg14 : memref<!tpu.dma_semaphore, #tpu.memory_space<semaphore_mem>>)
    %scan3A_110 = arith.constant 0 : i32
    %scan3A_111 = arith.constant 0 : i32
    %scan3A_112 = arith.constant 8 : i32
    %scan3A_113 = arith.addi %scan3A_111, %scan3A_112 : i32
    %scan3A_114 = arith.constant 1 : i32
    scf.for %scan3A_166 = %scan3A_111 to %scan3A_113 step %scan3A_114  : i32 {
      %mul3A_167 = arith.constant 3 : i32
      %mul3A_168 = arith.muli %mul3A_167, %scan3A_166 : i32
      %add3A_169 = arith.constant 0 : i32
      %add3A_170 = arith.addi %mul3A_168, %add3A_169 : i32
      %dma_wait3A_171 = arith.constant 0 : i32
      %dma_wait3A_172 = tpu.memref_slice %arg6[%add3A_170, %dma_wait3A_171] : memref<25x100xi32, #tpu.memory_space<vmem>> -> memref<1x100xi32, #tpu.memory_space<vmem>>
      %dma_wait3A_173 = tpu.memref_squeeze %dma_wait3A_172 : memref<1x100xi32, #tpu.memory_space<vmem>> -> memref<100xi32, #tpu.memory_space<vmem>>
      %dma_wait3A_174 = arith.constant 0 : i32
      %dma_wait3A_175 = arith.constant 0 : i32
      %dma_wait3A_176 = tpu.memref_slice %arg2[%dma_wait3A_174, %dma_wait3A_175] : memref<10000x128xf32, #tpu.memory_space<hbm>> -> memref<10000x128xf32, #tpu.memory_space<hbm>>
      tpu.wait_indirect_dma semaphore(%arg12 : memref<!tpu.dma_semaphore, #tpu.memory_space<semaphore_mem>>) src(%dma_wait3A_176 : memref<10000x128xf32, #tpu.memory_space<hbm>>) dst(%arg8 : memref<100x128xf32, #tpu.memory_space<vmem>>)
      %add3A_177 = arith.constant 0 : i32
      %add3A_178 = arith.addi %mul3A_168, %add3A_177 : i32
      "tpu.region"() ({
        %run_scoped3A_223 = tpu.sem_alloc : memref<!tpu.dma_semaphore, #tpu.memory_space<semaphore_mem>>
        %dma_start3A_224 = arith.constant 0 : i32
        %dma_start3A_225 = tpu.memref_slice %arg7[%add3A_178, %dma_start3A_224] : memref<25x100xi32, #tpu.memory_space<vmem>> -> memref<1x100xi32, #tpu.memory_space<vmem>>
        %dma_start3A_226 = tpu.memref_squeeze %dma_start3A_225 : memref<1x100xi32, #tpu.memory_space<vmem>> -> memref<100xi32, #tpu.memory_space<vmem>>
        %dma_start3A_227 = arith.constant 0 : i32
        %dma_start3A_228 = arith.constant 0 : i32
        %dma_start3A_229 = tpu.memref_slice %arg11[%dma_start3A_227, %dma_start3A_228] : memref<10240x128xf32, #tpu.memory_space<vmem_shared>> -> memref<10240x128xf32, #tpu.memory_space<vmem_shared>>
        tpu.enqueue_indirect_dma source(%arg8 : memref<100x128xf32, #tpu.memory_space<vmem>>) target(%dma_start3A_229 : memref<10240x128xf32, #tpu.memory_space<vmem_shared>>) offsets(%dma_start3A_226 : memref<100xi32, #tpu.memory_space<vmem>>) semaphore(%run_scoped3A_223 : memref<!tpu.dma_semaphore, #tpu.memory_space<semaphore_mem>>) {add = true}
        %dma_wait3A_230 = arith.constant 0 : i32
        %dma_wait3A_231 = tpu.memref_slice %arg7[%add3A_178, %dma_wait3A_230] : memref<25x100xi32, #tpu.memory_space<vmem>> -> memref<1x100xi32, #tpu.memory_space<vmem>>
        %dma_wait3A_232 = tpu.memref_squeeze %dma_wait3A_231 : memref<1x100xi32, #tpu.memory_space<vmem>> -> memref<100xi32, #tpu.memory_space<vmem>>
        %dma_wait3A_233 = arith.constant 0 : i32
        %dma_wait3A_234 = arith.constant 0 : i32
        %dma_wait3A_235 = tpu.memref_slice %arg11[%dma_wait3A_233, %dma_wait3A_234] : memref<10240x128xf32, #tpu.memory_space<vmem_shared>> -> memref<10240x128xf32, #tpu.memory_space<vmem_shared>>
        tpu.wait_indirect_dma semaphore(%run_scoped3A_223 : memref<!tpu.dma_semaphore, #tpu.memory_space<semaphore_mem>>) src(%arg8 : memref<100x128xf32, #tpu.memory_space<vmem>>) dst(%dma_wait3A_235 : memref<10240x128xf32, #tpu.memory_space<vmem_shared>>)
        tpu.yield
      }) : () -> ()
      %add3A_179 = arith.constant 0 : i32
      %add3A_180 = arith.addi %mul3A_168, %add3A_179 : i32
      %add3A_181 = arith.constant 3 : i32
      %add3A_182 = arith.addi %add3A_180, %add3A_181 : i32
      %lt3A = arith.constant 25 : i32
      %lt3A_183 = arith.cmpi slt, %add3A_182, %lt3A : i32
      %convert_element_type3A = arith.extui %lt3A_183 : i1 to i32
      %cond3A = arith.constant 0 : i32
      %cond3A_184 = arith.cmpi ne, %convert_element_type3A, %cond3A : i32
      scf.if %cond3A_184 {
        %add3A_223 = arith.constant 0 : i32
        %add3A_224 = arith.addi %mul3A_168, %add3A_223 : i32
        %add3A_225 = arith.constant 3 : i32
        %add3A_226 = arith.addi %add3A_224, %add3A_225 : i32
        %dma_start3A_227 = arith.constant 0 : i32
        %dma_start3A_228 = tpu.memref_slice %arg6[%add3A_226, %dma_start3A_227] : memref<25x100xi32, #tpu.memory_space<vmem>> -> memref<1x100xi32, #tpu.memory_space<vmem>>
        %dma_start3A_229 = tpu.memref_squeeze %dma_start3A_228 : memref<1x100xi32, #tpu.memory_space<vmem>> -> memref<100xi32, #tpu.memory_space<vmem>>
        %dma_start3A_230 = arith.constant 0 : i32
        %dma_start3A_231 = arith.constant 0 : i32
        %dma_start3A_232 = tpu.memref_slice %arg2[%dma_start3A_230, %dma_start3A_231] : memref<10000x128xf32, #tpu.memory_space<hbm>> -> memref<10000x128xf32, #tpu.memory_space<hbm>>
        tpu.enqueue_indirect_dma source(%dma_start3A_232 : memref<10000x128xf32, #tpu.memory_space<hbm>>) target(%arg8 : memref<100x128xf32, #tpu.memory_space<vmem>>) offsets(%dma_start3A_229 : memref<100xi32, #tpu.memory_space<vmem>>) semaphore(%arg12 : memref<!tpu.dma_semaphore, #tpu.memory_space<semaphore_mem>>)
      } else {
      }
      %add3A_185 = arith.constant 1 : i32
      %add3A_186 = arith.addi %mul3A_168, %add3A_185 : i32
      %dma_wait3A_187 = arith.constant 0 : i32
      %dma_wait3A_188 = tpu.memref_slice %arg6[%add3A_186, %dma_wait3A_187] : memref<25x100xi32, #tpu.memory_space<vmem>> -> memref<1x100xi32, #tpu.memory_space<vmem>>
      %dma_wait3A_189 = tpu.memref_squeeze %dma_wait3A_188 : memref<1x100xi32, #tpu.memory_space<vmem>> -> memref<100xi32, #tpu.memory_space<vmem>>
      %dma_wait3A_190 = arith.constant 0 : i32
      %dma_wait3A_191 = arith.constant 0 : i32
      %dma_wait3A_192 = tpu.memref_slice %arg2[%dma_wait3A_190, %dma_wait3A_191] : memref<10000x128xf32, #tpu.memory_space<hbm>> -> memref<10000x128xf32, #tpu.memory_space<hbm>>
      tpu.wait_indirect_dma semaphore(%arg13 : memref<!tpu.dma_semaphore, #tpu.memory_space<semaphore_mem>>) src(%dma_wait3A_192 : memref<10000x128xf32, #tpu.memory_space<hbm>>) dst(%arg9 : memref<100x128xf32, #tpu.memory_space<vmem>>)
      %add3A_193 = arith.constant 1 : i32
      %add3A_194 = arith.addi %mul3A_168, %add3A_193 : i32
      "tpu.region"() ({
        %run_scoped3A_223 = tpu.sem_alloc : memref<!tpu.dma_semaphore, #tpu.memory_space<semaphore_mem>>
        %dma_start3A_224 = arith.constant 0 : i32
        %dma_start3A_225 = tpu.memref_slice %arg7[%add3A_194, %dma_start3A_224] : memref<25x100xi32, #tpu.memory_space<vmem>> -> memref<1x100xi32, #tpu.memory_space<vmem>>
        %dma_start3A_226 = tpu.memref_squeeze %dma_start3A_225 : memref<1x100xi32, #tpu.memory_space<vmem>> -> memref<100xi32, #tpu.memory_space<vmem>>
        %dma_start3A_227 = arith.constant 0 : i32
        %dma_start3A_228 = arith.constant 0 : i32
        %dma_start3A_229 = tpu.memref_slice %arg11[%dma_start3A_227, %dma_start3A_228] : memref<10240x128xf32, #tpu.memory_space<vmem_shared>> -> memref<10240x128xf32, #tpu.memory_space<vmem_shared>>
        tpu.enqueue_indirect_dma source(%arg9 : memref<100x128xf32, #tpu.memory_space<vmem>>) target(%dma_start3A_229 : memref<10240x128xf32, #tpu.memory_space<vmem_shared>>) offsets(%dma_start3A_226 : memref<100xi32, #tpu.memory_space<vmem>>) semaphore(%run_scoped3A_223 : memref<!tpu.dma_semaphore, #tpu.memory_space<semaphore_mem>>) {add = true}
        %dma_wait3A_230 = arith.constant 0 : i32
        %dma_wait3A_231 = tpu.memref_slice %arg7[%add3A_194, %dma_wait3A_230] : memref<25x100xi32, #tpu.memory_space<vmem>> -> memref<1x100xi32, #tpu.memory_space<vmem>>
        %dma_wait3A_232 = tpu.memref_squeeze %dma_wait3A_231 : memref<1x100xi32, #tpu.memory_space<vmem>> -> memref<100xi32, #tpu.memory_space<vmem>>
        %dma_wait3A_233 = arith.constant 0 : i32
        %dma_wait3A_234 = arith.constant 0 : i32
        %dma_wait3A_235 = tpu.memref_slice %arg11[%dma_wait3A_233, %dma_wait3A_234] : memref<10240x128xf32, #tpu.memory_space<vmem_shared>> -> memref<10240x128xf32, #tpu.memory_space<vmem_shared>>
        tpu.wait_indirect_dma semaphore(%run_scoped3A_223 : memref<!tpu.dma_semaphore, #tpu.memory_space<semaphore_mem>>) src(%arg9 : memref<100x128xf32, #tpu.memory_space<vmem>>) dst(%dma_wait3A_235 : memref<10240x128xf32, #tpu.memory_space<vmem_shared>>)
        tpu.yield
      }) : () -> ()
      %add3A_195 = arith.constant 1 : i32
      %add3A_196 = arith.addi %mul3A_168, %add3A_195 : i32
      %add3A_197 = arith.constant 3 : i32
      %add3A_198 = arith.addi %add3A_196, %add3A_197 : i32
      %lt3A_199 = arith.constant 25 : i32
      %lt3A_200 = arith.cmpi slt, %add3A_198, %lt3A_199 : i32
      %convert_element_type3A_201 = arith.extui %lt3A_200 : i1 to i32
      %cond3A_202 = arith.constant 0 : i32
      %cond3A_203 = arith.cmpi ne, %convert_element_type3A_201, %cond3A_202 : i32
      scf.if %cond3A_203 {
        %add3A_223 = arith.constant 1 : i32
        %add3A_224 = arith.addi %mul3A_168, %add3A_223 : i32
        %add3A_225 = arith.constant 3 : i32
        %add3A_226 = arith.addi %add3A_224, %add3A_225 : i32
        %dma_start3A_227 = arith.constant 0 : i32
        %dma_start3A_228 = tpu.memref_slice %arg6[%add3A_226, %dma_start3A_227] : memref<25x100xi32, #tpu.memory_space<vmem>> -> memref<1x100xi32, #tpu.memory_space<vmem>>
        %dma_start3A_229 = tpu.memref_squeeze %dma_start3A_228 : memref<1x100xi32, #tpu.memory_space<vmem>> -> memref<100xi32, #tpu.memory_space<vmem>>
        %dma_start3A_230 = arith.constant 0 : i32
        %dma_start3A_231 = arith.constant 0 : i32
        %dma_start3A_232 = tpu.memref_slice %arg2[%dma_start3A_230, %dma_start3A_231] : memref<10000x128xf32, #tpu.memory_space<hbm>> -> memref<10000x128xf32, #tpu.memory_space<hbm>>
        tpu.enqueue_indirect_dma source(%dma_start3A_232 : memref<10000x128xf32, #tpu.memory_space<hbm>>) target(%arg9 : memref<100x128xf32, #tpu.memory_space<vmem>>) offsets(%dma_start3A_229 : memref<100xi32, #tpu.memory_space<vmem>>) semaphore(%arg13 : memref<!tpu.dma_semaphore, #tpu.memory_space<semaphore_mem>>)
      } else {
      }
      %add3A_204 = arith.constant 2 : i32
      %add3A_205 = arith.addi %mul3A_168, %add3A_204 : i32
      %dma_wait3A_206 = arith.constant 0 : i32
      %dma_wait3A_207 = tpu.memref_slice %arg6[%add3A_205, %dma_wait3A_206] : memref<25x100xi32, #tpu.memory_space<vmem>> -> memref<1x100xi32, #tpu.memory_space<vmem>>
      %dma_wait3A_208 = tpu.memref_squeeze %dma_wait3A_207 : memref<1x100xi32, #tpu.memory_space<vmem>> -> memref<100xi32, #tpu.memory_space<vmem>>
      %dma_wait3A_209 = arith.constant 0 : i32
      %dma_wait3A_210 = arith.constant 0 : i32
      %dma_wait3A_211 = tpu.memref_slice %arg2[%dma_wait3A_209, %dma_wait3A_210] : memref<10000x128xf32, #tpu.memory_space<hbm>> -> memref<10000x128xf32, #tpu.memory_space<hbm>>
      tpu.wait_indirect_dma semaphore(%arg14 : memref<!tpu.dma_semaphore, #tpu.memory_space<semaphore_mem>>) src(%dma_wait3A_211 : memref<10000x128xf32, #tpu.memory_space<hbm>>) dst(%arg10 : memref<100x128xf32, #tpu.memory_space<vmem>>)
      %add3A_212 = arith.constant 2 : i32
      %add3A_213 = arith.addi %mul3A_168, %add3A_212 : i32
      "tpu.region"() ({
        %run_scoped3A_223 = tpu.sem_alloc : memref<!tpu.dma_semaphore, #tpu.memory_space<semaphore_mem>>
        %dma_start3A_224 = arith.constant 0 : i32
        %dma_start3A_225 = tpu.memref_slice %arg7[%add3A_213, %dma_start3A_224] : memref<25x100xi32, #tpu.memory_space<vmem>> -> memref<1x100xi32, #tpu.memory_space<vmem>>
        %dma_start3A_226 = tpu.memref_squeeze %dma_start3A_225 : memref<1x100xi32, #tpu.memory_space<vmem>> -> memref<100xi32, #tpu.memory_space<vmem>>
        %dma_start3A_227 = arith.constant 0 : i32
        %dma_start3A_228 = arith.constant 0 : i32
        %dma_start3A_229 = tpu.memref_slice %arg11[%dma_start3A_227, %dma_start3A_228] : memref<10240x128xf32, #tpu.memory_space<vmem_shared>> -> memref<10240x128xf32, #tpu.memory_space<vmem_shared>>
        tpu.enqueue_indirect_dma source(%arg10 : memref<100x128xf32, #tpu.memory_space<vmem>>) target(%dma_start3A_229 : memref<10240x128xf32, #tpu.memory_space<vmem_shared>>) offsets(%dma_start3A_226 : memref<100xi32, #tpu.memory_space<vmem>>) semaphore(%run_scoped3A_223 : memref<!tpu.dma_semaphore, #tpu.memory_space<semaphore_mem>>) {add = true}
        %dma_wait3A_230 = arith.constant 0 : i32
        %dma_wait3A_231 = tpu.memref_slice %arg7[%add3A_213, %dma_wait3A_230] : memref<25x100xi32, #tpu.memory_space<vmem>> -> memref<1x100xi32, #tpu.memory_space<vmem>>
        %dma_wait3A_232 = tpu.memref_squeeze %dma_wait3A_231 : memref<1x100xi32, #tpu.memory_space<vmem>> -> memref<100xi32, #tpu.memory_space<vmem>>
        %dma_wait3A_233 = arith.constant 0 : i32
        %dma_wait3A_234 = arith.constant 0 : i32
        %dma_wait3A_235 = tpu.memref_slice %arg11[%dma_wait3A_233, %dma_wait3A_234] : memref<10240x128xf32, #tpu.memory_space<vmem_shared>> -> memref<10240x128xf32, #tpu.memory_space<vmem_shared>>
        tpu.wait_indirect_dma semaphore(%run_scoped3A_223 : memref<!tpu.dma_semaphore, #tpu.memory_space<semaphore_mem>>) src(%arg10 : memref<100x128xf32, #tpu.memory_space<vmem>>) dst(%dma_wait3A_235 : memref<10240x128xf32, #tpu.memory_space<vmem_shared>>)
        tpu.yield
      }) : () -> ()
      %add3A_214 = arith.constant 2 : i32
      %add3A_215 = arith.addi %mul3A_168, %add3A_214 : i32
      %add3A_216 = arith.constant 3 : i32
      %add3A_217 = arith.addi %add3A_215, %add3A_216 : i32
      %lt3A_218 = arith.constant 25 : i32
      %lt3A_219 = arith.cmpi slt, %add3A_217, %lt3A_218 : i32
      %convert_element_type3A_220 = arith.extui %lt3A_219 : i1 to i32
      %cond3A_221 = arith.constant 0 : i32
      %cond3A_222 = arith.cmpi ne, %convert_element_type3A_220, %cond3A_221 : i32
      scf.if %cond3A_222 {
        %add3A_223 = arith.constant 2 : i32
        %add3A_224 = arith.addi %mul3A_168, %add3A_223 : i32
        %add3A_225 = arith.constant 3 : i32
        %add3A_226 = arith.addi %add3A_224, %add3A_225 : i32
        %dma_start3A_227 = arith.constant 0 : i32
        %dma_start3A_228 = tpu.memref_slice %arg6[%add3A_226, %dma_start3A_227] : memref<25x100xi32, #tpu.memory_space<vmem>> -> memref<1x100xi32, #tpu.memory_space<vmem>>
        %dma_start3A_229 = tpu.memref_squeeze %dma_start3A_228 : memref<1x100xi32, #tpu.memory_space<vmem>> -> memref<100xi32, #tpu.memory_space<vmem>>
        %dma_start3A_230 = arith.constant 0 : i32
        %dma_start3A_231 = arith.constant 0 : i32
        %dma_start3A_232 = tpu.memref_slice %arg2[%dma_start3A_230, %dma_start3A_231] : memref<10000x128xf32, #tpu.memory_space<hbm>> -> memref<10000x128xf32, #tpu.memory_space<hbm>>
        tpu.enqueue_indirect_dma source(%dma_start3A_232 : memref<10000x128xf32, #tpu.memory_space<hbm>>) target(%arg10 : memref<100x128xf32, #tpu.memory_space<vmem>>) offsets(%dma_start3A_229 : memref<100xi32, #tpu.memory_space<vmem>>) semaphore(%arg14 : memref<!tpu.dma_semaphore, #tpu.memory_space<semaphore_mem>>)
      } else {
      }
    }
    %scan3A_115 = arith.constant 8 : i32
    %dma_wait3A_116 = arith.constant 24 : i32
    %dma_wait3A_117 = arith.constant 0 : i32
    %dma_wait3A_118 = tpu.memref_slice %arg6[%dma_wait3A_116, %dma_wait3A_117] : memref<25x100xi32, #tpu.memory_space<vmem>> -> memref<1x100xi32, #tpu.memory_space<vmem>>
    %dma_wait3A_119 = tpu.memref_squeeze %dma_wait3A_118 : memref<1x100xi32, #tpu.memory_space<vmem>> -> memref<100xi32, #tpu.memory_space<vmem>>
    %dma_wait3A_120 = arith.constant 0 : i32
    %dma_wait3A_121 = arith.constant 0 : i32
    %dma_wait3A_122 = tpu.memref_slice %arg2[%dma_wait3A_120, %dma_wait3A_121] : memref<10000x128xf32, #tpu.memory_space<hbm>> -> memref<10000x128xf32, #tpu.memory_space<hbm>>
    tpu.wait_indirect_dma semaphore(%arg12 : memref<!tpu.dma_semaphore, #tpu.memory_space<semaphore_mem>>) src(%dma_wait3A_122 : memref<10000x128xf32, #tpu.memory_space<hbm>>) dst(%arg8 : memref<100x128xf32, #tpu.memory_space<vmem>>)
    %run_scoped3A_123 = arith.constant 24 : i32
    "tpu.region"() ({
      %run_scoped3A_166 = tpu.sem_alloc : memref<!tpu.dma_semaphore, #tpu.memory_space<semaphore_mem>>
      %dma_start3A_167 = arith.constant 0 : i32
      %dma_start3A_168 = tpu.memref_slice %arg7[%run_scoped3A_123, %dma_start3A_167] : memref<25x100xi32, #tpu.memory_space<vmem>> -> memref<1x100xi32, #tpu.memory_space<vmem>>
      %dma_start3A_169 = tpu.memref_squeeze %dma_start3A_168 : memref<1x100xi32, #tpu.memory_space<vmem>> -> memref<100xi32, #tpu.memory_space<vmem>>
      %dma_start3A_170 = arith.constant 0 : i32
      %dma_start3A_171 = arith.constant 0 : i32
      %dma_start3A_172 = tpu.memref_slice %arg11[%dma_start3A_170, %dma_start3A_171] : memref<10240x128xf32, #tpu.memory_space<vmem_shared>> -> memref<10240x128xf32, #tpu.memory_space<vmem_shared>>
      tpu.enqueue_indirect_dma source(%arg8 : memref<100x128xf32, #tpu.memory_space<vmem>>) target(%dma_start3A_172 : memref<10240x128xf32, #tpu.memory_space<vmem_shared>>) offsets(%dma_start3A_169 : memref<100xi32, #tpu.memory_space<vmem>>) semaphore(%run_scoped3A_166 : memref<!tpu.dma_semaphore, #tpu.memory_space<semaphore_mem>>) {add = true}
      %dma_wait3A_173 = arith.constant 0 : i32
      %dma_wait3A_174 = tpu.memref_slice %arg7[%run_scoped3A_123, %dma_wait3A_173] : memref<25x100xi32, #tpu.memory_space<vmem>> -> memref<1x100xi32, #tpu.memory_space<vmem>>
      %dma_wait3A_175 = tpu.memref_squeeze %dma_wait3A_174 : memref<1x100xi32, #tpu.memory_space<vmem>> -> memref<100xi32, #tpu.memory_space<vmem>>
      %dma_wait3A_176 = arith.constant 0 : i32
      %dma_wait3A_177 = arith.constant 0 : i32
      %dma_wait3A_178 = tpu.memref_slice %arg11[%dma_wait3A_176, %dma_wait3A_177] : memref<10240x128xf32, #tpu.memory_space<vmem_shared>> -> memref<10240x128xf32, #tpu.memory_space<vmem_shared>>
      tpu.wait_indirect_dma semaphore(%run_scoped3A_166 : memref<!tpu.dma_semaphore, #tpu.memory_space<semaphore_mem>>) src(%arg8 : memref<100x128xf32, #tpu.memory_space<vmem>>) dst(%dma_wait3A_178 : memref<10240x128xf32, #tpu.memory_space<vmem_shared>>)
      tpu.yield
    }) : () -> ()
    %run_scoped3A_124 = arith.constant 3 : i32
    "tpu.region"() ({
      %run_scoped3A_166 = tpu.sem_alloc : memref<!tpu.dma_semaphore, #tpu.memory_space<semaphore_mem>>
      %dma_start3A_167 = arith.constant 0 : i32
      %dma_start3A_168 = arith.constant 0 : i32
      %dma_start3A_169 = tpu.memref_slice %arg3[%add3A, %run_scoped3A_124, %dma_start3A_167, %dma_start3A_168] : memref<32x4x25x100xi32, #tpu.memory_space<hbm>> -> memref<1x1x25x100xi32, #tpu.memory_space<hbm>>
      %dma_start3A_170 = tpu.memref_squeeze %dma_start3A_169 : memref<1x1x25x100xi32, #tpu.memory_space<hbm>> -> memref<25x100xi32, #tpu.memory_space<hbm>>
      %dma_start3A_171 = arith.constant 0 : i32
      %dma_start3A_172 = arith.constant 0 : i32
      %dma_start3A_173 = tpu.memref_slice %arg3[%add3A, %run_scoped3A_124, %dma_start3A_171, %dma_start3A_172] : memref<32x4x25x100xi32, #tpu.memory_space<hbm>> -> memref<1x1x25x100xi32, #tpu.memory_space<hbm>>
      %dma_start3A_174 = tpu.memref_squeeze %dma_start3A_173 : memref<1x1x25x100xi32, #tpu.memory_space<hbm>> -> memref<25x100xi32, #tpu.memory_space<hbm>>
      tpu.enqueue_dma source(%dma_start3A_174 : memref<25x100xi32, #tpu.memory_space<hbm>>) target(%arg6 : memref<25x100xi32, #tpu.memory_space<vmem>>) target_semaphore(%run_scoped3A_166 : memref<!tpu.dma_semaphore, #tpu.memory_space<semaphore_mem>>)
      %dma_wait3A_175 = arith.constant 0 : i32
      %dma_wait3A_176 = arith.constant 0 : i32
      %dma_wait3A_177 = tpu.memref_slice %arg3[%add3A, %run_scoped3A_124, %dma_wait3A_175, %dma_wait3A_176] : memref<32x4x25x100xi32, #tpu.memory_space<hbm>> -> memref<1x1x25x100xi32, #tpu.memory_space<hbm>>
      %dma_wait3A_178 = tpu.memref_squeeze %dma_wait3A_177 : memref<1x1x25x100xi32, #tpu.memory_space<hbm>> -> memref<25x100xi32, #tpu.memory_space<hbm>>
      %dma_wait3A_179 = arith.constant 0 : i32
      %dma_wait3A_180 = arith.constant 0 : i32
      %dma_wait3A_181 = tpu.memref_slice %arg3[%add3A, %run_scoped3A_124, %dma_wait3A_179, %dma_wait3A_180] : memref<32x4x25x100xi32, #tpu.memory_space<hbm>> -> memref<1x1x25x100xi32, #tpu.memory_space<hbm>>
      %dma_wait3A_182 = tpu.memref_squeeze %dma_wait3A_181 : memref<1x1x25x100xi32, #tpu.memory_space<hbm>> -> memref<25x100xi32, #tpu.memory_space<hbm>>
      tpu.wait_dma2 semaphore(%run_scoped3A_166 : memref<!tpu.dma_semaphore, #tpu.memory_space<semaphore_mem>>) src(%dma_wait3A_182 : memref<25x100xi32, #tpu.memory_space<hbm>>) dst(%arg6 : memref<25x100xi32, #tpu.memory_space<vmem>>)
      tpu.yield
    }) : () -> ()
    %run_scoped3A_125 = arith.constant 3 : i32
    "tpu.region"() ({
      %run_scoped3A_166 = tpu.sem_alloc : memref<!tpu.dma_semaphore, #tpu.memory_space<semaphore_mem>>
      %dma_start3A_167 = arith.constant 0 : i32
      %dma_start3A_168 = arith.constant 0 : i32
      %dma_start3A_169 = tpu.memref_slice %arg4[%add3A, %run_scoped3A_125, %dma_start3A_167, %dma_start3A_168] : memref<32x4x25x100xi32, #tpu.memory_space<hbm>> -> memref<1x1x25x100xi32, #tpu.memory_space<hbm>>
      %dma_start3A_170 = tpu.memref_squeeze %dma_start3A_169 : memref<1x1x25x100xi32, #tpu.memory_space<hbm>> -> memref<25x100xi32, #tpu.memory_space<hbm>>
      %dma_start3A_171 = arith.constant 0 : i32
      %dma_start3A_172 = arith.constant 0 : i32
      %dma_start3A_173 = tpu.memref_slice %arg4[%add3A, %run_scoped3A_125, %dma_start3A_171, %dma_start3A_172] : memref<32x4x25x100xi32, #tpu.memory_space<hbm>> -> memref<1x1x25x100xi32, #tpu.memory_space<hbm>>
      %dma_start3A_174 = tpu.memref_squeeze %dma_start3A_173 : memref<1x1x25x100xi32, #tpu.memory_space<hbm>> -> memref<25x100xi32, #tpu.memory_space<hbm>>
      tpu.enqueue_dma source(%dma_start3A_174 : memref<25x100xi32, #tpu.memory_space<hbm>>) target(%arg7 : memref<25x100xi32, #tpu.memory_space<vmem>>) target_semaphore(%run_scoped3A_166 : memref<!tpu.dma_semaphore, #tpu.memory_space<semaphore_mem>>)
      %dma_wait3A_175 = arith.constant 0 : i32
      %dma_wait3A_176 = arith.constant 0 : i32
      %dma_wait3A_177 = tpu.memref_slice %arg4[%add3A, %run_scoped3A_125, %dma_wait3A_175, %dma_wait3A_176] : memref<32x4x25x100xi32, #tpu.memory_space<hbm>> -> memref<1x1x25x100xi32, #tpu.memory_space<hbm>>
      %dma_wait3A_178 = tpu.memref_squeeze %dma_wait3A_177 : memref<1x1x25x100xi32, #tpu.memory_space<hbm>> -> memref<25x100xi32, #tpu.memory_space<hbm>>
      %dma_wait3A_179 = arith.constant 0 : i32
      %dma_wait3A_180 = arith.constant 0 : i32
      %dma_wait3A_181 = tpu.memref_slice %arg4[%add3A, %run_scoped3A_125, %dma_wait3A_179, %dma_wait3A_180] : memref<32x4x25x100xi32, #tpu.memory_space<hbm>> -> memref<1x1x25x100xi32, #tpu.memory_space<hbm>>
      %dma_wait3A_182 = tpu.memref_squeeze %dma_wait3A_181 : memref<1x1x25x100xi32, #tpu.memory_space<hbm>> -> memref<25x100xi32, #tpu.memory_space<hbm>>
      tpu.wait_dma2 semaphore(%run_scoped3A_166 : memref<!tpu.dma_semaphore, #tpu.memory_space<semaphore_mem>>) src(%dma_wait3A_182 : memref<25x100xi32, #tpu.memory_space<hbm>>) dst(%arg7 : memref<25x100xi32, #tpu.memory_space<vmem>>)
      tpu.yield
    }) : () -> ()
    %dma_start3A_126 = arith.constant 0 : i32
    %dma_start3A_127 = arith.constant 0 : i32
    %dma_start3A_128 = tpu.memref_slice %arg6[%dma_start3A_126, %dma_start3A_127] : memref<25x100xi32, #tpu.memory_space<vmem>> -> memref<1x100xi32, #tpu.memory_space<vmem>>
    %dma_start3A_129 = tpu.memref_squeeze %dma_start3A_128 : memref<1x100xi32, #tpu.memory_space<vmem>> -> memref<100xi32, #tpu.memory_space<vmem>>
    %dma_start3A_130 = arith.constant 0 : i32
    %dma_start3A_131 = arith.constant 0 : i32
    %dma_start3A_132 = tpu.memref_slice %arg2[%dma_start3A_130, %dma_start3A_131] : memref<10000x128xf32, #tpu.memory_space<hbm>> -> memref<10000x128xf32, #tpu.memory_space<hbm>>
    tpu.enqueue_indirect_dma source(%dma_start3A_132 : memref<10000x128xf32, #tpu.memory_space<hbm>>) target(%arg8 : memref<100x128xf32, #tpu.memory_space<vmem>>) offsets(%dma_start3A_129 : memref<100xi32, #tpu.memory_space<vmem>>) semaphore(%arg12 : memref<!tpu.dma_semaphore, #tpu.memory_space<semaphore_mem>>)
    %dma_start3A_133 = arith.constant 1 : i32
    %dma_start3A_134 = arith.constant 0 : i32
    %dma_start3A_135 = tpu.memref_slice %arg6[%dma_start3A_133, %dma_start3A_134] : memref<25x100xi32, #tpu.memory_space<vmem>> -> memref<1x100xi32, #tpu.memory_space<vmem>>
    %dma_start3A_136 = tpu.memref_squeeze %dma_start3A_135 : memref<1x100xi32, #tpu.memory_space<vmem>> -> memref<100xi32, #tpu.memory_space<vmem>>
    %dma_start3A_137 = arith.constant 0 : i32
    %dma_start3A_138 = arith.constant 0 : i32
    %dma_start3A_139 = tpu.memref_slice %arg2[%dma_start3A_137, %dma_start3A_138] : memref<10000x128xf32, #tpu.memory_space<hbm>> -> memref<10000x128xf32, #tpu.memory_space<hbm>>
    tpu.enqueue_indirect_dma source(%dma_start3A_139 : memref<10000x128xf32, #tpu.memory_space<hbm>>) target(%arg9 : memref<100x128xf32, #tpu.memory_space<vmem>>) offsets(%dma_start3A_136 : memref<100xi32, #tpu.memory_space<vmem>>) semaphore(%arg13 : memref<!tpu.dma_semaphore, #tpu.memory_space<semaphore_mem>>)
    %dma_start3A_140 = arith.constant 2 : i32
    %dma_start3A_141 = arith.constant 0 : i32
    %dma_start3A_142 = tpu.memref_slice %arg6[%dma_start3A_140, %dma_start3A_141] : memref<25x100xi32, #tpu.memory_space<vmem>> -> memref<1x100xi32, #tpu.memory_space<vmem>>
    %dma_start3A_143 = tpu.memref_squeeze %dma_start3A_142 : memref<1x100xi32, #tpu.memory_space<vmem>> -> memref<100xi32, #tpu.memory_space<vmem>>
    %dma_start3A_144 = arith.constant 0 : i32
    %dma_start3A_145 = arith.constant 0 : i32
    %dma_start3A_146 = tpu.memref_slice %arg2[%dma_start3A_144, %dma_start3A_145] : memref<10000x128xf32, #tpu.memory_space<hbm>> -> memref<10000x128xf32, #tpu.memory_space<hbm>>
    tpu.enqueue_indirect_dma source(%dma_start3A_146 : memref<10000x128xf32, #tpu.memory_space<hbm>>) target(%arg10 : memref<100x128xf32, #tpu.memory_space<vmem>>) offsets(%dma_start3A_143 : memref<100xi32, #tpu.memory_space<vmem>>) semaphore(%arg14 : memref<!tpu.dma_semaphore, #tpu.memory_space<semaphore_mem>>)
    %scan3A_147 = arith.constant 0 : i32
    %scan3A_148 = arith.constant 0 : i32
    %scan3A_149 = arith.constant 8 : i32
    %scan3A_150 = arith.addi %scan3A_148, %scan3A_149 : i32
    %scan3A_151 = arith.constant 1 : i32
    scf.for %scan3A_166 = %scan3A_148 to %scan3A_150 step %scan3A_151  : i32 {
      %mul3A_167 = arith.constant 3 : i32
      %mul3A_168 = arith.muli %mul3A_167, %scan3A_166 : i32
      %add3A_169 = arith.constant 0 : i32
      %add3A_170 = arith.addi %mul3A_168, %add3A_169 : i32
      %dma_wait3A_171 = arith.constant 0 : i32
      %dma_wait3A_172 = tpu.memref_slice %arg6[%add3A_170, %dma_wait3A_171] : memref<25x100xi32, #tpu.memory_space<vmem>> -> memref<1x100xi32, #tpu.memory_space<vmem>>
      %dma_wait3A_173 = tpu.memref_squeeze %dma_wait3A_172 : memref<1x100xi32, #tpu.memory_space<vmem>> -> memref<100xi32, #tpu.memory_space<vmem>>
      %dma_wait3A_174 = arith.constant 0 : i32
      %dma_wait3A_175 = arith.constant 0 : i32
      %dma_wait3A_176 = tpu.memref_slice %arg2[%dma_wait3A_174, %dma_wait3A_175] : memref<10000x128xf32, #tpu.memory_space<hbm>> -> memref<10000x128xf32, #tpu.memory_space<hbm>>
      tpu.wait_indirect_dma semaphore(%arg12 : memref<!tpu.dma_semaphore, #tpu.memory_space<semaphore_mem>>) src(%dma_wait3A_176 : memref<10000x128xf32, #tpu.memory_space<hbm>>) dst(%arg8 : memref<100x128xf32, #tpu.memory_space<vmem>>)
      %add3A_177 = arith.constant 0 : i32
      %add3A_178 = arith.addi %mul3A_168, %add3A_177 : i32
      "tpu.region"() ({
        %run_scoped3A_223 = tpu.sem_alloc : memref<!tpu.dma_semaphore, #tpu.memory_space<semaphore_mem>>
        %dma_start3A_224 = arith.constant 0 : i32
        %dma_start3A_225 = tpu.memref_slice %arg7[%add3A_178, %dma_start3A_224] : memref<25x100xi32, #tpu.memory_space<vmem>> -> memref<1x100xi32, #tpu.memory_space<vmem>>
        %dma_start3A_226 = tpu.memref_squeeze %dma_start3A_225 : memref<1x100xi32, #tpu.memory_space<vmem>> -> memref<100xi32, #tpu.memory_space<vmem>>
        %dma_start3A_227 = arith.constant 0 : i32
        %dma_start3A_228 = arith.constant 0 : i32
        %dma_start3A_229 = tpu.memref_slice %arg11[%dma_start3A_227, %dma_start3A_228] : memref<10240x128xf32, #tpu.memory_space<vmem_shared>> -> memref<10240x128xf32, #tpu.memory_space<vmem_shared>>
        tpu.enqueue_indirect_dma source(%arg8 : memref<100x128xf32, #tpu.memory_space<vmem>>) target(%dma_start3A_229 : memref<10240x128xf32, #tpu.memory_space<vmem_shared>>) offsets(%dma_start3A_226 : memref<100xi32, #tpu.memory_space<vmem>>) semaphore(%run_scoped3A_223 : memref<!tpu.dma_semaphore, #tpu.memory_space<semaphore_mem>>) {add = true}
        %dma_wait3A_230 = arith.constant 0 : i32
        %dma_wait3A_231 = tpu.memref_slice %arg7[%add3A_178, %dma_wait3A_230] : memref<25x100xi32, #tpu.memory_space<vmem>> -> memref<1x100xi32, #tpu.memory_space<vmem>>
        %dma_wait3A_232 = tpu.memref_squeeze %dma_wait3A_231 : memref<1x100xi32, #tpu.memory_space<vmem>> -> memref<100xi32, #tpu.memory_space<vmem>>
        %dma_wait3A_233 = arith.constant 0 : i32
        %dma_wait3A_234 = arith.constant 0 : i32
        %dma_wait3A_235 = tpu.memref_slice %arg11[%dma_wait3A_233, %dma_wait3A_234] : memref<10240x128xf32, #tpu.memory_space<vmem_shared>> -> memref<10240x128xf32, #tpu.memory_space<vmem_shared>>
        tpu.wait_indirect_dma semaphore(%run_scoped3A_223 : memref<!tpu.dma_semaphore, #tpu.memory_space<semaphore_mem>>) src(%arg8 : memref<100x128xf32, #tpu.memory_space<vmem>>) dst(%dma_wait3A_235 : memref<10240x128xf32, #tpu.memory_space<vmem_shared>>)
        tpu.yield
      }) : () -> ()
      %add3A_179 = arith.constant 0 : i32
      %add3A_180 = arith.addi %mul3A_168, %add3A_179 : i32
      %add3A_181 = arith.constant 3 : i32
      %add3A_182 = arith.addi %add3A_180, %add3A_181 : i32
      %lt3A = arith.constant 25 : i32
      %lt3A_183 = arith.cmpi slt, %add3A_182, %lt3A : i32
      %convert_element_type3A = arith.extui %lt3A_183 : i1 to i32
      %cond3A = arith.constant 0 : i32
      %cond3A_184 = arith.cmpi ne, %convert_element_type3A, %cond3A : i32
      scf.if %cond3A_184 {
        %add3A_223 = arith.constant 0 : i32
        %add3A_224 = arith.addi %mul3A_168, %add3A_223 : i32
        %add3A_225 = arith.constant 3 : i32
        %add3A_226 = arith.addi %add3A_224, %add3A_225 : i32
        %dma_start3A_227 = arith.constant 0 : i32
        %dma_start3A_228 = tpu.memref_slice %arg6[%add3A_226, %dma_start3A_227] : memref<25x100xi32, #tpu.memory_space<vmem>> -> memref<1x100xi32, #tpu.memory_space<vmem>>
        %dma_start3A_229 = tpu.memref_squeeze %dma_start3A_228 : memref<1x100xi32, #tpu.memory_space<vmem>> -> memref<100xi32, #tpu.memory_space<vmem>>
        %dma_start3A_230 = arith.constant 0 : i32
        %dma_start3A_231 = arith.constant 0 : i32
        %dma_start3A_232 = tpu.memref_slice %arg2[%dma_start3A_230, %dma_start3A_231] : memref<10000x128xf32, #tpu.memory_space<hbm>> -> memref<10000x128xf32, #tpu.memory_space<hbm>>
        tpu.enqueue_indirect_dma source(%dma_start3A_232 : memref<10000x128xf32, #tpu.memory_space<hbm>>) target(%arg8 : memref<100x128xf32, #tpu.memory_space<vmem>>) offsets(%dma_start3A_229 : memref<100xi32, #tpu.memory_space<vmem>>) semaphore(%arg12 : memref<!tpu.dma_semaphore, #tpu.memory_space<semaphore_mem>>)
      } else {
      }
      %add3A_185 = arith.constant 1 : i32
      %add3A_186 = arith.addi %mul3A_168, %add3A_185 : i32
      %dma_wait3A_187 = arith.constant 0 : i32
      %dma_wait3A_188 = tpu.memref_slice %arg6[%add3A_186, %dma_wait3A_187] : memref<25x100xi32, #tpu.memory_space<vmem>> -> memref<1x100xi32, #tpu.memory_space<vmem>>
      %dma_wait3A_189 = tpu.memref_squeeze %dma_wait3A_188 : memref<1x100xi32, #tpu.memory_space<vmem>> -> memref<100xi32, #tpu.memory_space<vmem>>
      %dma_wait3A_190 = arith.constant 0 : i32
      %dma_wait3A_191 = arith.constant 0 : i32
      %dma_wait3A_192 = tpu.memref_slice %arg2[%dma_wait3A_190, %dma_wait3A_191] : memref<10000x128xf32, #tpu.memory_space<hbm>> -> memref<10000x128xf32, #tpu.memory_space<hbm>>
      tpu.wait_indirect_dma semaphore(%arg13 : memref<!tpu.dma_semaphore, #tpu.memory_space<semaphore_mem>>) src(%dma_wait3A_192 : memref<10000x128xf32, #tpu.memory_space<hbm>>) dst(%arg9 : memref<100x128xf32, #tpu.memory_space<vmem>>)
      %add3A_193 = arith.constant 1 : i32
      %add3A_194 = arith.addi %mul3A_168, %add3A_193 : i32
      "tpu.region"() ({
        %run_scoped3A_223 = tpu.sem_alloc : memref<!tpu.dma_semaphore, #tpu.memory_space<semaphore_mem>>
        %dma_start3A_224 = arith.constant 0 : i32
        %dma_start3A_225 = tpu.memref_slice %arg7[%add3A_194, %dma_start3A_224] : memref<25x100xi32, #tpu.memory_space<vmem>> -> memref<1x100xi32, #tpu.memory_space<vmem>>
        %dma_start3A_226 = tpu.memref_squeeze %dma_start3A_225 : memref<1x100xi32, #tpu.memory_space<vmem>> -> memref<100xi32, #tpu.memory_space<vmem>>
        %dma_start3A_227 = arith.constant 0 : i32
        %dma_start3A_228 = arith.constant 0 : i32
        %dma_start3A_229 = tpu.memref_slice %arg11[%dma_start3A_227, %dma_start3A_228] : memref<10240x128xf32, #tpu.memory_space<vmem_shared>> -> memref<10240x128xf32, #tpu.memory_space<vmem_shared>>
        tpu.enqueue_indirect_dma source(%arg9 : memref<100x128xf32, #tpu.memory_space<vmem>>) target(%dma_start3A_229 : memref<10240x128xf32, #tpu.memory_space<vmem_shared>>) offsets(%dma_start3A_226 : memref<100xi32, #tpu.memory_space<vmem>>) semaphore(%run_scoped3A_223 : memref<!tpu.dma_semaphore, #tpu.memory_space<semaphore_mem>>) {add = true}
        %dma_wait3A_230 = arith.constant 0 : i32
        %dma_wait3A_231 = tpu.memref_slice %arg7[%add3A_194, %dma_wait3A_230] : memref<25x100xi32, #tpu.memory_space<vmem>> -> memref<1x100xi32, #tpu.memory_space<vmem>>
        %dma_wait3A_232 = tpu.memref_squeeze %dma_wait3A_231 : memref<1x100xi32, #tpu.memory_space<vmem>> -> memref<100xi32, #tpu.memory_space<vmem>>
        %dma_wait3A_233 = arith.constant 0 : i32
        %dma_wait3A_234 = arith.constant 0 : i32
        %dma_wait3A_235 = tpu.memref_slice %arg11[%dma_wait3A_233, %dma_wait3A_234] : memref<10240x128xf32, #tpu.memory_space<vmem_shared>> -> memref<10240x128xf32, #tpu.memory_space<vmem_shared>>
        tpu.wait_indirect_dma semaphore(%run_scoped3A_223 : memref<!tpu.dma_semaphore, #tpu.memory_space<semaphore_mem>>) src(%arg9 : memref<100x128xf32, #tpu.memory_space<vmem>>) dst(%dma_wait3A_235 : memref<10240x128xf32, #tpu.memory_space<vmem_shared>>)
        tpu.yield
      }) : () -> ()
      %add3A_195 = arith.constant 1 : i32
      %add3A_196 = arith.addi %mul3A_168, %add3A_195 : i32
      %add3A_197 = arith.constant 3 : i32
      %add3A_198 = arith.addi %add3A_196, %add3A_197 : i32
      %lt3A_199 = arith.constant 25 : i32
      %lt3A_200 = arith.cmpi slt, %add3A_198, %lt3A_199 : i32
      %convert_element_type3A_201 = arith.extui %lt3A_200 : i1 to i32
      %cond3A_202 = arith.constant 0 : i32
      %cond3A_203 = arith.cmpi ne, %convert_element_type3A_201, %cond3A_202 : i32
      scf.if %cond3A_203 {
        %add3A_223 = arith.constant 1 : i32
        %add3A_224 = arith.addi %mul3A_168, %add3A_223 : i32
        %add3A_225 = arith.constant 3 : i32
        %add3A_226 = arith.addi %add3A_224, %add3A_225 : i32
        %dma_start3A_227 = arith.constant 0 : i32
        %dma_start3A_228 = tpu.memref_slice %arg6[%add3A_226, %dma_start3A_227] : memref<25x100xi32, #tpu.memory_space<vmem>> -> memref<1x100xi32, #tpu.memory_space<vmem>>
        %dma_start3A_229 = tpu.memref_squeeze %dma_start3A_228 : memref<1x100xi32, #tpu.memory_space<vmem>> -> memref<100xi32, #tpu.memory_space<vmem>>
        %dma_start3A_230 = arith.constant 0 : i32
        %dma_start3A_231 = arith.constant 0 : i32
        %dma_start3A_232 = tpu.memref_slice %arg2[%dma_start3A_230, %dma_start3A_231] : memref<10000x128xf32, #tpu.memory_space<hbm>> -> memref<10000x128xf32, #tpu.memory_space<hbm>>
        tpu.enqueue_indirect_dma source(%dma_start3A_232 : memref<10000x128xf32, #tpu.memory_space<hbm>>) target(%arg9 : memref<100x128xf32, #tpu.memory_space<vmem>>) offsets(%dma_start3A_229 : memref<100xi32, #tpu.memory_space<vmem>>) semaphore(%arg13 : memref<!tpu.dma_semaphore, #tpu.memory_space<semaphore_mem>>)
      } else {
      }
      %add3A_204 = arith.constant 2 : i32
      %add3A_205 = arith.addi %mul3A_168, %add3A_204 : i32
      %dma_wait3A_206 = arith.constant 0 : i32
      %dma_wait3A_207 = tpu.memref_slice %arg6[%add3A_205, %dma_wait3A_206] : memref<25x100xi32, #tpu.memory_space<vmem>> -> memref<1x100xi32, #tpu.memory_space<vmem>>
      %dma_wait3A_208 = tpu.memref_squeeze %dma_wait3A_207 : memref<1x100xi32, #tpu.memory_space<vmem>> -> memref<100xi32, #tpu.memory_space<vmem>>
      %dma_wait3A_209 = arith.constant 0 : i32
      %dma_wait3A_210 = arith.constant 0 : i32
      %dma_wait3A_211 = tpu.memref_slice %arg2[%dma_wait3A_209, %dma_wait3A_210] : memref<10000x128xf32, #tpu.memory_space<hbm>> -> memref<10000x128xf32, #tpu.memory_space<hbm>>
      tpu.wait_indirect_dma semaphore(%arg14 : memref<!tpu.dma_semaphore, #tpu.memory_space<semaphore_mem>>) src(%dma_wait3A_211 : memref<10000x128xf32, #tpu.memory_space<hbm>>) dst(%arg10 : memref<100x128xf32, #tpu.memory_space<vmem>>)
      %add3A_212 = arith.constant 2 : i32
      %add3A_213 = arith.addi %mul3A_168, %add3A_212 : i32
      "tpu.region"() ({
        %run_scoped3A_223 = tpu.sem_alloc : memref<!tpu.dma_semaphore, #tpu.memory_space<semaphore_mem>>
        %dma_start3A_224 = arith.constant 0 : i32
        %dma_start3A_225 = tpu.memref_slice %arg7[%add3A_213, %dma_start3A_224] : memref<25x100xi32, #tpu.memory_space<vmem>> -> memref<1x100xi32, #tpu.memory_space<vmem>>
        %dma_start3A_226 = tpu.memref_squeeze %dma_start3A_225 : memref<1x100xi32, #tpu.memory_space<vmem>> -> memref<100xi32, #tpu.memory_space<vmem>>
        %dma_start3A_227 = arith.constant 0 : i32
        %dma_start3A_228 = arith.constant 0 : i32
        %dma_start3A_229 = tpu.memref_slice %arg11[%dma_start3A_227, %dma_start3A_228] : memref<10240x128xf32, #tpu.memory_space<vmem_shared>> -> memref<10240x128xf32, #tpu.memory_space<vmem_shared>>
        tpu.enqueue_indirect_dma source(%arg10 : memref<100x128xf32, #tpu.memory_space<vmem>>) target(%dma_start3A_229 : memref<10240x128xf32, #tpu.memory_space<vmem_shared>>) offsets(%dma_start3A_226 : memref<100xi32, #tpu.memory_space<vmem>>) semaphore(%run_scoped3A_223 : memref<!tpu.dma_semaphore, #tpu.memory_space<semaphore_mem>>) {add = true}
        %dma_wait3A_230 = arith.constant 0 : i32
        %dma_wait3A_231 = tpu.memref_slice %arg7[%add3A_213, %dma_wait3A_230] : memref<25x100xi32, #tpu.memory_space<vmem>> -> memref<1x100xi32, #tpu.memory_space<vmem>>
        %dma_wait3A_232 = tpu.memref_squeeze %dma_wait3A_231 : memref<1x100xi32, #tpu.memory_space<vmem>> -> memref<100xi32, #tpu.memory_space<vmem>>
        %dma_wait3A_233 = arith.constant 0 : i32
        %dma_wait3A_234 = arith.constant 0 : i32
        %dma_wait3A_235 = tpu.memref_slice %arg11[%dma_wait3A_233, %dma_wait3A_234] : memref<10240x128xf32, #tpu.memory_space<vmem_shared>> -> memref<10240x128xf32, #tpu.memory_space<vmem_shared>>
        tpu.wait_indirect_dma semaphore(%run_scoped3A_223 : memref<!tpu.dma_semaphore, #tpu.memory_space<semaphore_mem>>) src(%arg10 : memref<100x128xf32, #tpu.memory_space<vmem>>) dst(%dma_wait3A_235 : memref<10240x128xf32, #tpu.memory_space<vmem_shared>>)
        tpu.yield
      }) : () -> ()
      %add3A_214 = arith.constant 2 : i32
      %add3A_215 = arith.addi %mul3A_168, %add3A_214 : i32
      %add3A_216 = arith.constant 3 : i32
      %add3A_217 = arith.addi %add3A_215, %add3A_216 : i32
      %lt3A_218 = arith.constant 25 : i32
      %lt3A_219 = arith.cmpi slt, %add3A_217, %lt3A_218 : i32
      %convert_element_type3A_220 = arith.extui %lt3A_219 : i1 to i32
      %cond3A_221 = arith.constant 0 : i32
      %cond3A_222 = arith.cmpi ne, %convert_element_type3A_220, %cond3A_221 : i32
      scf.if %cond3A_222 {
        %add3A_223 = arith.constant 2 : i32
        %add3A_224 = arith.addi %mul3A_168, %add3A_223 : i32
        %add3A_225 = arith.constant 3 : i32
        %add3A_226 = arith.addi %add3A_224, %add3A_225 : i32
        %dma_start3A_227 = arith.constant 0 : i32
        %dma_start3A_228 = tpu.memref_slice %arg6[%add3A_226, %dma_start3A_227] : memref<25x100xi32, #tpu.memory_space<vmem>> -> memref<1x100xi32, #tpu.memory_space<vmem>>
        %dma_start3A_229 = tpu.memref_squeeze %dma_start3A_228 : memref<1x100xi32, #tpu.memory_space<vmem>> -> memref<100xi32, #tpu.memory_space<vmem>>
        %dma_start3A_230 = arith.constant 0 : i32
        %dma_start3A_231 = arith.constant 0 : i32
        %dma_start3A_232 = tpu.memref_slice %arg2[%dma_start3A_230, %dma_start3A_231] : memref<10000x128xf32, #tpu.memory_space<hbm>> -> memref<10000x128xf32, #tpu.memory_space<hbm>>
        tpu.enqueue_indirect_dma source(%dma_start3A_232 : memref<10000x128xf32, #tpu.memory_space<hbm>>) target(%arg10 : memref<100x128xf32, #tpu.memory_space<vmem>>) offsets(%dma_start3A_229 : memref<100xi32, #tpu.memory_space<vmem>>) semaphore(%arg14 : memref<!tpu.dma_semaphore, #tpu.memory_space<semaphore_mem>>)
      } else {
      }
    }
    %scan3A_152 = arith.constant 8 : i32
    %dma_wait3A_153 = arith.constant 24 : i32
    %dma_wait3A_154 = arith.constant 0 : i32
    %dma_wait3A_155 = tpu.memref_slice %arg6[%dma_wait3A_153, %dma_wait3A_154] : memref<25x100xi32, #tpu.memory_space<vmem>> -> memref<1x100xi32, #tpu.memory_space<vmem>>
    %dma_wait3A_156 = tpu.memref_squeeze %dma_wait3A_155 : memref<1x100xi32, #tpu.memory_space<vmem>> -> memref<100xi32, #tpu.memory_space<vmem>>
    %dma_wait3A_157 = arith.constant 0 : i32
    %dma_wait3A_158 = arith.constant 0 : i32
    %dma_wait3A_159 = tpu.memref_slice %arg2[%dma_wait3A_157, %dma_wait3A_158] : memref<10000x128xf32, #tpu.memory_space<hbm>> -> memref<10000x128xf32, #tpu.memory_space<hbm>>
    tpu.wait_indirect_dma semaphore(%arg12 : memref<!tpu.dma_semaphore, #tpu.memory_space<semaphore_mem>>) src(%dma_wait3A_159 : memref<10000x128xf32, #tpu.memory_space<hbm>>) dst(%arg8 : memref<100x128xf32, #tpu.memory_space<vmem>>)
    %run_scoped3A_160 = arith.constant 24 : i32
    "tpu.region"() ({
      %run_scoped3A_166 = tpu.sem_alloc : memref<!tpu.dma_semaphore, #tpu.memory_space<semaphore_mem>>
      %dma_start3A_167 = arith.constant 0 : i32
      %dma_start3A_168 = tpu.memref_slice %arg7[%run_scoped3A_160, %dma_start3A_167] : memref<25x100xi32, #tpu.memory_space<vmem>> -> memref<1x100xi32, #tpu.memory_space<vmem>>
      %dma_start3A_169 = tpu.memref_squeeze %dma_start3A_168 : memref<1x100xi32, #tpu.memory_space<vmem>> -> memref<100xi32, #tpu.memory_space<vmem>>
      %dma_start3A_170 = arith.constant 0 : i32
      %dma_start3A_171 = arith.constant 0 : i32
      %dma_start3A_172 = tpu.memref_slice %arg11[%dma_start3A_170, %dma_start3A_171] : memref<10240x128xf32, #tpu.memory_space<vmem_shared>> -> memref<10240x128xf32, #tpu.memory_space<vmem_shared>>
      tpu.enqueue_indirect_dma source(%arg8 : memref<100x128xf32, #tpu.memory_space<vmem>>) target(%dma_start3A_172 : memref<10240x128xf32, #tpu.memory_space<vmem_shared>>) offsets(%dma_start3A_169 : memref<100xi32, #tpu.memory_space<vmem>>) semaphore(%run_scoped3A_166 : memref<!tpu.dma_semaphore, #tpu.memory_space<semaphore_mem>>) {add = true}
      %dma_wait3A_173 = arith.constant 0 : i32
      %dma_wait3A_174 = tpu.memref_slice %arg7[%run_scoped3A_160, %dma_wait3A_173] : memref<25x100xi32, #tpu.memory_space<vmem>> -> memref<1x100xi32, #tpu.memory_space<vmem>>
      %dma_wait3A_175 = tpu.memref_squeeze %dma_wait3A_174 : memref<1x100xi32, #tpu.memory_space<vmem>> -> memref<100xi32, #tpu.memory_space<vmem>>
      %dma_wait3A_176 = arith.constant 0 : i32
      %dma_wait3A_177 = arith.constant 0 : i32
      %dma_wait3A_178 = tpu.memref_slice %arg11[%dma_wait3A_176, %dma_wait3A_177] : memref<10240x128xf32, #tpu.memory_space<vmem_shared>> -> memref<10240x128xf32, #tpu.memory_space<vmem_shared>>
      tpu.wait_indirect_dma semaphore(%run_scoped3A_166 : memref<!tpu.dma_semaphore, #tpu.memory_space<semaphore_mem>>) src(%arg8 : memref<100x128xf32, #tpu.memory_space<vmem>>) dst(%dma_wait3A_178 : memref<10240x128xf32, #tpu.memory_space<vmem_shared>>)
      tpu.yield
    }) : () -> ()
    %barrier3A_161 = arith.constant 0 : index
    tpu.barrier barrier_id(%barrier3A_161)
    %mul3A_162 = arith.constant 640 : i32
    %mul3A_163 = arith.muli %arg1, %mul3A_162 : i32
    %mul3A_164 = arith.constant 640 : i32
    %mul3A_165 = arith.muli %arg1, %mul3A_164 : i32
    "tpu.region"() ({
      %run_scoped3A_166 = tpu.sem_alloc : memref<!tpu.dma_semaphore, #tpu.memory_space<semaphore_mem>>
      %dma_start3A_167 = arith.constant 0 : i32
      %dma_start3A_168 = tpu.memref_slice %arg5[%arg0, %mul3A_165, %dma_start3A_167] : memref<2x10240x128xf32, #tpu.memory_space<hbm>> -> memref<1x640x128xf32, #tpu.memory_space<hbm>>
      %dma_start3A_169 = tpu.memref_squeeze %dma_start3A_168 : memref<1x640x128xf32, #tpu.memory_space<hbm>> -> memref<640x128xf32, #tpu.memory_space<hbm>>
      %dma_start3A_170 = arith.constant 0 : i32
      %dma_start3A_171 = tpu.memref_slice %arg11[%mul3A_163, %dma_start3A_170] : memref<10240x128xf32, #tpu.memory_space<vmem_shared>> -> memref<640x128xf32, #tpu.memory_space<vmem_shared>>
      tpu.enqueue_dma source(%dma_start3A_171 : memref<640x128xf32, #tpu.memory_space<vmem_shared>>) target(%dma_start3A_169 : memref<640x128xf32, #tpu.memory_space<hbm>>) target_semaphore(%run_scoped3A_166 : memref<!tpu.dma_semaphore, #tpu.memory_space<semaphore_mem>>)
      %dma_wait3A_172 = arith.constant 0 : i32
      %dma_wait3A_173 = tpu.memref_slice %arg5[%arg0, %mul3A_165, %dma_wait3A_172] : memref<2x10240x128xf32, #tpu.memory_space<hbm>> -> memref<1x640x128xf32, #tpu.memory_space<hbm>>
      %dma_wait3A_174 = tpu.memref_squeeze %dma_wait3A_173 : memref<1x640x128xf32, #tpu.memory_space<hbm>> -> memref<640x128xf32, #tpu.memory_space<hbm>>
      %dma_wait3A_175 = arith.constant 0 : i32
      %dma_wait3A_176 = tpu.memref_slice %arg11[%mul3A_163, %dma_wait3A_175] : memref<10240x128xf32, #tpu.memory_space<vmem_shared>> -> memref<640x128xf32, #tpu.memory_space<vmem_shared>>
      tpu.wait_dma2 semaphore(%run_scoped3A_166 : memref<!tpu.dma_semaphore, #tpu.memory_space<semaphore_mem>>) src(%dma_wait3A_176 : memref<640x128xf32, #tpu.memory_space<vmem_shared>>) dst(%dma_wait3A_174 : memref<640x128xf32, #tpu.memory_space<hbm>>)
      tpu.yield
    }) : () -> ()
    return
  }
}

#map = affine_map<(d0, d1) -> (0, 0)>
#map1 = affine_map<(d0, d1) -> (0, 0, 0, 0)>
#map2 = affine_map<(d0, d1) -> (0, 0, 0)>
module attributes {stable_mosaic.version = 14 : i64} {
  func.func @k(%arg0: i32, %arg1: i32, %arg2: memref<10000x128xf32, #tpu.memory_space<hbm>>, %arg3: memref<32x4x25x100xi32, #tpu.memory_space<hbm>>, %arg4: memref<32x4x25x100xi32, #tpu.memory_space<hbm>>, %arg5: memref<2x10240x128xf32, #tpu.memory_space<hbm>>, %arg6: memref<25x100xi32, #tpu.memory_space<vmem>>, %arg7: memref<25x100xi32, #tpu.memory_space<vmem>>, %arg8: memref<100x128xf32, #tpu.memory_space<vmem>>, %arg9: memref<100x128xf32, #tpu.memory_space<vmem>>, %arg10: memref<100x128xf32, #tpu.memory_space<vmem>>, %arg11: memref<10240x128xf32, #tpu.memory_space<vmem_shared>>, %arg12: memref<!tpu.dma_semaphore, #tpu.memory_space<semaphore_mem>>, %arg13: memref<!tpu.dma_semaphore, #tpu.memory_space<semaphore_mem>>, %arg14: memref<!tpu.dma_semaphore, #tpu.memory_space<semaphore_mem>>) attributes {dimension_semantics = [#tpu.dimension_semantics<core_parallel>, #tpu.dimension_semantics<subcore_parallel>], iteration_bounds = array<i64: 2, 16>, scalar_prefetch = 0 : i64, scratch_operands = 9 : i64, tpu.core_type = #tpu.core_type<sc_vector_subcore>, window_params = [{transform_indices = #map}, {transform_indices = #map1}, {transform_indices = #map1}, {transform_indices = #map2}]} {
    %mul3A = arith.constant 16 : i32
    %mul3A_0 = arith.muli %arg0, %mul3A : i32
    %add3A = arith.addi %mul3A_0, %arg1 : i32
    %scan3A = arith.constant 0 : i32
    %scan3A_1 = arith.constant 0 : i32
    %scan3A_2 = arith.constant 100 : i32
    %scan3A_3 = arith.addi %scan3A_1, %scan3A_2 : i32
    %scan3A_4 = arith.constant 1 : i32
    scf.for %scan3A_166 = %scan3A_1 to %scan3A_3 step %scan3A_4  : i32 {
      %broadcast_in_dim3A = arith.constant 0.000000e+00 : f32
      %broadcast_in_dim3A_167 = vector.broadcast %broadcast_in_dim3A : f32 to vector<16xf32>
      %swap3A = arith.index_cast %scan3A_166 : i32 to index
      %swap3A_168 = arith.constant 0 : index
      %swap3A_169 = tpu.vector_load %arg8[%swap3A, %swap3A_168] {strides = array<i32>} : memref<100x128xf32, #tpu.memory_space<vmem>>, vector<1x16xf32>,
      %swap3A_170 = vector.shape_cast %swap3A_169 : vector<1x16xf32> to vector<16xf32>
      %swap3A_171 = vector.shape_cast %broadcast_in_dim3A_167 : vector<16xf32> to vector<1x16xf32>
      tpu.vector_store %arg8[%swap3A, %swap3A_168], %swap3A_171 {strides = array<i32>} : memref<100x128xf32, #tpu.memory_space<vmem>>, vector<1x16xf32>,
      %broadcast_in_dim3A_172 = arith.constant 0.000000e+00 : f32
      %broadcast_in_dim3A_173 = vector.broadcast %broadcast_in_dim3A_172 : f32 to vector<16xf32>
      %swap3A_174 = arith.index_cast %scan3A_166 : i32 to index
      %swap3A_175 = arith.constant 16 : index
      %swap3A_176 = tpu.vector_load %arg8[%swap3A_174, %swap3A_175] {strides = array<i32>} : memref<100x128xf32, #tpu.memory_space<vmem>>, vector<1x16xf32>,
      %swap3A_177 = vector.shape_cast %swap3A_176 : vector<1x16xf32> to vector<16xf32>
      %swap3A_178 = vector.shape_cast %broadcast_in_dim3A_173 : vector<16xf32> to vector<1x16xf32>
      tpu.vector_store %arg8[%swap3A_174, %swap3A_175], %swap3A_178 {strides = array<i32>} : memref<100x128xf32, #tpu.memory_space<vmem>>, vector<1x16xf32>,
      %broadcast_in_dim3A_179 = arith.constant 0.000000e+00 : f32
      %broadcast_in_dim3A_180 = vector.broadcast %broadcast_in_dim3A_179 : f32 to vector<16xf32>
      %swap3A_181 = arith.index_cast %scan3A_166 : i32 to index
      %swap3A_182 = arith.constant 32 : index
      %swap3A_183 = tpu.vector_load %arg8[%swap3A_181, %swap3A_182] {strides = array<i32>} : memref<100x128xf32, #tpu.memory_space<vmem>>, vector<1x16xf32>,
      %swap3A_184 = vector.shape_cast %swap3A_183 : vector<1x16xf32> to vector<16xf32>
      %swap3A_185 = vector.shape_cast %broadcast_in_dim3A_180 : vector<16xf32> to vector<1x16xf32>
      tpu.vector_store %arg8[%swap3A_181, %swap3A_182], %swap3A_185 {strides = array<i32>} : memref<100x128xf32, #tpu.memory_space<vmem>>, vector<1x16xf32>,
      %broadcast_in_dim3A_186 = arith.constant 0.000000e+00 : f32
      %broadcast_in_dim3A_187 = vector.broadcast %broadcast_in_dim3A_186 : f32 to vector<16xf32>
      %swap3A_188 = arith.index_cast %scan3A_166 : i32 to index
      %swap3A_189 = arith.constant 48 : index
      %swap3A_190 = tpu.vector_load %arg8[%swap3A_188, %swap3A_189] {strides = array<i32>} : memref<100x128xf32, #tpu.memory_space<vmem>>, vector<1x16xf32>,
      %swap3A_191 = vector.shape_cast %swap3A_190 : vector<1x16xf32> to vector<16xf32>
      %swap3A_192 = vector.shape_cast %broadcast_in_dim3A_187 : vector<16xf32> to vector<1x16xf32>
      tpu.vector_store %arg8[%swap3A_188, %swap3A_189], %swap3A_192 {strides = array<i32>} : memref<100x128xf32, #tpu.memory_space<vmem>>, vector<1x16xf32>,
      %broadcast_in_dim3A_193 = arith.constant 0.000000e+00 : f32
      %broadcast_in_dim3A_194 = vector.broadcast %broadcast_in_dim3A_193 : f32 to vector<16xf32>
      %swap3A_195 = arith.index_cast %scan3A_166 : i32 to index
      %swap3A_196 = arith.constant 64 : index
      %swap3A_197 = tpu.vector_load %arg8[%swap3A_195, %swap3A_196] {strides = array<i32>} : memref<100x128xf32, #tpu.memory_space<vmem>>, vector<1x16xf32>,
      %swap3A_198 = vector.shape_cast %swap3A_197 : vector<1x16xf32> to vector<16xf32>
      %swap3A_199 = vector.shape_cast %broadcast_in_dim3A_194 : vector<16xf32> to vector<1x16xf32>
      tpu.vector_store %arg8[%swap3A_195, %swap3A_196], %swap3A_199 {strides = array<i32>} : memref<100x128xf32, #tpu.memory_space<vmem>>, vector<1x16xf32>,
      %broadcast_in_dim3A_200 = arith.constant 0.000000e+00 : f32
      %broadcast_in_dim3A_201 = vector.broadcast %broadcast_in_dim3A_200 : f32 to vector<16xf32>
      %swap3A_202 = arith.index_cast %scan3A_166 : i32 to index
      %swap3A_203 = arith.constant 80 : index
      %swap3A_204 = tpu.vector_load %arg8[%swap3A_202, %swap3A_203] {strides = array<i32>} : memref<100x128xf32, #tpu.memory_space<vmem>>, vector<1x16xf32>,
      %swap3A_205 = vector.shape_cast %swap3A_204 : vector<1x16xf32> to vector<16xf32>
      %swap3A_206 = vector.shape_cast %broadcast_in_dim3A_201 : vector<16xf32> to vector<1x16xf32>
      tpu.vector_store %arg8[%swap3A_202, %swap3A_203], %swap3A_206 {strides = array<i32>} : memref<100x128xf32, #tpu.memory_space<vmem>>, vector<1x16xf32>,
      %broadcast_in_dim3A_207 = arith.constant 0.000000e+00 : f32
      %broadcast_in_dim3A_208 = vector.broadcast %broadcast_in_dim3A_207 : f32 to vector<16xf32>
      %swap3A_209 = arith.index_cast %scan3A_166 : i32 to index
      %swap3A_210 = arith.constant 96 : index
      %swap3A_211 = tpu.vector_load %arg8[%swap3A_209, %swap3A_210] {strides = array<i32>} : memref<100x128xf32, #tpu.memory_space<vmem>>, vector<1x16xf32>,
      %swap3A_212 = vector.shape_cast %swap3A_211 : vector<1x16xf32> to vector<16xf32>
      %swap3A_213 = vector.shape_cast %broadcast_in_dim3A_208 : vector<16xf32> to vector<1x16xf32>
      tpu.vector_store %arg8[%swap3A_209, %swap3A_210], %swap3A_213 {strides = array<i32>} : memref<100x128xf32, #tpu.memory_space<vmem>>, vector<1x16xf32>,
      %broadcast_in_dim3A_214 = arith.constant 0.000000e+00 : f32
      %broadcast_in_dim3A_215 = vector.broadcast %broadcast_in_dim3A_214 : f32 to vector<16xf32>
      %swap3A_216 = arith.index_cast %scan3A_166 : i32 to index
      %swap3A_217 = arith.constant 112 : index
      %swap3A_218 = tpu.vector_load %arg8[%swap3A_216, %swap3A_217] {strides = array<i32>} : memref<100x128xf32, #tpu.memory_space<vmem>>, vector<1x16xf32>,
      %swap3A_219 = vector.shape_cast %swap3A_218 : vector<1x16xf32> to vector<16xf32>
      %swap3A_220 = vector.shape_cast %broadcast_in_dim3A_215 : vector<16xf32> to vector<1x16xf32>
      tpu.vector_store %arg8[%swap3A_216, %swap3A_217], %swap3A_220 {strides = array<i32>} : memref<100x128xf32, #tpu.memory_space<vmem>>, vector<1x16xf32>,
    }
    %scan3A_5 = arith.constant 100 : i32
    %scan3A_6 = arith.constant 0 : i32
    %scan3A_7 = arith.constant 0 : i32
    %scan3A_8 = arith.constant 6 : i32
    %scan3A_9 = arith.addi %scan3A_7, %scan3A_8 : i32
    %scan3A_10 = arith.constant 1 : i32
    scf.for %scan3A_166 = %scan3A_7 to %scan3A_9 step %scan3A_10  : i32 {
      %mul3A_167 = arith.constant 640 : i32
      %mul3A_168 = arith.muli %arg1, %mul3A_167 : i32
      %mul3A_169 = arith.constant 100 : i32
      %mul3A_170 = arith.muli %scan3A_166, %mul3A_169 : i32
      %add3A_171 = arith.addi %mul3A_168, %mul3A_170 : i32
      "tpu.region"() ({
        %run_scoped3A_172 = tpu.sem_alloc : memref<!tpu.dma_semaphore, #tpu.memory_space<semaphore_mem>>
        %dma_start3A_173 = arith.constant 0 : i32
        %dma_start3A_174 = tpu.memref_slice %arg11[%add3A_171, %dma_start3A_173] : memref<10240x128xf32, #tpu.memory_space<vmem_shared>> -> memref<100x128xf32, #tpu.memory_space<vmem_shared>>
        %dma_start3A_175 = arith.constant 0 : i32
        %dma_start3A_176 = tpu.memref_slice %arg11[%add3A_171, %dma_start3A_175] : memref<10240x128xf32, #tpu.memory_space<vmem_shared>> -> memref<100x128xf32, #tpu.memory_space<vmem_shared>>
        tpu.enqueue_dma source(%arg8 : memref<100x128xf32, #tpu.memory_space<vmem>>) target(%dma_start3A_176 : memref<100x128xf32, #tpu.memory_space<vmem_shared>>) target_semaphore(%run_scoped3A_172 : memref<!tpu.dma_semaphore, #tpu.memory_space<semaphore_mem>>)
        %dma_wait3A_177 = arith.constant 0 : i32
        %dma_wait3A_178 = tpu.memref_slice %arg11[%add3A_171, %dma_wait3A_177] : memref<10240x128xf32, #tpu.memory_space<vmem_shared>> -> memref<100x128xf32, #tpu.memory_space<vmem_shared>>
        %dma_wait3A_179 = arith.constant 0 : i32
        %dma_wait3A_180 = tpu.memref_slice %arg11[%add3A_171, %dma_wait3A_179] : memref<10240x128xf32, #tpu.memory_space<vmem_shared>> -> memref<100x128xf32, #tpu.memory_space<vmem_shared>>
        tpu.wait_dma2 semaphore(%run_scoped3A_172 : memref<!tpu.dma_semaphore, #tpu.memory_space<semaphore_mem>>) src(%arg8 : memref<100x128xf32, #tpu.memory_space<vmem>>) dst(%dma_wait3A_180 : memref<100x128xf32, #tpu.memory_space<vmem_shared>>)
        tpu.yield
      }) : () -> ()
    }
    %scan3A_11 = arith.constant 6 : i32
    %mul3A_12 = arith.constant 640 : i32
    %mul3A_13 = arith.muli %arg1, %mul3A_12 : i32
    %add3A_14 = arith.constant 600 : i32
    %add3A_15 = arith.addi %mul3A_13, %add3A_14 : i32
    "tpu.region"() ({
      %run_scoped3A_166 = tpu.sem_alloc : memref<!tpu.dma_semaphore, #tpu.memory_space<semaphore_mem>>
      %dma_start3A_167 = arith.constant 0 : i32
      %dma_start3A_168 = arith.constant 0 : i32
      %dma_start3A_169 = tpu.memref_slice %arg8[%dma_start3A_167, %dma_start3A_168] : memref<100x128xf32, #tpu.memory_space<vmem>> -> memref<40x128xf32, #tpu.memory_space<vmem>>
      %dma_start3A_170 = arith.constant 0 : i32
      %dma_start3A_171 = tpu.memref_slice %arg11[%add3A_15, %dma_start3A_170] : memref<10240x128xf32, #tpu.memory_space<vmem_shared>> -> memref<40x128xf32, #tpu.memory_space<vmem_shared>>
      %dma_start3A_172 = arith.constant 0 : i32
      %dma_start3A_173 = tpu.memref_slice %arg11[%add3A_15, %dma_start3A_172] : memref<10240x128xf32, #tpu.memory_space<vmem_shared>> -> memref<40x128xf32, #tpu.memory_space<vmem_shared>>
      %dma_start3A_174 = arith.constant 0 : i32
      %dma_start3A_175 = arith.constant 0 : i32
      %dma_start3A_176 = tpu.memref_slice %arg8[%dma_start3A_174, %dma_start3A_175] : memref<100x128xf32, #tpu.memory_space<vmem>> -> memref<40x128xf32, #tpu.memory_space<vmem>>
      tpu.enqueue_dma source(%dma_start3A_176 : memref<40x128xf32, #tpu.memory_space<vmem>>) target(%dma_start3A_173 : memref<40x128xf32, #tpu.memory_space<vmem_shared>>) target_semaphore(%run_scoped3A_166 : memref<!tpu.dma_semaphore, #tpu.memory_space<semaphore_mem>>)
      %dma_wait3A_177 = arith.constant 0 : i32
      %dma_wait3A_178 = arith.constant 0 : i32
      %dma_wait3A_179 = tpu.memref_slice %arg8[%dma_wait3A_177, %dma_wait3A_178] : memref<100x128xf32, #tpu.memory_space<vmem>> -> memref<40x128xf32, #tpu.memory_space<vmem>>
      %dma_wait3A_180 = arith.constant 0 : i32
      %dma_wait3A_181 = tpu.memref_slice %arg11[%add3A_15, %dma_wait3A_180] : memref<10240x128xf32, #tpu.memory_space<vmem_shared>> -> memref<40x128xf32, #tpu.memory_space<vmem_shared>>
      %dma_wait3A_182 = arith.constant 0 : i32
      %dma_wait3A_183 = tpu.memref_slice %arg11[%add3A_15, %dma_wait3A_182] : memref<10240x128xf32, #tpu.memory_space<vmem_shared>> -> memref<40x128xf32, #tpu.memory_space<vmem_shared>>
      %dma_wait3A_184 = arith.constant 0 : i32
      %dma_wait3A_185 = arith.constant 0 : i32
      %dma_wait3A_186 = tpu.memref_slice %arg8[%dma_wait3A_184, %dma_wait3A_185] : memref<100x128xf32, #tpu.memory_space<vmem>> -> memref<40x128xf32, #tpu.memory_space<vmem>>
      tpu.wait_dma2 semaphore(%run_scoped3A_166 : memref<!tpu.dma_semaphore, #tpu.memory_space<semaphore_mem>>) src(%dma_wait3A_186 : memref<40x128xf32, #tpu.memory_space<vmem>>) dst(%dma_wait3A_183 : memref<40x128xf32, #tpu.memory_space<vmem_shared>>)
      tpu.yield
    }) : () -> ()
    %barrier3A = arith.constant 0 : index
    tpu.barrier barrier_id(%barrier3A)
    %run_scoped3A = arith.constant 0 : i32
    "tpu.region"() ({
      %run_scoped3A_166 = tpu.sem_alloc : memref<!tpu.dma_semaphore, #tpu.memory_space<semaphore_mem>>
      %dma_start3A_167 = arith.constant 0 : i32
      %dma_start3A_168 = arith.constant 0 : i32
      %dma_start3A_169 = tpu.memref_slice %arg3[%add3A, %run_scoped3A, %dma_start3A_167, %dma_start3A_168] : memref<32x4x25x100xi32, #tpu.memory_space<hbm>> -> memref<1x1x25x100xi32, #tpu.memory_space<hbm>>
      %dma_start3A_170 = tpu.memref_squeeze %dma_start3A_169 : memref<1x1x25x100xi32, #tpu.memory_space<hbm>> -> memref<25x100xi32, #tpu.memory_space<hbm>>
      %dma_start3A_171 = arith.constant 0 : i32
      %dma_start3A_172 = arith.constant 0 : i32
      %dma_start3A_173 = tpu.memref_slice %arg3[%add3A, %run_scoped3A, %dma_start3A_171, %dma_start3A_172] : memref<32x4x25x100xi32, #tpu.memory_space<hbm>> -> memref<1x1x25x100xi32, #tpu.memory_space<hbm>>
      %dma_start3A_174 = tpu.memref_squeeze %dma_start3A_173 : memref<1x1x25x100xi32, #tpu.memory_space<hbm>> -> memref<25x100xi32, #tpu.memory_space<hbm>>
      tpu.enqueue_dma source(%dma_start3A_174 : memref<25x100xi32, #tpu.memory_space<hbm>>) target(%arg6 : memref<25x100xi32, #tpu.memory_space<vmem>>) target_semaphore(%run_scoped3A_166 : memref<!tpu.dma_semaphore, #tpu.memory_space<semaphore_mem>>)
      %dma_wait3A_175 = arith.constant 0 : i32
      %dma_wait3A_176 = arith.constant 0 : i32
      %dma_wait3A_177 = tpu.memref_slice %arg3[%add3A, %run_scoped3A, %dma_wait3A_175, %dma_wait3A_176] : memref<32x4x25x100xi32, #tpu.memory_space<hbm>> -> memref<1x1x25x100xi32, #tpu.memory_space<hbm>>
      %dma_wait3A_178 = tpu.memref_squeeze %dma_wait3A_177 : memref<1x1x25x100xi32, #tpu.memory_space<hbm>> -> memref<25x100xi32, #tpu.memory_space<hbm>>
      %dma_wait3A_179 = arith.constant 0 : i32
      %dma_wait3A_180 = arith.constant 0 : i32
      %dma_wait3A_181 = tpu.memref_slice %arg3[%add3A, %run_scoped3A, %dma_wait3A_179, %dma_wait3A_180] : memref<32x4x25x100xi32, #tpu.memory_space<hbm>> -> memref<1x1x25x100xi32, #tpu.memory_space<hbm>>
      %dma_wait3A_182 = tpu.memref_squeeze %dma_wait3A_181 : memref<1x1x25x100xi32, #tpu.memory_space<hbm>> -> memref<25x100xi32, #tpu.memory_space<hbm>>
      tpu.wait_dma2 semaphore(%run_scoped3A_166 : memref<!tpu.dma_semaphore, #tpu.memory_space<semaphore_mem>>) src(%dma_wait3A_182 : memref<25x100xi32, #tpu.memory_space<hbm>>) dst(%arg6 : memref<25x100xi32, #tpu.memory_space<vmem>>)
      tpu.yield
    }) : () -> ()
    %run_scoped3A_16 = arith.constant 0 : i32
    "tpu.region"() ({
      %run_scoped3A_166 = tpu.sem_alloc : memref<!tpu.dma_semaphore, #tpu.memory_space<semaphore_mem>>
      %dma_start3A_167 = arith.constant 0 : i32
      %dma_start3A_168 = arith.constant 0 : i32
      %dma_start3A_169 = tpu.memref_slice %arg4[%add3A, %run_scoped3A_16, %dma_start3A_167, %dma_start3A_168] : memref<32x4x25x100xi32, #tpu.memory_space<hbm>> -> memref<1x1x25x100xi32, #tpu.memory_space<hbm>>
      %dma_start3A_170 = tpu.memref_squeeze %dma_start3A_169 : memref<1x1x25x100xi32, #tpu.memory_space<hbm>> -> memref<25x100xi32, #tpu.memory_space<hbm>>
      %dma_start3A_171 = arith.constant 0 : i32
      %dma_start3A_172 = arith.constant 0 : i32
      %dma_start3A_173 = tpu.memref_slice %arg4[%add3A, %run_scoped3A_16, %dma_start3A_171, %dma_start3A_172] : memref<32x4x25x100xi32, #tpu.memory_space<hbm>> -> memref<1x1x25x100xi32, #tpu.memory_space<hbm>>
      %dma_start3A_174 = tpu.memref_squeeze %dma_start3A_173 : memref<1x1x25x100xi32, #tpu.memory_space<hbm>> -> memref<25x100xi32, #tpu.memory_space<hbm>>
      tpu.enqueue_dma source(%dma_start3A_174 : memref<25x100xi32, #tpu.memory_space<hbm>>) target(%arg7 : memref<25x100xi32, #tpu.memory_space<vmem>>) target_semaphore(%run_scoped3A_166 : memref<!tpu.dma_semaphore, #tpu.memory_space<semaphore_mem>>)
      %dma_wait3A_175 = arith.constant 0 : i32
      %dma_wait3A_176 = arith.constant 0 : i32
      %dma_wait3A_177 = tpu.memref_slice %arg4[%add3A, %run_scoped3A_16, %dma_wait3A_175, %dma_wait3A_176] : memref<32x4x25x100xi32, #tpu.memory_space<hbm>> -> memref<1x1x25x100xi32, #tpu.memory_space<hbm>>
      %dma_wait3A_178 = tpu.memref_squeeze %dma_wait3A_177 : memref<1x1x25x100xi32, #tpu.memory_space<hbm>> -> memref<25x100xi32, #tpu.memory_space<hbm>>
      %dma_wait3A_179 = arith.constant 0 : i32
      %dma_wait3A_180 = arith.constant 0 : i32
      %dma_wait3A_181 = tpu.memref_slice %arg4[%add3A, %run_scoped3A_16, %dma_wait3A_179, %dma_wait3A_180] : memref<32x4x25x100xi32, #tpu.memory_space<hbm>> -> memref<1x1x25x100xi32, #tpu.memory_space<hbm>>
      %dma_wait3A_182 = tpu.memref_squeeze %dma_wait3A_181 : memref<1x1x25x100xi32, #tpu.memory_space<hbm>> -> memref<25x100xi32, #tpu.memory_space<hbm>>
      tpu.wait_dma2 semaphore(%run_scoped3A_166 : memref<!tpu.dma_semaphore, #tpu.memory_space<semaphore_mem>>) src(%dma_wait3A_182 : memref<25x100xi32, #tpu.memory_space<hbm>>) dst(%arg7 : memref<25x100xi32, #tpu.memory_space<vmem>>)
      tpu.yield
    }) : () -> ()
    %dma_start3A = arith.constant 0 : i32
    %dma_start3A_17 = arith.constant 0 : i32
    %dma_start3A_18 = tpu.memref_slice %arg6[%dma_start3A, %dma_start3A_17] : memref<25x100xi32, #tpu.memory_space<vmem>> -> memref<1x100xi32, #tpu.memory_space<vmem>>
    %dma_start3A_19 = tpu.memref_squeeze %dma_start3A_18 : memref<1x100xi32, #tpu.memory_space<vmem>> -> memref<100xi32, #tpu.memory_space<vmem>>
    %dma_start3A_20 = arith.constant 0 : i32
    %dma_start3A_21 = arith.constant 0 : i32
    %dma_start3A_22 = tpu.memref_slice %arg2[%dma_start3A_20, %dma_start3A_21] : memref<10000x128xf32, #tpu.memory_space<hbm>> -> memref<10000x128xf32, #tpu.memory_space<hbm>>
    tpu.enqueue_indirect_dma source(%dma_start3A_22 : memref<10000x128xf32, #tpu.memory_space<hbm>>) target(%arg8 : memref<100x128xf32, #tpu.memory_space<vmem>>) offsets(%dma_start3A_19 : memref<100xi32, #tpu.memory_space<vmem>>) semaphore(%arg12 : memref<!tpu.dma_semaphore, #tpu.memory_space<semaphore_mem>>)
    %dma_start3A_23 = arith.constant 1 : i32
    %dma_start3A_24 = arith.constant 0 : i32
    %dma_start3A_25 = tpu.memref_slice %arg6[%dma_start3A_23, %dma_start3A_24] : memref<25x100xi32, #tpu.memory_space<vmem>> -> memref<1x100xi32, #tpu.memory_space<vmem>>
    %dma_start3A_26 = tpu.memref_squeeze %dma_start3A_25 : memref<1x100xi32, #tpu.memory_space<vmem>> -> memref<100xi32, #tpu.memory_space<vmem>>
    %dma_start3A_27 = arith.constant 0 : i32
    %dma_start3A_28 = arith.constant 0 : i32
    %dma_start3A_29 = tpu.memref_slice %arg2[%dma_start3A_27, %dma_start3A_28] : memref<10000x128xf32, #tpu.memory_space<hbm>> -> memref<10000x128xf32, #tpu.memory_space<hbm>>
    tpu.enqueue_indirect_dma source(%dma_start3A_29 : memref<10000x128xf32, #tpu.memory_space<hbm>>) target(%arg9 : memref<100x128xf32, #tpu.memory_space<vmem>>) offsets(%dma_start3A_26 : memref<100xi32, #tpu.memory_space<vmem>>) semaphore(%arg13 : memref<!tpu.dma_semaphore, #tpu.memory_space<semaphore_mem>>)
    %dma_start3A_30 = arith.constant 2 : i32
    %dma_start3A_31 = arith.constant 0 : i32
    %dma_start3A_32 = tpu.memref_slice %arg6[%dma_start3A_30, %dma_start3A_31] : memref<25x100xi32, #tpu.memory_space<vmem>> -> memref<1x100xi32, #tpu.memory_space<vmem>>
    %dma_start3A_33 = tpu.memref_squeeze %dma_start3A_32 : memref<1x100xi32, #tpu.memory_space<vmem>> -> memref<100xi32, #tpu.memory_space<vmem>>
    %dma_start3A_34 = arith.constant 0 : i32
    %dma_start3A_35 = arith.constant 0 : i32
    %dma_start3A_36 = tpu.memref_slice %arg2[%dma_start3A_34, %dma_start3A_35] : memref<10000x128xf32, #tpu.memory_space<hbm>> -> memref<10000x128xf32, #tpu.memory_space<hbm>>
    tpu.enqueue_indirect_dma source(%dma_start3A_36 : memref<10000x128xf32, #tpu.memory_space<hbm>>) target(%arg10 : memref<100x128xf32, #tpu.memory_space<vmem>>) offsets(%dma_start3A_33 : memref<100xi32, #tpu.memory_space<vmem>>) semaphore(%arg14 : memref<!tpu.dma_semaphore, #tpu.memory_space<semaphore_mem>>)
    %scan3A_37 = arith.constant 0 : i32
    %scan3A_38 = arith.constant 0 : i32
    %scan3A_39 = arith.constant 8 : i32
    %scan3A_40 = arith.addi %scan3A_38, %scan3A_39 : i32
    %scan3A_41 = arith.constant 1 : i32
    scf.for %scan3A_166 = %scan3A_38 to %scan3A_40 step %scan3A_41  : i32 {
      %mul3A_167 = arith.constant 3 : i32
      %mul3A_168 = arith.muli %mul3A_167, %scan3A_166 : i32
      %add3A_169 = arith.constant 0 : i32
      %add3A_170 = arith.addi %mul3A_168, %add3A_169 : i32
      %dma_wait3A_171 = arith.constant 0 : i32
      %dma_wait3A_172 = tpu.memref_slice %arg6[%add3A_170, %dma_wait3A_171] : memref<25x100xi32, #tpu.memory_space<vmem>> -> memref<1x100xi32, #tpu.memory_space<vmem>>
      %dma_wait3A_173 = tpu.memref_squeeze %dma_wait3A_172 : memref<1x100xi32, #tpu.memory_space<vmem>> -> memref<100xi32, #tpu.memory_space<vmem>>
      %dma_wait3A_174 = arith.constant 0 : i32
      %dma_wait3A_175 = arith.constant 0 : i32
      %dma_wait3A_176 = tpu.memref_slice %arg2[%dma_wait3A_174, %dma_wait3A_175] : memref<10000x128xf32, #tpu.memory_space<hbm>> -> memref<10000x128xf32, #tpu.memory_space<hbm>>
      tpu.wait_indirect_dma semaphore(%arg12 : memref<!tpu.dma_semaphore, #tpu.memory_space<semaphore_mem>>) src(%dma_wait3A_176 : memref<10000x128xf32, #tpu.memory_space<hbm>>) dst(%arg8 : memref<100x128xf32, #tpu.memory_space<vmem>>)
      %add3A_177 = arith.constant 0 : i32
      %add3A_178 = arith.addi %mul3A_168, %add3A_177 : i32
      "tpu.region"() ({
        %run_scoped3A_223 = tpu.sem_alloc : memref<!tpu.dma_semaphore, #tpu.memory_space<semaphore_mem>>
        %dma_start3A_224 = arith.constant 0 : i32
        %dma_start3A_225 = tpu.memref_slice %arg7[%add3A_178, %dma_start3A_224] : memref<25x100xi32, #tpu.memory_space<vmem>> -> memref<1x100xi32, #tpu.memory_space<vmem>>
        %dma_start3A_226 = tpu.memref_squeeze %dma_start3A_225 : memref<1x100xi32, #tpu.memory_space<vmem>> -> memref<100xi32, #tpu.memory_space<vmem>>
        %dma_start3A_227 = arith.constant 0 : i32
        %dma_start3A_228 = arith.constant 0 : i32
        %dma_start3A_229 = tpu.memref_slice %arg11[%dma_start3A_227, %dma_start3A_228] : memref<10240x128xf32, #tpu.memory_space<vmem_shared>> -> memref<10240x128xf32, #tpu.memory_space<vmem_shared>>
        tpu.enqueue_indirect_dma source(%arg8 : memref<100x128xf32, #tpu.memory_space<vmem>>) target(%dma_start3A_229 : memref<10240x128xf32, #tpu.memory_space<vmem_shared>>) offsets(%dma_start3A_226 : memref<100xi32, #tpu.memory_space<vmem>>) semaphore(%run_scoped3A_223 : memref<!tpu.dma_semaphore, #tpu.memory_space<semaphore_mem>>) {add = true}
        %dma_wait3A_230 = arith.constant 0 : i32
        %dma_wait3A_231 = tpu.memref_slice %arg7[%add3A_178, %dma_wait3A_230] : memref<25x100xi32, #tpu.memory_space<vmem>> -> memref<1x100xi32, #tpu.memory_space<vmem>>
        %dma_wait3A_232 = tpu.memref_squeeze %dma_wait3A_231 : memref<1x100xi32, #tpu.memory_space<vmem>> -> memref<100xi32, #tpu.memory_space<vmem>>
        %dma_wait3A_233 = arith.constant 0 : i32
        %dma_wait3A_234 = arith.constant 0 : i32
        %dma_wait3A_235 = tpu.memref_slice %arg11[%dma_wait3A_233, %dma_wait3A_234] : memref<10240x128xf32, #tpu.memory_space<vmem_shared>> -> memref<10240x128xf32, #tpu.memory_space<vmem_shared>>
        tpu.wait_indirect_dma semaphore(%run_scoped3A_223 : memref<!tpu.dma_semaphore, #tpu.memory_space<semaphore_mem>>) src(%arg8 : memref<100x128xf32, #tpu.memory_space<vmem>>) dst(%dma_wait3A_235 : memref<10240x128xf32, #tpu.memory_space<vmem_shared>>)
        tpu.yield
      }) : () -> ()
      %add3A_179 = arith.constant 0 : i32
      %add3A_180 = arith.addi %mul3A_168, %add3A_179 : i32
      %add3A_181 = arith.constant 3 : i32
      %add3A_182 = arith.addi %add3A_180, %add3A_181 : i32
      %lt3A = arith.constant 25 : i32
      %lt3A_183 = arith.cmpi slt, %add3A_182, %lt3A : i32
      %convert_element_type3A = arith.extui %lt3A_183 : i1 to i32
      %cond3A = arith.constant 0 : i32
      %cond3A_184 = arith.cmpi ne, %convert_element_type3A, %cond3A : i32
      scf.if %cond3A_184 {
        %add3A_223 = arith.constant 0 : i32
        %add3A_224 = arith.addi %mul3A_168, %add3A_223 : i32
        %add3A_225 = arith.constant 3 : i32
        %add3A_226 = arith.addi %add3A_224, %add3A_225 : i32
        %dma_start3A_227 = arith.constant 0 : i32
        %dma_start3A_228 = tpu.memref_slice %arg6[%add3A_226, %dma_start3A_227] : memref<25x100xi32, #tpu.memory_space<vmem>> -> memref<1x100xi32, #tpu.memory_space<vmem>>
        %dma_start3A_229 = tpu.memref_squeeze %dma_start3A_228 : memref<1x100xi32, #tpu.memory_space<vmem>> -> memref<100xi32, #tpu.memory_space<vmem>>
        %dma_start3A_230 = arith.constant 0 : i32
        %dma_start3A_231 = arith.constant 0 : i32
        %dma_start3A_232 = tpu.memref_slice %arg2[%dma_start3A_230, %dma_start3A_231] : memref<10000x128xf32, #tpu.memory_space<hbm>> -> memref<10000x128xf32, #tpu.memory_space<hbm>>
        tpu.enqueue_indirect_dma source(%dma_start3A_232 : memref<10000x128xf32, #tpu.memory_space<hbm>>) target(%arg8 : memref<100x128xf32, #tpu.memory_space<vmem>>) offsets(%dma_start3A_229 : memref<100xi32, #tpu.memory_space<vmem>>) semaphore(%arg12 : memref<!tpu.dma_semaphore, #tpu.memory_space<semaphore_mem>>)
      } else {
      }
      %add3A_185 = arith.constant 1 : i32
      %add3A_186 = arith.addi %mul3A_168, %add3A_185 : i32
      %dma_wait3A_187 = arith.constant 0 : i32
      %dma_wait3A_188 = tpu.memref_slice %arg6[%add3A_186, %dma_wait3A_187] : memref<25x100xi32, #tpu.memory_space<vmem>> -> memref<1x100xi32, #tpu.memory_space<vmem>>
      %dma_wait3A_189 = tpu.memref_squeeze %dma_wait3A_188 : memref<1x100xi32, #tpu.memory_space<vmem>> -> memref<100xi32, #tpu.memory_space<vmem>>
      %dma_wait3A_190 = arith.constant 0 : i32
      %dma_wait3A_191 = arith.constant 0 : i32
      %dma_wait3A_192 = tpu.memref_slice %arg2[%dma_wait3A_190, %dma_wait3A_191] : memref<10000x128xf32, #tpu.memory_space<hbm>> -> memref<10000x128xf32, #tpu.memory_space<hbm>>
      tpu.wait_indirect_dma semaphore(%arg13 : memref<!tpu.dma_semaphore, #tpu.memory_space<semaphore_mem>>) src(%dma_wait3A_192 : memref<10000x128xf32, #tpu.memory_space<hbm>>) dst(%arg9 : memref<100x128xf32, #tpu.memory_space<vmem>>)
      %add3A_193 = arith.constant 1 : i32
      %add3A_194 = arith.addi %mul3A_168, %add3A_193 : i32
      "tpu.region"() ({
        %run_scoped3A_223 = tpu.sem_alloc : memref<!tpu.dma_semaphore, #tpu.memory_space<semaphore_mem>>
        %dma_start3A_224 = arith.constant 0 : i32
        %dma_start3A_225 = tpu.memref_slice %arg7[%add3A_194, %dma_start3A_224] : memref<25x100xi32, #tpu.memory_space<vmem>> -> memref<1x100xi32, #tpu.memory_space<vmem>>
        %dma_start3A_226 = tpu.memref_squeeze %dma_start3A_225 : memref<1x100xi32, #tpu.memory_space<vmem>> -> memref<100xi32, #tpu.memory_space<vmem>>
        %dma_start3A_227 = arith.constant 0 : i32
        %dma_start3A_228 = arith.constant 0 : i32
        %dma_start3A_229 = tpu.memref_slice %arg11[%dma_start3A_227, %dma_start3A_228] : memref<10240x128xf32, #tpu.memory_space<vmem_shared>> -> memref<10240x128xf32, #tpu.memory_space<vmem_shared>>
        tpu.enqueue_indirect_dma source(%arg9 : memref<100x128xf32, #tpu.memory_space<vmem>>) target(%dma_start3A_229 : memref<10240x128xf32, #tpu.memory_space<vmem_shared>>) offsets(%dma_start3A_226 : memref<100xi32, #tpu.memory_space<vmem>>) semaphore(%run_scoped3A_223 : memref<!tpu.dma_semaphore, #tpu.memory_space<semaphore_mem>>) {add = true}
        %dma_wait3A_230 = arith.constant 0 : i32
        %dma_wait3A_231 = tpu.memref_slice %arg7[%add3A_194, %dma_wait3A_230] : memref<25x100xi32, #tpu.memory_space<vmem>> -> memref<1x100xi32, #tpu.memory_space<vmem>>
        %dma_wait3A_232 = tpu.memref_squeeze %dma_wait3A_231 : memref<1x100xi32, #tpu.memory_space<vmem>> -> memref<100xi32, #tpu.memory_space<vmem>>
        %dma_wait3A_233 = arith.constant 0 : i32
        %dma_wait3A_234 = arith.constant 0 : i32
        %dma_wait3A_235 = tpu.memref_slice %arg11[%dma_wait3A_233, %dma_wait3A_234] : memref<10240x128xf32, #tpu.memory_space<vmem_shared>> -> memref<10240x128xf32, #tpu.memory_space<vmem_shared>>
        tpu.wait_indirect_dma semaphore(%run_scoped3A_223 : memref<!tpu.dma_semaphore, #tpu.memory_space<semaphore_mem>>) src(%arg9 : memref<100x128xf32, #tpu.memory_space<vmem>>) dst(%dma_wait3A_235 : memref<10240x128xf32, #tpu.memory_space<vmem_shared>>)
        tpu.yield
      }) : () -> ()
      %add3A_195 = arith.constant 1 : i32
      %add3A_196 = arith.addi %mul3A_168, %add3A_195 : i32
      %add3A_197 = arith.constant 3 : i32
      %add3A_198 = arith.addi %add3A_196, %add3A_197 : i32
      %lt3A_199 = arith.constant 25 : i32
      %lt3A_200 = arith.cmpi slt, %add3A_198, %lt3A_199 : i32
      %convert_element_type3A_201 = arith.extui %lt3A_200 : i1 to i32
      %cond3A_202 = arith.constant 0 : i32
      %cond3A_203 = arith.cmpi ne, %convert_element_type3A_201, %cond3A_202 : i32
      scf.if %cond3A_203 {
        %add3A_223 = arith.constant 1 : i32
        %add3A_224 = arith.addi %mul3A_168, %add3A_223 : i32
        %add3A_225 = arith.constant 3 : i32
        %add3A_226 = arith.addi %add3A_224, %add3A_225 : i32
        %dma_start3A_227 = arith.constant 0 : i32
        %dma_start3A_228 = tpu.memref_slice %arg6[%add3A_226, %dma_start3A_227] : memref<25x100xi32, #tpu.memory_space<vmem>> -> memref<1x100xi32, #tpu.memory_space<vmem>>
        %dma_start3A_229 = tpu.memref_squeeze %dma_start3A_228 : memref<1x100xi32, #tpu.memory_space<vmem>> -> memref<100xi32, #tpu.memory_space<vmem>>
        %dma_start3A_230 = arith.constant 0 : i32
        %dma_start3A_231 = arith.constant 0 : i32
        %dma_start3A_232 = tpu.memref_slice %arg2[%dma_start3A_230, %dma_start3A_231] : memref<10000x128xf32, #tpu.memory_space<hbm>> -> memref<10000x128xf32, #tpu.memory_space<hbm>>
        tpu.enqueue_indirect_dma source(%dma_start3A_232 : memref<10000x128xf32, #tpu.memory_space<hbm>>) target(%arg9 : memref<100x128xf32, #tpu.memory_space<vmem>>) offsets(%dma_start3A_229 : memref<100xi32, #tpu.memory_space<vmem>>) semaphore(%arg13 : memref<!tpu.dma_semaphore, #tpu.memory_space<semaphore_mem>>)
      } else {
      }
      %add3A_204 = arith.constant 2 : i32
      %add3A_205 = arith.addi %mul3A_168, %add3A_204 : i32
      %dma_wait3A_206 = arith.constant 0 : i32
      %dma_wait3A_207 = tpu.memref_slice %arg6[%add3A_205, %dma_wait3A_206] : memref<25x100xi32, #tpu.memory_space<vmem>> -> memref<1x100xi32, #tpu.memory_space<vmem>>
      %dma_wait3A_208 = tpu.memref_squeeze %dma_wait3A_207 : memref<1x100xi32, #tpu.memory_space<vmem>> -> memref<100xi32, #tpu.memory_space<vmem>>
      %dma_wait3A_209 = arith.constant 0 : i32
      %dma_wait3A_210 = arith.constant 0 : i32
      %dma_wait3A_211 = tpu.memref_slice %arg2[%dma_wait3A_209, %dma_wait3A_210] : memref<10000x128xf32, #tpu.memory_space<hbm>> -> memref<10000x128xf32, #tpu.memory_space<hbm>>
      tpu.wait_indirect_dma semaphore(%arg14 : memref<!tpu.dma_semaphore, #tpu.memory_space<semaphore_mem>>) src(%dma_wait3A_211 : memref<10000x128xf32, #tpu.memory_space<hbm>>) dst(%arg10 : memref<100x128xf32, #tpu.memory_space<vmem>>)
      %add3A_212 = arith.constant 2 : i32
      %add3A_213 = arith.addi %mul3A_168, %add3A_212 : i32
      "tpu.region"() ({
        %run_scoped3A_223 = tpu.sem_alloc : memref<!tpu.dma_semaphore, #tpu.memory_space<semaphore_mem>>
        %dma_start3A_224 = arith.constant 0 : i32
        %dma_start3A_225 = tpu.memref_slice %arg7[%add3A_213, %dma_start3A_224] : memref<25x100xi32, #tpu.memory_space<vmem>> -> memref<1x100xi32, #tpu.memory_space<vmem>>
        %dma_start3A_226 = tpu.memref_squeeze %dma_start3A_225 : memref<1x100xi32, #tpu.memory_space<vmem>> -> memref<100xi32, #tpu.memory_space<vmem>>
        %dma_start3A_227 = arith.constant 0 : i32
        %dma_start3A_228 = arith.constant 0 : i32
        %dma_start3A_229 = tpu.memref_slice %arg11[%dma_start3A_227, %dma_start3A_228] : memref<10240x128xf32, #tpu.memory_space<vmem_shared>> -> memref<10240x128xf32, #tpu.memory_space<vmem_shared>>
        tpu.enqueue_indirect_dma source(%arg10 : memref<100x128xf32, #tpu.memory_space<vmem>>) target(%dma_start3A_229 : memref<10240x128xf32, #tpu.memory_space<vmem_shared>>) offsets(%dma_start3A_226 : memref<100xi32, #tpu.memory_space<vmem>>) semaphore(%run_scoped3A_223 : memref<!tpu.dma_semaphore, #tpu.memory_space<semaphore_mem>>) {add = true}
        %dma_wait3A_230 = arith.constant 0 : i32
        %dma_wait3A_231 = tpu.memref_slice %arg7[%add3A_213, %dma_wait3A_230] : memref<25x100xi32, #tpu.memory_space<vmem>> -> memref<1x100xi32, #tpu.memory_space<vmem>>
        %dma_wait3A_232 = tpu.memref_squeeze %dma_wait3A_231 : memref<1x100xi32, #tpu.memory_space<vmem>> -> memref<100xi32, #tpu.memory_space<vmem>>
        %dma_wait3A_233 = arith.constant 0 : i32
        %dma_wait3A_234 = arith.constant 0 : i32
        %dma_wait3A_235 = tpu.memref_slice %arg11[%dma_wait3A_233, %dma_wait3A_234] : memref<10240x128xf32, #tpu.memory_space<vmem_shared>> -> memref<10240x128xf32, #tpu.memory_space<vmem_shared>>
        tpu.wait_indirect_dma semaphore(%run_scoped3A_223 : memref<!tpu.dma_semaphore, #tpu.memory_space<semaphore_mem>>) src(%arg10 : memref<100x128xf32, #tpu.memory_space<vmem>>) dst(%dma_wait3A_235 : memref<10240x128xf32, #tpu.memory_space<vmem_shared>>)
        tpu.yield
      }) : () -> ()
      %add3A_214 = arith.constant 2 : i32
      %add3A_215 = arith.addi %mul3A_168, %add3A_214 : i32
      %add3A_216 = arith.constant 3 : i32
      %add3A_217 = arith.addi %add3A_215, %add3A_216 : i32
      %lt3A_218 = arith.constant 25 : i32
      %lt3A_219 = arith.cmpi slt, %add3A_217, %lt3A_218 : i32
      %convert_element_type3A_220 = arith.extui %lt3A_219 : i1 to i32
      %cond3A_221 = arith.constant 0 : i32
      %cond3A_222 = arith.cmpi ne, %convert_element_type3A_220, %cond3A_221 : i32
      scf.if %cond3A_222 {
        %add3A_223 = arith.constant 2 : i32
        %add3A_224 = arith.addi %mul3A_168, %add3A_223 : i32
        %add3A_225 = arith.constant 3 : i32
        %add3A_226 = arith.addi %add3A_224, %add3A_225 : i32
        %dma_start3A_227 = arith.constant 0 : i32
        %dma_start3A_228 = tpu.memref_slice %arg6[%add3A_226, %dma_start3A_227] : memref<25x100xi32, #tpu.memory_space<vmem>> -> memref<1x100xi32, #tpu.memory_space<vmem>>
        %dma_start3A_229 = tpu.memref_squeeze %dma_start3A_228 : memref<1x100xi32, #tpu.memory_space<vmem>> -> memref<100xi32, #tpu.memory_space<vmem>>
        %dma_start3A_230 = arith.constant 0 : i32
        %dma_start3A_231 = arith.constant 0 : i32
        %dma_start3A_232 = tpu.memref_slice %arg2[%dma_start3A_230, %dma_start3A_231] : memref<10000x128xf32, #tpu.memory_space<hbm>> -> memref<10000x128xf32, #tpu.memory_space<hbm>>
        tpu.enqueue_indirect_dma source(%dma_start3A_232 : memref<10000x128xf32, #tpu.memory_space<hbm>>) target(%arg10 : memref<100x128xf32, #tpu.memory_space<vmem>>) offsets(%dma_start3A_229 : memref<100xi32, #tpu.memory_space<vmem>>) semaphore(%arg14 : memref<!tpu.dma_semaphore, #tpu.memory_space<semaphore_mem>>)
      } else {
      }
    }
    %scan3A_42 = arith.constant 8 : i32
    %dma_wait3A = arith.constant 24 : i32
    %dma_wait3A_43 = arith.constant 0 : i32
    %dma_wait3A_44 = tpu.memref_slice %arg6[%dma_wait3A, %dma_wait3A_43] : memref<25x100xi32, #tpu.memory_space<vmem>> -> memref<1x100xi32, #tpu.memory_space<vmem>>
    %dma_wait3A_45 = tpu.memref_squeeze %dma_wait3A_44 : memref<1x100xi32, #tpu.memory_space<vmem>> -> memref<100xi32, #tpu.memory_space<vmem>>
    %dma_wait3A_46 = arith.constant 0 : i32
    %dma_wait3A_47 = arith.constant 0 : i32
    %dma_wait3A_48 = tpu.memref_slice %arg2[%dma_wait3A_46, %dma_wait3A_47] : memref<10000x128xf32, #tpu.memory_space<hbm>> -> memref<10000x128xf32, #tpu.memory_space<hbm>>
    tpu.wait_indirect_dma semaphore(%arg12 : memref<!tpu.dma_semaphore, #tpu.memory_space<semaphore_mem>>) src(%dma_wait3A_48 : memref<10000x128xf32, #tpu.memory_space<hbm>>) dst(%arg8 : memref<100x128xf32, #tpu.memory_space<vmem>>)
    %run_scoped3A_49 = arith.constant 24 : i32
    "tpu.region"() ({
      %run_scoped3A_166 = tpu.sem_alloc : memref<!tpu.dma_semaphore, #tpu.memory_space<semaphore_mem>>
      %dma_start3A_167 = arith.constant 0 : i32
      %dma_start3A_168 = tpu.memref_slice %arg7[%run_scoped3A_49, %dma_start3A_167] : memref<25x100xi32, #tpu.memory_space<vmem>> -> memref<1x100xi32, #tpu.memory_space<vmem>>
      %dma_start3A_169 = tpu.memref_squeeze %dma_start3A_168 : memref<1x100xi32, #tpu.memory_space<vmem>> -> memref<100xi32, #tpu.memory_space<vmem>>
      %dma_start3A_170 = arith.constant 0 : i32
      %dma_start3A_171 = arith.constant 0 : i32
      %dma_start3A_172 = tpu.memref_slice %arg11[%dma_start3A_170, %dma_start3A_171] : memref<10240x128xf32, #tpu.memory_space<vmem_shared>> -> memref<10240x128xf32, #tpu.memory_space<vmem_shared>>
      tpu.enqueue_indirect_dma source(%arg8 : memref<100x128xf32, #tpu.memory_space<vmem>>) target(%dma_start3A_172 : memref<10240x128xf32, #tpu.memory_space<vmem_shared>>) offsets(%dma_start3A_169 : memref<100xi32, #tpu.memory_space<vmem>>) semaphore(%run_scoped3A_166 : memref<!tpu.dma_semaphore, #tpu.memory_space<semaphore_mem>>) {add = true}
      %dma_wait3A_173 = arith.constant 0 : i32
      %dma_wait3A_174 = tpu.memref_slice %arg7[%run_scoped3A_49, %dma_wait3A_173] : memref<25x100xi32, #tpu.memory_space<vmem>> -> memref<1x100xi32, #tpu.memory_space<vmem>>
      %dma_wait3A_175 = tpu.memref_squeeze %dma_wait3A_174 : memref<1x100xi32, #tpu.memory_space<vmem>> -> memref<100xi32, #tpu.memory_space<vmem>>
      %dma_wait3A_176 = arith.constant 0 : i32
      %dma_wait3A_177 = arith.constant 0 : i32
      %dma_wait3A_178 = tpu.memref_slice %arg11[%dma_wait3A_176, %dma_wait3A_177] : memref<10240x128xf32, #tpu.memory_space<vmem_shared>> -> memref<10240x128xf32, #tpu.memory_space<vmem_shared>>
      tpu.wait_indirect_dma semaphore(%run_scoped3A_166 : memref<!tpu.dma_semaphore, #tpu.memory_space<semaphore_mem>>) src(%arg8 : memref<100x128xf32, #tpu.memory_space<vmem>>) dst(%dma_wait3A_178 : memref<10240x128xf32, #tpu.memory_space<vmem_shared>>)
      tpu.yield
    }) : () -> ()
    %run_scoped3A_50 = arith.constant 1 : i32
    "tpu.region"() ({
      %run_scoped3A_166 = tpu.sem_alloc : memref<!tpu.dma_semaphore, #tpu.memory_space<semaphore_mem>>
      %dma_start3A_167 = arith.constant 0 : i32
      %dma_start3A_168 = arith.constant 0 : i32
      %dma_start3A_169 = tpu.memref_slice %arg3[%add3A, %run_scoped3A_50, %dma_start3A_167, %dma_start3A_168] : memref<32x4x25x100xi32, #tpu.memory_space<hbm>> -> memref<1x1x25x100xi32, #tpu.memory_space<hbm>>
      %dma_start3A_170 = tpu.memref_squeeze %dma_start3A_169 : memref<1x1x25x100xi32, #tpu.memory_space<hbm>> -> memref<25x100xi32, #tpu.memory_space<hbm>>
      %dma_start3A_171 = arith.constant 0 : i32
      %dma_start3A_172 = arith.constant 0 : i32
      %dma_start3A_173 = tpu.memref_slice %arg3[%add3A, %run_scoped3A_50, %dma_start3A_171, %dma_start3A_172] : memref<32x4x25x100xi32, #tpu.memory_space<hbm>> -> memref<1x1x25x100xi32, #tpu.memory_space<hbm>>
      %dma_start3A_174 = tpu.memref_squeeze %dma_start3A_173 : memref<1x1x25x100xi32, #tpu.memory_space<hbm>> -> memref<25x100xi32, #tpu.memory_space<hbm>>
      tpu.enqueue_dma source(%dma_start3A_174 : memref<25x100xi32, #tpu.memory_space<hbm>>) target(%arg6 : memref<25x100xi32, #tpu.memory_space<vmem>>) target_semaphore(%run_scoped3A_166 : memref<!tpu.dma_semaphore, #tpu.memory_space<semaphore_mem>>)
      %dma_wait3A_175 = arith.constant 0 : i32
      %dma_wait3A_176 = arith.constant 0 : i32
      %dma_wait3A_177 = tpu.memref_slice %arg3[%add3A, %run_scoped3A_50, %dma_wait3A_175, %dma_wait3A_176] : memref<32x4x25x100xi32, #tpu.memory_space<hbm>> -> memref<1x1x25x100xi32, #tpu.memory_space<hbm>>
      %dma_wait3A_178 = tpu.memref_squeeze %dma_wait3A_177 : memref<1x1x25x100xi32, #tpu.memory_space<hbm>> -> memref<25x100xi32, #tpu.memory_space<hbm>>
      %dma_wait3A_179 = arith.constant 0 : i32
      %dma_wait3A_180 = arith.constant 0 : i32
      %dma_wait3A_181 = tpu.memref_slice %arg3[%add3A, %run_scoped3A_50, %dma_wait3A_179, %dma_wait3A_180] : memref<32x4x25x100xi32, #tpu.memory_space<hbm>> -> memref<1x1x25x100xi32, #tpu.memory_space<hbm>>
      %dma_wait3A_182 = tpu.memref_squeeze %dma_wait3A_181 : memref<1x1x25x100xi32, #tpu.memory_space<hbm>> -> memref<25x100xi32, #tpu.memory_space<hbm>>
      tpu.wait_dma2 semaphore(%run_scoped3A_166 : memref<!tpu.dma_semaphore, #tpu.memory_space<semaphore_mem>>) src(%dma_wait3A_182 : memref<25x100xi32, #tpu.memory_space<hbm>>) dst(%arg6 : memref<25x100xi32, #tpu.memory_space<vmem>>)
      tpu.yield
    }) : () -> ()
    %run_scoped3A_51 = arith.constant 1 : i32
    "tpu.region"() ({
      %run_scoped3A_166 = tpu.sem_alloc : memref<!tpu.dma_semaphore, #tpu.memory_space<semaphore_mem>>
      %dma_start3A_167 = arith.constant 0 : i32
      %dma_start3A_168 = arith.constant 0 : i32
      %dma_start3A_169 = tpu.memref_slice %arg4[%add3A, %run_scoped3A_51, %dma_start3A_167, %dma_start3A_168] : memref<32x4x25x100xi32, #tpu.memory_space<hbm>> -> memref<1x1x25x100xi32, #tpu.memory_space<hbm>>
      %dma_start3A_170 = tpu.memref_squeeze %dma_start3A_169 : memref<1x1x25x100xi32, #tpu.memory_space<hbm>> -> memref<25x100xi32, #tpu.memory_space<hbm>>
      %dma_start3A_171 = arith.constant 0 : i32
      %dma_start3A_172 = arith.constant 0 : i32
      %dma_start3A_173 = tpu.memref_slice %arg4[%add3A, %run_scoped3A_51, %dma_start3A_171, %dma_start3A_172] : memref<32x4x25x100xi32, #tpu.memory_space<hbm>> -> memref<1x1x25x100xi32, #tpu.memory_space<hbm>>
      %dma_start3A_174 = tpu.memref_squeeze %dma_start3A_173 : memref<1x1x25x100xi32, #tpu.memory_space<hbm>> -> memref<25x100xi32, #tpu.memory_space<hbm>>
      tpu.enqueue_dma source(%dma_start3A_174 : memref<25x100xi32, #tpu.memory_space<hbm>>) target(%arg7 : memref<25x100xi32, #tpu.memory_space<vmem>>) target_semaphore(%run_scoped3A_166 : memref<!tpu.dma_semaphore, #tpu.memory_space<semaphore_mem>>)
      %dma_wait3A_175 = arith.constant 0 : i32
      %dma_wait3A_176 = arith.constant 0 : i32
      %dma_wait3A_177 = tpu.memref_slice %arg4[%add3A, %run_scoped3A_51, %dma_wait3A_175, %dma_wait3A_176] : memref<32x4x25x100xi32, #tpu.memory_space<hbm>> -> memref<1x1x25x100xi32, #tpu.memory_space<hbm>>
      %dma_wait3A_178 = tpu.memref_squeeze %dma_wait3A_177 : memref<1x1x25x100xi32, #tpu.memory_space<hbm>> -> memref<25x100xi32, #tpu.memory_space<hbm>>
      %dma_wait3A_179 = arith.constant 0 : i32
      %dma_wait3A_180 = arith.constant 0 : i32
      %dma_wait3A_181 = tpu.memref_slice %arg4[%add3A, %run_scoped3A_51, %dma_wait3A_179, %dma_wait3A_180] : memref<32x4x25x100xi32, #tpu.memory_space<hbm>> -> memref<1x1x25x100xi32, #tpu.memory_space<hbm>>
      %dma_wait3A_182 = tpu.memref_squeeze %dma_wait3A_181 : memref<1x1x25x100xi32, #tpu.memory_space<hbm>> -> memref<25x100xi32, #tpu.memory_space<hbm>>
      tpu.wait_dma2 semaphore(%run_scoped3A_166 : memref<!tpu.dma_semaphore, #tpu.memory_space<semaphore_mem>>) src(%dma_wait3A_182 : memref<25x100xi32, #tpu.memory_space<hbm>>) dst(%arg7 : memref<25x100xi32, #tpu.memory_space<vmem>>)
      tpu.yield
    }) : () -> ()
    %dma_start3A_52 = arith.constant 0 : i32
    %dma_start3A_53 = arith.constant 0 : i32
    %dma_start3A_54 = tpu.memref_slice %arg6[%dma_start3A_52, %dma_start3A_53] : memref<25x100xi32, #tpu.memory_space<vmem>> -> memref<1x100xi32, #tpu.memory_space<vmem>>
    %dma_start3A_55 = tpu.memref_squeeze %dma_start3A_54 : memref<1x100xi32, #tpu.memory_space<vmem>> -> memref<100xi32, #tpu.memory_space<vmem>>
    %dma_start3A_56 = arith.constant 0 : i32
    %dma_start3A_57 = arith.constant 0 : i32
    %dma_start3A_58 = tpu.memref_slice %arg2[%dma_start3A_56, %dma_start3A_57] : memref<10000x128xf32, #tpu.memory_space<hbm>> -> memref<10000x128xf32, #tpu.memory_space<hbm>>
    tpu.enqueue_indirect_dma source(%dma_start3A_58 : memref<10000x128xf32, #tpu.memory_space<hbm>>) target(%arg8 : memref<100x128xf32, #tpu.memory_space<vmem>>) offsets(%dma_start3A_55 : memref<100xi32, #tpu.memory_space<vmem>>) semaphore(%arg12 : memref<!tpu.dma_semaphore, #tpu.memory_space<semaphore_mem>>)
    %dma_start3A_59 = arith.constant 1 : i32
    %dma_start3A_60 = arith.constant 0 : i32
    %dma_start3A_61 = tpu.memref_slice %arg6[%dma_start3A_59, %dma_start3A_60] : memref<25x100xi32, #tpu.memory_space<vmem>> -> memref<1x100xi32, #tpu.memory_space<vmem>>
    %dma_start3A_62 = tpu.memref_squeeze %dma_start3A_61 : memref<1x100xi32, #tpu.memory_space<vmem>> -> memref<100xi32, #tpu.memory_space<vmem>>
    %dma_start3A_63 = arith.constant 0 : i32
    %dma_start3A_64 = arith.constant 0 : i32
    %dma_start3A_65 = tpu.memref_slice %arg2[%dma_start3A_63, %dma_start3A_64] : memref<10000x128xf32, #tpu.memory_space<hbm>> -> memref<10000x128xf32, #tpu.memory_space<hbm>>
    tpu.enqueue_indirect_dma source(%dma_start3A_65 : memref<10000x128xf32, #tpu.memory_space<hbm>>) target(%arg9 : memref<100x128xf32, #tpu.memory_space<vmem>>) offsets(%dma_start3A_62 : memref<100xi32, #tpu.memory_space<vmem>>) semaphore(%arg13 : memref<!tpu.dma_semaphore, #tpu.memory_space<semaphore_mem>>)
    %dma_start3A_66 = arith.constant 2 : i32
    %dma_start3A_67 = arith.constant 0 : i32
    %dma_start3A_68 = tpu.memref_slice %arg6[%dma_start3A_66, %dma_start3A_67] : memref<25x100xi32, #tpu.memory_space<vmem>> -> memref<1x100xi32, #tpu.memory_space<vmem>>
    %dma_start3A_69 = tpu.memref_squeeze %dma_start3A_68 : memref<1x100xi32, #tpu.memory_space<vmem>> -> memref<100xi32, #tpu.memory_space<vmem>>
    %dma_start3A_70 = arith.constant 0 : i32
    %dma_start3A_71 = arith.constant 0 : i32
    %dma_start3A_72 = tpu.memref_slice %arg2[%dma_start3A_70, %dma_start3A_71] : memref<10000x128xf32, #tpu.memory_space<hbm>> -> memref<10000x128xf32, #tpu.memory_space<hbm>>
    tpu.enqueue_indirect_dma source(%dma_start3A_72 : memref<10000x128xf32, #tpu.memory_space<hbm>>) target(%arg10 : memref<100x128xf32, #tpu.memory_space<vmem>>) offsets(%dma_start3A_69 : memref<100xi32, #tpu.memory_space<vmem>>) semaphore(%arg14 : memref<!tpu.dma_semaphore, #tpu.memory_space<semaphore_mem>>)
    %scan3A_73 = arith.constant 0 : i32
    %scan3A_74 = arith.constant 0 : i32
    %scan3A_75 = arith.constant 8 : i32
    %scan3A_76 = arith.addi %scan3A_74, %scan3A_75 : i32
    %scan3A_77 = arith.constant 1 : i32
    scf.for %scan3A_166 = %scan3A_74 to %scan3A_76 step %scan3A_77  : i32 {
      %mul3A_167 = arith.constant 3 : i32
      %mul3A_168 = arith.muli %mul3A_167, %scan3A_166 : i32
      %add3A_169 = arith.constant 0 : i32
      %add3A_170 = arith.addi %mul3A_168, %add3A_169 : i32
      %dma_wait3A_171 = arith.constant 0 : i32
      %dma_wait3A_172 = tpu.memref_slice %arg6[%add3A_170, %dma_wait3A_171] : memref<25x100xi32, #tpu.memory_space<vmem>> -> memref<1x100xi32, #tpu.memory_space<vmem>>
      %dma_wait3A_173 = tpu.memref_squeeze %dma_wait3A_172 : memref<1x100xi32, #tpu.memory_space<vmem>> -> memref<100xi32, #tpu.memory_space<vmem>>
      %dma_wait3A_174 = arith.constant 0 : i32
      %dma_wait3A_175 = arith.constant 0 : i32
      %dma_wait3A_176 = tpu.memref_slice %arg2[%dma_wait3A_174, %dma_wait3A_175] : memref<10000x128xf32, #tpu.memory_space<hbm>> -> memref<10000x128xf32, #tpu.memory_space<hbm>>
      tpu.wait_indirect_dma semaphore(%arg12 : memref<!tpu.dma_semaphore, #tpu.memory_space<semaphore_mem>>) src(%dma_wait3A_176 : memref<10000x128xf32, #tpu.memory_space<hbm>>) dst(%arg8 : memref<100x128xf32, #tpu.memory_space<vmem>>)
      %add3A_177 = arith.constant 0 : i32
      %add3A_178 = arith.addi %mul3A_168, %add3A_177 : i32
      "tpu.region"() ({
        %run_scoped3A_223 = tpu.sem_alloc : memref<!tpu.dma_semaphore, #tpu.memory_space<semaphore_mem>>
        %dma_start3A_224 = arith.constant 0 : i32
        %dma_start3A_225 = tpu.memref_slice %arg7[%add3A_178, %dma_start3A_224] : memref<25x100xi32, #tpu.memory_space<vmem>> -> memref<1x100xi32, #tpu.memory_space<vmem>>
        %dma_start3A_226 = tpu.memref_squeeze %dma_start3A_225 : memref<1x100xi32, #tpu.memory_space<vmem>> -> memref<100xi32, #tpu.memory_space<vmem>>
        %dma_start3A_227 = arith.constant 0 : i32
        %dma_start3A_228 = arith.constant 0 : i32
        %dma_start3A_229 = tpu.memref_slice %arg11[%dma_start3A_227, %dma_start3A_228] : memref<10240x128xf32, #tpu.memory_space<vmem_shared>> -> memref<10240x128xf32, #tpu.memory_space<vmem_shared>>
        tpu.enqueue_indirect_dma source(%arg8 : memref<100x128xf32, #tpu.memory_space<vmem>>) target(%dma_start3A_229 : memref<10240x128xf32, #tpu.memory_space<vmem_shared>>) offsets(%dma_start3A_226 : memref<100xi32, #tpu.memory_space<vmem>>) semaphore(%run_scoped3A_223 : memref<!tpu.dma_semaphore, #tpu.memory_space<semaphore_mem>>) {add = true}
        %dma_wait3A_230 = arith.constant 0 : i32
        %dma_wait3A_231 = tpu.memref_slice %arg7[%add3A_178, %dma_wait3A_230] : memref<25x100xi32, #tpu.memory_space<vmem>> -> memref<1x100xi32, #tpu.memory_space<vmem>>
        %dma_wait3A_232 = tpu.memref_squeeze %dma_wait3A_231 : memref<1x100xi32, #tpu.memory_space<vmem>> -> memref<100xi32, #tpu.memory_space<vmem>>
        %dma_wait3A_233 = arith.constant 0 : i32
        %dma_wait3A_234 = arith.constant 0 : i32
        %dma_wait3A_235 = tpu.memref_slice %arg11[%dma_wait3A_233, %dma_wait3A_234] : memref<10240x128xf32, #tpu.memory_space<vmem_shared>> -> memref<10240x128xf32, #tpu.memory_space<vmem_shared>>
        tpu.wait_indirect_dma semaphore(%run_scoped3A_223 : memref<!tpu.dma_semaphore, #tpu.memory_space<semaphore_mem>>) src(%arg8 : memref<100x128xf32, #tpu.memory_space<vmem>>) dst(%dma_wait3A_235 : memref<10240x128xf32, #tpu.memory_space<vmem_shared>>)
        tpu.yield
      }) : () -> ()
      %add3A_179 = arith.constant 0 : i32
      %add3A_180 = arith.addi %mul3A_168, %add3A_179 : i32
      %add3A_181 = arith.constant 3 : i32
      %add3A_182 = arith.addi %add3A_180, %add3A_181 : i32
      %lt3A = arith.constant 25 : i32
      %lt3A_183 = arith.cmpi slt, %add3A_182, %lt3A : i32
      %convert_element_type3A = arith.extui %lt3A_183 : i1 to i32
      %cond3A = arith.constant 0 : i32
      %cond3A_184 = arith.cmpi ne, %convert_element_type3A, %cond3A : i32
      scf.if %cond3A_184 {
        %add3A_223 = arith.constant 0 : i32
        %add3A_224 = arith.addi %mul3A_168, %add3A_223 : i32
        %add3A_225 = arith.constant 3 : i32
        %add3A_226 = arith.addi %add3A_224, %add3A_225 : i32
        %dma_start3A_227 = arith.constant 0 : i32
        %dma_start3A_228 = tpu.memref_slice %arg6[%add3A_226, %dma_start3A_227] : memref<25x100xi32, #tpu.memory_space<vmem>> -> memref<1x100xi32, #tpu.memory_space<vmem>>
        %dma_start3A_229 = tpu.memref_squeeze %dma_start3A_228 : memref<1x100xi32, #tpu.memory_space<vmem>> -> memref<100xi32, #tpu.memory_space<vmem>>
        %dma_start3A_230 = arith.constant 0 : i32
        %dma_start3A_231 = arith.constant 0 : i32
        %dma_start3A_232 = tpu.memref_slice %arg2[%dma_start3A_230, %dma_start3A_231] : memref<10000x128xf32, #tpu.memory_space<hbm>> -> memref<10000x128xf32, #tpu.memory_space<hbm>>
        tpu.enqueue_indirect_dma source(%dma_start3A_232 : memref<10000x128xf32, #tpu.memory_space<hbm>>) target(%arg8 : memref<100x128xf32, #tpu.memory_space<vmem>>) offsets(%dma_start3A_229 : memref<100xi32, #tpu.memory_space<vmem>>) semaphore(%arg12 : memref<!tpu.dma_semaphore, #tpu.memory_space<semaphore_mem>>)
      } else {
      }
      %add3A_185 = arith.constant 1 : i32
      %add3A_186 = arith.addi %mul3A_168, %add3A_185 : i32
      %dma_wait3A_187 = arith.constant 0 : i32
      %dma_wait3A_188 = tpu.memref_slice %arg6[%add3A_186, %dma_wait3A_187] : memref<25x100xi32, #tpu.memory_space<vmem>> -> memref<1x100xi32, #tpu.memory_space<vmem>>
      %dma_wait3A_189 = tpu.memref_squeeze %dma_wait3A_188 : memref<1x100xi32, #tpu.memory_space<vmem>> -> memref<100xi32, #tpu.memory_space<vmem>>
      %dma_wait3A_190 = arith.constant 0 : i32
      %dma_wait3A_191 = arith.constant 0 : i32
      %dma_wait3A_192 = tpu.memref_slice %arg2[%dma_wait3A_190, %dma_wait3A_191] : memref<10000x128xf32, #tpu.memory_space<hbm>> -> memref<10000x128xf32, #tpu.memory_space<hbm>>
      tpu.wait_indirect_dma semaphore(%arg13 : memref<!tpu.dma_semaphore, #tpu.memory_space<semaphore_mem>>) src(%dma_wait3A_192 : memref<10000x128xf32, #tpu.memory_space<hbm>>) dst(%arg9 : memref<100x128xf32, #tpu.memory_space<vmem>>)
      %add3A_193 = arith.constant 1 : i32
      %add3A_194 = arith.addi %mul3A_168, %add3A_193 : i32
      "tpu.region"() ({
        %run_scoped3A_223 = tpu.sem_alloc : memref<!tpu.dma_semaphore, #tpu.memory_space<semaphore_mem>>
        %dma_start3A_224 = arith.constant 0 : i32
        %dma_start3A_225 = tpu.memref_slice %arg7[%add3A_194, %dma_start3A_224] : memref<25x100xi32, #tpu.memory_space<vmem>> -> memref<1x100xi32, #tpu.memory_space<vmem>>
        %dma_start3A_226 = tpu.memref_squeeze %dma_start3A_225 : memref<1x100xi32, #tpu.memory_space<vmem>> -> memref<100xi32, #tpu.memory_space<vmem>>
        %dma_start3A_227 = arith.constant 0 : i32
        %dma_start3A_228 = arith.constant 0 : i32
        %dma_start3A_229 = tpu.memref_slice %arg11[%dma_start3A_227, %dma_start3A_228] : memref<10240x128xf32, #tpu.memory_space<vmem_shared>> -> memref<10240x128xf32, #tpu.memory_space<vmem_shared>>
        tpu.enqueue_indirect_dma source(%arg9 : memref<100x128xf32, #tpu.memory_space<vmem>>) target(%dma_start3A_229 : memref<10240x128xf32, #tpu.memory_space<vmem_shared>>) offsets(%dma_start3A_226 : memref<100xi32, #tpu.memory_space<vmem>>) semaphore(%run_scoped3A_223 : memref<!tpu.dma_semaphore, #tpu.memory_space<semaphore_mem>>) {add = true}
        %dma_wait3A_230 = arith.constant 0 : i32
        %dma_wait3A_231 = tpu.memref_slice %arg7[%add3A_194, %dma_wait3A_230] : memref<25x100xi32, #tpu.memory_space<vmem>> -> memref<1x100xi32, #tpu.memory_space<vmem>>
        %dma_wait3A_232 = tpu.memref_squeeze %dma_wait3A_231 : memref<1x100xi32, #tpu.memory_space<vmem>> -> memref<100xi32, #tpu.memory_space<vmem>>
        %dma_wait3A_233 = arith.constant 0 : i32
        %dma_wait3A_234 = arith.constant 0 : i32
        %dma_wait3A_235 = tpu.memref_slice %arg11[%dma_wait3A_233, %dma_wait3A_234] : memref<10240x128xf32, #tpu.memory_space<vmem_shared>> -> memref<10240x128xf32, #tpu.memory_space<vmem_shared>>
        tpu.wait_indirect_dma semaphore(%run_scoped3A_223 : memref<!tpu.dma_semaphore, #tpu.memory_space<semaphore_mem>>) src(%arg9 : memref<100x128xf32, #tpu.memory_space<vmem>>) dst(%dma_wait3A_235 : memref<10240x128xf32, #tpu.memory_space<vmem_shared>>)
        tpu.yield
      }) : () -> ()
      %add3A_195 = arith.constant 1 : i32
      %add3A_196 = arith.addi %mul3A_168, %add3A_195 : i32
      %add3A_197 = arith.constant 3 : i32
      %add3A_198 = arith.addi %add3A_196, %add3A_197 : i32
      %lt3A_199 = arith.constant 25 : i32
      %lt3A_200 = arith.cmpi slt, %add3A_198, %lt3A_199 : i32
      %convert_element_type3A_201 = arith.extui %lt3A_200 : i1 to i32
      %cond3A_202 = arith.constant 0 : i32
      %cond3A_203 = arith.cmpi ne, %convert_element_type3A_201, %cond3A_202 : i32
      scf.if %cond3A_203 {
        %add3A_223 = arith.constant 1 : i32
        %add3A_224 = arith.addi %mul3A_168, %add3A_223 : i32
        %add3A_225 = arith.constant 3 : i32
        %add3A_226 = arith.addi %add3A_224, %add3A_225 : i32
        %dma_start3A_227 = arith.constant 0 : i32
        %dma_start3A_228 = tpu.memref_slice %arg6[%add3A_226, %dma_start3A_227] : memref<25x100xi32, #tpu.memory_space<vmem>> -> memref<1x100xi32, #tpu.memory_space<vmem>>
        %dma_start3A_229 = tpu.memref_squeeze %dma_start3A_228 : memref<1x100xi32, #tpu.memory_space<vmem>> -> memref<100xi32, #tpu.memory_space<vmem>>
        %dma_start3A_230 = arith.constant 0 : i32
        %dma_start3A_231 = arith.constant 0 : i32
        %dma_start3A_232 = tpu.memref_slice %arg2[%dma_start3A_230, %dma_start3A_231] : memref<10000x128xf32, #tpu.memory_space<hbm>> -> memref<10000x128xf32, #tpu.memory_space<hbm>>
        tpu.enqueue_indirect_dma source(%dma_start3A_232 : memref<10000x128xf32, #tpu.memory_space<hbm>>) target(%arg9 : memref<100x128xf32, #tpu.memory_space<vmem>>) offsets(%dma_start3A_229 : memref<100xi32, #tpu.memory_space<vmem>>) semaphore(%arg13 : memref<!tpu.dma_semaphore, #tpu.memory_space<semaphore_mem>>)
      } else {
      }
      %add3A_204 = arith.constant 2 : i32
      %add3A_205 = arith.addi %mul3A_168, %add3A_204 : i32
      %dma_wait3A_206 = arith.constant 0 : i32
      %dma_wait3A_207 = tpu.memref_slice %arg6[%add3A_205, %dma_wait3A_206] : memref<25x100xi32, #tpu.memory_space<vmem>> -> memref<1x100xi32, #tpu.memory_space<vmem>>
      %dma_wait3A_208 = tpu.memref_squeeze %dma_wait3A_207 : memref<1x100xi32, #tpu.memory_space<vmem>> -> memref<100xi32, #tpu.memory_space<vmem>>
      %dma_wait3A_209 = arith.constant 0 : i32
      %dma_wait3A_210 = arith.constant 0 : i32
      %dma_wait3A_211 = tpu.memref_slice %arg2[%dma_wait3A_209, %dma_wait3A_210] : memref<10000x128xf32, #tpu.memory_space<hbm>> -> memref<10000x128xf32, #tpu.memory_space<hbm>>
      tpu.wait_indirect_dma semaphore(%arg14 : memref<!tpu.dma_semaphore, #tpu.memory_space<semaphore_mem>>) src(%dma_wait3A_211 : memref<10000x128xf32, #tpu.memory_space<hbm>>) dst(%arg10 : memref<100x128xf32, #tpu.memory_space<vmem>>)
      %add3A_212 = arith.constant 2 : i32
      %add3A_213 = arith.addi %mul3A_168, %add3A_212 : i32
      "tpu.region"() ({
        %run_scoped3A_223 = tpu.sem_alloc : memref<!tpu.dma_semaphore, #tpu.memory_space<semaphore_mem>>
        %dma_start3A_224 = arith.constant 0 : i32
        %dma_start3A_225 = tpu.memref_slice %arg7[%add3A_213, %dma_start3A_224] : memref<25x100xi32, #tpu.memory_space<vmem>> -> memref<1x100xi32, #tpu.memory_space<vmem>>
        %dma_start3A_226 = tpu.memref_squeeze %dma_start3A_225 : memref<1x100xi32, #tpu.memory_space<vmem>> -> memref<100xi32, #tpu.memory_space<vmem>>
        %dma_start3A_227 = arith.constant 0 : i32
        %dma_start3A_228 = arith.constant 0 : i32
        %dma_start3A_229 = tpu.memref_slice %arg11[%dma_start3A_227, %dma_start3A_228] : memref<10240x128xf32, #tpu.memory_space<vmem_shared>> -> memref<10240x128xf32, #tpu.memory_space<vmem_shared>>
        tpu.enqueue_indirect_dma source(%arg10 : memref<100x128xf32, #tpu.memory_space<vmem>>) target(%dma_start3A_229 : memref<10240x128xf32, #tpu.memory_space<vmem_shared>>) offsets(%dma_start3A_226 : memref<100xi32, #tpu.memory_space<vmem>>) semaphore(%run_scoped3A_223 : memref<!tpu.dma_semaphore, #tpu.memory_space<semaphore_mem>>) {add = true}
        %dma_wait3A_230 = arith.constant 0 : i32
        %dma_wait3A_231 = tpu.memref_slice %arg7[%add3A_213, %dma_wait3A_230] : memref<25x100xi32, #tpu.memory_space<vmem>> -> memref<1x100xi32, #tpu.memory_space<vmem>>
        %dma_wait3A_232 = tpu.memref_squeeze %dma_wait3A_231 : memref<1x100xi32, #tpu.memory_space<vmem>> -> memref<100xi32, #tpu.memory_space<vmem>>
        %dma_wait3A_233 = arith.constant 0 : i32
        %dma_wait3A_234 = arith.constant 0 : i32
        %dma_wait3A_235 = tpu.memref_slice %arg11[%dma_wait3A_233, %dma_wait3A_234] : memref<10240x128xf32, #tpu.memory_space<vmem_shared>> -> memref<10240x128xf32, #tpu.memory_space<vmem_shared>>
        tpu.wait_indirect_dma semaphore(%run_scoped3A_223 : memref<!tpu.dma_semaphore, #tpu.memory_space<semaphore_mem>>) src(%arg10 : memref<100x128xf32, #tpu.memory_space<vmem>>) dst(%dma_wait3A_235 : memref<10240x128xf32, #tpu.memory_space<vmem_shared>>)
        tpu.yield
      }) : () -> ()
      %add3A_214 = arith.constant 2 : i32
      %add3A_215 = arith.addi %mul3A_168, %add3A_214 : i32
      %add3A_216 = arith.constant 3 : i32
      %add3A_217 = arith.addi %add3A_215, %add3A_216 : i32
      %lt3A_218 = arith.constant 25 : i32
      %lt3A_219 = arith.cmpi slt, %add3A_217, %lt3A_218 : i32
      %convert_element_type3A_220 = arith.extui %lt3A_219 : i1 to i32
      %cond3A_221 = arith.constant 0 : i32
      %cond3A_222 = arith.cmpi ne, %convert_element_type3A_220, %cond3A_221 : i32
      scf.if %cond3A_222 {
        %add3A_223 = arith.constant 2 : i32
        %add3A_224 = arith.addi %mul3A_168, %add3A_223 : i32
        %add3A_225 = arith.constant 3 : i32
        %add3A_226 = arith.addi %add3A_224, %add3A_225 : i32
        %dma_start3A_227 = arith.constant 0 : i32
        %dma_start3A_228 = tpu.memref_slice %arg6[%add3A_226, %dma_start3A_227] : memref<25x100xi32, #tpu.memory_space<vmem>> -> memref<1x100xi32, #tpu.memory_space<vmem>>
        %dma_start3A_229 = tpu.memref_squeeze %dma_start3A_228 : memref<1x100xi32, #tpu.memory_space<vmem>> -> memref<100xi32, #tpu.memory_space<vmem>>
        %dma_start3A_230 = arith.constant 0 : i32
        %dma_start3A_231 = arith.constant 0 : i32
        %dma_start3A_232 = tpu.memref_slice %arg2[%dma_start3A_230, %dma_start3A_231] : memref<10000x128xf32, #tpu.memory_space<hbm>> -> memref<10000x128xf32, #tpu.memory_space<hbm>>
        tpu.enqueue_indirect_dma source(%dma_start3A_232 : memref<10000x128xf32, #tpu.memory_space<hbm>>) target(%arg10 : memref<100x128xf32, #tpu.memory_space<vmem>>) offsets(%dma_start3A_229 : memref<100xi32, #tpu.memory_space<vmem>>) semaphore(%arg14 : memref<!tpu.dma_semaphore, #tpu.memory_space<semaphore_mem>>)
      } else {
      }
    }
    %scan3A_78 = arith.constant 8 : i32
    %dma_wait3A_79 = arith.constant 24 : i32
    %dma_wait3A_80 = arith.constant 0 : i32
    %dma_wait3A_81 = tpu.memref_slice %arg6[%dma_wait3A_79, %dma_wait3A_80] : memref<25x100xi32, #tpu.memory_space<vmem>> -> memref<1x100xi32, #tpu.memory_space<vmem>>
    %dma_wait3A_82 = tpu.memref_squeeze %dma_wait3A_81 : memref<1x100xi32, #tpu.memory_space<vmem>> -> memref<100xi32, #tpu.memory_space<vmem>>
    %dma_wait3A_83 = arith.constant 0 : i32
    %dma_wait3A_84 = arith.constant 0 : i32
    %dma_wait3A_85 = tpu.memref_slice %arg2[%dma_wait3A_83, %dma_wait3A_84] : memref<10000x128xf32, #tpu.memory_space<hbm>> -> memref<10000x128xf32, #tpu.memory_space<hbm>>
    tpu.wait_indirect_dma semaphore(%arg12 : memref<!tpu.dma_semaphore, #tpu.memory_space<semaphore_mem>>) src(%dma_wait3A_85 : memref<10000x128xf32, #tpu.memory_space<hbm>>) dst(%arg8 : memref<100x128xf32, #tpu.memory_space<vmem>>)
    %run_scoped3A_86 = arith.constant 24 : i32
    "tpu.region"() ({
      %run_scoped3A_166 = tpu.sem_alloc : memref<!tpu.dma_semaphore, #tpu.memory_space<semaphore_mem>>
      %dma_start3A_167 = arith.constant 0 : i32
      %dma_start3A_168 = tpu.memref_slice %arg7[%run_scoped3A_86, %dma_start3A_167] : memref<25x100xi32, #tpu.memory_space<vmem>> -> memref<1x100xi32, #tpu.memory_space<vmem>>
      %dma_start3A_169 = tpu.memref_squeeze %dma_start3A_168 : memref<1x100xi32, #tpu.memory_space<vmem>> -> memref<100xi32, #tpu.memory_space<vmem>>
      %dma_start3A_170 = arith.constant 0 : i32
      %dma_start3A_171 = arith.constant 0 : i32
      %dma_start3A_172 = tpu.memref_slice %arg11[%dma_start3A_170, %dma_start3A_171] : memref<10240x128xf32, #tpu.memory_space<vmem_shared>> -> memref<10240x128xf32, #tpu.memory_space<vmem_shared>>
      tpu.enqueue_indirect_dma source(%arg8 : memref<100x128xf32, #tpu.memory_space<vmem>>) target(%dma_start3A_172 : memref<10240x128xf32, #tpu.memory_space<vmem_shared>>) offsets(%dma_start3A_169 : memref<100xi32, #tpu.memory_space<vmem>>) semaphore(%run_scoped3A_166 : memref<!tpu.dma_semaphore, #tpu.memory_space<semaphore_mem>>) {add = true}
      %dma_wait3A_173 = arith.constant 0 : i32
      %dma_wait3A_174 = tpu.memref_slice %arg7[%run_scoped3A_86, %dma_wait3A_173] : memref<25x100xi32, #tpu.memory_space<vmem>> -> memref<1x100xi32, #tpu.memory_space<vmem>>
      %dma_wait3A_175 = tpu.memref_squeeze %dma_wait3A_174 : memref<1x100xi32, #tpu.memory_space<vmem>> -> memref<100xi32, #tpu.memory_space<vmem>>
      %dma_wait3A_176 = arith.constant 0 : i32
      %dma_wait3A_177 = arith.constant 0 : i32
      %dma_wait3A_178 = tpu.memref_slice %arg11[%dma_wait3A_176, %dma_wait3A_177] : memref<10240x128xf32, #tpu.memory_space<vmem_shared>> -> memref<10240x128xf32, #tpu.memory_space<vmem_shared>>
      tpu.wait_indirect_dma semaphore(%run_scoped3A_166 : memref<!tpu.dma_semaphore, #tpu.memory_space<semaphore_mem>>) src(%arg8 : memref<100x128xf32, #tpu.memory_space<vmem>>) dst(%dma_wait3A_178 : memref<10240x128xf32, #tpu.memory_space<vmem_shared>>)
      tpu.yield
    }) : () -> ()
    %run_scoped3A_87 = arith.constant 2 : i32
    "tpu.region"() ({
      %run_scoped3A_166 = tpu.sem_alloc : memref<!tpu.dma_semaphore, #tpu.memory_space<semaphore_mem>>
      %dma_start3A_167 = arith.constant 0 : i32
      %dma_start3A_168 = arith.constant 0 : i32
      %dma_start3A_169 = tpu.memref_slice %arg3[%add3A, %run_scoped3A_87, %dma_start3A_167, %dma_start3A_168] : memref<32x4x25x100xi32, #tpu.memory_space<hbm>> -> memref<1x1x25x100xi32, #tpu.memory_space<hbm>>
      %dma_start3A_170 = tpu.memref_squeeze %dma_start3A_169 : memref<1x1x25x100xi32, #tpu.memory_space<hbm>> -> memref<25x100xi32, #tpu.memory_space<hbm>>
      %dma_start3A_171 = arith.constant 0 : i32
      %dma_start3A_172 = arith.constant 0 : i32
      %dma_start3A_173 = tpu.memref_slice %arg3[%add3A, %run_scoped3A_87, %dma_start3A_171, %dma_start3A_172] : memref<32x4x25x100xi32, #tpu.memory_space<hbm>> -> memref<1x1x25x100xi32, #tpu.memory_space<hbm>>
      %dma_start3A_174 = tpu.memref_squeeze %dma_start3A_173 : memref<1x1x25x100xi32, #tpu.memory_space<hbm>> -> memref<25x100xi32, #tpu.memory_space<hbm>>
      tpu.enqueue_dma source(%dma_start3A_174 : memref<25x100xi32, #tpu.memory_space<hbm>>) target(%arg6 : memref<25x100xi32, #tpu.memory_space<vmem>>) target_semaphore(%run_scoped3A_166 : memref<!tpu.dma_semaphore, #tpu.memory_space<semaphore_mem>>)
      %dma_wait3A_175 = arith.constant 0 : i32
      %dma_wait3A_176 = arith.constant 0 : i32
      %dma_wait3A_177 = tpu.memref_slice %arg3[%add3A, %run_scoped3A_87, %dma_wait3A_175, %dma_wait3A_176] : memref<32x4x25x100xi32, #tpu.memory_space<hbm>> -> memref<1x1x25x100xi32, #tpu.memory_space<hbm>>
      %dma_wait3A_178 = tpu.memref_squeeze %dma_wait3A_177 : memref<1x1x25x100xi32, #tpu.memory_space<hbm>> -> memref<25x100xi32, #tpu.memory_space<hbm>>
      %dma_wait3A_179 = arith.constant 0 : i32
      %dma_wait3A_180 = arith.constant 0 : i32
      %dma_wait3A_181 = tpu.memref_slice %arg3[%add3A, %run_scoped3A_87, %dma_wait3A_179, %dma_wait3A_180] : memref<32x4x25x100xi32, #tpu.memory_space<hbm>> -> memref<1x1x25x100xi32, #tpu.memory_space<hbm>>
      %dma_wait3A_182 = tpu.memref_squeeze %dma_wait3A_181 : memref<1x1x25x100xi32, #tpu.memory_space<hbm>> -> memref<25x100xi32, #tpu.memory_space<hbm>>
      tpu.wait_dma2 semaphore(%run_scoped3A_166 : memref<!tpu.dma_semaphore, #tpu.memory_space<semaphore_mem>>) src(%dma_wait3A_182 : memref<25x100xi32, #tpu.memory_space<hbm>>) dst(%arg6 : memref<25x100xi32, #tpu.memory_space<vmem>>)
      tpu.yield
    }) : () -> ()
    %run_scoped3A_88 = arith.constant 2 : i32
    "tpu.region"() ({
      %run_scoped3A_166 = tpu.sem_alloc : memref<!tpu.dma_semaphore, #tpu.memory_space<semaphore_mem>>
      %dma_start3A_167 = arith.constant 0 : i32
      %dma_start3A_168 = arith.constant 0 : i32
      %dma_start3A_169 = tpu.memref_slice %arg4[%add3A, %run_scoped3A_88, %dma_start3A_167, %dma_start3A_168] : memref<32x4x25x100xi32, #tpu.memory_space<hbm>> -> memref<1x1x25x100xi32, #tpu.memory_space<hbm>>
      %dma_start3A_170 = tpu.memref_squeeze %dma_start3A_169 : memref<1x1x25x100xi32, #tpu.memory_space<hbm>> -> memref<25x100xi32, #tpu.memory_space<hbm>>
      %dma_start3A_171 = arith.constant 0 : i32
      %dma_start3A_172 = arith.constant 0 : i32
      %dma_start3A_173 = tpu.memref_slice %arg4[%add3A, %run_scoped3A_88, %dma_start3A_171, %dma_start3A_172] : memref<32x4x25x100xi32, #tpu.memory_space<hbm>> -> memref<1x1x25x100xi32, #tpu.memory_space<hbm>>
      %dma_start3A_174 = tpu.memref_squeeze %dma_start3A_173 : memref<1x1x25x100xi32, #tpu.memory_space<hbm>> -> memref<25x100xi32, #tpu.memory_space<hbm>>
      tpu.enqueue_dma source(%dma_start3A_174 : memref<25x100xi32, #tpu.memory_space<hbm>>) target(%arg7 : memref<25x100xi32, #tpu.memory_space<vmem>>) target_semaphore(%run_scoped3A_166 : memref<!tpu.dma_semaphore, #tpu.memory_space<semaphore_mem>>)
      %dma_wait3A_175 = arith.constant 0 : i32
      %dma_wait3A_176 = arith.constant 0 : i32
      %dma_wait3A_177 = tpu.memref_slice %arg4[%add3A, %run_scoped3A_88, %dma_wait3A_175, %dma_wait3A_176] : memref<32x4x25x100xi32, #tpu.memory_space<hbm>> -> memref<1x1x25x100xi32, #tpu.memory_space<hbm>>
      %dma_wait3A_178 = tpu.memref_squeeze %dma_wait3A_177 : memref<1x1x25x100xi32, #tpu.memory_space<hbm>> -> memref<25x100xi32, #tpu.memory_space<hbm>>
      %dma_wait3A_179 = arith.constant 0 : i32
      %dma_wait3A_180 = arith.constant 0 : i32
      %dma_wait3A_181 = tpu.memref_slice %arg4[%add3A, %run_scoped3A_88, %dma_wait3A_179, %dma_wait3A_180] : memref<32x4x25x100xi32, #tpu.memory_space<hbm>> -> memref<1x1x25x100xi32, #tpu.memory_space<hbm>>
      %dma_wait3A_182 = tpu.memref_squeeze %dma_wait3A_181 : memref<1x1x25x100xi32, #tpu.memory_space<hbm>> -> memref<25x100xi32, #tpu.memory_space<hbm>>
      tpu.wait_dma2 semaphore(%run_scoped3A_166 : memref<!tpu.dma_semaphore, #tpu.memory_space<semaphore_mem>>) src(%dma_wait3A_182 : memref<25x100xi32, #tpu.memory_space<hbm>>) dst(%arg7 : memref<25x100xi32, #tpu.memory_space<vmem>>)
      tpu.yield
    }) : () -> ()
    %dma_start3A_89 = arith.constant 0 : i32
    %dma_start3A_90 = arith.constant 0 : i32
    %dma_start3A_91 = tpu.memref_slice %arg6[%dma_start3A_89, %dma_start3A_90] : memref<25x100xi32, #tpu.memory_space<vmem>> -> memref<1x100xi32, #tpu.memory_space<vmem>>
    %dma_start3A_92 = tpu.memref_squeeze %dma_start3A_91 : memref<1x100xi32, #tpu.memory_space<vmem>> -> memref<100xi32, #tpu.memory_space<vmem>>
    %dma_start3A_93 = arith.constant 0 : i32
    %dma_start3A_94 = arith.constant 0 : i32
    %dma_start3A_95 = tpu.memref_slice %arg2[%dma_start3A_93, %dma_start3A_94] : memref<10000x128xf32, #tpu.memory_space<hbm>> -> memref<10000x128xf32, #tpu.memory_space<hbm>>
    tpu.enqueue_indirect_dma source(%dma_start3A_95 : memref<10000x128xf32, #tpu.memory_space<hbm>>) target(%arg8 : memref<100x128xf32, #tpu.memory_space<vmem>>) offsets(%dma_start3A_92 : memref<100xi32, #tpu.memory_space<vmem>>) semaphore(%arg12 : memref<!tpu.dma_semaphore, #tpu.memory_space<semaphore_mem>>)
    %dma_start3A_96 = arith.constant 1 : i32
    %dma_start3A_97 = arith.constant 0 : i32
    %dma_start3A_98 = tpu.memref_slice %arg6[%dma_start3A_96, %dma_start3A_97] : memref<25x100xi32, #tpu.memory_space<vmem>> -> memref<1x100xi32, #tpu.memory_space<vmem>>
    %dma_start3A_99 = tpu.memref_squeeze %dma_start3A_98 : memref<1x100xi32, #tpu.memory_space<vmem>> -> memref<100xi32, #tpu.memory_space<vmem>>
    %dma_start3A_100 = arith.constant 0 : i32
    %dma_start3A_101 = arith.constant 0 : i32
    %dma_start3A_102 = tpu.memref_slice %arg2[%dma_start3A_100, %dma_start3A_101] : memref<10000x128xf32, #tpu.memory_space<hbm>> -> memref<10000x128xf32, #tpu.memory_space<hbm>>
    tpu.enqueue_indirect_dma source(%dma_start3A_102 : memref<10000x128xf32, #tpu.memory_space<hbm>>) target(%arg9 : memref<100x128xf32, #tpu.memory_space<vmem>>) offsets(%dma_start3A_99 : memref<100xi32, #tpu.memory_space<vmem>>) semaphore(%arg13 : memref<!tpu.dma_semaphore, #tpu.memory_space<semaphore_mem>>)
    %dma_start3A_103 = arith.constant 2 : i32
    %dma_start3A_104 = arith.constant 0 : i32
    %dma_start3A_105 = tpu.memref_slice %arg6[%dma_start3A_103, %dma_start3A_104] : memref<25x100xi32, #tpu.memory_space<vmem>> -> memref<1x100xi32, #tpu.memory_space<vmem>>
    %dma_start3A_106 = tpu.memref_squeeze %dma_start3A_105 : memref<1x100xi32, #tpu.memory_space<vmem>> -> memref<100xi32, #tpu.memory_space<vmem>>
    %dma_start3A_107 = arith.constant 0 : i32
    %dma_start3A_108 = arith.constant 0 : i32
    %dma_start3A_109 = tpu.memref_slice %arg2[%dma_start3A_107, %dma_start3A_108] : memref<10000x128xf32, #tpu.memory_space<hbm>> -> memref<10000x128xf32, #tpu.memory_space<hbm>>
    tpu.enqueue_indirect_dma source(%dma_start3A_109 : memref<10000x128xf32, #tpu.memory_space<hbm>>) target(%arg10 : memref<100x128xf32, #tpu.memory_space<vmem>>) offsets(%dma_start3A_106 : memref<100xi32, #tpu.memory_space<vmem>>) semaphore(%arg14 : memref<!tpu.dma_semaphore, #tpu.memory_space<semaphore_mem>>)
    %scan3A_110 = arith.constant 0 : i32
    %scan3A_111 = arith.constant 0 : i32
    %scan3A_112 = arith.constant 8 : i32
    %scan3A_113 = arith.addi %scan3A_111, %scan3A_112 : i32
    %scan3A_114 = arith.constant 1 : i32
    scf.for %scan3A_166 = %scan3A_111 to %scan3A_113 step %scan3A_114  : i32 {
      %mul3A_167 = arith.constant 3 : i32
      %mul3A_168 = arith.muli %mul3A_167, %scan3A_166 : i32
      %add3A_169 = arith.constant 0 : i32
      %add3A_170 = arith.addi %mul3A_168, %add3A_169 : i32
      %dma_wait3A_171 = arith.constant 0 : i32
      %dma_wait3A_172 = tpu.memref_slice %arg6[%add3A_170, %dma_wait3A_171] : memref<25x100xi32, #tpu.memory_space<vmem>> -> memref<1x100xi32, #tpu.memory_space<vmem>>
      %dma_wait3A_173 = tpu.memref_squeeze %dma_wait3A_172 : memref<1x100xi32, #tpu.memory_space<vmem>> -> memref<100xi32, #tpu.memory_space<vmem>>
      %dma_wait3A_174 = arith.constant 0 : i32
      %dma_wait3A_175 = arith.constant 0 : i32
      %dma_wait3A_176 = tpu.memref_slice %arg2[%dma_wait3A_174, %dma_wait3A_175] : memref<10000x128xf32, #tpu.memory_space<hbm>> -> memref<10000x128xf32, #tpu.memory_space<hbm>>
      tpu.wait_indirect_dma semaphore(%arg12 : memref<!tpu.dma_semaphore, #tpu.memory_space<semaphore_mem>>) src(%dma_wait3A_176 : memref<10000x128xf32, #tpu.memory_space<hbm>>) dst(%arg8 : memref<100x128xf32, #tpu.memory_space<vmem>>)
      %add3A_177 = arith.constant 0 : i32
      %add3A_178 = arith.addi %mul3A_168, %add3A_177 : i32
      "tpu.region"() ({
        %run_scoped3A_223 = tpu.sem_alloc : memref<!tpu.dma_semaphore, #tpu.memory_space<semaphore_mem>>
        %dma_start3A_224 = arith.constant 0 : i32
        %dma_start3A_225 = tpu.memref_slice %arg7[%add3A_178, %dma_start3A_224] : memref<25x100xi32, #tpu.memory_space<vmem>> -> memref<1x100xi32, #tpu.memory_space<vmem>>
        %dma_start3A_226 = tpu.memref_squeeze %dma_start3A_225 : memref<1x100xi32, #tpu.memory_space<vmem>> -> memref<100xi32, #tpu.memory_space<vmem>>
        %dma_start3A_227 = arith.constant 0 : i32
        %dma_start3A_228 = arith.constant 0 : i32
        %dma_start3A_229 = tpu.memref_slice %arg11[%dma_start3A_227, %dma_start3A_228] : memref<10240x128xf32, #tpu.memory_space<vmem_shared>> -> memref<10240x128xf32, #tpu.memory_space<vmem_shared>>
        tpu.enqueue_indirect_dma source(%arg8 : memref<100x128xf32, #tpu.memory_space<vmem>>) target(%dma_start3A_229 : memref<10240x128xf32, #tpu.memory_space<vmem_shared>>) offsets(%dma_start3A_226 : memref<100xi32, #tpu.memory_space<vmem>>) semaphore(%run_scoped3A_223 : memref<!tpu.dma_semaphore, #tpu.memory_space<semaphore_mem>>) {add = true}
        %dma_wait3A_230 = arith.constant 0 : i32
        %dma_wait3A_231 = tpu.memref_slice %arg7[%add3A_178, %dma_wait3A_230] : memref<25x100xi32, #tpu.memory_space<vmem>> -> memref<1x100xi32, #tpu.memory_space<vmem>>
        %dma_wait3A_232 = tpu.memref_squeeze %dma_wait3A_231 : memref<1x100xi32, #tpu.memory_space<vmem>> -> memref<100xi32, #tpu.memory_space<vmem>>
        %dma_wait3A_233 = arith.constant 0 : i32
        %dma_wait3A_234 = arith.constant 0 : i32
        %dma_wait3A_235 = tpu.memref_slice %arg11[%dma_wait3A_233, %dma_wait3A_234] : memref<10240x128xf32, #tpu.memory_space<vmem_shared>> -> memref<10240x128xf32, #tpu.memory_space<vmem_shared>>
        tpu.wait_indirect_dma semaphore(%run_scoped3A_223 : memref<!tpu.dma_semaphore, #tpu.memory_space<semaphore_mem>>) src(%arg8 : memref<100x128xf32, #tpu.memory_space<vmem>>) dst(%dma_wait3A_235 : memref<10240x128xf32, #tpu.memory_space<vmem_shared>>)
        tpu.yield
      }) : () -> ()
      %add3A_179 = arith.constant 0 : i32
      %add3A_180 = arith.addi %mul3A_168, %add3A_179 : i32
      %add3A_181 = arith.constant 3 : i32
      %add3A_182 = arith.addi %add3A_180, %add3A_181 : i32
      %lt3A = arith.constant 25 : i32
      %lt3A_183 = arith.cmpi slt, %add3A_182, %lt3A : i32
      %convert_element_type3A = arith.extui %lt3A_183 : i1 to i32
      %cond3A = arith.constant 0 : i32
      %cond3A_184 = arith.cmpi ne, %convert_element_type3A, %cond3A : i32
      scf.if %cond3A_184 {
        %add3A_223 = arith.constant 0 : i32
        %add3A_224 = arith.addi %mul3A_168, %add3A_223 : i32
        %add3A_225 = arith.constant 3 : i32
        %add3A_226 = arith.addi %add3A_224, %add3A_225 : i32
        %dma_start3A_227 = arith.constant 0 : i32
        %dma_start3A_228 = tpu.memref_slice %arg6[%add3A_226, %dma_start3A_227] : memref<25x100xi32, #tpu.memory_space<vmem>> -> memref<1x100xi32, #tpu.memory_space<vmem>>
        %dma_start3A_229 = tpu.memref_squeeze %dma_start3A_228 : memref<1x100xi32, #tpu.memory_space<vmem>> -> memref<100xi32, #tpu.memory_space<vmem>>
        %dma_start3A_230 = arith.constant 0 : i32
        %dma_start3A_231 = arith.constant 0 : i32
        %dma_start3A_232 = tpu.memref_slice %arg2[%dma_start3A_230, %dma_start3A_231] : memref<10000x128xf32, #tpu.memory_space<hbm>> -> memref<10000x128xf32, #tpu.memory_space<hbm>>
        tpu.enqueue_indirect_dma source(%dma_start3A_232 : memref<10000x128xf32, #tpu.memory_space<hbm>>) target(%arg8 : memref<100x128xf32, #tpu.memory_space<vmem>>) offsets(%dma_start3A_229 : memref<100xi32, #tpu.memory_space<vmem>>) semaphore(%arg12 : memref<!tpu.dma_semaphore, #tpu.memory_space<semaphore_mem>>)
      } else {
      }
      %add3A_185 = arith.constant 1 : i32
      %add3A_186 = arith.addi %mul3A_168, %add3A_185 : i32
      %dma_wait3A_187 = arith.constant 0 : i32
      %dma_wait3A_188 = tpu.memref_slice %arg6[%add3A_186, %dma_wait3A_187] : memref<25x100xi32, #tpu.memory_space<vmem>> -> memref<1x100xi32, #tpu.memory_space<vmem>>
      %dma_wait3A_189 = tpu.memref_squeeze %dma_wait3A_188 : memref<1x100xi32, #tpu.memory_space<vmem>> -> memref<100xi32, #tpu.memory_space<vmem>>
      %dma_wait3A_190 = arith.constant 0 : i32
      %dma_wait3A_191 = arith.constant 0 : i32
      %dma_wait3A_192 = tpu.memref_slice %arg2[%dma_wait3A_190, %dma_wait3A_191] : memref<10000x128xf32, #tpu.memory_space<hbm>> -> memref<10000x128xf32, #tpu.memory_space<hbm>>
      tpu.wait_indirect_dma semaphore(%arg13 : memref<!tpu.dma_semaphore, #tpu.memory_space<semaphore_mem>>) src(%dma_wait3A_192 : memref<10000x128xf32, #tpu.memory_space<hbm>>) dst(%arg9 : memref<100x128xf32, #tpu.memory_space<vmem>>)
      %add3A_193 = arith.constant 1 : i32
      %add3A_194 = arith.addi %mul3A_168, %add3A_193 : i32
      "tpu.region"() ({
        %run_scoped3A_223 = tpu.sem_alloc : memref<!tpu.dma_semaphore, #tpu.memory_space<semaphore_mem>>
        %dma_start3A_224 = arith.constant 0 : i32
        %dma_start3A_225 = tpu.memref_slice %arg7[%add3A_194, %dma_start3A_224] : memref<25x100xi32, #tpu.memory_space<vmem>> -> memref<1x100xi32, #tpu.memory_space<vmem>>
        %dma_start3A_226 = tpu.memref_squeeze %dma_start3A_225 : memref<1x100xi32, #tpu.memory_space<vmem>> -> memref<100xi32, #tpu.memory_space<vmem>>
        %dma_start3A_227 = arith.constant 0 : i32
        %dma_start3A_228 = arith.constant 0 : i32
        %dma_start3A_229 = tpu.memref_slice %arg11[%dma_start3A_227, %dma_start3A_228] : memref<10240x128xf32, #tpu.memory_space<vmem_shared>> -> memref<10240x128xf32, #tpu.memory_space<vmem_shared>>
        tpu.enqueue_indirect_dma source(%arg9 : memref<100x128xf32, #tpu.memory_space<vmem>>) target(%dma_start3A_229 : memref<10240x128xf32, #tpu.memory_space<vmem_shared>>) offsets(%dma_start3A_226 : memref<100xi32, #tpu.memory_space<vmem>>) semaphore(%run_scoped3A_223 : memref<!tpu.dma_semaphore, #tpu.memory_space<semaphore_mem>>) {add = true}
        %dma_wait3A_230 = arith.constant 0 : i32
        %dma_wait3A_231 = tpu.memref_slice %arg7[%add3A_194, %dma_wait3A_230] : memref<25x100xi32, #tpu.memory_space<vmem>> -> memref<1x100xi32, #tpu.memory_space<vmem>>
        %dma_wait3A_232 = tpu.memref_squeeze %dma_wait3A_231 : memref<1x100xi32, #tpu.memory_space<vmem>> -> memref<100xi32, #tpu.memory_space<vmem>>
        %dma_wait3A_233 = arith.constant 0 : i32
        %dma_wait3A_234 = arith.constant 0 : i32
        %dma_wait3A_235 = tpu.memref_slice %arg11[%dma_wait3A_233, %dma_wait3A_234] : memref<10240x128xf32, #tpu.memory_space<vmem_shared>> -> memref<10240x128xf32, #tpu.memory_space<vmem_shared>>
        tpu.wait_indirect_dma semaphore(%run_scoped3A_223 : memref<!tpu.dma_semaphore, #tpu.memory_space<semaphore_mem>>) src(%arg9 : memref<100x128xf32, #tpu.memory_space<vmem>>) dst(%dma_wait3A_235 : memref<10240x128xf32, #tpu.memory_space<vmem_shared>>)
        tpu.yield
      }) : () -> ()
      %add3A_195 = arith.constant 1 : i32
      %add3A_196 = arith.addi %mul3A_168, %add3A_195 : i32
      %add3A_197 = arith.constant 3 : i32
      %add3A_198 = arith.addi %add3A_196, %add3A_197 : i32
      %lt3A_199 = arith.constant 25 : i32
      %lt3A_200 = arith.cmpi slt, %add3A_198, %lt3A_199 : i32
      %convert_element_type3A_201 = arith.extui %lt3A_200 : i1 to i32
      %cond3A_202 = arith.constant 0 : i32
      %cond3A_203 = arith.cmpi ne, %convert_element_type3A_201, %cond3A_202 : i32
      scf.if %cond3A_203 {
        %add3A_223 = arith.constant 1 : i32
        %add3A_224 = arith.addi %mul3A_168, %add3A_223 : i32
        %add3A_225 = arith.constant 3 : i32
        %add3A_226 = arith.addi %add3A_224, %add3A_225 : i32
        %dma_start3A_227 = arith.constant 0 : i32
        %dma_start3A_228 = tpu.memref_slice %arg6[%add3A_226, %dma_start3A_227] : memref<25x100xi32, #tpu.memory_space<vmem>> -> memref<1x100xi32, #tpu.memory_space<vmem>>
        %dma_start3A_229 = tpu.memref_squeeze %dma_start3A_228 : memref<1x100xi32, #tpu.memory_space<vmem>> -> memref<100xi32, #tpu.memory_space<vmem>>
        %dma_start3A_230 = arith.constant 0 : i32
        %dma_start3A_231 = arith.constant 0 : i32
        %dma_start3A_232 = tpu.memref_slice %arg2[%dma_start3A_230, %dma_start3A_231] : memref<10000x128xf32, #tpu.memory_space<hbm>> -> memref<10000x128xf32, #tpu.memory_space<hbm>>
        tpu.enqueue_indirect_dma source(%dma_start3A_232 : memref<10000x128xf32, #tpu.memory_space<hbm>>) target(%arg9 : memref<100x128xf32, #tpu.memory_space<vmem>>) offsets(%dma_start3A_229 : memref<100xi32, #tpu.memory_space<vmem>>) semaphore(%arg13 : memref<!tpu.dma_semaphore, #tpu.memory_space<semaphore_mem>>)
      } else {
      }
      %add3A_204 = arith.constant 2 : i32
      %add3A_205 = arith.addi %mul3A_168, %add3A_204 : i32
      %dma_wait3A_206 = arith.constant 0 : i32
      %dma_wait3A_207 = tpu.memref_slice %arg6[%add3A_205, %dma_wait3A_206] : memref<25x100xi32, #tpu.memory_space<vmem>> -> memref<1x100xi32, #tpu.memory_space<vmem>>
      %dma_wait3A_208 = tpu.memref_squeeze %dma_wait3A_207 : memref<1x100xi32, #tpu.memory_space<vmem>> -> memref<100xi32, #tpu.memory_space<vmem>>
      %dma_wait3A_209 = arith.constant 0 : i32
      %dma_wait3A_210 = arith.constant 0 : i32
      %dma_wait3A_211 = tpu.memref_slice %arg2[%dma_wait3A_209, %dma_wait3A_210] : memref<10000x128xf32, #tpu.memory_space<hbm>> -> memref<10000x128xf32, #tpu.memory_space<hbm>>
      tpu.wait_indirect_dma semaphore(%arg14 : memref<!tpu.dma_semaphore, #tpu.memory_space<semaphore_mem>>) src(%dma_wait3A_211 : memref<10000x128xf32, #tpu.memory_space<hbm>>) dst(%arg10 : memref<100x128xf32, #tpu.memory_space<vmem>>)
      %add3A_212 = arith.constant 2 : i32
      %add3A_213 = arith.addi %mul3A_168, %add3A_212 : i32
      "tpu.region"() ({
        %run_scoped3A_223 = tpu.sem_alloc : memref<!tpu.dma_semaphore, #tpu.memory_space<semaphore_mem>>
        %dma_start3A_224 = arith.constant 0 : i32
        %dma_start3A_225 = tpu.memref_slice %arg7[%add3A_213, %dma_start3A_224] : memref<25x100xi32, #tpu.memory_space<vmem>> -> memref<1x100xi32, #tpu.memory_space<vmem>>
        %dma_start3A_226 = tpu.memref_squeeze %dma_start3A_225 : memref<1x100xi32, #tpu.memory_space<vmem>> -> memref<100xi32, #tpu.memory_space<vmem>>
        %dma_start3A_227 = arith.constant 0 : i32
        %dma_start3A_228 = arith.constant 0 : i32
        %dma_start3A_229 = tpu.memref_slice %arg11[%dma_start3A_227, %dma_start3A_228] : memref<10240x128xf32, #tpu.memory_space<vmem_shared>> -> memref<10240x128xf32, #tpu.memory_space<vmem_shared>>
        tpu.enqueue_indirect_dma source(%arg10 : memref<100x128xf32, #tpu.memory_space<vmem>>) target(%dma_start3A_229 : memref<10240x128xf32, #tpu.memory_space<vmem_shared>>) offsets(%dma_start3A_226 : memref<100xi32, #tpu.memory_space<vmem>>) semaphore(%run_scoped3A_223 : memref<!tpu.dma_semaphore, #tpu.memory_space<semaphore_mem>>) {add = true}
        %dma_wait3A_230 = arith.constant 0 : i32
        %dma_wait3A_231 = tpu.memref_slice %arg7[%add3A_213, %dma_wait3A_230] : memref<25x100xi32, #tpu.memory_space<vmem>> -> memref<1x100xi32, #tpu.memory_space<vmem>>
        %dma_wait3A_232 = tpu.memref_squeeze %dma_wait3A_231 : memref<1x100xi32, #tpu.memory_space<vmem>> -> memref<100xi32, #tpu.memory_space<vmem>>
        %dma_wait3A_233 = arith.constant 0 : i32
        %dma_wait3A_234 = arith.constant 0 : i32
        %dma_wait3A_235 = tpu.memref_slice %arg11[%dma_wait3A_233, %dma_wait3A_234] : memref<10240x128xf32, #tpu.memory_space<vmem_shared>> -> memref<10240x128xf32, #tpu.memory_space<vmem_shared>>
        tpu.wait_indirect_dma semaphore(%run_scoped3A_223 : memref<!tpu.dma_semaphore, #tpu.memory_space<semaphore_mem>>) src(%arg10 : memref<100x128xf32, #tpu.memory_space<vmem>>) dst(%dma_wait3A_235 : memref<10240x128xf32, #tpu.memory_space<vmem_shared>>)
        tpu.yield
      }) : () -> ()
      %add3A_214 = arith.constant 2 : i32
      %add3A_215 = arith.addi %mul3A_168, %add3A_214 : i32
      %add3A_216 = arith.constant 3 : i32
      %add3A_217 = arith.addi %add3A_215, %add3A_216 : i32
      %lt3A_218 = arith.constant 25 : i32
      %lt3A_219 = arith.cmpi slt, %add3A_217, %lt3A_218 : i32
      %convert_element_type3A_220 = arith.extui %lt3A_219 : i1 to i32
      %cond3A_221 = arith.constant 0 : i32
      %cond3A_222 = arith.cmpi ne, %convert_element_type3A_220, %cond3A_221 : i32
      scf.if %cond3A_222 {
        %add3A_223 = arith.constant 2 : i32
        %add3A_224 = arith.addi %mul3A_168, %add3A_223 : i32
        %add3A_225 = arith.constant 3 : i32
        %add3A_226 = arith.addi %add3A_224, %add3A_225 : i32
        %dma_start3A_227 = arith.constant 0 : i32
        %dma_start3A_228 = tpu.memref_slice %arg6[%add3A_226, %dma_start3A_227] : memref<25x100xi32, #tpu.memory_space<vmem>> -> memref<1x100xi32, #tpu.memory_space<vmem>>
        %dma_start3A_229 = tpu.memref_squeeze %dma_start3A_228 : memref<1x100xi32, #tpu.memory_space<vmem>> -> memref<100xi32, #tpu.memory_space<vmem>>
        %dma_start3A_230 = arith.constant 0 : i32
        %dma_start3A_231 = arith.constant 0 : i32
        %dma_start3A_232 = tpu.memref_slice %arg2[%dma_start3A_230, %dma_start3A_231] : memref<10000x128xf32, #tpu.memory_space<hbm>> -> memref<10000x128xf32, #tpu.memory_space<hbm>>
        tpu.enqueue_indirect_dma source(%dma_start3A_232 : memref<10000x128xf32, #tpu.memory_space<hbm>>) target(%arg10 : memref<100x128xf32, #tpu.memory_space<vmem>>) offsets(%dma_start3A_229 : memref<100xi32, #tpu.memory_space<vmem>>) semaphore(%arg14 : memref<!tpu.dma_semaphore, #tpu.memory_space<semaphore_mem>>)
      } else {
      }
    }
    %scan3A_115 = arith.constant 8 : i32
    %dma_wait3A_116 = arith.constant 24 : i32
    %dma_wait3A_117 = arith.constant 0 : i32
    %dma_wait3A_118 = tpu.memref_slice %arg6[%dma_wait3A_116, %dma_wait3A_117] : memref<25x100xi32, #tpu.memory_space<vmem>> -> memref<1x100xi32, #tpu.memory_space<vmem>>
    %dma_wait3A_119 = tpu.memref_squeeze %dma_wait3A_118 : memref<1x100xi32, #tpu.memory_space<vmem>> -> memref<100xi32, #tpu.memory_space<vmem>>
    %dma_wait3A_120 = arith.constant 0 : i32
    %dma_wait3A_121 = arith.constant 0 : i32
    %dma_wait3A_122 = tpu.memref_slice %arg2[%dma_wait3A_120, %dma_wait3A_121] : memref<10000x128xf32, #tpu.memory_space<hbm>> -> memref<10000x128xf32, #tpu.memory_space<hbm>>
    tpu.wait_indirect_dma semaphore(%arg12 : memref<!tpu.dma_semaphore, #tpu.memory_space<semaphore_mem>>) src(%dma_wait3A_122 : memref<10000x128xf32, #tpu.memory_space<hbm>>) dst(%arg8 : memref<100x128xf32, #tpu.memory_space<vmem>>)
    %run_scoped3A_123 = arith.constant 24 : i32
    "tpu.region"() ({
      %run_scoped3A_166 = tpu.sem_alloc : memref<!tpu.dma_semaphore, #tpu.memory_space<semaphore_mem>>
      %dma_start3A_167 = arith.constant 0 : i32
      %dma_start3A_168 = tpu.memref_slice %arg7[%run_scoped3A_123, %dma_start3A_167] : memref<25x100xi32, #tpu.memory_space<vmem>> -> memref<1x100xi32, #tpu.memory_space<vmem>>
      %dma_start3A_169 = tpu.memref_squeeze %dma_start3A_168 : memref<1x100xi32, #tpu.memory_space<vmem>> -> memref<100xi32, #tpu.memory_space<vmem>>
      %dma_start3A_170 = arith.constant 0 : i32
      %dma_start3A_171 = arith.constant 0 : i32
      %dma_start3A_172 = tpu.memref_slice %arg11[%dma_start3A_170, %dma_start3A_171] : memref<10240x128xf32, #tpu.memory_space<vmem_shared>> -> memref<10240x128xf32, #tpu.memory_space<vmem_shared>>
      tpu.enqueue_indirect_dma source(%arg8 : memref<100x128xf32, #tpu.memory_space<vmem>>) target(%dma_start3A_172 : memref<10240x128xf32, #tpu.memory_space<vmem_shared>>) offsets(%dma_start3A_169 : memref<100xi32, #tpu.memory_space<vmem>>) semaphore(%run_scoped3A_166 : memref<!tpu.dma_semaphore, #tpu.memory_space<semaphore_mem>>) {add = true}
      %dma_wait3A_173 = arith.constant 0 : i32
      %dma_wait3A_174 = tpu.memref_slice %arg7[%run_scoped3A_123, %dma_wait3A_173] : memref<25x100xi32, #tpu.memory_space<vmem>> -> memref<1x100xi32, #tpu.memory_space<vmem>>
      %dma_wait3A_175 = tpu.memref_squeeze %dma_wait3A_174 : memref<1x100xi32, #tpu.memory_space<vmem>> -> memref<100xi32, #tpu.memory_space<vmem>>
      %dma_wait3A_176 = arith.constant 0 : i32
      %dma_wait3A_177 = arith.constant 0 : i32
      %dma_wait3A_178 = tpu.memref_slice %arg11[%dma_wait3A_176, %dma_wait3A_177] : memref<10240x128xf32, #tpu.memory_space<vmem_shared>> -> memref<10240x128xf32, #tpu.memory_space<vmem_shared>>
      tpu.wait_indirect_dma semaphore(%run_scoped3A_166 : memref<!tpu.dma_semaphore, #tpu.memory_space<semaphore_mem>>) src(%arg8 : memref<100x128xf32, #tpu.memory_space<vmem>>) dst(%dma_wait3A_178 : memref<10240x128xf32, #tpu.memory_space<vmem_shared>>)
      tpu.yield
    }) : () -> ()
    %run_scoped3A_124 = arith.constant 3 : i32
    "tpu.region"() ({
      %run_scoped3A_166 = tpu.sem_alloc : memref<!tpu.dma_semaphore, #tpu.memory_space<semaphore_mem>>
      %dma_start3A_167 = arith.constant 0 : i32
      %dma_start3A_168 = arith.constant 0 : i32
      %dma_start3A_169 = tpu.memref_slice %arg3[%add3A, %run_scoped3A_124, %dma_start3A_167, %dma_start3A_168] : memref<32x4x25x100xi32, #tpu.memory_space<hbm>> -> memref<1x1x25x100xi32, #tpu.memory_space<hbm>>
      %dma_start3A_170 = tpu.memref_squeeze %dma_start3A_169 : memref<1x1x25x100xi32, #tpu.memory_space<hbm>> -> memref<25x100xi32, #tpu.memory_space<hbm>>
      %dma_start3A_171 = arith.constant 0 : i32
      %dma_start3A_172 = arith.constant 0 : i32
      %dma_start3A_173 = tpu.memref_slice %arg3[%add3A, %run_scoped3A_124, %dma_start3A_171, %dma_start3A_172] : memref<32x4x25x100xi32, #tpu.memory_space<hbm>> -> memref<1x1x25x100xi32, #tpu.memory_space<hbm>>
      %dma_start3A_174 = tpu.memref_squeeze %dma_start3A_173 : memref<1x1x25x100xi32, #tpu.memory_space<hbm>> -> memref<25x100xi32, #tpu.memory_space<hbm>>
      tpu.enqueue_dma source(%dma_start3A_174 : memref<25x100xi32, #tpu.memory_space<hbm>>) target(%arg6 : memref<25x100xi32, #tpu.memory_space<vmem>>) target_semaphore(%run_scoped3A_166 : memref<!tpu.dma_semaphore, #tpu.memory_space<semaphore_mem>>)
      %dma_wait3A_175 = arith.constant 0 : i32
      %dma_wait3A_176 = arith.constant 0 : i32
      %dma_wait3A_177 = tpu.memref_slice %arg3[%add3A, %run_scoped3A_124, %dma_wait3A_175, %dma_wait3A_176] : memref<32x4x25x100xi32, #tpu.memory_space<hbm>> -> memref<1x1x25x100xi32, #tpu.memory_space<hbm>>
      %dma_wait3A_178 = tpu.memref_squeeze %dma_wait3A_177 : memref<1x1x25x100xi32, #tpu.memory_space<hbm>> -> memref<25x100xi32, #tpu.memory_space<hbm>>
      %dma_wait3A_179 = arith.constant 0 : i32
      %dma_wait3A_180 = arith.constant 0 : i32
      %dma_wait3A_181 = tpu.memref_slice %arg3[%add3A, %run_scoped3A_124, %dma_wait3A_179, %dma_wait3A_180] : memref<32x4x25x100xi32, #tpu.memory_space<hbm>> -> memref<1x1x25x100xi32, #tpu.memory_space<hbm>>
      %dma_wait3A_182 = tpu.memref_squeeze %dma_wait3A_181 : memref<1x1x25x100xi32, #tpu.memory_space<hbm>> -> memref<25x100xi32, #tpu.memory_space<hbm>>
      tpu.wait_dma2 semaphore(%run_scoped3A_166 : memref<!tpu.dma_semaphore, #tpu.memory_space<semaphore_mem>>) src(%dma_wait3A_182 : memref<25x100xi32, #tpu.memory_space<hbm>>) dst(%arg6 : memref<25x100xi32, #tpu.memory_space<vmem>>)
      tpu.yield
    }) : () -> ()
    %run_scoped3A_125 = arith.constant 3 : i32
    "tpu.region"() ({
      %run_scoped3A_166 = tpu.sem_alloc : memref<!tpu.dma_semaphore, #tpu.memory_space<semaphore_mem>>
      %dma_start3A_167 = arith.constant 0 : i32
      %dma_start3A_168 = arith.constant 0 : i32
      %dma_start3A_169 = tpu.memref_slice %arg4[%add3A, %run_scoped3A_125, %dma_start3A_167, %dma_start3A_168] : memref<32x4x25x100xi32, #tpu.memory_space<hbm>> -> memref<1x1x25x100xi32, #tpu.memory_space<hbm>>
      %dma_start3A_170 = tpu.memref_squeeze %dma_start3A_169 : memref<1x1x25x100xi32, #tpu.memory_space<hbm>> -> memref<25x100xi32, #tpu.memory_space<hbm>>
      %dma_start3A_171 = arith.constant 0 : i32
      %dma_start3A_172 = arith.constant 0 : i32
      %dma_start3A_173 = tpu.memref_slice %arg4[%add3A, %run_scoped3A_125, %dma_start3A_171, %dma_start3A_172] : memref<32x4x25x100xi32, #tpu.memory_space<hbm>> -> memref<1x1x25x100xi32, #tpu.memory_space<hbm>>
      %dma_start3A_174 = tpu.memref_squeeze %dma_start3A_173 : memref<1x1x25x100xi32, #tpu.memory_space<hbm>> -> memref<25x100xi32, #tpu.memory_space<hbm>>
      tpu.enqueue_dma source(%dma_start3A_174 : memref<25x100xi32, #tpu.memory_space<hbm>>) target(%arg7 : memref<25x100xi32, #tpu.memory_space<vmem>>) target_semaphore(%run_scoped3A_166 : memref<!tpu.dma_semaphore, #tpu.memory_space<semaphore_mem>>)
      %dma_wait3A_175 = arith.constant 0 : i32
      %dma_wait3A_176 = arith.constant 0 : i32
      %dma_wait3A_177 = tpu.memref_slice %arg4[%add3A, %run_scoped3A_125, %dma_wait3A_175, %dma_wait3A_176] : memref<32x4x25x100xi32, #tpu.memory_space<hbm>> -> memref<1x1x25x100xi32, #tpu.memory_space<hbm>>
      %dma_wait3A_178 = tpu.memref_squeeze %dma_wait3A_177 : memref<1x1x25x100xi32, #tpu.memory_space<hbm>> -> memref<25x100xi32, #tpu.memory_space<hbm>>
      %dma_wait3A_179 = arith.constant 0 : i32
      %dma_wait3A_180 = arith.constant 0 : i32
      %dma_wait3A_181 = tpu.memref_slice %arg4[%add3A, %run_scoped3A_125, %dma_wait3A_179, %dma_wait3A_180] : memref<32x4x25x100xi32, #tpu.memory_space<hbm>> -> memref<1x1x25x100xi32, #tpu.memory_space<hbm>>
      %dma_wait3A_182 = tpu.memref_squeeze %dma_wait3A_181 : memref<1x1x25x100xi32, #tpu.memory_space<hbm>> -> memref<25x100xi32, #tpu.memory_space<hbm>>
      tpu.wait_dma2 semaphore(%run_scoped3A_166 : memref<!tpu.dma_semaphore, #tpu.memory_space<semaphore_mem>>) src(%dma_wait3A_182 : memref<25x100xi32, #tpu.memory_space<hbm>>) dst(%arg7 : memref<25x100xi32, #tpu.memory_space<vmem>>)
      tpu.yield
    }) : () -> ()
    %dma_start3A_126 = arith.constant 0 : i32
    %dma_start3A_127 = arith.constant 0 : i32
    %dma_start3A_128 = tpu.memref_slice %arg6[%dma_start3A_126, %dma_start3A_127] : memref<25x100xi32, #tpu.memory_space<vmem>> -> memref<1x100xi32, #tpu.memory_space<vmem>>
    %dma_start3A_129 = tpu.memref_squeeze %dma_start3A_128 : memref<1x100xi32, #tpu.memory_space<vmem>> -> memref<100xi32, #tpu.memory_space<vmem>>
    %dma_start3A_130 = arith.constant 0 : i32
    %dma_start3A_131 = arith.constant 0 : i32
    %dma_start3A_132 = tpu.memref_slice %arg2[%dma_start3A_130, %dma_start3A_131] : memref<10000x128xf32, #tpu.memory_space<hbm>> -> memref<10000x128xf32, #tpu.memory_space<hbm>>
    tpu.enqueue_indirect_dma source(%dma_start3A_132 : memref<10000x128xf32, #tpu.memory_space<hbm>>) target(%arg8 : memref<100x128xf32, #tpu.memory_space<vmem>>) offsets(%dma_start3A_129 : memref<100xi32, #tpu.memory_space<vmem>>) semaphore(%arg12 : memref<!tpu.dma_semaphore, #tpu.memory_space<semaphore_mem>>)
    %dma_start3A_133 = arith.constant 1 : i32
    %dma_start3A_134 = arith.constant 0 : i32
    %dma_start3A_135 = tpu.memref_slice %arg6[%dma_start3A_133, %dma_start3A_134] : memref<25x100xi32, #tpu.memory_space<vmem>> -> memref<1x100xi32, #tpu.memory_space<vmem>>
    %dma_start3A_136 = tpu.memref_squeeze %dma_start3A_135 : memref<1x100xi32, #tpu.memory_space<vmem>> -> memref<100xi32, #tpu.memory_space<vmem>>
    %dma_start3A_137 = arith.constant 0 : i32
    %dma_start3A_138 = arith.constant 0 : i32
    %dma_start3A_139 = tpu.memref_slice %arg2[%dma_start3A_137, %dma_start3A_138] : memref<10000x128xf32, #tpu.memory_space<hbm>> -> memref<10000x128xf32, #tpu.memory_space<hbm>>
    tpu.enqueue_indirect_dma source(%dma_start3A_139 : memref<10000x128xf32, #tpu.memory_space<hbm>>) target(%arg9 : memref<100x128xf32, #tpu.memory_space<vmem>>) offsets(%dma_start3A_136 : memref<100xi32, #tpu.memory_space<vmem>>) semaphore(%arg13 : memref<!tpu.dma_semaphore, #tpu.memory_space<semaphore_mem>>)
    %dma_start3A_140 = arith.constant 2 : i32
    %dma_start3A_141 = arith.constant 0 : i32
    %dma_start3A_142 = tpu.memref_slice %arg6[%dma_start3A_140, %dma_start3A_141] : memref<25x100xi32, #tpu.memory_space<vmem>> -> memref<1x100xi32, #tpu.memory_space<vmem>>
    %dma_start3A_143 = tpu.memref_squeeze %dma_start3A_142 : memref<1x100xi32, #tpu.memory_space<vmem>> -> memref<100xi32, #tpu.memory_space<vmem>>
    %dma_start3A_144 = arith.constant 0 : i32
    %dma_start3A_145 = arith.constant 0 : i32
    %dma_start3A_146 = tpu.memref_slice %arg2[%dma_start3A_144, %dma_start3A_145] : memref<10000x128xf32, #tpu.memory_space<hbm>> -> memref<10000x128xf32, #tpu.memory_space<hbm>>
    tpu.enqueue_indirect_dma source(%dma_start3A_146 : memref<10000x128xf32, #tpu.memory_space<hbm>>) target(%arg10 : memref<100x128xf32, #tpu.memory_space<vmem>>) offsets(%dma_start3A_143 : memref<100xi32, #tpu.memory_space<vmem>>) semaphore(%arg14 : memref<!tpu.dma_semaphore, #tpu.memory_space<semaphore_mem>>)
    %scan3A_147 = arith.constant 0 : i32
    %scan3A_148 = arith.constant 0 : i32
    %scan3A_149 = arith.constant 8 : i32
    %scan3A_150 = arith.addi %scan3A_148, %scan3A_149 : i32
    %scan3A_151 = arith.constant 1 : i32
    scf.for %scan3A_166 = %scan3A_148 to %scan3A_150 step %scan3A_151  : i32 {
      %mul3A_167 = arith.constant 3 : i32
      %mul3A_168 = arith.muli %mul3A_167, %scan3A_166 : i32
      %add3A_169 = arith.constant 0 : i32
      %add3A_170 = arith.addi %mul3A_168, %add3A_169 : i32
      %dma_wait3A_171 = arith.constant 0 : i32
      %dma_wait3A_172 = tpu.memref_slice %arg6[%add3A_170, %dma_wait3A_171] : memref<25x100xi32, #tpu.memory_space<vmem>> -> memref<1x100xi32, #tpu.memory_space<vmem>>
      %dma_wait3A_173 = tpu.memref_squeeze %dma_wait3A_172 : memref<1x100xi32, #tpu.memory_space<vmem>> -> memref<100xi32, #tpu.memory_space<vmem>>
      %dma_wait3A_174 = arith.constant 0 : i32
      %dma_wait3A_175 = arith.constant 0 : i32
      %dma_wait3A_176 = tpu.memref_slice %arg2[%dma_wait3A_174, %dma_wait3A_175] : memref<10000x128xf32, #tpu.memory_space<hbm>> -> memref<10000x128xf32, #tpu.memory_space<hbm>>
      tpu.wait_indirect_dma semaphore(%arg12 : memref<!tpu.dma_semaphore, #tpu.memory_space<semaphore_mem>>) src(%dma_wait3A_176 : memref<10000x128xf32, #tpu.memory_space<hbm>>) dst(%arg8 : memref<100x128xf32, #tpu.memory_space<vmem>>)
      %add3A_177 = arith.constant 0 : i32
      %add3A_178 = arith.addi %mul3A_168, %add3A_177 : i32
      "tpu.region"() ({
        %run_scoped3A_223 = tpu.sem_alloc : memref<!tpu.dma_semaphore, #tpu.memory_space<semaphore_mem>>
        %dma_start3A_224 = arith.constant 0 : i32
        %dma_start3A_225 = tpu.memref_slice %arg7[%add3A_178, %dma_start3A_224] : memref<25x100xi32, #tpu.memory_space<vmem>> -> memref<1x100xi32, #tpu.memory_space<vmem>>
        %dma_start3A_226 = tpu.memref_squeeze %dma_start3A_225 : memref<1x100xi32, #tpu.memory_space<vmem>> -> memref<100xi32, #tpu.memory_space<vmem>>
        %dma_start3A_227 = arith.constant 0 : i32
        %dma_start3A_228 = arith.constant 0 : i32
        %dma_start3A_229 = tpu.memref_slice %arg11[%dma_start3A_227, %dma_start3A_228] : memref<10240x128xf32, #tpu.memory_space<vmem_shared>> -> memref<10240x128xf32, #tpu.memory_space<vmem_shared>>
        tpu.enqueue_indirect_dma source(%arg8 : memref<100x128xf32, #tpu.memory_space<vmem>>) target(%dma_start3A_229 : memref<10240x128xf32, #tpu.memory_space<vmem_shared>>) offsets(%dma_start3A_226 : memref<100xi32, #tpu.memory_space<vmem>>) semaphore(%run_scoped3A_223 : memref<!tpu.dma_semaphore, #tpu.memory_space<semaphore_mem>>) {add = true}
        %dma_wait3A_230 = arith.constant 0 : i32
        %dma_wait3A_231 = tpu.memref_slice %arg7[%add3A_178, %dma_wait3A_230] : memref<25x100xi32, #tpu.memory_space<vmem>> -> memref<1x100xi32, #tpu.memory_space<vmem>>
        %dma_wait3A_232 = tpu.memref_squeeze %dma_wait3A_231 : memref<1x100xi32, #tpu.memory_space<vmem>> -> memref<100xi32, #tpu.memory_space<vmem>>
        %dma_wait3A_233 = arith.constant 0 : i32
        %dma_wait3A_234 = arith.constant 0 : i32
        %dma_wait3A_235 = tpu.memref_slice %arg11[%dma_wait3A_233, %dma_wait3A_234] : memref<10240x128xf32, #tpu.memory_space<vmem_shared>> -> memref<10240x128xf32, #tpu.memory_space<vmem_shared>>
        tpu.wait_indirect_dma semaphore(%run_scoped3A_223 : memref<!tpu.dma_semaphore, #tpu.memory_space<semaphore_mem>>) src(%arg8 : memref<100x128xf32, #tpu.memory_space<vmem>>) dst(%dma_wait3A_235 : memref<10240x128xf32, #tpu.memory_space<vmem_shared>>)
        tpu.yield
      }) : () -> ()
      %add3A_179 = arith.constant 0 : i32
      %add3A_180 = arith.addi %mul3A_168, %add3A_179 : i32
      %add3A_181 = arith.constant 3 : i32
      %add3A_182 = arith.addi %add3A_180, %add3A_181 : i32
      %lt3A = arith.constant 25 : i32
      %lt3A_183 = arith.cmpi slt, %add3A_182, %lt3A : i32
      %convert_element_type3A = arith.extui %lt3A_183 : i1 to i32
      %cond3A = arith.constant 0 : i32
      %cond3A_184 = arith.cmpi ne, %convert_element_type3A, %cond3A : i32
      scf.if %cond3A_184 {
        %add3A_223 = arith.constant 0 : i32
        %add3A_224 = arith.addi %mul3A_168, %add3A_223 : i32
        %add3A_225 = arith.constant 3 : i32
        %add3A_226 = arith.addi %add3A_224, %add3A_225 : i32
        %dma_start3A_227 = arith.constant 0 : i32
        %dma_start3A_228 = tpu.memref_slice %arg6[%add3A_226, %dma_start3A_227] : memref<25x100xi32, #tpu.memory_space<vmem>> -> memref<1x100xi32, #tpu.memory_space<vmem>>
        %dma_start3A_229 = tpu.memref_squeeze %dma_start3A_228 : memref<1x100xi32, #tpu.memory_space<vmem>> -> memref<100xi32, #tpu.memory_space<vmem>>
        %dma_start3A_230 = arith.constant 0 : i32
        %dma_start3A_231 = arith.constant 0 : i32
        %dma_start3A_232 = tpu.memref_slice %arg2[%dma_start3A_230, %dma_start3A_231] : memref<10000x128xf32, #tpu.memory_space<hbm>> -> memref<10000x128xf32, #tpu.memory_space<hbm>>
        tpu.enqueue_indirect_dma source(%dma_start3A_232 : memref<10000x128xf32, #tpu.memory_space<hbm>>) target(%arg8 : memref<100x128xf32, #tpu.memory_space<vmem>>) offsets(%dma_start3A_229 : memref<100xi32, #tpu.memory_space<vmem>>) semaphore(%arg12 : memref<!tpu.dma_semaphore, #tpu.memory_space<semaphore_mem>>)
      } else {
      }
      %add3A_185 = arith.constant 1 : i32
      %add3A_186 = arith.addi %mul3A_168, %add3A_185 : i32
      %dma_wait3A_187 = arith.constant 0 : i32
      %dma_wait3A_188 = tpu.memref_slice %arg6[%add3A_186, %dma_wait3A_187] : memref<25x100xi32, #tpu.memory_space<vmem>> -> memref<1x100xi32, #tpu.memory_space<vmem>>
      %dma_wait3A_189 = tpu.memref_squeeze %dma_wait3A_188 : memref<1x100xi32, #tpu.memory_space<vmem>> -> memref<100xi32, #tpu.memory_space<vmem>>
      %dma_wait3A_190 = arith.constant 0 : i32
      %dma_wait3A_191 = arith.constant 0 : i32
      %dma_wait3A_192 = tpu.memref_slice %arg2[%dma_wait3A_190, %dma_wait3A_191] : memref<10000x128xf32, #tpu.memory_space<hbm>> -> memref<10000x128xf32, #tpu.memory_space<hbm>>
      tpu.wait_indirect_dma semaphore(%arg13 : memref<!tpu.dma_semaphore, #tpu.memory_space<semaphore_mem>>) src(%dma_wait3A_192 : memref<10000x128xf32, #tpu.memory_space<hbm>>) dst(%arg9 : memref<100x128xf32, #tpu.memory_space<vmem>>)
      %add3A_193 = arith.constant 1 : i32
      %add3A_194 = arith.addi %mul3A_168, %add3A_193 : i32
      "tpu.region"() ({
        %run_scoped3A_223 = tpu.sem_alloc : memref<!tpu.dma_semaphore, #tpu.memory_space<semaphore_mem>>
        %dma_start3A_224 = arith.constant 0 : i32
        %dma_start3A_225 = tpu.memref_slice %arg7[%add3A_194, %dma_start3A_224] : memref<25x100xi32, #tpu.memory_space<vmem>> -> memref<1x100xi32, #tpu.memory_space<vmem>>
        %dma_start3A_226 = tpu.memref_squeeze %dma_start3A_225 : memref<1x100xi32, #tpu.memory_space<vmem>> -> memref<100xi32, #tpu.memory_space<vmem>>
        %dma_start3A_227 = arith.constant 0 : i32
        %dma_start3A_228 = arith.constant 0 : i32
        %dma_start3A_229 = tpu.memref_slice %arg11[%dma_start3A_227, %dma_start3A_228] : memref<10240x128xf32, #tpu.memory_space<vmem_shared>> -> memref<10240x128xf32, #tpu.memory_space<vmem_shared>>
        tpu.enqueue_indirect_dma source(%arg9 : memref<100x128xf32, #tpu.memory_space<vmem>>) target(%dma_start3A_229 : memref<10240x128xf32, #tpu.memory_space<vmem_shared>>) offsets(%dma_start3A_226 : memref<100xi32, #tpu.memory_space<vmem>>) semaphore(%run_scoped3A_223 : memref<!tpu.dma_semaphore, #tpu.memory_space<semaphore_mem>>) {add = true}
        %dma_wait3A_230 = arith.constant 0 : i32
        %dma_wait3A_231 = tpu.memref_slice %arg7[%add3A_194, %dma_wait3A_230] : memref<25x100xi32, #tpu.memory_space<vmem>> -> memref<1x100xi32, #tpu.memory_space<vmem>>
        %dma_wait3A_232 = tpu.memref_squeeze %dma_wait3A_231 : memref<1x100xi32, #tpu.memory_space<vmem>> -> memref<100xi32, #tpu.memory_space<vmem>>
        %dma_wait3A_233 = arith.constant 0 : i32
        %dma_wait3A_234 = arith.constant 0 : i32
        %dma_wait3A_235 = tpu.memref_slice %arg11[%dma_wait3A_233, %dma_wait3A_234] : memref<10240x128xf32, #tpu.memory_space<vmem_shared>> -> memref<10240x128xf32, #tpu.memory_space<vmem_shared>>
        tpu.wait_indirect_dma semaphore(%run_scoped3A_223 : memref<!tpu.dma_semaphore, #tpu.memory_space<semaphore_mem>>) src(%arg9 : memref<100x128xf32, #tpu.memory_space<vmem>>) dst(%dma_wait3A_235 : memref<10240x128xf32, #tpu.memory_space<vmem_shared>>)
        tpu.yield
      }) : () -> ()
      %add3A_195 = arith.constant 1 : i32
      %add3A_196 = arith.addi %mul3A_168, %add3A_195 : i32
      %add3A_197 = arith.constant 3 : i32
      %add3A_198 = arith.addi %add3A_196, %add3A_197 : i32
      %lt3A_199 = arith.constant 25 : i32
      %lt3A_200 = arith.cmpi slt, %add3A_198, %lt3A_199 : i32
      %convert_element_type3A_201 = arith.extui %lt3A_200 : i1 to i32
      %cond3A_202 = arith.constant 0 : i32
      %cond3A_203 = arith.cmpi ne, %convert_element_type3A_201, %cond3A_202 : i32
      scf.if %cond3A_203 {
        %add3A_223 = arith.constant 1 : i32
        %add3A_224 = arith.addi %mul3A_168, %add3A_223 : i32
        %add3A_225 = arith.constant 3 : i32
        %add3A_226 = arith.addi %add3A_224, %add3A_225 : i32
        %dma_start3A_227 = arith.constant 0 : i32
        %dma_start3A_228 = tpu.memref_slice %arg6[%add3A_226, %dma_start3A_227] : memref<25x100xi32, #tpu.memory_space<vmem>> -> memref<1x100xi32, #tpu.memory_space<vmem>>
        %dma_start3A_229 = tpu.memref_squeeze %dma_start3A_228 : memref<1x100xi32, #tpu.memory_space<vmem>> -> memref<100xi32, #tpu.memory_space<vmem>>
        %dma_start3A_230 = arith.constant 0 : i32
        %dma_start3A_231 = arith.constant 0 : i32
        %dma_start3A_232 = tpu.memref_slice %arg2[%dma_start3A_230, %dma_start3A_231] : memref<10000x128xf32, #tpu.memory_space<hbm>> -> memref<10000x128xf32, #tpu.memory_space<hbm>>
        tpu.enqueue_indirect_dma source(%dma_start3A_232 : memref<10000x128xf32, #tpu.memory_space<hbm>>) target(%arg9 : memref<100x128xf32, #tpu.memory_space<vmem>>) offsets(%dma_start3A_229 : memref<100xi32, #tpu.memory_space<vmem>>) semaphore(%arg13 : memref<!tpu.dma_semaphore, #tpu.memory_space<semaphore_mem>>)
      } else {
      }
      %add3A_204 = arith.constant 2 : i32
      %add3A_205 = arith.addi %mul3A_168, %add3A_204 : i32
      %dma_wait3A_206 = arith.constant 0 : i32
      %dma_wait3A_207 = tpu.memref_slice %arg6[%add3A_205, %dma_wait3A_206] : memref<25x100xi32, #tpu.memory_space<vmem>> -> memref<1x100xi32, #tpu.memory_space<vmem>>
      %dma_wait3A_208 = tpu.memref_squeeze %dma_wait3A_207 : memref<1x100xi32, #tpu.memory_space<vmem>> -> memref<100xi32, #tpu.memory_space<vmem>>
      %dma_wait3A_209 = arith.constant 0 : i32
      %dma_wait3A_210 = arith.constant 0 : i32
      %dma_wait3A_211 = tpu.memref_slice %arg2[%dma_wait3A_209, %dma_wait3A_210] : memref<10000x128xf32, #tpu.memory_space<hbm>> -> memref<10000x128xf32, #tpu.memory_space<hbm>>
      tpu.wait_indirect_dma semaphore(%arg14 : memref<!tpu.dma_semaphore, #tpu.memory_space<semaphore_mem>>) src(%dma_wait3A_211 : memref<10000x128xf32, #tpu.memory_space<hbm>>) dst(%arg10 : memref<100x128xf32, #tpu.memory_space<vmem>>)
      %add3A_212 = arith.constant 2 : i32
      %add3A_213 = arith.addi %mul3A_168, %add3A_212 : i32
      "tpu.region"() ({
        %run_scoped3A_223 = tpu.sem_alloc : memref<!tpu.dma_semaphore, #tpu.memory_space<semaphore_mem>>
        %dma_start3A_224 = arith.constant 0 : i32
        %dma_start3A_225 = tpu.memref_slice %arg7[%add3A_213, %dma_start3A_224] : memref<25x100xi32, #tpu.memory_space<vmem>> -> memref<1x100xi32, #tpu.memory_space<vmem>>
        %dma_start3A_226 = tpu.memref_squeeze %dma_start3A_225 : memref<1x100xi32, #tpu.memory_space<vmem>> -> memref<100xi32, #tpu.memory_space<vmem>>
        %dma_start3A_227 = arith.constant 0 : i32
        %dma_start3A_228 = arith.constant 0 : i32
        %dma_start3A_229 = tpu.memref_slice %arg11[%dma_start3A_227, %dma_start3A_228] : memref<10240x128xf32, #tpu.memory_space<vmem_shared>> -> memref<10240x128xf32, #tpu.memory_space<vmem_shared>>
        tpu.enqueue_indirect_dma source(%arg10 : memref<100x128xf32, #tpu.memory_space<vmem>>) target(%dma_start3A_229 : memref<10240x128xf32, #tpu.memory_space<vmem_shared>>) offsets(%dma_start3A_226 : memref<100xi32, #tpu.memory_space<vmem>>) semaphore(%run_scoped3A_223 : memref<!tpu.dma_semaphore, #tpu.memory_space<semaphore_mem>>) {add = true}
        %dma_wait3A_230 = arith.constant 0 : i32
        %dma_wait3A_231 = tpu.memref_slice %arg7[%add3A_213, %dma_wait3A_230] : memref<25x100xi32, #tpu.memory_space<vmem>> -> memref<1x100xi32, #tpu.memory_space<vmem>>
        %dma_wait3A_232 = tpu.memref_squeeze %dma_wait3A_231 : memref<1x100xi32, #tpu.memory_space<vmem>> -> memref<100xi32, #tpu.memory_space<vmem>>
        %dma_wait3A_233 = arith.constant 0 : i32
        %dma_wait3A_234 = arith.constant 0 : i32
        %dma_wait3A_235 = tpu.memref_slice %arg11[%dma_wait3A_233, %dma_wait3A_234] : memref<10240x128xf32, #tpu.memory_space<vmem_shared>> -> memref<10240x128xf32, #tpu.memory_space<vmem_shared>>
        tpu.wait_indirect_dma semaphore(%run_scoped3A_223 : memref<!tpu.dma_semaphore, #tpu.memory_space<semaphore_mem>>) src(%arg10 : memref<100x128xf32, #tpu.memory_space<vmem>>) dst(%dma_wait3A_235 : memref<10240x128xf32, #tpu.memory_space<vmem_shared>>)
        tpu.yield
      }) : () -> ()
      %add3A_214 = arith.constant 2 : i32
      %add3A_215 = arith.addi %mul3A_168, %add3A_214 : i32
      %add3A_216 = arith.constant 3 : i32
      %add3A_217 = arith.addi %add3A_215, %add3A_216 : i32
      %lt3A_218 = arith.constant 25 : i32
      %lt3A_219 = arith.cmpi slt, %add3A_217, %lt3A_218 : i32
      %convert_element_type3A_220 = arith.extui %lt3A_219 : i1 to i32
      %cond3A_221 = arith.constant 0 : i32
      %cond3A_222 = arith.cmpi ne, %convert_element_type3A_220, %cond3A_221 : i32
      scf.if %cond3A_222 {
        %add3A_223 = arith.constant 2 : i32
        %add3A_224 = arith.addi %mul3A_168, %add3A_223 : i32
        %add3A_225 = arith.constant 3 : i32
        %add3A_226 = arith.addi %add3A_224, %add3A_225 : i32
        %dma_start3A_227 = arith.constant 0 : i32
        %dma_start3A_228 = tpu.memref_slice %arg6[%add3A_226, %dma_start3A_227] : memref<25x100xi32, #tpu.memory_space<vmem>> -> memref<1x100xi32, #tpu.memory_space<vmem>>
        %dma_start3A_229 = tpu.memref_squeeze %dma_start3A_228 : memref<1x100xi32, #tpu.memory_space<vmem>> -> memref<100xi32, #tpu.memory_space<vmem>>
        %dma_start3A_230 = arith.constant 0 : i32
        %dma_start3A_231 = arith.constant 0 : i32
        %dma_start3A_232 = tpu.memref_slice %arg2[%dma_start3A_230, %dma_start3A_231] : memref<10000x128xf32, #tpu.memory_space<hbm>> -> memref<10000x128xf32, #tpu.memory_space<hbm>>
        tpu.enqueue_indirect_dma source(%dma_start3A_232 : memref<10000x128xf32, #tpu.memory_space<hbm>>) target(%arg10 : memref<100x128xf32, #tpu.memory_space<vmem>>) offsets(%dma_start3A_229 : memref<100xi32, #tpu.memory_space<vmem>>) semaphore(%arg14 : memref<!tpu.dma_semaphore, #tpu.memory_space<semaphore_mem>>)
      } else {
      }
    }
    %scan3A_152 = arith.constant 8 : i32
    %dma_wait3A_153 = arith.constant 24 : i32
    %dma_wait3A_154 = arith.constant 0 : i32
    %dma_wait3A_155 = tpu.memref_slice %arg6[%dma_wait3A_153, %dma_wait3A_154] : memref<25x100xi32, #tpu.memory_space<vmem>> -> memref<1x100xi32, #tpu.memory_space<vmem>>
    %dma_wait3A_156 = tpu.memref_squeeze %dma_wait3A_155 : memref<1x100xi32, #tpu.memory_space<vmem>> -> memref<100xi32, #tpu.memory_space<vmem>>
    %dma_wait3A_157 = arith.constant 0 : i32
    %dma_wait3A_158 = arith.constant 0 : i32
    %dma_wait3A_159 = tpu.memref_slice %arg2[%dma_wait3A_157, %dma_wait3A_158] : memref<10000x128xf32, #tpu.memory_space<hbm>> -> memref<10000x128xf32, #tpu.memory_space<hbm>>
    tpu.wait_indirect_dma semaphore(%arg12 : memref<!tpu.dma_semaphore, #tpu.memory_space<semaphore_mem>>) src(%dma_wait3A_159 : memref<10000x128xf32, #tpu.memory_space<hbm>>) dst(%arg8 : memref<100x128xf32, #tpu.memory_space<vmem>>)
    %run_scoped3A_160 = arith.constant 24 : i32
    "tpu.region"() ({
      %run_scoped3A_166 = tpu.sem_alloc : memref<!tpu.dma_semaphore, #tpu.memory_space<semaphore_mem>>
      %dma_start3A_167 = arith.constant 0 : i32
      %dma_start3A_168 = tpu.memref_slice %arg7[%run_scoped3A_160, %dma_start3A_167] : memref<25x100xi32, #tpu.memory_space<vmem>> -> memref<1x100xi32, #tpu.memory_space<vmem>>
      %dma_start3A_169 = tpu.memref_squeeze %dma_start3A_168 : memref<1x100xi32, #tpu.memory_space<vmem>> -> memref<100xi32, #tpu.memory_space<vmem>>
      %dma_start3A_170 = arith.constant 0 : i32
      %dma_start3A_171 = arith.constant 0 : i32
      %dma_start3A_172 = tpu.memref_slice %arg11[%dma_start3A_170, %dma_start3A_171] : memref<10240x128xf32, #tpu.memory_space<vmem_shared>> -> memref<10240x128xf32, #tpu.memory_space<vmem_shared>>
      tpu.enqueue_indirect_dma source(%arg8 : memref<100x128xf32, #tpu.memory_space<vmem>>) target(%dma_start3A_172 : memref<10240x128xf32, #tpu.memory_space<vmem_shared>>) offsets(%dma_start3A_169 : memref<100xi32, #tpu.memory_space<vmem>>) semaphore(%run_scoped3A_166 : memref<!tpu.dma_semaphore, #tpu.memory_space<semaphore_mem>>) {add = true}
      %dma_wait3A_173 = arith.constant 0 : i32
      %dma_wait3A_174 = tpu.memref_slice %arg7[%run_scoped3A_160, %dma_wait3A_173] : memref<25x100xi32, #tpu.memory_space<vmem>> -> memref<1x100xi32, #tpu.memory_space<vmem>>
      %dma_wait3A_175 = tpu.memref_squeeze %dma_wait3A_174 : memref<1x100xi32, #tpu.memory_space<vmem>> -> memref<100xi32, #tpu.memory_space<vmem>>
      %dma_wait3A_176 = arith.constant 0 : i32
      %dma_wait3A_177 = arith.constant 0 : i32
      %dma_wait3A_178 = tpu.memref_slice %arg11[%dma_wait3A_176, %dma_wait3A_177] : memref<10240x128xf32, #tpu.memory_space<vmem_shared>> -> memref<10240x128xf32, #tpu.memory_space<vmem_shared>>
      tpu.wait_indirect_dma semaphore(%run_scoped3A_166 : memref<!tpu.dma_semaphore, #tpu.memory_space<semaphore_mem>>) src(%arg8 : memref<100x128xf32, #tpu.memory_space<vmem>>) dst(%dma_wait3A_178 : memref<10240x128xf32, #tpu.memory_space<vmem_shared>>)
      tpu.yield
    }) : () -> ()
    %barrier3A_161 = arith.constant 0 : index
    tpu.barrier barrier_id(%barrier3A_161)
    %mul3A_162 = arith.constant 640 : i32
    %mul3A_163 = arith.muli %arg1, %mul3A_162 : i32
    %mul3A_164 = arith.constant 640 : i32
    %mul3A_165 = arith.muli %arg1, %mul3A_164 : i32
    "tpu.region"() ({
      %run_scoped3A_166 = tpu.sem_alloc : memref<!tpu.dma_semaphore, #tpu.memory_space<semaphore_mem>>
      %dma_start3A_167 = arith.constant 0 : i32
      %dma_start3A_168 = tpu.memref_slice %arg5[%arg0, %mul3A_165, %dma_start3A_167] : memref<2x10240x128xf32, #tpu.memory_space<hbm>> -> memref<1x640x128xf32, #tpu.memory_space<hbm>>
      %dma_start3A_169 = tpu.memref_squeeze %dma_start3A_168 : memref<1x640x128xf32, #tpu.memory_space<hbm>> -> memref<640x128xf32, #tpu.memory_space<hbm>>
      %dma_start3A_170 = arith.constant 0 : i32
      %dma_start3A_171 = tpu.memref_slice %arg11[%mul3A_163, %dma_start3A_170] : memref<10240x128xf32, #tpu.memory_space<vmem_shared>> -> memref<640x128xf32, #tpu.memory_space<vmem_shared>>
      tpu.enqueue_dma source(%dma_start3A_171 : memref<640x128xf32, #tpu.memory_space<vmem_shared>>) target(%dma_start3A_169 : memref<640x128xf32, #tpu.memory_space<hbm>>) target_semaphore(%run_scoped3A_166 : memref<!tpu.dma_semaphore, #tpu.memory_space<semaphore_mem>>)
      %dma_wait3A_172 = arith.constant 0 : i32
      %dma_wait3A_173 = tpu.memref_slice %arg5[%arg0, %mul3A_165, %dma_wait3A_172] : memref<2x10240x128xf32, #tpu.memory_space<hbm>> -> memref<1x640x128xf32, #tpu.memory_space<hbm>>
      %dma_wait3A_174 = tpu.memref_squeeze %dma_wait3A_173 : memref<1x640x128xf32, #tpu.memory_space<hbm>> -> memref<640x128xf32, #tpu.memory_space<hbm>>
      %dma_wait3A_175 = arith.constant 0 : i32
      %dma_wait3A_176 = tpu.memref_slice %arg11[%mul3A_163, %dma_wait3A_175] : memref<10240x128xf32, #tpu.memory_space<vmem_shared>> -> memref<640x128xf32, #tpu.memory_space<vmem_shared>>
      tpu.wait_dma2 semaphore(%run_scoped3A_166 : memref<!tpu.dma_semaphore, #tpu.memory_space<semaphore_mem>>) src(%dma_wait3A_176 : memref<640x128xf32, #tpu.memory_space<vmem_shared>>) dst(%dma_wait3A_174 : memref<640x128xf32, #tpu.memory_space<hbm>>)
      tpu.yield
    }) : () -> ()
    return
  }
}

module attributes {stable_mosaic.version = 14 : i64} {
  func.func @_tc_mm_body(%arg0: i32, %arg1: memref<2000x128xf32, #tpu.memory_space<vmem>>, %arg2: memref<128x128xf32, #tpu.memory_space<vmem>>, %arg3: memref<1x128xf32, #tpu.memory_space<vmem>>, %arg4: memref<2000x128xf32, #tpu.memory_space<vmem>>) attributes {dimension_semantics = [#tpu.dimension_semantics<arbitrary>], iteration_bounds = array<i64: 5>, scalar_prefetch = 0 : i64, scratch_operands = 0 : i64, tpu.core_type = #tpu.core_type<tc>, window_params = [{transform_indices = @transform_0, window_bounds = array<i64: 2000, 128>}, {pipeline_mode = #tpu.pipeline_mode<synchronous>, transform_indices = @transform_1, window_bounds = array<i64: 128, 128>}, {pipeline_mode = #tpu.pipeline_mode<synchronous>, transform_indices = @transform_2, window_bounds = array<i64: 1, 128>}, {transform_indices = @transform_3, window_bounds = array<i64: 2000, 128>}]} {
    %get3A = arith.constant 0 : index
    %get3A_0 = arith.constant 0 : index
    %get3A_1 = vector.load %arg1[%get3A, %get3A_0] : memref<2000x128xf32, #tpu.memory_space<vmem>>, vector<2000x128xf32>
    %get3A_2 = arith.constant 0 : index
    %get3A_3 = arith.constant 0 : index
    %get3A_4 = vector.load %arg2[%get3A_2, %get3A_3] : memref<128x128xf32, #tpu.memory_space<vmem>>, vector<128x128xf32>
    %dot_general3A = arith.constant dense<0.000000e+00> : vector<2000x128xf32>
    %dot_general3A_5 = tpu.matmul %get3A_1, %get3A_4, %dot_general3A {dimension_numbers = #tpu.dot_dimension_numbers<[1], [0], [0], [1], [0, 0, 1, 1], [], []>, transpose_lhs_hint = false} : vector<2000x128xf32>, vector<128x128xf32>, vector<2000x128xf32> -> vector<2000x128xf32>
    %get3A_6 = arith.constant 0 : index
    %get3A_7 = arith.constant 0 : index
    %get3A_8 = vector.load %arg3[%get3A_6, %get3A_7] : memref<1x128xf32, #tpu.memory_space<vmem>>, vector<1x128xf32>
    %add3A = vector.broadcast %get3A_8 : vector<1x128xf32> to vector<2000x128xf32>
    %add3A_9 = arith.addf %dot_general3A_5, %add3A : vector<2000x128xf32>
    %swap3A = arith.constant 0 : index
    %swap3A_10 = arith.constant 0 : index
    %swap3A_11 = vector.load %arg4[%swap3A, %swap3A_10] : memref<2000x128xf32, #tpu.memory_space<vmem>>, vector<2000x128xf32>
    tpu.vector_store %arg4[%swap3A, %swap3A_10], %add3A_9 {strides = array<i32>} : memref<2000x128xf32, #tpu.memory_space<vmem>>, vector<2000x128xf32>,
    return
  }
  func.func @transform_0(%arg0: i32) -> (i32, i32) {
    %c0_i32 = arith.constant 0 : i32
    %c0_i32_0 = arith.constant 0 : i32
    return %arg0, %c0_i32 : i32, i32
  }
  func.func @transform_1(%arg0: i32) -> (i32, i32) {
    %c0_i32 = arith.constant 0 : i32
    %c0_i32_0 = arith.constant 0 : i32
    %c0_i32_1 = arith.constant 0 : i32
    return %c0_i32, %c0_i32_0 : i32, i32
  }
  func.func @transform_2(%arg0: i32) -> (i32, i32) {
    %c0_i32 = arith.constant 0 : i32
    %c0_i32_0 = arith.constant 0 : i32
    %c0_i32_1 = arith.constant 0 : i32
    return %c0_i32, %c0_i32_0 : i32, i32
  }
  func.func @transform_3(%arg0: i32) -> (i32, i32) {
    %c0_i32 = arith.constant 0 : i32
    %c0_i32_0 = arith.constant 0 : i32
    return %arg0, %c0_i32 : i32, i32
  }
}

module attributes {stable_mosaic.version = 14 : i64} {
  func.func @_tc_layer_body(%arg0: i32, %arg1: memref<2x2000x128xf32, #tpu.memory_space<vmem>>, %arg2: memref<2000x128xf32, #tpu.memory_space<vmem>>, %arg3: memref<128x128xf32, #tpu.memory_space<vmem>>, %arg4: memref<2000x128xf32, #tpu.memory_space<vmem>>) attributes {dimension_semantics = [#tpu.dimension_semantics<arbitrary>], iteration_bounds = array<i64: 5>, scalar_prefetch = 0 : i64, scratch_operands = 0 : i64, tpu.core_type = #tpu.core_type<tc>, window_params = [{transform_indices = @transform_0, window_bounds = array<i64: 2, 2000, 128>}, {transform_indices = @transform_1, window_bounds = array<i64: 2000, 128>}, {pipeline_mode = #tpu.pipeline_mode<synchronous>, transform_indices = @transform_2, window_bounds = array<i64: 128, 128>}, {transform_indices = @transform_3, window_bounds = array<i64: 2000, 128>}]} {
    %get3A = arith.constant 0 : index
    %get3A_0 = arith.constant 0 : index
    %get3A_1 = arith.constant 0 : index
    %get3A_2 = vector.load %arg1[%get3A, %get3A_0, %get3A_1] : memref<2x2000x128xf32, #tpu.memory_space<vmem>>, vector<1x2000x128xf32>
    %get3A_3 = vector.shape_cast %get3A_2 : vector<1x2000x128xf32> to vector<2000x128xf32>
    %get3A_4 = arith.constant 1 : index
    %get3A_5 = arith.constant 0 : index
    %get3A_6 = arith.constant 0 : index
    %get3A_7 = vector.load %arg1[%get3A_4, %get3A_5, %get3A_6] : memref<2x2000x128xf32, #tpu.memory_space<vmem>>, vector<1x2000x128xf32>
    %get3A_8 = vector.shape_cast %get3A_7 : vector<1x2000x128xf32> to vector<2000x128xf32>
    %add3A = arith.addf %get3A_3, %get3A_8 : vector<2000x128xf32>
    %get3A_9 = arith.constant 0 : index
    %get3A_10 = arith.constant 0 : index
    %get3A_11 = vector.load %arg3[%get3A_9, %get3A_10] : memref<128x128xf32, #tpu.memory_space<vmem>>, vector<128x128xf32>
    %dot_general3A = arith.constant dense<0.000000e+00> : vector<2000x128xf32>
    %dot_general3A_12 = tpu.matmul %add3A, %get3A_11, %dot_general3A {dimension_numbers = #tpu.dot_dimension_numbers<[1], [0], [0], [1], [0, 0, 1, 1], [], []>, transpose_lhs_hint = false} : vector<2000x128xf32>, vector<128x128xf32>, vector<2000x128xf32> -> vector<2000x128xf32>
    %get3A_13 = arith.constant 0 : index
    %get3A_14 = arith.constant 0 : index
    %get3A_15 = vector.load %arg2[%get3A_13, %get3A_14] : memref<2000x128xf32, #tpu.memory_space<vmem>>, vector<2000x128xf32>
    %add3A_16 = arith.addf %dot_general3A_12, %get3A_15 : vector<2000x128xf32>
    %max3A = arith.constant 0.000000e+00 : f32
    %max3A_17 = vector.broadcast %max3A : f32 to vector<2000x128xf32>
    %max3A_18 = arith.maximumf %add3A_16, %max3A_17 : vector<2000x128xf32>
    %swap3A = arith.constant 0 : index
    %swap3A_19 = arith.constant 0 : index
    %swap3A_20 = vector.load %arg4[%swap3A, %swap3A_19] : memref<2000x128xf32, #tpu.memory_space<vmem>>, vector<2000x128xf32>
    tpu.vector_store %arg4[%swap3A, %swap3A_19], %max3A_18 {strides = array<i32>} : memref<2000x128xf32, #tpu.memory_space<vmem>>, vector<2000x128xf32>,
    return
  }
  func.func @transform_0(%arg0: i32) -> (i32, i32, i32) {
    %c0_i32 = arith.constant 0 : i32
    %c0_i32_0 = arith.constant 0 : i32
    %c0_i32_1 = arith.constant 0 : i32
    return %c0_i32, %arg0, %c0_i32_0 : i32, i32, i32
  }
  func.func @transform_1(%arg0: i32) -> (i32, i32) {
    %c0_i32 = arith.constant 0 : i32
    %c0_i32_0 = arith.constant 0 : i32
    return %arg0, %c0_i32 : i32, i32
  }
  func.func @transform_2(%arg0: i32) -> (i32, i32) {
    %c0_i32 = arith.constant 0 : i32
    %c0_i32_0 = arith.constant 0 : i32
    %c0_i32_1 = arith.constant 0 : i32
    return %c0_i32, %c0_i32_0 : i32, i32
  }
  func.func @transform_3(%arg0: i32) -> (i32, i32) {
    %c0_i32 = arith.constant 0 : i32
    %c0_i32_0 = arith.constant 0 : i32
    return %arg0, %c0_i32 : i32, i32
  }
}

module attributes {stable_mosaic.version = 14 : i64} {
  func.func @_tc_layer_pool_body(%arg0: i32, %arg1: memref<2x2000x128xf32, #tpu.memory_space<vmem>>, %arg2: memref<2000x128xf32, #tpu.memory_space<vmem>>, %arg3: memref<128x128xf32, #tpu.memory_space<vmem>>, %arg4: memref<1x1x2000xi32, #tpu.memory_space<vmem>>, %arg5: memref<256x128xf32, #tpu.memory_space<vmem>>, %arg6: memref<256x128xf32, #tpu.memory_space<vmem>>, %arg7: memref<256x128xf32, #tpu.memory_space<vmem>>) attributes {dimension_semantics = [#tpu.dimension_semantics<arbitrary>], iteration_bounds = array<i64: 5>, scalar_prefetch = 0 : i64, scratch_operands = 2 : i64, tpu.core_type = #tpu.core_type<tc>, window_params = [{transform_indices = @transform_0, window_bounds = array<i64: 2, 2000, 128>}, {transform_indices = @transform_1, window_bounds = array<i64: 2000, 128>}, {pipeline_mode = #tpu.pipeline_mode<synchronous>, transform_indices = @transform_2, window_bounds = array<i64: 128, 128>}, {transform_indices = @transform_3, window_bounds = array<i64: 1, 1, 2000>}, {pipeline_mode = #tpu.pipeline_mode<synchronous>, transform_indices = @transform_4, window_bounds = array<i64: 256, 128>}]} {
    %eq3A = arith.constant 0 : i32
    %eq3A_0 = arith.cmpi eq, %arg0, %eq3A : i32
    %convert_element_type3A = arith.extui %eq3A_0 : i1 to i32
    %cond3A = arith.constant 0 : i32
    %cond3A_1 = arith.cmpi ne, %convert_element_type3A, %cond3A : i32
    scf.if %cond3A_1 {
      %broadcast_in_dim3A_54 = arith.constant 0.000000e+00 : f32
      %broadcast_in_dim3A_55 = vector.broadcast %broadcast_in_dim3A_54 : f32 to vector<256x128xf32>
      %swap3A_56 = arith.constant 0 : index
      %swap3A_57 = arith.constant 0 : index
      %swap3A_58 = vector.load %arg6[%swap3A_56, %swap3A_57] : memref<256x128xf32, #tpu.memory_space<vmem>>, vector<256x128xf32>
      tpu.vector_store %arg6[%swap3A_56, %swap3A_57], %broadcast_in_dim3A_55 {strides = array<i32>} : memref<256x128xf32, #tpu.memory_space<vmem>>, vector<256x128xf32>,
      %broadcast_in_dim3A_59 = arith.constant 0.000000e+00 : f32
      %broadcast_in_dim3A_60 = vector.broadcast %broadcast_in_dim3A_59 : f32 to vector<256x128xf32>
      %swap3A_61 = arith.constant 0 : index
      %swap3A_62 = arith.constant 0 : index
      %swap3A_63 = vector.load %arg7[%swap3A_61, %swap3A_62] : memref<256x128xf32, #tpu.memory_space<vmem>>, vector<256x128xf32>
      tpu.vector_store %arg7[%swap3A_61, %swap3A_62], %broadcast_in_dim3A_60 {strides = array<i32>} : memref<256x128xf32, #tpu.memory_space<vmem>>, vector<256x128xf32>,
    } else {
    }
    %get3A = arith.constant 0 : index
    %get3A_2 = arith.constant 0 : index
    %get3A_3 = arith.constant 0 : index
    %get3A_4 = vector.load %arg1[%get3A, %get3A_2, %get3A_3] : memref<2x2000x128xf32, #tpu.memory_space<vmem>>, vector<1x2000x128xf32>
    %get3A_5 = vector.shape_cast %get3A_4 : vector<1x2000x128xf32> to vector<2000x128xf32>
    %get3A_6 = arith.constant 1 : index
    %get3A_7 = arith.constant 0 : index
    %get3A_8 = arith.constant 0 : index
    %get3A_9 = vector.load %arg1[%get3A_6, %get3A_7, %get3A_8] : memref<2x2000x128xf32, #tpu.memory_space<vmem>>, vector<1x2000x128xf32>
    %get3A_10 = vector.shape_cast %get3A_9 : vector<1x2000x128xf32> to vector<2000x128xf32>
    %add3A = arith.addf %get3A_5, %get3A_10 : vector<2000x128xf32>
    %get3A_11 = arith.constant 0 : index
    %get3A_12 = arith.constant 0 : index
    %get3A_13 = vector.load %arg3[%get3A_11, %get3A_12] : memref<128x128xf32, #tpu.memory_space<vmem>>, vector<128x128xf32>
    %dot_general3A = arith.constant dense<0.000000e+00> : vector<2000x128xf32>
    %dot_general3A_14 = tpu.matmul %add3A, %get3A_13, %dot_general3A {dimension_numbers = #tpu.dot_dimension_numbers<[1], [0], [0], [1], [0, 0, 1, 1], [], []>, transpose_lhs_hint = false} : vector<2000x128xf32>, vector<128x128xf32>, vector<2000x128xf32> -> vector<2000x128xf32>
    %get3A_15 = arith.constant 0 : index
    %get3A_16 = arith.constant 0 : index
    %get3A_17 = vector.load %arg2[%get3A_15, %get3A_16] : memref<2000x128xf32, #tpu.memory_space<vmem>>, vector<2000x128xf32>
    %add3A_18 = arith.addf %dot_general3A_14, %get3A_17 : vector<2000x128xf32>
    %max3A = arith.constant 0.000000e+00 : f32
    %max3A_19 = vector.broadcast %max3A : f32 to vector<2000x128xf32>
    %max3A_20 = arith.maximumf %add3A_18, %max3A_19 : vector<2000x128xf32>
    %get3A_21 = arith.constant 0 : index
    %get3A_22 = arith.constant 0 : index
    %get3A_23 = arith.constant 0 : index
    %get3A_24 = vector.load %arg4[%get3A_21, %get3A_22, %get3A_23] : memref<1x1x2000xi32, #tpu.memory_space<vmem>>, vector<1x1x2000xi32>
    %get3A_25 = vector.shape_cast %get3A_24 : vector<1x1x2000xi32> to vector<2000xi32>
    %iota3A = tpu.iota {dimensions = array<i32: 0>} : vector<256x2000xi32>
    %broadcast_in_dim3A = vector.shape_cast %get3A_25 : vector<2000xi32> to vector<1x2000xi32>
    %eq3A_26 = vector.broadcast %broadcast_in_dim3A : vector<1x2000xi32> to vector<256x2000xi32>
    %eq3A_27 = arith.cmpi eq, %iota3A, %eq3A_26 : vector<256x2000xi32>
    %convert_element_type3A_28 = arith.extui %eq3A_27 : vector<256x2000xi1> to vector<256x2000xi32>
    %convert_element_type3A_29 = arith.sitofp %convert_element_type3A_28 : vector<256x2000xi32> to vector<256x2000xf32>
    %get3A_30 = arith.constant 0 : index
    %get3A_31 = arith.constant 0 : index
    %get3A_32 = vector.load %arg6[%get3A_30, %get3A_31] : memref<256x128xf32, #tpu.memory_space<vmem>>, vector<256x128xf32>
    %dot_general3A_33 = arith.constant dense<0.000000e+00> : vector<256x128xf32>
    %dot_general3A_34 = tpu.matmul %convert_element_type3A_29, %max3A_20, %dot_general3A_33 {dimension_numbers = #tpu.dot_dimension_numbers<[1], [0], [0], [1], [0, 0, 1, 1], [], []>, transpose_lhs_hint = false} : vector<256x2000xf32>, vector<2000x128xf32>, vector<256x128xf32> -> vector<256x128xf32>
    %add3A_35 = arith.addf %get3A_32, %dot_general3A_34 : vector<256x128xf32>
    %swap3A = arith.constant 0 : index
    %swap3A_36 = arith.constant 0 : index
    %swap3A_37 = vector.load %arg6[%swap3A, %swap3A_36] : memref<256x128xf32, #tpu.memory_space<vmem>>, vector<256x128xf32>
    tpu.vector_store %arg6[%swap3A, %swap3A_36], %add3A_35 {strides = array<i32>} : memref<256x128xf32, #tpu.memory_space<vmem>>, vector<256x128xf32>,
    %get3A_38 = arith.constant 0 : index
    %get3A_39 = arith.constant 0 : index
    %get3A_40 = vector.load %arg7[%get3A_38, %get3A_39] : memref<256x128xf32, #tpu.memory_space<vmem>>, vector<256x128xf32>
    %reduce_sum3A = arith.constant dense<0.000000e+00> : vector<256xf32>
    %reduce_sum3A_41 = vector.multi_reduction <add>, %convert_element_type3A_29, %reduce_sum3A [1] : vector<256x2000xf32> to vector<256xf32>
    %broadcast_in_dim3A_42 = vector.shape_cast %reduce_sum3A_41 : vector<256xf32> to vector<256x1xf32>
    %broadcast_in_dim3A_43 = vector.shape_cast %broadcast_in_dim3A_42 : vector<256x1xf32> to vector<256x1xf32>
    %broadcast_in_dim3A_44 = vector.broadcast %broadcast_in_dim3A_43 : vector<256x1xf32> to vector<256x128xf32>
    %add3A_45 = arith.addf %get3A_40, %broadcast_in_dim3A_44 : vector<256x128xf32>
    %swap3A_46 = arith.constant 0 : index
    %swap3A_47 = arith.constant 0 : index
    %swap3A_48 = vector.load %arg7[%swap3A_46, %swap3A_47] : memref<256x128xf32, #tpu.memory_space<vmem>>, vector<256x128xf32>
    tpu.vector_store %arg7[%swap3A_46, %swap3A_47], %add3A_45 {strides = array<i32>} : memref<256x128xf32, #tpu.memory_space<vmem>>, vector<256x128xf32>,
    %eq3A_49 = arith.constant 4 : i32
    %eq3A_50 = arith.cmpi eq, %arg0, %eq3A_49 : i32
    %convert_element_type3A_51 = arith.extui %eq3A_50 : i1 to i32
    %cond3A_52 = arith.constant 0 : i32
    %cond3A_53 = arith.cmpi ne, %convert_element_type3A_51, %cond3A_52 : i32
    scf.if %cond3A_53 {
      %get3A_54 = arith.constant 0 : index
      %get3A_55 = arith.constant 0 : index
      %get3A_56 = vector.load %arg6[%get3A_54, %get3A_55] : memref<256x128xf32, #tpu.memory_space<vmem>>, vector<256x128xf32>
      %get3A_57 = arith.constant 0 : index
      %get3A_58 = arith.constant 0 : index
      %get3A_59 = vector.load %arg7[%get3A_57, %get3A_58] : memref<256x128xf32, #tpu.memory_space<vmem>>, vector<256x128xf32>
      %max3A_60 = arith.constant 1.000000e+00 : f32
      %max3A_61 = vector.broadcast %max3A_60 : f32 to vector<256x128xf32>
      %max3A_62 = arith.maximumf %get3A_59, %max3A_61 : vector<256x128xf32>
      %div3A = arith.divf %get3A_56, %max3A_62 : vector<256x128xf32>
      %swap3A_63 = arith.constant 0 : index
      %swap3A_64 = arith.constant 0 : index
      %swap3A_65 = vector.load %arg5[%swap3A_63, %swap3A_64] : memref<256x128xf32, #tpu.memory_space<vmem>>, vector<256x128xf32>
      tpu.vector_store %arg5[%swap3A_63, %swap3A_64], %div3A {strides = array<i32>} : memref<256x128xf32, #tpu.memory_space<vmem>>, vector<256x128xf32>,
    } else {
    }
    return
  }
  func.func @transform_0(%arg0: i32) -> (i32, i32, i32) {
    %c0_i32 = arith.constant 0 : i32
    %c0_i32_0 = arith.constant 0 : i32
    %c0_i32_1 = arith.constant 0 : i32
    return %c0_i32, %arg0, %c0_i32_0 : i32, i32, i32
  }
  func.func @transform_1(%arg0: i32) -> (i32, i32) {
    %c0_i32 = arith.constant 0 : i32
    %c0_i32_0 = arith.constant 0 : i32
    return %arg0, %c0_i32 : i32, i32
  }
  func.func @transform_2(%arg0: i32) -> (i32, i32) {
    %c0_i32 = arith.constant 0 : i32
    %c0_i32_0 = arith.constant 0 : i32
    %c0_i32_1 = arith.constant 0 : i32
    return %c0_i32, %c0_i32_0 : i32, i32
  }
  func.func @transform_3(%arg0: i32) -> (i32, i32, i32) {
    %c0_i32 = arith.constant 0 : i32
    %c0_i32_0 = arith.constant 0 : i32
    %c0_i32_1 = arith.constant 0 : i32
    return %arg0, %c0_i32, %c0_i32_0 : i32, i32, i32
  }
  func.func @transform_4(%arg0: i32) -> (i32, i32) {
    %c0_i32 = arith.constant 0 : i32
    %c0_i32_0 = arith.constant 0 : i32
    %c0_i32_1 = arith.constant 0 : i32
    return %c0_i32, %c0_i32_0 : i32, i32
  }
}

</mosaic_0001>

<sc_bundles>
// kernel: kernel.11.cloned.1.call-start
scs
__scs_entry_jumppad:
0x0: {  	(pc) =	sbr.rel $0x88, $3  }
0x1: {  	(tag) =	ssettag $0x0;
	lr =	simm.s32 $0x1  }
0x2: {  	[smem:$0x3F98] =	sst lr;
	_ =	strace $0xD0000000  }
0x3: {  	_ = 	snop  }
0x4: {  	_ = 	snop  }
0x5: {  	_ = 	snop  }
0x6: {  	_ = 	snop  }
0x7: {  	_ = 	snop  }
__scs_overlays_trampoline_lowered:
0x8: {  	[smem:$0x3FA7] =	sst s0  }
0x9: {  	[smem:$0x3FA8] =	sst s1  }
0xa: {  	[smem:$0x3FA9] =	sst s2  }
0xb: {  	[smem:$0x3FAA] =	sst s3  }
0xc: {  	[smem:$0x3FAB] =	sst s4  }
0xd: {  	[smem:$0x3FAC] =	sst s5  }
0xe: {  	[smem:$0x3FAD] =	sst s6  }
0xf: {  	[smem:$0x3FAE] =	sst s7  }
0x10: {  	[smem:$0x3FAF] =	sst s8  }
0x11: {  	[smem:$0x3FB0] =	sst s9;
	s0 =	simm.s32 @!p0 $0x0  }
0x12: {  	s1 =	sld [smem:$0x3F96];
	s0 =	simm.s32 @p0 $0x1  }
0x13: {  	[smem:$0x3FB1] =	sst s0;
	s0 =	simm.s32 @!p1 $0x0  }
0x14: {  	s2 =	sld [smem:$0x3F95];
	s0 =	simm.s32 @p1 $0x1  }
0x15: {  	[smem:$0x3FB2] =	sst s0;
	s0 =	simm.s32 @!p2 $0x0  }
0x16: {  	s3 =	sld [smem:$0x3FDB];
	s0 =	simm.s32 @p2 $0x1  }
0x17: {  	s4 =	simm.s32 $0x1BF5;
	[smem:$0x3FB4] =	sst s0  }
0x18: {  	s0 =	sld [smem:$0x3F97];
	_ =	swait.ge [sflag:s4], $0x0  }
0x19: {  	s7 =	sld [smem:$0x3F98]  }
0x1a: {  	s8 =	sadd.s32 $0xFFFFE003, lr  }
0x1b: {  	s9 =	sadd.s32 $0xFFFFFEF7, lr;
	s5 =	simm.s32 $0xFFFFFFFF;
	p2 =	slt.u32 s8, $0xFFFFF086  }
0x1c: {  	p1 =	slt.u32 s9, $0xF7A;
	s5 =	simm.s32 @!p2 $0x0  }
0x1d: {  	s5 =	simm.s32 @p1 $0x1;
	p0 =	seq.s32 s7, s2  }
0x1e: {  	s7 =	smul.u32 @!p0 $0xF7A, s2;
	p2 =	seq.s32 @!p0 s5, $0x0  }
0x1f: {  	s9 =	smul.u32 $0xF7A, s1;
	s8 =	simm.s32 @!p0 $0x1BF5;
	p2 =	por !p2, p0  }
0x20: {  	[sflag:s8] =	ssyncset.s32 @!p0 $0xFFFFF086;
	s6 =	sadd.s32 @!p0 s3, s7;
	s7 =	simm.s32 @!p0 $0x108  }
0x21: {  	s3 =	sadd.s32 s3, s9;
	s6 =	sadd.s32 @!p0 $0x88, s6;
	s7 =	simm.s32 @p2 $0x1082  }
0x22: {  	[simem:s7], [sflag:s8] =	dma.local @!p0 [hbm:s6], $0xF7A  }
0x23: {  	s9 =	sor.u32 $0xD0000000, s2;
	s6 =	simm.s32 $0x108;
	_ =	swait.ge @!p0 [sflag:s8], $0x0  }
0x24: {  	s3 =	sadd.s32 $0x88, s3;
	s6 =	simm.s32 @!p1 $0x1082;
	[sflag:s4] =	ssyncset.s32 $0xFFFFF086  }
0x25: {  	[simem:s6], [sflag:s4] =	dma.local [hbm:s3], $0xF7A  }
0x26: {  	[smem:$0x3F98] =	sst s1;
	(tag) =	ssettag s2;
	_ =	strace s9  }
0x27: {  	s1 =	sld [smem:$0x3FA8]  }
0x28: {  	s2 =	sld [smem:$0x3FA9]  }
0x29: {  	s4 =	sld [smem:$0x3FAB]  }
0x2a: {  	p0 =	seq.s32 s5, $0x0;
	s5 =	sld [smem:$0x3FAC]  }
0x2b: {  	s6 =	sld [smem:$0x3FAD]  }
0x2c: {  	s7 =	sld [smem:$0x3FAE]  }
0x2d: {  	s3 =	simm.s32 $0x108;
	s8 =	sld [smem:$0x3FAF]  }
0x2e: {  	s3 =	simm.s32 @!p0 $0x1082;
	s9 =	sld [smem:$0x3FB0]  }
0x2f: {  	lr =	sadd.s32 s0, s3;
	s0 =	sld [smem:$0x3FA7]  }
0x30: {  	s3 =	sld [smem:$0x3FAA]  }
0x31: {  	[smem:$0x3FB3] =	sst s10  }
0x32: {  	s10 =	sld [smem:$0x3FB1];
	_ =	sdelay $0x3  }
0x33: {  	p0 =	seq.s32 s10, $0x1;
	s10 =	sld [smem:$0x3FB3];
	_ =	sdelay $0x3  }
0x34: {  	[smem:$0x3FB3] =	sst s10  }
0x35: {  	s10 =	sld [smem:$0x3FB2];
	_ =	sdelay $0x3  }
0x36: {  	p1 =	seq.s32 s10, $0x1;
	s10 =	sld [smem:$0x3FB3];
	_ =	sdelay $0x3  }
0x37: {  	[smem:$0x3FB3] =	sst s10  }
0x38: {  	s10 =	sld [smem:$0x3FB4]  }
0x39: {  	_ = 	snop;
	(pc) =	sbr.ind lr, $3  }
0x3a: {  	_ = 	snop  }
0x3b: {  	_ = 	snop  }
0x3c: {  	p2 =	seq.s32 s10, $0x1;
	s10 =	sld [smem:$0x3FB3]  }
0x3d: {  	_ =	shalt  }
0x3e: {  	_ =	shalt  }
0x3f: {  	_ =	shalt  }
0x40: {  	_ =	shalt  }
0x41: {  	_ =	shalt  }
0x42: {  	_ =	shalt  }
0x43: {  	_ =	shalt  }
0x44: {  	_ =	shalt  }
0x45: {  	_ =	shalt  }
0x46: {  	_ =	shalt  }
0x47: {  	_ =	shalt  }
0x48: {  	_ =	shalt  }
0x49: {  	_ =	shalt  }
0x4a: {  	_ =	shalt  }
0x4b: {  	_ =	shalt  }
0x4c: {  	_ =	shalt  }
0x4d: {  	_ =	shalt  }
0x4e: {  	_ =	shalt  }
0x4f: {  	_ =	shalt  }
0x50: {  	_ =	shalt  }
0x51: {  	_ =	shalt  }
0x52: {  	_ =	shalt  }
0x53: {  	_ =	shalt  }
0x54: {  	_ =	shalt  }
0x55: {  	_ =	shalt  }
0x56: {  	_ =	shalt  }
0x57: {  	_ =	shalt  }
0x58: {  	_ =	shalt  }
0x59: {  	_ =	shalt  }
0x5a: {  	_ =	shalt  }
0x5b: {  	_ =	shalt  }
0x5c: {  	_ =	shalt  }
0x5d: {  	_ =	shalt  }
0x5e: {  	_ =	shalt  }
0x5f: {  	_ =	shalt  }
0x60: {  	_ =	shalt  }
0x61: {  	_ =	shalt  }
0x62: {  	_ =	shalt  }
0x63: {  	_ =	shalt  }
0x64: {  	_ =	shalt  }
0x65: {  	_ =	shalt  }
0x66: {  	_ =	shalt  }
0x67: {  	_ =	shalt  }
0x68: {  	_ =	shalt  }
0x69: {  	_ =	shalt  }
0x6a: {  	_ =	shalt  }
0x6b: {  	_ =	shalt  }
0x6c: {  	_ =	shalt  }
0x6d: {  	_ =	shalt  }
0x6e: {  	_ =	shalt  }
0x6f: {  	_ =	shalt  }
0x70: {  	_ =	shalt  }
0x71: {  	_ =	shalt  }
0x72: {  	_ =	shalt  }
0x73: {  	_ =	shalt  }
0x74: {  	_ =	shalt  }
0x75: {  	_ =	shalt  }
0x76: {  	_ =	shalt  }
0x77: {  	_ =	shalt  }
0x78: {  	_ =	shalt  }
0x79: {  	_ =	shalt  }
0x7a: {  	_ =	shalt  }
0x7b: {  	_ =	shalt  }
0x7c: {  	_ =	shalt  }
0x7d: {  	_ =	shalt  }
0x7e: {  	_ =	shalt  }
0x7f: {  	_ =	shalt  }
0x80: {  	_ =	shalt  }
0x81: {  	_ =	shalt  }
0x82: {  	_ =	shalt  }
0x83: {  	_ =	shalt  }
0x84: {  	_ =	shalt  }
0x85: {  	_ =	shalt  }
0x86: {  	_ =	shalt  }
0x87: {  	_ =	shalt  }
.Lfunc_end0:
.L_simem_size_0:
called_computation.1_lowered:
.L_overlay_start_0:
0x88: {  	s2 =	sld [smem:$0x3FD9]  }
0x89: {  	s3 =	sld [smem:$0x3FFE];
	_ =	sdelay $0x1  }
0x8a: {  	s1 =	srdreg.scid  }
0x8b: {  	s0 =	sand.u32 $0x1, s1  }
0x8c: {  	s16 =	sshll.u32 s0, $0xA;
	s2 =	sadd.s32 s3, s2  }
0x8d: {  	s2 =	sadd.s32 s2, s16  }
0x8e: {  	[smem:$0x3FBF] =	sst s2  }
0x8f: {  	_ = 	snop  }
0x90: {  	(tm) =	ssettm $0x1  }
0x91: {  	s17 =	sld [smem:$0x3FFB];
	_ =	sdelay $0x3  }
0x92: {  	_ =	strace s17  }
0x93: {  	s2 =	sld [smem:$0x3FFC];
	_ =	sdelay $0x3  }
0x94: {  	_ =	strace s2  }
0x95: {  	s2 =	sld [smem:$0x3FFD];
	_ =	sdelay $0x3  }
0x96: {  	_ =	strace s2  }
0x97: {  	_ =	strace $0x8FFFFFFF  }
0x98: {  	s18 =	sld [smem:$0x3FDB];
	_ =	sdelay $0x1  }
0x99: {  	s19 =	simm.s32 $_scs_section_size  }
0x9a: {  	s4 =	simm.s32 $_size__tile_overlayer_lowered;
	s5 =	simm.s32 $_tile_overlayer_lowered  }
0x9b: {  	s22 =	simm.s32 $0x1BFF;
	s21 =	sshll.u32 s5, $0x1;
	s2 =	sadd.s32 s19, s18  }
0x9c: {  	s6 =	simm.s32 $0x0;
	s20 =	sshll.u32 s4, $0x1;
	s4 =	sadd.s32 s21, s2  }
0x9d: {  	[timem:s6], [sflag:s22] =	dma.local [hbm:s4], s20  }
0x9e: {  	_ =	swait.ge [sflag:s22], s20  }
0x9f: {  	s3 =	ssub.s32 $0x0, s20;
	[sflag:s22] =	ssyncset.done $0x0  }
0xa0: {  	[sflag:s22] =	ssyncadd.s32 s3;
	_ =	sdelay $0x1  }
0xa1: {  	s23 =	simm.s32 $0x1B8B  }
0xa2: {  	_ =	swait.ge [sflag:s23], $0x1  }
0xa3: {  	[sflag:s23] =	ssyncset.done $0x0  }
0xa4: {  	s25 =	simm.s32 $0x1B8E;
	s24 =	sld [smem:$0x3FFE];
	[sflag:s23] =	ssyncadd.s32 $0xFFFFFFFF  }
0xa5: {  	s26 =	simm.s32 $execute0_lowered;
	[smem:$0x3FD2] =	sst s25  }
0xa6: {  	s4 =	sshll.u32 s26, $0x1;
	_ =	strace $0x80000049;
	[dreg:$0x1] =	wrdreg $0xFFFFFFFF  }
0xa7: {  	s28 =	simm.s32 $_size_execute0_lowered;
	s2 =	sadd.s32 s2, s4;
	[dreg:$0x0] =	wrdreg $0x0  }
0xa8: {  	s4 =	sshll.u32 s28, $0x1;
	[dreg:$0x2] =	wrdreg s2  }
0xa9: {  	[dreg:$0x3] =	wrdreg s4  }
0xaa: {  	[dreg:$0x4] =	wrdreg $0xC0  }
0xab: {  	_ =	task [dreg:s6], $0x5FFFF  }
0xac: {  	[dreg:$0x1] =	wrdreg $0xFFFFFFFF  }
0xad: {  	[dreg:$0x0] =	wrdreg $0x60  }
0xae: {  	[dreg:$0x2] =	wrdreg s24  }
0xaf: {  	[dreg:$0x3] =	wrdreg $0xBC000  }
0xb0: {  	[dreg:$0x4] =	wrdreg $0x9  }
0xb1: {  	_ =	task.clear_ibuf [dreg:s6], $0x5FFFF;
	_ =	strace $0x90000049  }
0xb2: {  	s29 =	simm.s32 $0x9;
	_ =	strace $0x8000004B  }
0xb3: {  	_ =	swait.ge [sflag:s29], $0x1  }
0xb4: {  	[sflag:s29] =	ssyncadd.s32 $0xFFFFFFFF  }
0xb5: {  	_ =	strace $0x9000004B  }
0xb6: {  	_ =	sfence  }
0xb7: {  	s30 =	sld [smem:$0x0];
	_ =	sdelay $0x2  }
0xb8: {  	s31 =	sshll.u32 s1, $0xD;
	s1 =	sshrl.u32 s1, $0x2  }
0xb9: {  	s3 =	sand.u32 $0x4000, s31;
	s1 =	sadd.s32 s1, s30  }
0xba: {  	s0 =	sor.u32 s3, s0;
	s1 =	sshll.u32 s1, $0x11  }
0xbb: {  	s0 =	sor.u32 s1, s0  }
0xbc: {  	s0 =	sadd.s32 $0x8F2B, s0  }
0xbd: {  	[sflag:s0] =	ssyncadd.remote.s32 $0x1  }
0xbe: {  	_ =	sfence.sel $0xFFFF  }
0xbf: {  	[dreg:$0x0] =	wrdreg $0xFFFFFFFF;
	(pc) =	sbr.abs _section_cstart, $3  }
0xc0: {  	[dreg:$0x1] =	wrdreg $0xFFFFFFFF  }
0xc1: {  	_ =	task.clear_ibuf [dreg:s6], $0x2FFFF;
	_ =	strace $0x9FFFFFFF  }
0xc2: {  	(tm) =	ssettm $0x7FFFFFFF  }
0xc3: {  	_ =	shalt  }
tec
execute0_lowered:
.L_overlay_start_1:
0x0: {  	(tag) =	ssettag $0x1  }
0x1: {  	s0 =	rddreg [dreg:$0x0];
	s1 =	srdreg.scid  }
0x2: {  	s2 =	rddreg [dreg:$0x1];
	s10 =	stileid.u32  }
0x3: {  	s15 =	simm.s32 $0x0;
	s1 =	sand.u32 $0x1, s1;
	s6 =	smul.u32 $0x14000, s10  }
0x4: {  	[smem:$0x7FF] =	sst s15;
	s29 =	sadd.s32 $0x1E00, s0;
	s11 =	sshll.u32 s10, $0xB  }
0x5: {  	s5 =	smul.u32 $0x140000, s1;
	s9 =	ssub.s32 $0x2, s1;
	s1 =	sshll.u32 s1, $0xF  }
0x6: {  	s3 =	smul.u32 $0x50000, s10;
	s8 =	sadd.s32 $0x11E00, s0;
	s1 =	sor.u32 s11, s1  }
0x7: {  	_ =	strace $0x8000004A;
	s12 =	sshrl.u32 s9, $0x1;
	s17 =	sadd.s32 s29, s1  }
0x8: {  	s16 =	sor.u32 $0x200, s1;
	s18 =	sadd.s32 s8, s1;
	[dreg:$0x4] =	wrdreg s17  }
0x9: {  	s13 =	ssub.s32 s9, s12;
	[dreg:$0x5] =	wrdreg s18;
	s19 =	sadd.s32 s29, s16  }
0xa: {  	s20 =	sor.u32 $0x400, s1;
	s9 =	sadd.s32 s8, s16;
	[dreg:$0x6] =	wrdreg s19  }
0xb: {  	s1 =	sor.u32 $0x600, s1;
	s21 =	sadd.s32 s29, s20;
	[dreg:$0x7] =	wrdreg s9  }
0xc: {  	s5 =	sadd.s32 s6, s5;
	s6 =	sadd.s32 s29, s1;
	[dreg:$0x8] =	wrdreg s21  }
0xd: {  	s4 =	sadd.s32 $0x21E00, s0;
	s1 =	sadd.s32 s8, s1;
	[dreg:$0xa] =	wrdreg s6  }
0xe: {  	s7 =	sshrl.u32 s3, $0x2;
	s22 =	smax.u32 s13, $0x1;
	[dreg:$0xb] =	wrdreg s1  }
0xf: {  	s5 =	sshrl.u32 s5, $0x3;
	s9 =	sadd.s32 s8, s20;
	[dreg:$0xd] =	wrdreg s22  }
0x10: {  	s0 =	sadd.s32 s5, s0;
	s5 =	sadd.s32 s7, s2;
	[dreg:$0x9] =	wrdreg s9  }
0x11: {  	s28 =	simm.s32 $0x5400;
	s14 =	sadd.s32 $0x12C00, s5;
	[dreg:$0x13] =	wrdreg s5  }
0x12: {  	s30 =	simm.s32 $0x8800;
	s0 =	sadd.s32 $0x49000, s0;
	[dreg:$0x3] =	wrdreg s14  }
0x13: {  	s31 =	simm.s32 $0x1;
	s23 =	sadd.s32 $0x3200, s5;
	[dreg:$0xc] =	wrdreg s0  }
0x14: {  	s16 =	simm.s32 $0x0;
	s24 =	sadd.s32 $0x6400, s5;
	[dreg:$0xe] =	wrdreg s23  }
0x15: {  	s22 =	simm.s32 $0x2000;
	s25 =	sadd.s32 $0x9600, s5;
	[dreg:$0xf] =	wrdreg s24  }
0x16: {  	s1 =	simm.s32 $0x2;
	s26 =	sadd.s32 $0xC800, s5;
	[dreg:$0x10] =	wrdreg s25  }
0x17: {  	s8 =	simm.s32 $0x3;
	s29 =	sadd.s32 $0xFA00, s5;
	[dreg:$0x11] =	wrdreg s26  }
0x18: {  	v0 =	vimm.f32 $0.0e+00;
	[dreg:$0x12] =	wrdreg s29;
	s23 =	simm.s32 $0x4;
	s25 =	simm.s32 $0x64  }
.LBB2_1:
0x19: {  	s17 =	simm.s32 $0x0;
	s18 =	simm.s32 $0x200  }
.LBB2_2:
0x1a: {  	p0 =	sne.s32 s18, $0xC600;
	[tilespmem:s17+$0x2070] =	vst v0  }
0x1b: {  	[tilespmem:s17+$0x2000] =	vst v0  }
0x1c: {  	[tilespmem:s17+$0x2010] =	vst v0  }
.Ltmp0:
0x1d: {  	[tilespmem:s17+$0x2020] =	vst v0;
	(pc) =	sbr.rel @p0 .LBB2_2-.Ltmp0, $4  }
0x1e: {  	[tilespmem:s17+$0x2030] =	vst v0  }
0x1f: {  	[tilespmem:s17+$0x2040] =	vst v0  }
0x20: {  	[tilespmem:s17+$0x2050] =	vst v0  }
0x21: {  	[tilespmem:s17+$0x2060] =	vst v0;
	s17 =	sshra.s32 s18, $0x2;
	s18 =	sadd.s32 $0x200, s18  }
0x22: {  	[tilespmem:s17+$0x2070] =	vst v0  }
0x23: {  	[tilespmem:s17+$0x2000] =	vst v0  }
0x24: {  	[tilespmem:s17+$0x2010] =	vst v0  }
0x25: {  	[tilespmem:s17+$0x2020] =	vst v0  }
0x26: {  	[tilespmem:s17+$0x2030] =	vst v0  }
0x27: {  	[tilespmem:s17+$0x2040] =	vst v0  }
0x28: {  	[tilespmem:s17+$0x2050] =	vst v0  }
0x29: {  	[tilespmem:s17+$0x2060] =	vst v0;
	s0 =	rddreg [dreg:$0x13]  }
0x2a: {  	[spmem:s0] =	stream.linear.scatter [tilespmem:s22], [sflag:$0x4], $0x3200, $0x38;
	[tilespmem:$0x1FC00] =	vst v63  }
0x2b: {  	_ =	swait.ge [sflag:s23], $0x3200  }
0x2c: {  	[sflag:s23] =	ssyncset.done $0x0  }
0x2d: {  	s5 =	rddreg [dreg:$0xe];
	[sflag:s23] =	ssyncadd.s32 $0xFFFFCE00  }
0x2e: {  	[spmem:s5] =	stream.linear.scatter [tilespmem:s22], [sflag:$0x4], $0x3200, $0x38;
	[tilespmem:$0x1FC00] =	vst v63  }
0x2f: {  	_ =	swait.ge [sflag:s23], $0x3200  }
0x30: {  	[sflag:s23] =	ssyncset.done $0x0  }
0x31: {  	s6 =	rddreg [dreg:$0xf];
	[sflag:s23] =	ssyncadd.s32 $0xFFFFCE00  }
0x32: {  	[spmem:s6] =	stream.linear.scatter [tilespmem:s22], [sflag:$0x4], $0x3200, $0x38;
	[tilespmem:$0x1FC00] =	vst v63  }
0x33: {  	_ =	swait.ge [sflag:s23], $0x3200  }
0x34: {  	[sflag:s23] =	ssyncset.done $0x0  }
0x35: {  	s7 =	rddreg [dreg:$0x10];
	[sflag:s23] =	ssyncadd.s32 $0xFFFFCE00  }
0x36: {  	[spmem:s7] =	stream.linear.scatter [tilespmem:s22], [sflag:$0x4], $0x3200, $0x38;
	[tilespmem:$0x1FC00] =	vst v63  }
0x37: {  	_ =	swait.ge [sflag:s23], $0x3200  }
0x38: {  	[sflag:s23] =	ssyncset.done $0x0  }
0x39: {  	s9 =	rddreg [dreg:$0x11];
	[sflag:s23] =	ssyncadd.s32 $0xFFFFCE00  }
0x3a: {  	[spmem:s9] =	stream.linear.scatter [tilespmem:s22], [sflag:$0x4], $0x3200, $0x38;
	[tilespmem:$0x1FC00] =	vst v63  }
0x3b: {  	_ =	swait.ge [sflag:s23], $0x3200  }
0x3c: {  	[sflag:s23] =	ssyncset.done $0x0  }
0x3d: {  	s10 =	rddreg [dreg:$0x12];
	[sflag:s23] =	ssyncadd.s32 $0xFFFFCE00  }
0x3e: {  	[spmem:s10] =	stream.linear.scatter [tilespmem:s22], [sflag:$0x4], $0x3200, $0x38;
	[tilespmem:$0x1FC00] =	vst v63  }
0x3f: {  	_ =	swait.ge [sflag:s23], $0x3200  }
0x40: {  	[sflag:s23] =	ssyncset.done $0x0  }
0x41: {  	s11 =	rddreg [dreg:$0x3];
	[sflag:s23] =	ssyncadd.s32 $0xFFFFCE00  }
0x42: {  	[spmem:s11] =	stream.linear.scatter [tilespmem:s22], [sflag:$0x4], $0x1400, $0x38;
	[tilespmem:$0x1FC00] =	vst v63  }
0x43: {  	_ =	swait.ge [sflag:s23], $0x1400  }
0x44: {  	[sflag:s23] =	ssyncset.done $0x0  }
0x45: {  	[sflag:s23] =	ssyncadd.s32 $0xFFFFEC00  }
0x46: {  	[bflag:$0x0] =	sbarrier.arrive $0xFFFF  }
0x47: {  	s12 =	rddreg [dreg:$0x4]  }
0x48: {  	[tilespmem:s15], [sflag:$0x4] =	stream.linear.gather [hbm4b:s12+s15], $0xC80, $0x38;
	[tilespmem:$0x1FC00] =	vst v63  }
0x49: {  	_ =	swait.ge [sflag:s23], $0xC80  }
0x4a: {  	[sflag:s23] =	ssyncset.done $0x0  }
0x4b: {  	s3 =	simm.s32 $0x1000;
	s13 =	rddreg [dreg:$0x5];
	[sflag:s23] =	ssyncadd.s32 $0xFFFFF380  }
0x4c: {  	[tilespmem:s3], [sflag:$0x4] =	stream.linear.gather [hbm4b:s13+s15], $0xC80, $0x38;
	[tilespmem:$0x1FC00] =	vst v63  }
0x4d: {  	_ =	swait.ge [sflag:s23], $0xC80  }
0x4e: {  	[sflag:s23] =	ssyncset.done $0x0  }
0x4f: {  	[sflag:s23] =	ssyncadd.s32 $0xFFFFF380  }
0x50: {  	[tilespmem:s22], [sflag:$0x1] =	stream.indirect.gather [hbm4b:s4+s25], $0x80, s15, s25, $0xb8;
	[tilespmem:$0x1FC00] =	vst v63  }
0x51: {  	s14 =	simm.s32 $0x80  }
0x52: {  	[tilespmem:s28], [sflag:$0x2] =	stream.indirect.gather [hbm4b:s4+s25], $0x80, s14, s25, $0xb8;
	[tilespmem:$0x1FC00] =	vst v63  }
0x53: {  	s17 =	simm.s32 $0x100  }
0x54: {  	[tilespmem:s30], [sflag:$0x3] =	stream.indirect.gather [hbm4b:s4+s25], $0x80, s17, s25, $0xb8;
	[tilespmem:$0x1FC00] =	vst v63  }
0x55: {  	_ =	swait.ge [sflag:s31], $0x3200  }
0x56: {  	[sflag:s31] =	ssyncset.done $0x0  }
0x57: {  	[sflag:s31] =	ssyncadd.s32 $0xFFFFCE00  }
0x58: {  	[spmem:s2] =	stream.indirect.scatter.add.f32 [tilespmem:s22], [sflag:$0x4], $0x80, s3, s25, $0xb8;
	[tilespmem:$0x1FC00] =	vst v63  }
0x59: {  	_ =	swait.ge [sflag:s23], $0x3200  }
0x5a: {  	[sflag:s23] =	ssyncset.done $0x0  }
0x5b: {  	s18 =	simm.s32 $0x180;
	[sflag:s23] =	ssyncadd.s32 $0xFFFFCE00  }
0x5c: {  	[tilespmem:s22], [sflag:$0x1] =	stream.indirect.gather [hbm4b:s4+s25], $0x80, s18, s25, $0xb8;
	[tilespmem:$0x1FC00] =	vst v63  }
0x5d: {  	_ =	swait.ge [sflag:s1], $0x3200  }
0x5e: {  	[sflag:s1] =	ssyncset.done $0x0  }
0x5f: {  	s19 =	simm.s32 $0x1080;
	[sflag:s1] =	ssyncadd.s32 $0xFFFFCE00  }
0x60: {  	[spmem:s2] =	stream.indirect.scatter.add.f32 [tilespmem:s28], [sflag:$0x4], $0x80, s19, s25, $0xb8;
	[tilespmem:$0x1FC00] =	vst v63  }
0x61: {  	_ =	swait.ge [sflag:s23], $0x3200  }
0x62: {  	[sflag:s23] =	ssyncset.done $0x0  }
0x63: {  	s20 =	simm.s32 $0x200;
	[sflag:s23] =	ssyncadd.s32 $0xFFFFCE00  }
0x64: {  	[tilespmem:s28], [sflag:$0x2] =	stream.indirect.gather [hbm4b:s4+s25], $0x80, s20, s25, $0xb8;
	[tilespmem:$0x1FC00] =	vst v63  }
0x65: {  	_ =	swait.ge [sflag:s8], $0x3200  }
0x66: {  	[sflag:s8] =	ssyncset.done $0x0  }
0x67: {  	s21 =	simm.s32 $0x1100;
	[sflag:s8] =	ssyncadd.s32 $0xFFFFCE00  }
0x68: {  	[spmem:s2] =	stream.indirect.scatter.add.f32 [tilespmem:s30], [sflag:$0x4], $0x80, s21, s25, $0xb8;
	[tilespmem:$0x1FC00] =	vst v63  }
0x69: {  	_ =	swait.ge [sflag:s23], $0x3200  }
0x6a: {  	[sflag:s23] =	ssyncset.done $0x0  }
0x6b: {  	s24 =	simm.s32 $0x280;
	[sflag:s23] =	ssyncadd.s32 $0xFFFFCE00  }
0x6c: {  	[tilespmem:s30], [sflag:$0x3] =	stream.indirect.gather [hbm4b:s4+s25], $0x80, s24, s25, $0xb8;
	[tilespmem:$0x1FC00] =	vst v63  }
0x6d: {  	_ =	swait.ge [sflag:s31], $0x3200  }
0x6e: {  	[sflag:s31] =	ssyncset.done $0x0  }
0x6f: {  	s26 =	simm.s32 $0x1180;
	[sflag:s31] =	ssyncadd.s32 $0xFFFFCE00  }
0x70: {  	[spmem:s2] =	stream.indirect.scatter.add.f32 [tilespmem:s22], [sflag:$0x4], $0x80, s26, s25, $0xb8;
	[tilespmem:$0x1FC00] =	vst v63  }
0x71: {  	_ =	swait.ge [sflag:s23], $0x3200  }
0x72: {  	[sflag:s23] =	ssyncset.done $0x0  }
0x73: {  	s29 =	simm.s32 $0x300;
	[sflag:s23] =	ssyncadd.s32 $0xFFFFCE00  }
0x74: {  	[tilespmem:s22], [sflag:$0x1] =	stream.indirect.gather [hbm4b:s4+s25], $0x80, s29, s25, $0xb8;
	[tilespmem:$0x1FC00] =	vst v63  }
0x75: {  	_ =	swait.ge [sflag:s1], $0x3200  }
0x76: {  	[sflag:s1] =	ssyncset.done $0x0  }
0x77: {  	s11 =	simm.s32 $0x1200;
	[sflag:s1] =	ssyncadd.s32 $0xFFFFCE00  }
0x78: {  	[spmem:s2] =	stream.indirect.scatter.add.f32 [tilespmem:s28], [sflag:$0x4], $0x80, s11, s25, $0xb8;
	[tilespmem:$0x1FC00] =	vst v63  }
0x79: {  	_ =	swait.ge [sflag:s23], $0x3200  }
0x7a: {  	[sflag:s23] =	ssyncset.done $0x0  }
0x7b: {  	s12 =	simm.s32 $0x380;
	[sflag:s23] =	ssyncadd.s32 $0xFFFFCE00  }
0x7c: {  	[tilespmem:s28], [sflag:$0x2] =	stream.indirect.gather [hbm4b:s4+s25], $0x80, s12, s25, $0xb8;
	[tilespmem:$0x1FC00] =	vst v63  }
0x7d: {  	_ =	swait.ge [sflag:s8], $0x3200  }
0x7e: {  	[sflag:s8] =	ssyncset.done $0x0  }
0x7f: {  	s13 =	simm.s32 $0x1280;
	[sflag:s8] =	ssyncadd.s32 $0xFFFFCE00  }
0x80: {  	[spmem:s2] =	stream.indirect.scatter.add.f32 [tilespmem:s30], [sflag:$0x4], $0x80, s13, s25, $0xb8;
	[tilespmem:$0x1FC00] =	vst v63  }
0x81: {  	_ =	swait.ge [sflag:s23], $0x3200  }
0x82: {  	[sflag:s23] =	ssyncset.done $0x0  }
0x83: {  	s14 =	simm.s32 $0x400;
	[sflag:s23] =	ssyncadd.s32 $0xFFFFCE00  }
0x84: {  	[tilespmem:s30], [sflag:$0x3] =	stream.indirect.gather [hbm4b:s4+s25], $0x80, s14, s25, $0xb8;
	[tilespmem:$0x1FC00] =	vst v63  }
0x85: {  	_ =	swait.ge [sflag:s31], $0x3200  }
0x86: {  	[sflag:s31] =	ssyncset.done $0x0  }
0x87: {  	s17 =	simm.s32 $0x1300;
	[sflag:s31] =	ssyncadd.s32 $0xFFFFCE00  }
0x88: {  	[spmem:s2] =	stream.indirect.scatter.add.f32 [tilespmem:s22], [sflag:$0x4], $0x80, s17, s25, $0xb8;
	[tilespmem:$0x1FC00] =	vst v63  }
0x89: {  	_ =	swait.ge [sflag:s23], $0x3200  }
0x8a: {  	[sflag:s23] =	ssyncset.done $0x0  }
0x8b: {  	s18 =	simm.s32 $0x480;
	[sflag:s23] =	ssyncadd.s32 $0xFFFFCE00  }
0x8c: {  	[tilespmem:s22], [sflag:$0x1] =	stream.indirect.gather [hbm4b:s4+s25], $0x80, s18, s25, $0xb8;
	[tilespmem:$0x1FC00] =	vst v63  }
0x8d: {  	_ =	swait.ge [sflag:s1], $0x3200  }
0x8e: {  	[sflag:s1] =	ssyncset.done $0x0  }
0x8f: {  	s19 =	simm.s32 $0x1380;
	[sflag:s1] =	ssyncadd.s32 $0xFFFFCE00  }
0x90: {  	[spmem:s2] =	stream.indirect.scatter.add.f32 [tilespmem:s28], [sflag:$0x4], $0x80, s19, s25, $0xb8;
	[tilespmem:$0x1FC00] =	vst v63  }
0x91: {  	_ =	swait.ge [sflag:s23], $0x3200  }
0x92: {  	[sflag:s23] =	ssyncset.done $0x0  }
0x93: {  	s20 =	simm.s32 $0x500;
	[sflag:s23] =	ssyncadd.s32 $0xFFFFCE00  }
0x94: {  	[tilespmem:s28], [sflag:$0x2] =	stream.indirect.gather [hbm4b:s4+s25], $0x80, s20, s25, $0xb8;
	[tilespmem:$0x1FC00] =	vst v63  }
0x95: {  	_ =	swait.ge [sflag:s8], $0x3200  }
0x96: {  	[sflag:s8] =	ssyncset.done $0x0  }
0x97: {  	s21 =	simm.s32 $0x1400;
	[sflag:s8] =	ssyncadd.s32 $0xFFFFCE00  }
0x98: {  	[spmem:s2] =	stream.indirect.scatter.add.f32 [tilespmem:s30], [sflag:$0x4], $0x80, s21, s25, $0xb8;
	[tilespmem:$0x1FC00] =	vst v63  }
0x99: {  	_ =	swait.ge [sflag:s23], $0x3200  }
0x9a: {  	[sflag:s23] =	ssyncset.done $0x0  }
0x9b: {  	s24 =	simm.s32 $0x580;
	[sflag:s23] =	ssyncadd.s32 $0xFFFFCE00  }
0x9c: {  	[tilespmem:s30], [sflag:$0x3] =	stream.indirect.gather [hbm4b:s4+s25], $0x80, s24, s25, $0xb8;
	[tilespmem:$0x1FC00] =	vst v63  }
0x9d: {  	_ =	swait.ge [sflag:s31], $0x3200  }
0x9e: {  	[sflag:s31] =	ssyncset.done $0x0  }
0x9f: {  	s26 =	simm.s32 $0x1480;
	[sflag:s31] =	ssyncadd.s32 $0xFFFFCE00  }
0xa0: {  	[spmem:s2] =	stream.indirect.scatter.add.f32 [tilespmem:s22], [sflag:$0x4], $0x80, s26, s25, $0xb8;
	[tilespmem:$0x1FC00] =	vst v63  }
0xa1: {  	_ =	swait.ge [sflag:s23], $0x3200  }
0xa2: {  	[sflag:s23] =	ssyncset.done $0x0  }
0xa3: {  	s29 =	simm.s32 $0x600;
	[sflag:s23] =	ssyncadd.s32 $0xFFFFCE00  }
0xa4: {  	[tilespmem:s22], [sflag:$0x1] =	stream.indirect.gather [hbm4b:s4+s25], $0x80, s29, s25, $0xb8;
	[tilespmem:$0x1FC00] =	vst v63  }
0xa5: {  	_ =	swait.ge [sflag:s1], $0x3200  }
0xa6: {  	[sflag:s1] =	ssyncset.done $0x0  }
0xa7: {  	s0 =	simm.s32 $0x1500;
	[sflag:s1] =	ssyncadd.s32 $0xFFFFCE00  }
0xa8: {  	[spmem:s2] =	stream.indirect.scatter.add.f32 [tilespmem:s28], [sflag:$0x4], $0x80, s0, s25, $0xb8;
	[tilespmem:$0x1FC00] =	vst v63  }
0xa9: {  	_ =	swait.ge [sflag:s23], $0x3200  }
0xaa: {  	[sflag:s23] =	ssyncset.done $0x0  }
0xab: {  	s11 =	simm.s32 $0x680;
	[sflag:s23] =	ssyncadd.s32 $0xFFFFCE00  }
0xac: {  	[tilespmem:s28], [sflag:$0x2] =	stream.indirect.gather [hbm4b:s4+s25], $0x80, s11, s25, $0xb8;
	[tilespmem:$0x1FC00] =	vst v63  }
0xad: {  	_ =	swait.ge [sflag:s8], $0x3200  }
0xae: {  	[sflag:s8] =	ssyncset.done $0x0  }
0xaf: {  	s12 =	simm.s32 $0x1580;
	[sflag:s8] =	ssyncadd.s32 $0xFFFFCE00  }
0xb0: {  	[spmem:s2] =	stream.indirect.scatter.add.f32 [tilespmem:s30], [sflag:$0x4], $0x80, s12, s25, $0xb8;
	[tilespmem:$0x1FC00] =	vst v63  }
0xb1: {  	_ =	swait.ge [sflag:s23], $0x3200  }
0xb2: {  	[sflag:s23] =	ssyncset.done $0x0  }
0xb3: {  	s13 =	simm.s32 $0x700;
	[sflag:s23] =	ssyncadd.s32 $0xFFFFCE00  }
0xb4: {  	[tilespmem:s30], [sflag:$0x3] =	stream.indirect.gather [hbm4b:s4+s25], $0x80, s13, s25, $0xb8;
	[tilespmem:$0x1FC00] =	vst v63  }
0xb5: {  	_ =	swait.ge [sflag:s31], $0x3200  }
0xb6: {  	[sflag:s31] =	ssyncset.done $0x0  }
0xb7: {  	s14 =	simm.s32 $0x1600;
	[sflag:s31] =	ssyncadd.s32 $0xFFFFCE00  }
0xb8: {  	[spmem:s2] =	stream.indirect.scatter.add.f32 [tilespmem:s22], [sflag:$0x4], $0x80, s14, s25, $0xb8;
	[tilespmem:$0x1FC00] =	vst v63  }
0xb9: {  	_ =	swait.ge [sflag:s23], $0x3200  }
0xba: {  	[sflag:s23] =	ssyncset.done $0x0  }
0xbb: {  	s18 =	simm.s32 $0x780;
	[sflag:s23] =	ssyncadd.s32 $0xFFFFCE00  }
0xbc: {  	[tilespmem:s22], [sflag:$0x1] =	stream.indirect.gather [hbm4b:s4+s25], $0x80, s18, s25, $0xb8;
	[tilespmem:$0x1FC00] =	vst v63  }
0xbd: {  	_ =	swait.ge [sflag:s1], $0x3200  }
0xbe: {  	[sflag:s1] =	ssyncset.done $0x0  }
0xbf: {  	s19 =	simm.s32 $0x1680;
	[sflag:s1] =	ssyncadd.s32 $0xFFFFCE00  }
0xc0: {  	[spmem:s2] =	stream.indirect.scatter.add.f32 [tilespmem:s28], [sflag:$0x4], $0x80, s19, s25, $0xb8;
	[tilespmem:$0x1FC00] =	vst v63  }
0xc1: {  	_ =	swait.ge [sflag:s23], $0x3200  }
0xc2: {  	[sflag:s23] =	ssyncset.done $0x0  }
0xc3: {  	s20 =	simm.s32 $0x800;
	[sflag:s23] =	ssyncadd.s32 $0xFFFFCE00  }
0xc4: {  	[tilespmem:s28], [sflag:$0x2] =	stream.indirect.gather [hbm4b:s4+s25], $0x80, s20, s25, $0xb8;
	[tilespmem:$0x1FC00] =	vst v63  }
0xc5: {  	_ =	swait.ge [sflag:s8], $0x3200  }
0xc6: {  	[sflag:s8] =	ssyncset.done $0x0  }
0xc7: {  	s21 =	simm.s32 $0x1700;
	[sflag:s8] =	ssyncadd.s32 $0xFFFFCE00  }
0xc8: {  	[spmem:s2] =	stream.indirect.scatter.add.f32 [tilespmem:s30], [sflag:$0x4], $0x80, s21, s25, $0xb8;
	[tilespmem:$0x1FC00] =	vst v63  }
0xc9: {  	_ =	swait.ge [sflag:s23], $0x3200  }
0xca: {  	[sflag:s23] =	ssyncset.done $0x0  }
0xcb: {  	s24 =	simm.s32 $0x880;
	[sflag:s23] =	ssyncadd.s32 $0xFFFFCE00  }
0xcc: {  	[tilespmem:s30], [sflag:$0x3] =	stream.indirect.gather [hbm4b:s4+s25], $0x80, s24, s25, $0xb8;
	[tilespmem:$0x1FC00] =	vst v63  }
0xcd: {  	_ =	swait.ge [sflag:s31], $0x3200  }
0xce: {  	[sflag:s31] =	ssyncset.done $0x0  }
0xcf: {  	s26 =	simm.s32 $0x1780;
	[sflag:s31] =	ssyncadd.s32 $0xFFFFCE00  }
0xd0: {  	[spmem:s2] =	stream.indirect.scatter.add.f32 [tilespmem:s22], [sflag:$0x4], $0x80, s26, s25, $0xb8;
	[tilespmem:$0x1FC00] =	vst v63  }
0xd1: {  	_ =	swait.ge [sflag:s23], $0x3200  }
0xd2: {  	[sflag:s23] =	ssyncset.done $0x0  }
0xd3: {  	s29 =	simm.s32 $0x900;
	[sflag:s23] =	ssyncadd.s32 $0xFFFFCE00  }
0xd4: {  	[tilespmem:s22], [sflag:$0x1] =	stream.indirect.gather [hbm4b:s4+s25], $0x80, s29, s25, $0xb8;
	[tilespmem:$0x1FC00] =	vst v63  }
0xd5: {  	_ =	swait.ge [sflag:s1], $0x3200  }
0xd6: {  	[sflag:s1] =	ssyncset.done $0x0  }
0xd7: {  	s0 =	simm.s32 $0x1800;
	[sflag:s1] =	ssyncadd.s32 $0xFFFFCE00  }
0xd8: {  	[spmem:s2] =	stream.indirect.scatter.add.f32 [tilespmem:s28], [sflag:$0x4], $0x80, s0, s25, $0xb8;
	[tilespmem:$0x1FC00] =	vst v63  }
0xd9: {  	_ =	swait.ge [sflag:s23], $0x3200  }
0xda: {  	[sflag:s23] =	ssyncset.done $0x0  }
0xdb: {  	s11 =	simm.s32 $0x980;
	[sflag:s23] =	ssyncadd.s32 $0xFFFFCE00  }
0xdc: {  	[tilespmem:s28], [sflag:$0x2] =	stream.indirect.gather [hbm4b:s4+s25], $0x80, s11, s25, $0xb8;
	[tilespmem:$0x1FC00] =	vst v63  }
0xdd: {  	_ =	swait.ge [sflag:s8], $0x3200  }
0xde: {  	[sflag:s8] =	ssyncset.done $0x0  }
0xdf: {  	s12 =	simm.s32 $0x1880;
	[sflag:s8] =	ssyncadd.s32 $0xFFFFCE00  }
0xe0: {  	[spmem:s2] =	stream.indirect.scatter.add.f32 [tilespmem:s30], [sflag:$0x4], $0x80, s12, s25, $0xb8;
	[tilespmem:$0x1FC00] =	vst v63  }
0xe1: {  	_ =	swait.ge [sflag:s23], $0x3200  }
0xe2: {  	[sflag:s23] =	ssyncset.done $0x0  }
0xe3: {  	s13 =	simm.s32 $0xA00;
	[sflag:s23] =	ssyncadd.s32 $0xFFFFCE00  }
0xe4: {  	[tilespmem:s30], [sflag:$0x3] =	stream.indirect.gather [hbm4b:s4+s25], $0x80, s13, s25, $0xb8;
	[tilespmem:$0x1FC00] =	vst v63  }
0xe5: {  	_ =	swait.ge [sflag:s31], $0x3200  }
0xe6: {  	[sflag:s31] =	ssyncset.done $0x0  }
0xe7: {  	s14 =	simm.s32 $0x1900;
	[sflag:s31] =	ssyncadd.s32 $0xFFFFCE00  }
0xe8: {  	[spmem:s2] =	stream.indirect.scatter.add.f32 [tilespmem:s22], [sflag:$0x4], $0x80, s14, s25, $0xb8;
	[tilespmem:$0x1FC00] =	vst v63  }
0xe9: {  	_ =	swait.ge [sflag:s23], $0x3200  }
0xea: {  	[sflag:s23] =	ssyncset.done $0x0  }
0xeb: {  	s24 =	simm.s32 $0xA80;
	[sflag:s23] =	ssyncadd.s32 $0xFFFFCE00  }
0xec: {  	[tilespmem:s22], [sflag:$0x1] =	stream.indirect.gather [hbm4b:s4+s25], $0x80, s24, s25, $0xb8;
	[tilespmem:$0x1FC00] =	vst v63  }
0xed: {  	_ =	swait.ge [sflag:s1], $0x3200  }
0xee: {  	[sflag:s1] =	ssyncset.done $0x0  }
0xef: {  	s0 =	simm.s32 $0x1980;
	[sflag:s1] =	ssyncadd.s32 $0xFFFFCE00  }
0xf0: {  	[spmem:s2] =	stream.indirect.scatter.add.f32 [tilespmem:s28], [sflag:$0x4], $0x80, s0, s25, $0xb8;
	[tilespmem:$0x1FC00] =	vst v63  }
0xf1: {  	_ =	swait.ge [sflag:s23], $0x3200  }
0xf2: {  	[sflag:s23] =	ssyncset.done $0x0  }
0xf3: {  	s11 =	simm.s32 $0xB00;
	[sflag:s23] =	ssyncadd.s32 $0xFFFFCE00  }
0xf4: {  	[tilespmem:s28], [sflag:$0x2] =	stream.indirect.gather [hbm4b:s4+s25], $0x80, s11, s25, $0xb8;
	[tilespmem:$0x1FC00] =	vst v63  }
0xf5: {  	_ =	swait.ge [sflag:s8], $0x3200  }
0xf6: {  	[sflag:s8] =	ssyncset.done $0x0  }
0xf7: {  	s12 =	simm.s32 $0x1A00;
	[sflag:s8] =	ssyncadd.s32 $0xFFFFCE00  }
0xf8: {  	[spmem:s2] =	stream.indirect.scatter.add.f32 [tilespmem:s30], [sflag:$0x4], $0x80, s12, s25, $0xb8;
	[tilespmem:$0x1FC00] =	vst v63  }
0xf9: {  	_ =	swait.ge [sflag:s23], $0x3200  }
0xfa: {  	[sflag:s23] =	ssyncset.done $0x0  }
0xfb: {  	s13 =	simm.s32 $0xB80;
	[sflag:s23] =	ssyncadd.s32 $0xFFFFCE00  }
0xfc: {  	[tilespmem:s30], [sflag:$0x3] =	stream.indirect.gather [hbm4b:s4+s25], $0x80, s13, s25, $0xb8;
	[tilespmem:$0x1FC00] =	vst v63  }
0xfd: {  	_ =	swait.ge [sflag:s31], $0x3200  }
0xfe: {  	[sflag:s31] =	ssyncset.done $0x0  }
0xff: {  	s14 =	simm.s32 $0x1A80;
	[sflag:s31] =	ssyncadd.s32 $0xFFFFCE00  }
0x100: {  	[spmem:s2] =	stream.indirect.scatter.add.f32 [tilespmem:s22], [sflag:$0x4], $0x80, s14, s25, $0xb8;
	[tilespmem:$0x1FC00] =	vst v63  }
0x101: {  	_ =	swait.ge [sflag:s23], $0x3200  }
0x102: {  	[sflag:s23] =	ssyncset.done $0x0  }
0x103: {  	s24 =	simm.s32 $0xC00;
	[sflag:s23] =	ssyncadd.s32 $0xFFFFCE00  }
0x104: {  	[tilespmem:s22], [sflag:$0x1] =	stream.indirect.gather [hbm4b:s4+s25], $0x80, s24, s25, $0xb8;
	[tilespmem:$0x1FC00] =	vst v63  }
0x105: {  	_ =	swait.ge [sflag:s1], $0x3200  }
0x106: {  	[sflag:s1] =	ssyncset.done $0x0  }
0x107: {  	s0 =	simm.s32 $0x1B00;
	[sflag:s1] =	ssyncadd.s32 $0xFFFFCE00  }
0x108: {  	[spmem:s2] =	stream.indirect.scatter.add.f32 [tilespmem:s28], [sflag:$0x4], $0x80, s0, s25, $0xb8;
	[tilespmem:$0x1FC00] =	vst v63  }
0x109: {  	_ =	swait.ge [sflag:s23], $0x3200  }
0x10a: {  	[sflag:s23] =	ssyncset.done $0x0  }
0x10b: {  	[sflag:s23] =	ssyncadd.s32 $0xFFFFCE00  }
0x10c: {  	_ =	swait.ge [sflag:s8], $0x3200  }
0x10d: {  	[sflag:s8] =	ssyncset.done $0x0  }
0x10e: {  	s11 =	simm.s32 $0x1B80;
	[sflag:s8] =	ssyncadd.s32 $0xFFFFCE00  }
0x10f: {  	[spmem:s2] =	stream.indirect.scatter.add.f32 [tilespmem:s30], [sflag:$0x4], $0x80, s11, s25, $0xb8;
	[tilespmem:$0x1FC00] =	vst v63  }
0x110: {  	_ =	swait.ge [sflag:s23], $0x3200  }
0x111: {  	[sflag:s23] =	ssyncset.done $0x0  }
0x112: {  	[sflag:s23] =	ssyncadd.s32 $0xFFFFCE00  }
0x113: {  	_ =	swait.ge [sflag:s31], $0x3200  }
0x114: {  	[sflag:s31] =	ssyncset.done $0x0  }
0x115: {  	s12 =	simm.s32 $0x1C00;
	[sflag:s31] =	ssyncadd.s32 $0xFFFFCE00  }
0x116: {  	[spmem:s2] =	stream.indirect.scatter.add.f32 [tilespmem:s22], [sflag:$0x4], $0x80, s12, s25, $0xb8;
	[tilespmem:$0x1FC00] =	vst v63  }
0x117: {  	_ =	swait.ge [sflag:s23], $0x3200  }
0x118: {  	[sflag:s23] =	ssyncset.done $0x0  }
0x119: {  	s13 =	rddreg [dreg:$0x6];
	[sflag:s23] =	ssyncadd.s32 $0xFFFFCE00  }
0x11a: {  	[tilespmem:s15], [sflag:$0x4] =	stream.linear.gather [hbm4b:s13+s15], $0xC80, $0x38;
	[tilespmem:$0x1FC00] =	vst v63  }
0x11b: {  	_ =	swait.ge [sflag:s23], $0xC80  }
0x11c: {  	[sflag:s23] =	ssyncset.done $0x0  }
0x11d: {  	s14 =	rddreg [dreg:$0x7];
	[sflag:s23] =	ssyncadd.s32 $0xFFFFF380  }
0x11e: {  	[tilespmem:s3], [sflag:$0x4] =	stream.linear.gather [hbm4b:s14+s15], $0xC80, $0x38;
	[tilespmem:$0x1FC00] =	vst v63  }
0x11f: {  	_ =	swait.ge [sflag:s23], $0xC80  }
0x120: {  	[sflag:s23] =	ssyncset.done $0x0  }
0x121: {  	[sflag:s23] =	ssyncadd.s32 $0xFFFFF380  }
0x122: {  	[tilespmem:s22], [sflag:$0x1] =	stream.indirect.gather [hbm4b:s4+s25], $0x80, s15, s25, $0xb8;
	[tilespmem:$0x1FC00] =	vst v63  }
0x123: {  	s24 =	simm.s32 $0x80  }
0x124: {  	[tilespmem:s28], [sflag:$0x2] =	stream.indirect.gather [hbm4b:s4+s25], $0x80, s24, s25, $0xb8;
	[tilespmem:$0x1FC00] =	vst v63  }
0x125: {  	s6 =	simm.s32 $0x100  }
0x126: {  	[tilespmem:s30], [sflag:$0x3] =	stream.indirect.gather [hbm4b:s4+s25], $0x80, s6, s25, $0xb8;
	[tilespmem:$0x1FC00] =	vst v63  }
0x127: {  	_ =	swait.ge [sflag:s31], $0x3200  }
0x128: {  	[sflag:s31] =	ssyncset.done $0x0  }
0x129: {  	[sflag:s31] =	ssyncadd.s32 $0xFFFFCE00  }
0x12a: {  	[spmem:s2] =	stream.indirect.scatter.add.f32 [tilespmem:s22], [sflag:$0x4], $0x80, s3, s25, $0xb8;
	[tilespmem:$0x1FC00] =	vst v63  }
0x12b: {  	_ =	swait.ge [sflag:s23], $0x3200  }
0x12c: {  	[sflag:s23] =	ssyncset.done $0x0  }
0x12d: {  	s5 =	simm.s32 $0x180;
	[sflag:s23] =	ssyncadd.s32 $0xFFFFCE00  }
0x12e: {  	[tilespmem:s22], [sflag:$0x1] =	stream.indirect.gather [hbm4b:s4+s25], $0x80, s5, s25, $0xb8;
	[tilespmem:$0x1FC00] =	vst v63  }
0x12f: {  	_ =	swait.ge [sflag:s1], $0x3200  }
0x130: {  	[sflag:s1] =	ssyncset.done $0x0  }
0x131: {  	s7 =	simm.s32 $0x1080;
	[sflag:s1] =	ssyncadd.s32 $0xFFFFCE00  }
0x132: {  	[spmem:s2] =	stream.indirect.scatter.add.f32 [tilespmem:s28], [sflag:$0x4], $0x80, s7, s25, $0xb8;
	[tilespmem:$0x1FC00] =	vst v63  }
0x133: {  	_ =	swait.ge [sflag:s23], $0x3200  }
0x134: {  	[sflag:s23] =	ssyncset.done $0x0  }
0x135: {  	s9 =	simm.s32 $0x200;
	[sflag:s23] =	ssyncadd.s32 $0xFFFFCE00  }
0x136: {  	[tilespmem:s28], [sflag:$0x2] =	stream.indirect.gather [hbm4b:s4+s25], $0x80, s9, s25, $0xb8;
	[tilespmem:$0x1FC00] =	vst v63  }
0x137: {  	_ =	swait.ge [sflag:s8], $0x3200  }
0x138: {  	[sflag:s8] =	ssyncset.done $0x0  }
0x139: {  	s10 =	simm.s32 $0x1100;
	[sflag:s8] =	ssyncadd.s32 $0xFFFFCE00  }
0x13a: {  	[spmem:s2] =	stream.indirect.scatter.add.f32 [tilespmem:s30], [sflag:$0x4], $0x80, s10, s25, $0xb8;
	[tilespmem:$0x1FC00] =	vst v63  }
0x13b: {  	_ =	swait.ge [sflag:s23], $0x3200  }
0x13c: {  	[sflag:s23] =	ssyncset.done $0x0  }
0x13d: {  	s0 =	simm.s32 $0x280;
	[sflag:s23] =	ssyncadd.s32 $0xFFFFCE00  }
0x13e: {  	[tilespmem:s30], [sflag:$0x3] =	stream.indirect.gather [hbm4b:s4+s25], $0x80, s0, s25, $0xb8;
	[tilespmem:$0x1FC00] =	vst v63  }
0x13f: {  	_ =	swait.ge [sflag:s31], $0x3200  }
0x140: {  	[sflag:s31] =	ssyncset.done $0x0  }
0x141: {  	s5 =	simm.s32 $0x1180;
	[sflag:s31] =	ssyncadd.s32 $0xFFFFCE00  }
0x142: {  	[spmem:s2] =	stream.indirect.scatter.add.f32 [tilespmem:s22], [sflag:$0x4], $0x80, s5, s25, $0xb8;
	[tilespmem:$0x1FC00] =	vst v63  }
0x143: {  	_ =	swait.ge [sflag:s23], $0x3200  }
0x144: {  	[sflag:s23] =	ssyncset.done $0x0  }
0x145: {  	s6 =	simm.s32 $0x300;
	[sflag:s23] =	ssyncadd.s32 $0xFFFFCE00  }
0x146: {  	[tilespmem:s22], [sflag:$0x1] =	stream.indirect.gather [hbm4b:s4+s25], $0x80, s6, s25, $0xb8;
	[tilespmem:$0x1FC00] =	vst v63  }
0x147: {  	_ =	swait.ge [sflag:s1], $0x3200  }
0x148: {  	[sflag:s1] =	ssyncset.done $0x0  }
0x149: {  	s7 =	simm.s32 $0x1200;
	[sflag:s1] =	ssyncadd.s32 $0xFFFFCE00  }
0x14a: {  	[spmem:s2] =	stream.indirect.scatter.add.f32 [tilespmem:s28], [sflag:$0x4], $0x80, s7, s25, $0xb8;
	[tilespmem:$0x1FC00] =	vst v63  }
0x14b: {  	_ =	swait.ge [sflag:s23], $0x3200  }
0x14c: {  	[sflag:s23] =	ssyncset.done $0x0  }
0x14d: {  	s9 =	simm.s32 $0x380;
	[sflag:s23] =	ssyncadd.s32 $0xFFFFCE00  }
0x14e: {  	[tilespmem:s28], [sflag:$0x2] =	stream.indirect.gather [hbm4b:s4+s25], $0x80, s9, s25, $0xb8;
	[tilespmem:$0x1FC00] =	vst v63  }
0x14f: {  	_ =	swait.ge [sflag:s8], $0x3200  }
0x150: {  	[sflag:s8] =	ssyncset.done $0x0  }
0x151: {  	s10 =	simm.s32 $0x1280;
	[sflag:s8] =	ssyncadd.s32 $0xFFFFCE00  }
0x152: {  	[spmem:s2] =	stream.indirect.scatter.add.f32 [tilespmem:s30], [sflag:$0x4], $0x80, s10, s25, $0xb8;
	[tilespmem:$0x1FC00] =	vst v63  }
0x153: {  	_ =	swait.ge [sflag:s23], $0x3200  }
0x154: {  	[sflag:s23] =	ssyncset.done $0x0  }
0x155: {  	s11 =	simm.s32 $0x400;
	[sflag:s23] =	ssyncadd.s32 $0xFFFFCE00  }
0x156: {  	[tilespmem:s30], [sflag:$0x3] =	stream.indirect.gather [hbm4b:s4+s25], $0x80, s11, s25, $0xb8;
	[tilespmem:$0x1FC00] =	vst v63  }
0x157: {  	_ =	swait.ge [sflag:s31], $0x3200  }
0x158: {  	[sflag:s31] =	ssyncset.done $0x0  }
0x159: {  	s12 =	simm.s32 $0x1300;
	[sflag:s31] =	ssyncadd.s32 $0xFFFFCE00  }
0x15a: {  	[spmem:s2] =	stream.indirect.scatter.add.f32 [tilespmem:s22], [sflag:$0x4], $0x80, s12, s25, $0xb8;
	[tilespmem:$0x1FC00] =	vst v63  }
0x15b: {  	_ =	swait.ge [sflag:s23], $0x3200  }
0x15c: {  	[sflag:s23] =	ssyncset.done $0x0  }
0x15d: {  	s13 =	simm.s32 $0x480;
	[sflag:s23] =	ssyncadd.s32 $0xFFFFCE00  }
0x15e: {  	[tilespmem:s22], [sflag:$0x1] =	stream.indirect.gather [hbm4b:s4+s25], $0x80, s13, s25, $0xb8;
	[tilespmem:$0x1FC00] =	vst v63  }
0x15f: {  	_ =	swait.ge [sflag:s1], $0x3200  }
0x160: {  	[sflag:s1] =	ssyncset.done $0x0  }
0x161: {  	s14 =	simm.s32 $0x1380;
	[sflag:s1] =	ssyncadd.s32 $0xFFFFCE00  }
0x162: {  	[spmem:s2] =	stream.indirect.scatter.add.f32 [tilespmem:s28], [sflag:$0x4], $0x80, s14, s25, $0xb8;
	[tilespmem:$0x1FC00] =	vst v63  }
0x163: {  	_ =	swait.ge [sflag:s23], $0x3200  }
0x164: {  	[sflag:s23] =	ssyncset.done $0x0  }
0x165: {  	s17 =	simm.s32 $0x500;
	[sflag:s23] =	ssyncadd.s32 $0xFFFFCE00  }
0x166: {  	[tilespmem:s28], [sflag:$0x2] =	stream.indirect.gather [hbm4b:s4+s25], $0x80, s17, s25, $0xb8;
	[tilespmem:$0x1FC00] =	vst v63  }
0x167: {  	_ =	swait.ge [sflag:s8], $0x3200  }
0x168: {  	[sflag:s8] =	ssyncset.done $0x0  }
0x169: {  	s17 =	simm.s32 $0x1400;
	[sflag:s8] =	ssyncadd.s32 $0xFFFFCE00  }
0x16a: {  	[spmem:s2] =	stream.indirect.scatter.add.f32 [tilespmem:s30], [sflag:$0x4], $0x80, s17, s25, $0xb8;
	[tilespmem:$0x1FC00] =	vst v63  }
0x16b: {  	_ =	swait.ge [sflag:s23], $0x3200  }
0x16c: {  	[sflag:s23] =	ssyncset.done $0x0  }
0x16d: {  	s17 =	simm.s32 $0x580;
	[sflag:s23] =	ssyncadd.s32 $0xFFFFCE00  }
0x16e: {  	[tilespmem:s30], [sflag:$0x3] =	stream.indirect.gather [hbm4b:s4+s25], $0x80, s17, s25, $0xb8;
	[tilespmem:$0x1FC00] =	vst v63  }
0x16f: {  	_ =	swait.ge [sflag:s31], $0x3200  }
0x170: {  	[sflag:s31] =	ssyncset.done $0x0  }
0x171: {  	s17 =	simm.s32 $0x1480;
	[sflag:s31] =	ssyncadd.s32 $0xFFFFCE00  }
0x172: {  	[spmem:s2] =	stream.indirect.scatter.add.f32 [tilespmem:s22], [sflag:$0x4], $0x80, s17, s25, $0xb8;
	[tilespmem:$0x1FC00] =	vst v63  }
0x173: {  	_ =	swait.ge [sflag:s23], $0x3200  }
0x174: {  	[sflag:s23] =	ssyncset.done $0x0  }
0x175: {  	s17 =	simm.s32 $0x600;
	[sflag:s23] =	ssyncadd.s32 $0xFFFFCE00  }
0x176: {  	[tilespmem:s22], [sflag:$0x1] =	stream.indirect.gather [hbm4b:s4+s25], $0x80, s17, s25, $0xb8;
	[tilespmem:$0x1FC00] =	vst v63  }
0x177: {  	_ =	swait.ge [sflag:s1], $0x3200  }
0x178: {  	[sflag:s1] =	ssyncset.done $0x0  }
0x179: {  	s17 =	simm.s32 $0x1500;
	[sflag:s1] =	ssyncadd.s32 $0xFFFFCE00  }
0x17a: {  	[spmem:s2] =	stream.indirect.scatter.add.f32 [tilespmem:s28], [sflag:$0x4], $0x80, s17, s25, $0xb8;
	[tilespmem:$0x1FC00] =	vst v63  }
0x17b: {  	_ =	swait.ge [sflag:s23], $0x3200  }
0x17c: {  	[sflag:s23] =	ssyncset.done $0x0  }
0x17d: {  	s17 =	simm.s32 $0x680;
	[sflag:s23] =	ssyncadd.s32 $0xFFFFCE00  }
0x17e: {  	[tilespmem:s28], [sflag:$0x2] =	stream.indirect.gather [hbm4b:s4+s25], $0x80, s17, s25, $0xb8;
	[tilespmem:$0x1FC00] =	vst v63  }
0x17f: {  	_ =	swait.ge [sflag:s8], $0x3200  }
0x180: {  	[sflag:s8] =	ssyncset.done $0x0  }
0x181: {  	s17 =	simm.s32 $0x1580;
	[sflag:s8] =	ssyncadd.s32 $0xFFFFCE00  }
0x182: {  	[spmem:s2] =	stream.indirect.scatter.add.f32 [tilespmem:s30], [sflag:$0x4], $0x80, s17, s25, $0xb8;
	[tilespmem:$0x1FC00] =	vst v63  }
0x183: {  	_ =	swait.ge [sflag:s23], $0x3200  }
0x184: {  	[sflag:s23] =	ssyncset.done $0x0  }
0x185: {  	s17 =	simm.s32 $0x700;
	[sflag:s23] =	ssyncadd.s32 $0xFFFFCE00  }
0x186: {  	[tilespmem:s30], [sflag:$0x3] =	stream.indirect.gather [hbm4b:s4+s25], $0x80, s17, s25, $0xb8;
	[tilespmem:$0x1FC00] =	vst v63  }
0x187: {  	_ =	swait.ge [sflag:s31], $0x3200  }
0x188: {  	[sflag:s31] =	ssyncset.done $0x0  }
0x189: {  	s17 =	simm.s32 $0x1600;
	[sflag:s31] =	ssyncadd.s32 $0xFFFFCE00  }
0x18a: {  	[spmem:s2] =	stream.indirect.scatter.add.f32 [tilespmem:s22], [sflag:$0x4], $0x80, s17, s25, $0xb8;
	[tilespmem:$0x1FC00] =	vst v63  }
0x18b: {  	_ =	swait.ge [sflag:s23], $0x3200  }
0x18c: {  	[sflag:s23] =	ssyncset.done $0x0  }
0x18d: {  	s17 =	simm.s32 $0x780;
	[sflag:s23] =	ssyncadd.s32 $0xFFFFCE00  }
0x18e: {  	[tilespmem:s22], [sflag:$0x1] =	stream.indirect.gather [hbm4b:s4+s25], $0x80, s17, s25, $0xb8;
	[tilespmem:$0x1FC00] =	vst v63  }
0x18f: {  	_ =	swait.ge [sflag:s1], $0x3200  }
0x190: {  	[sflag:s1] =	ssyncset.done $0x0  }
0x191: {  	s17 =	simm.s32 $0x1680;
	[sflag:s1] =	ssyncadd.s32 $0xFFFFCE00  }
0x192: {  	[spmem:s2] =	stream.indirect.scatter.add.f32 [tilespmem:s28], [sflag:$0x4], $0x80, s17, s25, $0xb8;
	[tilespmem:$0x1FC00] =	vst v63  }
0x193: {  	_ =	swait.ge [sflag:s23], $0x3200  }
0x194: {  	[sflag:s23] =	ssyncset.done $0x0  }
0x195: {  	s18 =	simm.s32 $0x800;
	[sflag:s23] =	ssyncadd.s32 $0xFFFFCE00  }
0x196: {  	[tilespmem:s28], [sflag:$0x2] =	stream.indirect.gather [hbm4b:s4+s25], $0x80, s18, s25, $0xb8;
	[tilespmem:$0x1FC00] =	vst v63  }
0x197: {  	_ =	swait.ge [sflag:s8], $0x3200  }
0x198: {  	[sflag:s8] =	ssyncset.done $0x0  }
0x199: {  	s19 =	simm.s32 $0x1700;
	[sflag:s8] =	ssyncadd.s32 $0xFFFFCE00  }
0x19a: {  	[spmem:s2] =	stream.indirect.scatter.add.f32 [tilespmem:s30], [sflag:$0x4], $0x80, s19, s25, $0xb8;
	[tilespmem:$0x1FC00] =	vst v63  }
0x19b: {  	_ =	swait.ge [sflag:s23], $0x3200  }
0x19c: {  	[sflag:s23] =	ssyncset.done $0x0  }
0x19d: {  	s20 =	simm.s32 $0x880;
	[sflag:s23] =	ssyncadd.s32 $0xFFFFCE00  }
0x19e: {  	[tilespmem:s30], [sflag:$0x3] =	stream.indirect.gather [hbm4b:s4+s25], $0x80, s20, s25, $0xb8;
	[tilespmem:$0x1FC00] =	vst v63  }
0x19f: {  	_ =	swait.ge [sflag:s31], $0x3200  }
0x1a0: {  	[sflag:s31] =	ssyncset.done $0x0  }
0x1a1: {  	s21 =	simm.s32 $0x1780;
	[sflag:s31] =	ssyncadd.s32 $0xFFFFCE00  }
0x1a2: {  	[spmem:s2] =	stream.indirect.scatter.add.f32 [tilespmem:s22], [sflag:$0x4], $0x80, s21, s25, $0xb8;
	[tilespmem:$0x1FC00] =	vst v63  }
0x1a3: {  	_ =	swait.ge [sflag:s23], $0x3200  }
0x1a4: {  	[sflag:s23] =	ssyncset.done $0x0  }
0x1a5: {  	s26 =	simm.s32 $0x900;
	[sflag:s23] =	ssyncadd.s32 $0xFFFFCE00  }
0x1a6: {  	[tilespmem:s22], [sflag:$0x1] =	stream.indirect.gather [hbm4b:s4+s25], $0x80, s26, s25, $0xb8;
	[tilespmem:$0x1FC00] =	vst v63  }
0x1a7: {  	_ =	swait.ge [sflag:s1], $0x3200  }
0x1a8: {  	[sflag:s1] =	ssyncset.done $0x0  }
0x1a9: {  	s29 =	simm.s32 $0x1800;
	[sflag:s1] =	ssyncadd.s32 $0xFFFFCE00  }
0x1aa: {  	[spmem:s2] =	stream.indirect.scatter.add.f32 [tilespmem:s28], [sflag:$0x4], $0x80, s29, s25, $0xb8;
	[tilespmem:$0x1FC00] =	vst v63  }
0x1ab: {  	_ =	swait.ge [sflag:s23], $0x3200  }
0x1ac: {  	[sflag:s23] =	ssyncset.done $0x0  }
0x1ad: {  	s19 =	simm.s32 $0x980;
	[sflag:s23] =	ssyncadd.s32 $0xFFFFCE00  }
0x1ae: {  	[tilespmem:s28], [sflag:$0x2] =	stream.indirect.gather [hbm4b:s4+s25], $0x80, s19, s25, $0xb8;
	[tilespmem:$0x1FC00] =	vst v63  }
0x1af: {  	_ =	swait.ge [sflag:s8], $0x3200  }
0x1b0: {  	[sflag:s8] =	ssyncset.done $0x0  }
0x1b1: {  	s20 =	simm.s32 $0x1880;
	[sflag:s8] =	ssyncadd.s32 $0xFFFFCE00  }
0x1b2: {  	[spmem:s2] =	stream.indirect.scatter.add.f32 [tilespmem:s30], [sflag:$0x4], $0x80, s20, s25, $0xb8;
	[tilespmem:$0x1FC00] =	vst v63  }
0x1b3: {  	_ =	swait.ge [sflag:s23], $0x3200  }
0x1b4: {  	[sflag:s23] =	ssyncset.done $0x0  }
0x1b5: {  	s21 =	simm.s32 $0xA00;
	[sflag:s23] =	ssyncadd.s32 $0xFFFFCE00  }
0x1b6: {  	[tilespmem:s30], [sflag:$0x3] =	stream.indirect.gather [hbm4b:s4+s25], $0x80, s21, s25, $0xb8;
	[tilespmem:$0x1FC00] =	vst v63  }
0x1b7: {  	_ =	swait.ge [sflag:s31], $0x3200  }
0x1b8: {  	[sflag:s31] =	ssyncset.done $0x0  }
0x1b9: {  	s26 =	simm.s32 $0x1900;
	[sflag:s31] =	ssyncadd.s32 $0xFFFFCE00  }
0x1ba: {  	[spmem:s2] =	stream.indirect.scatter.add.f32 [tilespmem:s22], [sflag:$0x4], $0x80, s26, s25, $0xb8;
	[tilespmem:$0x1FC00] =	vst v63  }
0x1bb: {  	_ =	swait.ge [sflag:s23], $0x3200  }
0x1bc: {  	[sflag:s23] =	ssyncset.done $0x0  }
0x1bd: {  	s29 =	simm.s32 $0xA80;
	[sflag:s23] =	ssyncadd.s32 $0xFFFFCE00  }
0x1be: {  	[tilespmem:s22], [sflag:$0x1] =	stream.indirect.gather [hbm4b:s4+s25], $0x80, s29, s25, $0xb8;
	[tilespmem:$0x1FC00] =	vst v63  }
0x1bf: {  	_ =	swait.ge [sflag:s1], $0x3200  }
0x1c0: {  	[sflag:s1] =	ssyncset.done $0x0  }
0x1c1: {  	s18 =	simm.s32 $0x1980;
	[sflag:s1] =	ssyncadd.s32 $0xFFFFCE00  }
0x1c2: {  	[spmem:s2] =	stream.indirect.scatter.add.f32 [tilespmem:s28], [sflag:$0x4], $0x80, s18, s25, $0xb8;
	[tilespmem:$0x1FC00] =	vst v63  }
0x1c3: {  	_ =	swait.ge [sflag:s23], $0x3200  }
0x1c4: {  	[sflag:s23] =	ssyncset.done $0x0  }
0x1c5: {  	s19 =	simm.s32 $0xB00;
	[sflag:s23] =	ssyncadd.s32 $0xFFFFCE00  }
0x1c6: {  	[tilespmem:s28], [sflag:$0x2] =	stream.indirect.gather [hbm4b:s4+s25], $0x80, s19, s25, $0xb8;
	[tilespmem:$0x1FC00] =	vst v63  }
0x1c7: {  	_ =	swait.ge [sflag:s8], $0x3200  }
0x1c8: {  	[sflag:s8] =	ssyncset.done $0x0  }
0x1c9: {  	s20 =	simm.s32 $0x1A00;
	[sflag:s8] =	ssyncadd.s32 $0xFFFFCE00  }
0x1ca: {  	[spmem:s2] =	stream.indirect.scatter.add.f32 [tilespmem:s30], [sflag:$0x4], $0x80, s20, s25, $0xb8;
	[tilespmem:$0x1FC00] =	vst v63  }
0x1cb: {  	_ =	swait.ge [sflag:s23], $0x3200  }
0x1cc: {  	[sflag:s23] =	ssyncset.done $0x0  }
0x1cd: {  	s21 =	simm.s32 $0xB80;
	[sflag:s23] =	ssyncadd.s32 $0xFFFFCE00  }
0x1ce: {  	[tilespmem:s30], [sflag:$0x3] =	stream.indirect.gather [hbm4b:s4+s25], $0x80, s21, s25, $0xb8;
	[tilespmem:$0x1FC00] =	vst v63  }
0x1cf: {  	_ =	swait.ge [sflag:s31], $0x3200  }
0x1d0: {  	[sflag:s31] =	ssyncset.done $0x0  }
0x1d1: {  	s26 =	simm.s32 $0x1A80;
	[sflag:s31] =	ssyncadd.s32 $0xFFFFCE00  }
0x1d2: {  	[spmem:s2] =	stream.indirect.scatter.add.f32 [tilespmem:s22], [sflag:$0x4], $0x80, s26, s25, $0xb8;
	[tilespmem:$0x1FC00] =	vst v63  }
0x1d3: {  	_ =	swait.ge [sflag:s23], $0x3200  }
0x1d4: {  	[sflag:s23] =	ssyncset.done $0x0  }
0x1d5: {  	s29 =	simm.s32 $0xC00;
	[sflag:s23] =	ssyncadd.s32 $0xFFFFCE00  }
0x1d6: {  	[tilespmem:s22], [sflag:$0x1] =	stream.indirect.gather [hbm4b:s4+s25], $0x80, s29, s25, $0xb8;
	[tilespmem:$0x1FC00] =	vst v63  }
0x1d7: {  	_ =	swait.ge [sflag:s1], $0x3200  }
0x1d8: {  	[sflag:s1] =	ssyncset.done $0x0  }
0x1d9: {  	s18 =	simm.s32 $0x1B00;
	[sflag:s1] =	ssyncadd.s32 $0xFFFFCE00  }
0x1da: {  	[spmem:s2] =	stream.indirect.scatter.add.f32 [tilespmem:s28], [sflag:$0x4], $0x80, s18, s25, $0xb8;
	[tilespmem:$0x1FC00] =	vst v63  }
0x1db: {  	_ =	swait.ge [sflag:s23], $0x3200  }
0x1dc: {  	[sflag:s23] =	ssyncset.done $0x0  }
0x1dd: {  	[sflag:s23] =	ssyncadd.s32 $0xFFFFCE00  }
0x1de: {  	_ =	swait.ge [sflag:s8], $0x3200  }
0x1df: {  	[sflag:s8] =	ssyncset.done $0x0  }
0x1e0: {  	s19 =	simm.s32 $0x1B80;
	[sflag:s8] =	ssyncadd.s32 $0xFFFFCE00  }
0x1e1: {  	[spmem:s2] =	stream.indirect.scatter.add.f32 [tilespmem:s30], [sflag:$0x4], $0x80, s19, s25, $0xb8;
	[tilespmem:$0x1FC00] =	vst v63  }
0x1e2: {  	_ =	swait.ge [sflag:s23], $0x3200  }
0x1e3: {  	[sflag:s23] =	ssyncset.done $0x0  }
0x1e4: {  	[sflag:s23] =	ssyncadd.s32 $0xFFFFCE00  }
0x1e5: {  	_ =	swait.ge [sflag:s31], $0x3200  }
0x1e6: {  	[sflag:s31] =	ssyncset.done $0x0  }
0x1e7: {  	s20 =	simm.s32 $0x1C00;
	[sflag:s31] =	ssyncadd.s32 $0xFFFFCE00  }
0x1e8: {  	[spmem:s2] =	stream.indirect.scatter.add.f32 [tilespmem:s22], [sflag:$0x4], $0x80, s20, s25, $0xb8;
	[tilespmem:$0x1FC00] =	vst v63  }
0x1e9: {  	_ =	swait.ge [sflag:s23], $0x3200  }
0x1ea: {  	[sflag:s23] =	ssyncset.done $0x0  }
0x1eb: {  	s21 =	rddreg [dreg:$0x8];
	[sflag:s23] =	ssyncadd.s32 $0xFFFFCE00  }
0x1ec: {  	[tilespmem:s15], [sflag:$0x4] =	stream.linear.gather [hbm4b:s21+s15], $0xC80, $0x38;
	[tilespmem:$0x1FC00] =	vst v63  }
0x1ed: {  	_ =	swait.ge [sflag:s23], $0xC80  }
0x1ee: {  	[sflag:s23] =	ssyncset.done $0x0  }
0x1ef: {  	s26 =	rddreg [dreg:$0x9];
	[sflag:s23] =	ssyncadd.s32 $0xFFFFF380  }
0x1f0: {  	[tilespmem:s3], [sflag:$0x4] =	stream.linear.gather [hbm4b:s26+s15], $0xC80, $0x38;
	[tilespmem:$0x1FC00] =	vst v63  }
0x1f1: {  	_ =	swait.ge [sflag:s23], $0xC80  }
0x1f2: {  	[sflag:s23] =	ssyncset.done $0x0  }
0x1f3: {  	[sflag:s23] =	ssyncadd.s32 $0xFFFFF380  }
0x1f4: {  	[tilespmem:s22], [sflag:$0x1] =	stream.indirect.gather [hbm4b:s4+s25], $0x80, s15, s25, $0xb8;
	[tilespmem:$0x1FC00] =	vst v63  }
0x1f5: {  	_ = 	snop  }
0x1f6: {  	[tilespmem:s28], [sflag:$0x2] =	stream.indirect.gather [hbm4b:s4+s25], $0x80, s24, s25, $0xb8;
	[tilespmem:$0x1FC00] =	vst v63  }
0x1f7: {  	s29 =	simm.s32 $0x100  }
0x1f8: {  	[tilespmem:s30], [sflag:$0x3] =	stream.indirect.gather [hbm4b:s4+s25], $0x80, s29, s25, $0xb8;
	[tilespmem:$0x1FC00] =	vst v63  }
0x1f9: {  	_ =	swait.ge [sflag:s31], $0x3200  }
0x1fa: {  	[sflag:s31] =	ssyncset.done $0x0  }
0x1fb: {  	[sflag:s31] =	ssyncadd.s32 $0xFFFFCE00  }
0x1fc: {  	[spmem:s2] =	stream.indirect.scatter.add.f32 [tilespmem:s22], [sflag:$0x4], $0x80, s3, s25, $0xb8;
	[tilespmem:$0x1FC00] =	vst v63  }
0x1fd: {  	_ =	swait.ge [sflag:s23], $0x3200  }
0x1fe: {  	[sflag:s23] =	ssyncset.done $0x0  }
0x1ff: {  	s19 =	simm.s32 $0x180;
	[sflag:s23] =	ssyncadd.s32 $0xFFFFCE00  }
0x200: {  	[tilespmem:s22], [sflag:$0x1] =	stream.indirect.gather [hbm4b:s4+s25], $0x80, s19, s25, $0xb8;
	[tilespmem:$0x1FC00] =	vst v63  }
0x201: {  	_ =	swait.ge [sflag:s1], $0x3200  }
0x202: {  	[sflag:s1] =	ssyncset.done $0x0  }
0x203: {  	s20 =	simm.s32 $0x1080;
	[sflag:s1] =	ssyncadd.s32 $0xFFFFCE00  }
0x204: {  	[spmem:s2] =	stream.indirect.scatter.add.f32 [tilespmem:s28], [sflag:$0x4], $0x80, s20, s25, $0xb8;
	[tilespmem:$0x1FC00] =	vst v63  }
0x205: {  	_ =	swait.ge [sflag:s23], $0x3200  }
0x206: {  	[sflag:s23] =	ssyncset.done $0x0  }
0x207: {  	s21 =	simm.s32 $0x200;
	[sflag:s23] =	ssyncadd.s32 $0xFFFFCE00  }
0x208: {  	[tilespmem:s28], [sflag:$0x2] =	stream.indirect.gather [hbm4b:s4+s25], $0x80, s21, s25, $0xb8;
	[tilespmem:$0x1FC00] =	vst v63  }
0x209: {  	_ =	swait.ge [sflag:s8], $0x3200  }
0x20a: {  	[sflag:s8] =	ssyncset.done $0x0  }
0x20b: {  	s24 =	simm.s32 $0x1100;
	[sflag:s8] =	ssyncadd.s32 $0xFFFFCE00  }
0x20c: {  	[spmem:s2] =	stream.indirect.scatter.add.f32 [tilespmem:s30], [sflag:$0x4], $0x80, s24, s25, $0xb8;
	[tilespmem:$0x1FC00] =	vst v63  }
0x20d: {  	_ =	swait.ge [sflag:s23], $0x3200  }
0x20e: {  	[sflag:s23] =	ssyncset.done $0x0  }
0x20f: {  	[sflag:s23] =	ssyncadd.s32 $0xFFFFCE00  }
0x210: {  	[tilespmem:s30], [sflag:$0x3] =	stream.indirect.gather [hbm4b:s4+s25], $0x80, s0, s25, $0xb8;
	[tilespmem:$0x1FC00] =	vst v63  }
0x211: {  	_ =	swait.ge [sflag:s31], $0x3200  }
0x212: {  	[sflag:s31] =	ssyncset.done $0x0  }
0x213: {  	[sflag:s31] =	ssyncadd.s32 $0xFFFFCE00  }
0x214: {  	[spmem:s2] =	stream.indirect.scatter.add.f32 [tilespmem:s22], [sflag:$0x4], $0x80, s5, s25, $0xb8;
	[tilespmem:$0x1FC00] =	vst v63  }
0x215: {  	_ =	swait.ge [sflag:s23], $0x3200  }
0x216: {  	[sflag:s23] =	ssyncset.done $0x0  }
0x217: {  	[sflag:s23] =	ssyncadd.s32 $0xFFFFCE00  }
0x218: {  	[tilespmem:s22], [sflag:$0x1] =	stream.indirect.gather [hbm4b:s4+s25], $0x80, s6, s25, $0xb8;
	[tilespmem:$0x1FC00] =	vst v63  }
0x219: {  	_ =	swait.ge [sflag:s1], $0x3200  }
0x21a: {  	[sflag:s1] =	ssyncset.done $0x0  }
0x21b: {  	[sflag:s1] =	ssyncadd.s32 $0xFFFFCE00  }
0x21c: {  	[spmem:s2] =	stream.indirect.scatter.add.f32 [tilespmem:s28], [sflag:$0x4], $0x80, s7, s25, $0xb8;
	[tilespmem:$0x1FC00] =	vst v63  }
0x21d: {  	_ =	swait.ge [sflag:s23], $0x3200  }
0x21e: {  	[sflag:s23] =	ssyncset.done $0x0  }
0x21f: {  	[sflag:s23] =	ssyncadd.s32 $0xFFFFCE00  }
0x220: {  	[tilespmem:s28], [sflag:$0x2] =	stream.indirect.gather [hbm4b:s4+s25], $0x80, s9, s25, $0xb8;
	[tilespmem:$0x1FC00] =	vst v63  }
0x221: {  	_ =	swait.ge [sflag:s8], $0x3200  }
0x222: {  	[sflag:s8] =	ssyncset.done $0x0  }
0x223: {  	[sflag:s8] =	ssyncadd.s32 $0xFFFFCE00  }
0x224: {  	[spmem:s2] =	stream.indirect.scatter.add.f32 [tilespmem:s30], [sflag:$0x4], $0x80, s10, s25, $0xb8;
	[tilespmem:$0x1FC00] =	vst v63  }
0x225: {  	_ =	swait.ge [sflag:s23], $0x3200  }
0x226: {  	[sflag:s23] =	ssyncset.done $0x0  }
0x227: {  	[sflag:s23] =	ssyncadd.s32 $0xFFFFCE00  }
0x228: {  	[tilespmem:s30], [sflag:$0x3] =	stream.indirect.gather [hbm4b:s4+s25], $0x80, s11, s25, $0xb8;
	[tilespmem:$0x1FC00] =	vst v63  }
0x229: {  	_ =	swait.ge [sflag:s31], $0x3200  }
0x22a: {  	[sflag:s31] =	ssyncset.done $0x0  }
0x22b: {  	[sflag:s31] =	ssyncadd.s32 $0xFFFFCE00  }
0x22c: {  	[spmem:s2] =	stream.indirect.scatter.add.f32 [tilespmem:s22], [sflag:$0x4], $0x80, s12, s25, $0xb8;
	[tilespmem:$0x1FC00] =	vst v63  }
0x22d: {  	_ =	swait.ge [sflag:s23], $0x3200  }
0x22e: {  	[sflag:s23] =	ssyncset.done $0x0  }
0x22f: {  	[sflag:s23] =	ssyncadd.s32 $0xFFFFCE00  }
0x230: {  	[tilespmem:s22], [sflag:$0x1] =	stream.indirect.gather [hbm4b:s4+s25], $0x80, s13, s25, $0xb8;
	[tilespmem:$0x1FC00] =	vst v63  }
0x231: {  	_ =	swait.ge [sflag:s1], $0x3200  }
0x232: {  	[sflag:s1] =	ssyncset.done $0x0  }
0x233: {  	[sflag:s1] =	ssyncadd.s32 $0xFFFFCE00  }
0x234: {  	[spmem:s2] =	stream.indirect.scatter.add.f32 [tilespmem:s28], [sflag:$0x4], $0x80, s14, s25, $0xb8;
	[tilespmem:$0x1FC00] =	vst v63  }
0x235: {  	_ =	swait.ge [sflag:s23], $0x3200  }
0x236: {  	[sflag:s23] =	ssyncset.done $0x0  }
0x237: {  	s26 =	simm.s32 $0x500;
	[sflag:s23] =	ssyncadd.s32 $0xFFFFCE00  }
0x238: {  	[tilespmem:s28], [sflag:$0x2] =	stream.indirect.gather [hbm4b:s4+s25], $0x80, s26, s25, $0xb8;
	[tilespmem:$0x1FC00] =	vst v63  }
0x239: {  	_ =	swait.ge [sflag:s8], $0x3200  }
0x23a: {  	[sflag:s8] =	ssyncset.done $0x0  }
0x23b: {  	s29 =	simm.s32 $0x1400;
	[sflag:s8] =	ssyncadd.s32 $0xFFFFCE00  }
0x23c: {  	[spmem:s2] =	stream.indirect.scatter.add.f32 [tilespmem:s30], [sflag:$0x4], $0x80, s29, s25, $0xb8;
	[tilespmem:$0x1FC00] =	vst v63  }
0x23d: {  	_ =	swait.ge [sflag:s23], $0x3200  }
0x23e: {  	[sflag:s23] =	ssyncset.done $0x0  }
0x23f: {  	s19 =	simm.s32 $0x580;
	[sflag:s23] =	ssyncadd.s32 $0xFFFFCE00  }
0x240: {  	[tilespmem:s30], [sflag:$0x3] =	stream.indirect.gather [hbm4b:s4+s25], $0x80, s19, s25, $0xb8;
	[tilespmem:$0x1FC00] =	vst v63  }
0x241: {  	_ =	swait.ge [sflag:s31], $0x3200  }
0x242: {  	[sflag:s31] =	ssyncset.done $0x0  }
0x243: {  	s20 =	simm.s32 $0x1480;
	[sflag:s31] =	ssyncadd.s32 $0xFFFFCE00  }
0x244: {  	[spmem:s2] =	stream.indirect.scatter.add.f32 [tilespmem:s22], [sflag:$0x4], $0x80, s20, s25, $0xb8;
	[tilespmem:$0x1FC00] =	vst v63  }
0x245: {  	_ =	swait.ge [sflag:s23], $0x3200  }
0x246: {  	[sflag:s23] =	ssyncset.done $0x0  }
0x247: {  	s21 =	simm.s32 $0x600;
	[sflag:s23] =	ssyncadd.s32 $0xFFFFCE00  }
0x248: {  	[tilespmem:s22], [sflag:$0x1] =	stream.indirect.gather [hbm4b:s4+s25], $0x80, s21, s25, $0xb8;
	[tilespmem:$0x1FC00] =	vst v63  }
0x249: {  	_ =	swait.ge [sflag:s1], $0x3200  }
0x24a: {  	[sflag:s1] =	ssyncset.done $0x0  }
0x24b: {  	s26 =	simm.s32 $0x1500;
	[sflag:s1] =	ssyncadd.s32 $0xFFFFCE00  }
0x24c: {  	[spmem:s2] =	stream.indirect.scatter.add.f32 [tilespmem:s28], [sflag:$0x4], $0x80, s26, s25, $0xb8;
	[tilespmem:$0x1FC00] =	vst v63  }
0x24d: {  	_ =	swait.ge [sflag:s23], $0x3200  }
0x24e: {  	[sflag:s23] =	ssyncset.done $0x0  }
0x24f: {  	s29 =	simm.s32 $0x680;
	[sflag:s23] =	ssyncadd.s32 $0xFFFFCE00  }
0x250: {  	[tilespmem:s28], [sflag:$0x2] =	stream.indirect.gather [hbm4b:s4+s25], $0x80, s29, s25, $0xb8;
	[tilespmem:$0x1FC00] =	vst v63  }
0x251: {  	_ =	swait.ge [sflag:s8], $0x3200  }
0x252: {  	[sflag:s8] =	ssyncset.done $0x0  }
0x253: {  	s17 =	simm.s32 $0x1580;
	[sflag:s8] =	ssyncadd.s32 $0xFFFFCE00  }
0x254: {  	[spmem:s2] =	stream.indirect.scatter.add.f32 [tilespmem:s30], [sflag:$0x4], $0x80, s17, s25, $0xb8;
	[tilespmem:$0x1FC00] =	vst v63  }
0x255: {  	_ =	swait.ge [sflag:s23], $0x3200  }
0x256: {  	[sflag:s23] =	ssyncset.done $0x0  }
0x257: {  	s17 =	simm.s32 $0x700;
	[sflag:s23] =	ssyncadd.s32 $0xFFFFCE00  }
0x258: {  	[tilespmem:s30], [sflag:$0x3] =	stream.indirect.gather [hbm4b:s4+s25], $0x80, s17, s25, $0xb8;
	[tilespmem:$0x1FC00] =	vst v63  }
0x259: {  	_ =	swait.ge [sflag:s31], $0x3200  }
0x25a: {  	[sflag:s31] =	ssyncset.done $0x0  }
0x25b: {  	s17 =	simm.s32 $0x1600;
	[sflag:s31] =	ssyncadd.s32 $0xFFFFCE00  }
0x25c: {  	[spmem:s2] =	stream.indirect.scatter.add.f32 [tilespmem:s22], [sflag:$0x4], $0x80, s17, s25, $0xb8;
	[tilespmem:$0x1FC00] =	vst v63  }
0x25d: {  	_ =	swait.ge [sflag:s23], $0x3200  }
0x25e: {  	[sflag:s23] =	ssyncset.done $0x0  }
0x25f: {  	s17 =	simm.s32 $0x780;
	[sflag:s23] =	ssyncadd.s32 $0xFFFFCE00  }
0x260: {  	[tilespmem:s22], [sflag:$0x1] =	stream.indirect.gather [hbm4b:s4+s25], $0x80, s17, s25, $0xb8;
	[tilespmem:$0x1FC00] =	vst v63  }
0x261: {  	_ =	swait.ge [sflag:s1], $0x3200  }
0x262: {  	[sflag:s1] =	ssyncset.done $0x0  }
0x263: {  	s17 =	simm.s32 $0x1680;
	[sflag:s1] =	ssyncadd.s32 $0xFFFFCE00  }
0x264: {  	[spmem:s2] =	stream.indirect.scatter.add.f32 [tilespmem:s28], [sflag:$0x4], $0x80, s17, s25, $0xb8;
	[tilespmem:$0x1FC00] =	vst v63  }
0x265: {  	_ =	swait.ge [sflag:s23], $0x3200  }
0x266: {  	[sflag:s23] =	ssyncset.done $0x0  }
0x267: {  	s17 =	simm.s32 $0x800;
	[sflag:s23] =	ssyncadd.s32 $0xFFFFCE00  }
0x268: {  	[tilespmem:s28], [sflag:$0x2] =	stream.indirect.gather [hbm4b:s4+s25], $0x80, s17, s25, $0xb8;
	[tilespmem:$0x1FC00] =	vst v63  }
0x269: {  	_ =	swait.ge [sflag:s8], $0x3200  }
0x26a: {  	[sflag:s8] =	ssyncset.done $0x0  }
0x26b: {  	s17 =	simm.s32 $0x1700;
	[sflag:s8] =	ssyncadd.s32 $0xFFFFCE00  }
0x26c: {  	[spmem:s2] =	stream.indirect.scatter.add.f32 [tilespmem:s30], [sflag:$0x4], $0x80, s17, s25, $0xb8;
	[tilespmem:$0x1FC00] =	vst v63  }
0x26d: {  	_ =	swait.ge [sflag:s23], $0x3200  }
0x26e: {  	[sflag:s23] =	ssyncset.done $0x0  }
0x26f: {  	s17 =	simm.s32 $0x880;
	[sflag:s23] =	ssyncadd.s32 $0xFFFFCE00  }
0x270: {  	[tilespmem:s30], [sflag:$0x3] =	stream.indirect.gather [hbm4b:s4+s25], $0x80, s17, s25, $0xb8;
	[tilespmem:$0x1FC00] =	vst v63  }
0x271: {  	_ =	swait.ge [sflag:s31], $0x3200  }
0x272: {  	[sflag:s31] =	ssyncset.done $0x0  }
0x273: {  	s17 =	simm.s32 $0x1780;
	[sflag:s31] =	ssyncadd.s32 $0xFFFFCE00  }
0x274: {  	[spmem:s2] =	stream.indirect.scatter.add.f32 [tilespmem:s22], [sflag:$0x4], $0x80, s17, s25, $0xb8;
	[tilespmem:$0x1FC00] =	vst v63  }
0x275: {  	_ =	swait.ge [sflag:s23], $0x3200  }
0x276: {  	[sflag:s23] =	ssyncset.done $0x0  }
0x277: {  	s17 =	simm.s32 $0x900;
	[sflag:s23] =	ssyncadd.s32 $0xFFFFCE00  }
0x278: {  	[tilespmem:s22], [sflag:$0x1] =	stream.indirect.gather [hbm4b:s4+s25], $0x80, s17, s25, $0xb8;
	[tilespmem:$0x1FC00] =	vst v63  }
0x279: {  	_ =	swait.ge [sflag:s1], $0x3200  }
0x27a: {  	[sflag:s1] =	ssyncset.done $0x0  }
0x27b: {  	s17 =	simm.s32 $0x1800;
	[sflag:s1] =	ssyncadd.s32 $0xFFFFCE00  }
0x27c: {  	[spmem:s2] =	stream.indirect.scatter.add.f32 [tilespmem:s28], [sflag:$0x4], $0x80, s17, s25, $0xb8;
	[tilespmem:$0x1FC00] =	vst v63  }
0x27d: {  	_ =	swait.ge [sflag:s23], $0x3200  }
0x27e: {  	[sflag:s23] =	ssyncset.done $0x0  }
0x27f: {  	s17 =	simm.s32 $0x980;
	[sflag:s23] =	ssyncadd.s32 $0xFFFFCE00  }
0x280: {  	[tilespmem:s28], [sflag:$0x2] =	stream.indirect.gather [hbm4b:s4+s25], $0x80, s17, s25, $0xb8;
	[tilespmem:$0x1FC00] =	vst v63  }
0x281: {  	_ =	swait.ge [sflag:s8], $0x3200  }
0x282: {  	[sflag:s8] =	ssyncset.done $0x0  }
0x283: {  	s17 =	simm.s32 $0x1880;
	[sflag:s8] =	ssyncadd.s32 $0xFFFFCE00  }
0x284: {  	[spmem:s2] =	stream.indirect.scatter.add.f32 [tilespmem:s30], [sflag:$0x4], $0x80, s17, s25, $0xb8;
	[tilespmem:$0x1FC00] =	vst v63  }
0x285: {  	_ =	swait.ge [sflag:s23], $0x3200  }
0x286: {  	[sflag:s23] =	ssyncset.done $0x0  }
0x287: {  	s17 =	simm.s32 $0xA00;
	[sflag:s23] =	ssyncadd.s32 $0xFFFFCE00  }
0x288: {  	[tilespmem:s30], [sflag:$0x3] =	stream.indirect.gather [hbm4b:s4+s25], $0x80, s17, s25, $0xb8;
	[tilespmem:$0x1FC00] =	vst v63  }
0x289: {  	_ =	swait.ge [sflag:s31], $0x3200  }
0x28a: {  	[sflag:s31] =	ssyncset.done $0x0  }
0x28b: {  	s17 =	simm.s32 $0x1900;
	[sflag:s31] =	ssyncadd.s32 $0xFFFFCE00  }
0x28c: {  	[spmem:s2] =	stream.indirect.scatter.add.f32 [tilespmem:s22], [sflag:$0x4], $0x80, s17, s25, $0xb8;
	[tilespmem:$0x1FC00] =	vst v63  }
0x28d: {  	_ =	swait.ge [sflag:s23], $0x3200  }
0x28e: {  	[sflag:s23] =	ssyncset.done $0x0  }
0x28f: {  	s17 =	simm.s32 $0xA80;
	[sflag:s23] =	ssyncadd.s32 $0xFFFFCE00  }
0x290: {  	[tilespmem:s22], [sflag:$0x1] =	stream.indirect.gather [hbm4b:s4+s25], $0x80, s17, s25, $0xb8;
	[tilespmem:$0x1FC00] =	vst v63  }
0x291: {  	_ =	swait.ge [sflag:s1], $0x3200  }
0x292: {  	[sflag:s1] =	ssyncset.done $0x0  }
0x293: {  	s17 =	simm.s32 $0x1980;
	[sflag:s1] =	ssyncadd.s32 $0xFFFFCE00  }
0x294: {  	[spmem:s2] =	stream.indirect.scatter.add.f32 [tilespmem:s28], [sflag:$0x4], $0x80, s17, s25, $0xb8;
	[tilespmem:$0x1FC00] =	vst v63  }
0x295: {  	_ =	swait.ge [sflag:s23], $0x3200  }
0x296: {  	[sflag:s23] =	ssyncset.done $0x0  }
0x297: {  	s17 =	simm.s32 $0xB00;
	[sflag:s23] =	ssyncadd.s32 $0xFFFFCE00  }
0x298: {  	[tilespmem:s28], [sflag:$0x2] =	stream.indirect.gather [hbm4b:s4+s25], $0x80, s17, s25, $0xb8;
	[tilespmem:$0x1FC00] =	vst v63  }
0x299: {  	_ =	swait.ge [sflag:s8], $0x3200  }
0x29a: {  	[sflag:s8] =	ssyncset.done $0x0  }
0x29b: {  	s17 =	simm.s32 $0x1A00;
	[sflag:s8] =	ssyncadd.s32 $0xFFFFCE00  }
0x29c: {  	[spmem:s2] =	stream.indirect.scatter.add.f32 [tilespmem:s30], [sflag:$0x4], $0x80, s17, s25, $0xb8;
	[tilespmem:$0x1FC00] =	vst v63  }
0x29d: {  	_ =	swait.ge [sflag:s23], $0x3200  }
0x29e: {  	[sflag:s23] =	ssyncset.done $0x0  }
0x29f: {  	s17 =	simm.s32 $0xB80;
	[sflag:s23] =	ssyncadd.s32 $0xFFFFCE00  }
0x2a0: {  	[tilespmem:s30], [sflag:$0x3] =	stream.indirect.gather [hbm4b:s4+s25], $0x80, s17, s25, $0xb8;
	[tilespmem:$0x1FC00] =	vst v63  }
0x2a1: {  	_ =	swait.ge [sflag:s31], $0x3200  }
0x2a2: {  	[sflag:s31] =	ssyncset.done $0x0  }
0x2a3: {  	s17 =	simm.s32 $0x1A80;
	[sflag:s31] =	ssyncadd.s32 $0xFFFFCE00  }
0x2a4: {  	[spmem:s2] =	stream.indirect.scatter.add.f32 [tilespmem:s22], [sflag:$0x4], $0x80, s17, s25, $0xb8;
	[tilespmem:$0x1FC00] =	vst v63  }
0x2a5: {  	_ =	swait.ge [sflag:s23], $0x3200  }
0x2a6: {  	[sflag:s23] =	ssyncset.done $0x0  }
0x2a7: {  	s17 =	simm.s32 $0xC00;
	[sflag:s23] =	ssyncadd.s32 $0xFFFFCE00  }
0x2a8: {  	[tilespmem:s22], [sflag:$0x1] =	stream.indirect.gather [hbm4b:s4+s25], $0x80, s17, s25, $0xb8;
	[tilespmem:$0x1FC00] =	vst v63  }
0x2a9: {  	_ =	swait.ge [sflag:s1], $0x3200  }
0x2aa: {  	[sflag:s1] =	ssyncset.done $0x0  }
0x2ab: {  	s17 =	simm.s32 $0x1B00;
	[sflag:s1] =	ssyncadd.s32 $0xFFFFCE00  }
0x2ac: {  	[spmem:s2] =	stream.indirect.scatter.add.f32 [tilespmem:s28], [sflag:$0x4], $0x80, s17, s25, $0xb8;
	[tilespmem:$0x1FC00] =	vst v63  }
0x2ad: {  	_ =	swait.ge [sflag:s23], $0x3200  }
0x2ae: {  	[sflag:s23] =	ssyncset.done $0x0  }
0x2af: {  	[sflag:s23] =	ssyncadd.s32 $0xFFFFCE00  }
0x2b0: {  	_ =	swait.ge [sflag:s8], $0x3200  }
0x2b1: {  	[sflag:s8] =	ssyncset.done $0x0  }
0x2b2: {  	s17 =	simm.s32 $0x1B80;
	[sflag:s8] =	ssyncadd.s32 $0xFFFFCE00  }
0x2b3: {  	[spmem:s2] =	stream.indirect.scatter.add.f32 [tilespmem:s30], [sflag:$0x4], $0x80, s17, s25, $0xb8;
	[tilespmem:$0x1FC00] =	vst v63  }
0x2b4: {  	_ =	swait.ge [sflag:s23], $0x3200  }
0x2b5: {  	[sflag:s23] =	ssyncset.done $0x0  }
0x2b6: {  	[sflag:s23] =	ssyncadd.s32 $0xFFFFCE00  }
0x2b7: {  	_ =	swait.ge [sflag:s31], $0x3200  }
0x2b8: {  	[sflag:s31] =	ssyncset.done $0x0  }
0x2b9: {  	s17 =	simm.s32 $0x1C00;
	[sflag:s31] =	ssyncadd.s32 $0xFFFFCE00  }
0x2ba: {  	[spmem:s2] =	stream.indirect.scatter.add.f32 [tilespmem:s22], [sflag:$0x4], $0x80, s17, s25, $0xb8;
	[tilespmem:$0x1FC00] =	vst v63  }
0x2bb: {  	_ =	swait.ge [sflag:s23], $0x3200  }
0x2bc: {  	[sflag:s23] =	ssyncset.done $0x0  }
0x2bd: {  	s17 =	rddreg [dreg:$0xa];
	[sflag:s23] =	ssyncadd.s32 $0xFFFFCE00  }
0x2be: {  	[tilespmem:s15], [sflag:$0x4] =	stream.linear.gather [hbm4b:s17+s15], $0xC80, $0x38;
	[tilespmem:$0x1FC00] =	vst v63  }
0x2bf: {  	_ =	swait.ge [sflag:s23], $0xC80  }
0x2c0: {  	[sflag:s23] =	ssyncset.done $0x0  }
0x2c1: {  	s17 =	rddreg [dreg:$0xb];
	[sflag:s23] =	ssyncadd.s32 $0xFFFFF380  }
0x2c2: {  	[tilespmem:s3], [sflag:$0x4] =	stream.linear.gather [hbm4b:s17+s15], $0xC80, $0x38;
	[tilespmem:$0x1FC00] =	vst v63  }
0x2c3: {  	_ =	swait.ge [sflag:s23], $0xC80  }
0x2c4: {  	[sflag:s23] =	ssyncset.done $0x0  }
0x2c5: {  	[sflag:s23] =	ssyncadd.s32 $0xFFFFF380  }
0x2c6: {  	[tilespmem:s22], [sflag:$0x1] =	stream.indirect.gather [hbm4b:s4+s25], $0x80, s15, s25, $0xb8;
	[tilespmem:$0x1FC00] =	vst v63  }
0x2c7: {  	s18 =	simm.s32 $0x80  }
0x2c8: {  	[tilespmem:s28], [sflag:$0x2] =	stream.indirect.gather [hbm4b:s4+s25], $0x80, s18, s25, $0xb8;
	[tilespmem:$0x1FC00] =	vst v63  }
0x2c9: {  	s18 =	simm.s32 $0x100  }
0x2ca: {  	[tilespmem:s30], [sflag:$0x3] =	stream.indirect.gather [hbm4b:s4+s25], $0x80, s18, s25, $0xb8;
	[tilespmem:$0x1FC00] =	vst v63  }
0x2cb: {  	_ =	swait.ge [sflag:s31], $0x3200  }
0x2cc: {  	[sflag:s31] =	ssyncset.done $0x0  }
0x2cd: {  	[sflag:s31] =	ssyncadd.s32 $0xFFFFCE00  }
0x2ce: {  	[spmem:s2] =	stream.indirect.scatter.add.f32 [tilespmem:s22], [sflag:$0x4], $0x80, s3, s25, $0xb8;
	[tilespmem:$0x1FC00] =	vst v63  }
0x2cf: {  	_ =	swait.ge [sflag:s23], $0x3200  }
0x2d0: {  	[sflag:s23] =	ssyncset.done $0x0  }
0x2d1: {  	s17 =	simm.s32 $0x180;
	[sflag:s23] =	ssyncadd.s32 $0xFFFFCE00  }
0x2d2: {  	[tilespmem:s22], [sflag:$0x1] =	stream.indirect.gather [hbm4b:s4+s25], $0x80, s17, s25, $0xb8;
	[tilespmem:$0x1FC00] =	vst v63  }
0x2d3: {  	_ =	swait.ge [sflag:s1], $0x3200  }
0x2d4: {  	[sflag:s1] =	ssyncset.done $0x0  }
0x2d5: {  	s18 =	simm.s32 $0x1080;
	[sflag:s1] =	ssyncadd.s32 $0xFFFFCE00  }
0x2d6: {  	[spmem:s2] =	stream.indirect.scatter.add.f32 [tilespmem:s28], [sflag:$0x4], $0x80, s18, s25, $0xb8;
	[tilespmem:$0x1FC00] =	vst v63  }
0x2d7: {  	_ =	swait.ge [sflag:s23], $0x3200  }
0x2d8: {  	[sflag:s23] =	ssyncset.done $0x0  }
0x2d9: {  	s17 =	simm.s32 $0x200;
	[sflag:s23] =	ssyncadd.s32 $0xFFFFCE00  }
0x2da: {  	[tilespmem:s28], [sflag:$0x2] =	stream.indirect.gather [hbm4b:s4+s25], $0x80, s17, s25, $0xb8;
	[tilespmem:$0x1FC00] =	vst v63  }
0x2db: {  	_ =	swait.ge [sflag:s8], $0x3200  }
0x2dc: {  	[sflag:s8] =	ssyncset.done $0x0  }
0x2dd: {  	s18 =	simm.s32 $0x1100;
	[sflag:s8] =	ssyncadd.s32 $0xFFFFCE00  }
0x2de: {  	[spmem:s2] =	stream.indirect.scatter.add.f32 [tilespmem:s30], [sflag:$0x4], $0x80, s18, s25, $0xb8;
	[tilespmem:$0x1FC00] =	vst v63  }
0x2df: {  	_ =	swait.ge [sflag:s23], $0x3200  }
0x2e0: {  	[sflag:s23] =	ssyncset.done $0x0  }
0x2e1: {  	s0 =	simm.s32 $0x280;
	[sflag:s23] =	ssyncadd.s32 $0xFFFFCE00  }
0x2e2: {  	[tilespmem:s30], [sflag:$0x3] =	stream.indirect.gather [hbm4b:s4+s25], $0x80, s0, s25, $0xb8;
	[tilespmem:$0x1FC00] =	vst v63  }
0x2e3: {  	_ =	swait.ge [sflag:s31], $0x3200  }
0x2e4: {  	[sflag:s31] =	ssyncset.done $0x0  }
0x2e5: {  	s5 =	simm.s32 $0x1180;
	[sflag:s31] =	ssyncadd.s32 $0xFFFFCE00  }
0x2e6: {  	[spmem:s2] =	stream.indirect.scatter.add.f32 [tilespmem:s22], [sflag:$0x4], $0x80, s5, s25, $0xb8;
	[tilespmem:$0x1FC00] =	vst v63  }
0x2e7: {  	_ =	swait.ge [sflag:s23], $0x3200  }
0x2e8: {  	[sflag:s23] =	ssyncset.done $0x0  }
0x2e9: {  	s6 =	simm.s32 $0x300;
	[sflag:s23] =	ssyncadd.s32 $0xFFFFCE00  }
0x2ea: {  	[tilespmem:s22], [sflag:$0x1] =	stream.indirect.gather [hbm4b:s4+s25], $0x80, s6, s25, $0xb8;
	[tilespmem:$0x1FC00] =	vst v63  }
0x2eb: {  	_ =	swait.ge [sflag:s1], $0x3200  }
0x2ec: {  	[sflag:s1] =	ssyncset.done $0x0  }
0x2ed: {  	s7 =	simm.s32 $0x1200;
	[sflag:s1] =	ssyncadd.s32 $0xFFFFCE00  }
0x2ee: {  	[spmem:s2] =	stream.indirect.scatter.add.f32 [tilespmem:s28], [sflag:$0x4], $0x80, s7, s25, $0xb8;
	[tilespmem:$0x1FC00] =	vst v63  }
0x2ef: {  	_ =	swait.ge [sflag:s23], $0x3200  }
0x2f0: {  	[sflag:s23] =	ssyncset.done $0x0  }
0x2f1: {  	s9 =	simm.s32 $0x380;
	[sflag:s23] =	ssyncadd.s32 $0xFFFFCE00  }
0x2f2: {  	[tilespmem:s28], [sflag:$0x2] =	stream.indirect.gather [hbm4b:s4+s25], $0x80, s9, s25, $0xb8;
	[tilespmem:$0x1FC00] =	vst v63  }
0x2f3: {  	_ =	swait.ge [sflag:s8], $0x3200  }
0x2f4: {  	[sflag:s8] =	ssyncset.done $0x0  }
0x2f5: {  	s10 =	simm.s32 $0x1280;
	[sflag:s8] =	ssyncadd.s32 $0xFFFFCE00  }
0x2f6: {  	[spmem:s2] =	stream.indirect.scatter.add.f32 [tilespmem:s30], [sflag:$0x4], $0x80, s10, s25, $0xb8;
	[tilespmem:$0x1FC00] =	vst v63  }
0x2f7: {  	_ =	swait.ge [sflag:s23], $0x3200  }
0x2f8: {  	[sflag:s23] =	ssyncset.done $0x0  }
0x2f9: {  	s11 =	simm.s32 $0x400;
	[sflag:s23] =	ssyncadd.s32 $0xFFFFCE00  }
0x2fa: {  	[tilespmem:s30], [sflag:$0x3] =	stream.indirect.gather [hbm4b:s4+s25], $0x80, s11, s25, $0xb8;
	[tilespmem:$0x1FC00] =	vst v63  }
0x2fb: {  	_ =	swait.ge [sflag:s31], $0x3200  }
0x2fc: {  	[sflag:s31] =	ssyncset.done $0x0  }
0x2fd: {  	s12 =	simm.s32 $0x1300;
	[sflag:s31] =	ssyncadd.s32 $0xFFFFCE00  }
0x2fe: {  	[spmem:s2] =	stream.indirect.scatter.add.f32 [tilespmem:s22], [sflag:$0x4], $0x80, s12, s25, $0xb8;
	[tilespmem:$0x1FC00] =	vst v63  }
0x2ff: {  	_ =	swait.ge [sflag:s23], $0x3200  }
0x300: {  	[sflag:s23] =	ssyncset.done $0x0  }
0x301: {  	s13 =	simm.s32 $0x480;
	[sflag:s23] =	ssyncadd.s32 $0xFFFFCE00  }
0x302: {  	[tilespmem:s22], [sflag:$0x1] =	stream.indirect.gather [hbm4b:s4+s25], $0x80, s13, s25, $0xb8;
	[tilespmem:$0x1FC00] =	vst v63  }
0x303: {  	_ =	swait.ge [sflag:s1], $0x3200  }
0x304: {  	[sflag:s1] =	ssyncset.done $0x0  }
0x305: {  	s14 =	simm.s32 $0x1380;
	[sflag:s1] =	ssyncadd.s32 $0xFFFFCE00  }
0x306: {  	[spmem:s2] =	stream.indirect.scatter.add.f32 [tilespmem:s28], [sflag:$0x4], $0x80, s14, s25, $0xb8;
	[tilespmem:$0x1FC00] =	vst v63  }
0x307: {  	_ =	swait.ge [sflag:s23], $0x3200  }
0x308: {  	[sflag:s23] =	ssyncset.done $0x0  }
0x309: {  	s10 =	simm.s32 $0x500;
	[sflag:s23] =	ssyncadd.s32 $0xFFFFCE00  }
0x30a: {  	[tilespmem:s28], [sflag:$0x2] =	stream.indirect.gather [hbm4b:s4+s25], $0x80, s10, s25, $0xb8;
	[tilespmem:$0x1FC00] =	vst v63  }
0x30b: {  	_ =	swait.ge [sflag:s8], $0x3200  }
0x30c: {  	[sflag:s8] =	ssyncset.done $0x0  }
0x30d: {  	s24 =	simm.s32 $0x1400;
	[sflag:s8] =	ssyncadd.s32 $0xFFFFCE00  }
0x30e: {  	[spmem:s2] =	stream.indirect.scatter.add.f32 [tilespmem:s30], [sflag:$0x4], $0x80, s24, s25, $0xb8;
	[tilespmem:$0x1FC00] =	vst v63  }
0x30f: {  	_ =	swait.ge [sflag:s23], $0x3200  }
0x310: {  	[sflag:s23] =	ssyncset.done $0x0  }
0x311: {  	s19 =	simm.s32 $0x580;
	[sflag:s23] =	ssyncadd.s32 $0xFFFFCE00  }
0x312: {  	[tilespmem:s30], [sflag:$0x3] =	stream.indirect.gather [hbm4b:s4+s25], $0x80, s19, s25, $0xb8;
	[tilespmem:$0x1FC00] =	vst v63  }
0x313: {  	_ =	swait.ge [sflag:s31], $0x3200  }
0x314: {  	[sflag:s31] =	ssyncset.done $0x0  }
0x315: {  	s20 =	simm.s32 $0x1480;
	[sflag:s31] =	ssyncadd.s32 $0xFFFFCE00  }
0x316: {  	[spmem:s2] =	stream.indirect.scatter.add.f32 [tilespmem:s22], [sflag:$0x4], $0x80, s20, s25, $0xb8;
	[tilespmem:$0x1FC00] =	vst v63  }
0x317: {  	_ =	swait.ge [sflag:s23], $0x3200  }
0x318: {  	[sflag:s23] =	ssyncset.done $0x0  }
0x319: {  	s21 =	simm.s32 $0x600;
	[sflag:s23] =	ssyncadd.s32 $0xFFFFCE00  }
0x31a: {  	[tilespmem:s22], [sflag:$0x1] =	stream.indirect.gather [hbm4b:s4+s25], $0x80, s21, s25, $0xb8;
	[tilespmem:$0x1FC00] =	vst v63  }
0x31b: {  	_ =	swait.ge [sflag:s1], $0x3200  }
0x31c: {  	[sflag:s1] =	ssyncset.done $0x0  }
0x31d: {  	s26 =	simm.s32 $0x1500;
	[sflag:s1] =	ssyncadd.s32 $0xFFFFCE00  }
0x31e: {  	[spmem:s2] =	stream.indirect.scatter.add.f32 [tilespmem:s28], [sflag:$0x4], $0x80, s26, s25, $0xb8;
	[tilespmem:$0x1FC00] =	vst v63  }
0x31f: {  	_ =	swait.ge [sflag:s23], $0x3200  }
0x320: {  	[sflag:s23] =	ssyncset.done $0x0  }
0x321: {  	s29 =	simm.s32 $0x680;
	[sflag:s23] =	ssyncadd.s32 $0xFFFFCE00  }
0x322: {  	[tilespmem:s28], [sflag:$0x2] =	stream.indirect.gather [hbm4b:s4+s25], $0x80, s29, s25, $0xb8;
	[tilespmem:$0x1FC00] =	vst v63  }
0x323: {  	_ =	swait.ge [sflag:s8], $0x3200  }
0x324: {  	[sflag:s8] =	ssyncset.done $0x0  }
0x325: {  	s11 =	simm.s32 $0x1580;
	[sflag:s8] =	ssyncadd.s32 $0xFFFFCE00  }
0x326: {  	[spmem:s2] =	stream.indirect.scatter.add.f32 [tilespmem:s30], [sflag:$0x4], $0x80, s11, s25, $0xb8;
	[tilespmem:$0x1FC00] =	vst v63  }
0x327: {  	_ =	swait.ge [sflag:s23], $0x3200  }
0x328: {  	[sflag:s23] =	ssyncset.done $0x0  }
0x329: {  	s12 =	simm.s32 $0x700;
	[sflag:s23] =	ssyncadd.s32 $0xFFFFCE00  }
0x32a: {  	[tilespmem:s30], [sflag:$0x3] =	stream.indirect.gather [hbm4b:s4+s25], $0x80, s12, s25, $0xb8;
	[tilespmem:$0x1FC00] =	vst v63  }
0x32b: {  	_ =	swait.ge [sflag:s31], $0x3200  }
0x32c: {  	[sflag:s31] =	ssyncset.done $0x0  }
0x32d: {  	s13 =	simm.s32 $0x1600;
	[sflag:s31] =	ssyncadd.s32 $0xFFFFCE00  }
0x32e: {  	[spmem:s2] =	stream.indirect.scatter.add.f32 [tilespmem:s22], [sflag:$0x4], $0x80, s13, s25, $0xb8;
	[tilespmem:$0x1FC00] =	vst v63  }
0x32f: {  	_ =	swait.ge [sflag:s23], $0x3200  }
0x330: {  	[sflag:s23] =	ssyncset.done $0x0  }
0x331: {  	s14 =	simm.s32 $0x780;
	[sflag:s23] =	ssyncadd.s32 $0xFFFFCE00  }
0x332: {  	[tilespmem:s22], [sflag:$0x1] =	stream.indirect.gather [hbm4b:s4+s25], $0x80, s14, s25, $0xb8;
	[tilespmem:$0x1FC00] =	vst v63  }
0x333: {  	_ =	swait.ge [sflag:s1], $0x3200  }
0x334: {  	[sflag:s1] =	ssyncset.done $0x0  }
0x335: {  	s17 =	simm.s32 $0x1680;
	[sflag:s1] =	ssyncadd.s32 $0xFFFFCE00  }
0x336: {  	[spmem:s2] =	stream.indirect.scatter.add.f32 [tilespmem:s28], [sflag:$0x4], $0x80, s17, s25, $0xb8;
	[tilespmem:$0x1FC00] =	vst v63  }
0x337: {  	_ =	swait.ge [sflag:s23], $0x3200  }
0x338: {  	[sflag:s23] =	ssyncset.done $0x0  }
0x339: {  	s18 =	simm.s32 $0x800;
	[sflag:s23] =	ssyncadd.s32 $0xFFFFCE00  }
0x33a: {  	[tilespmem:s28], [sflag:$0x2] =	stream.indirect.gather [hbm4b:s4+s25], $0x80, s18, s25, $0xb8;
	[tilespmem:$0x1FC00] =	vst v63  }
0x33b: {  	_ =	swait.ge [sflag:s8], $0x3200  }
0x33c: {  	[sflag:s8] =	ssyncset.done $0x0  }
0x33d: {  	s19 =	simm.s32 $0x1700;
	[sflag:s8] =	ssyncadd.s32 $0xFFFFCE00  }
0x33e: {  	[spmem:s2] =	stream.indirect.scatter.add.f32 [tilespmem:s30], [sflag:$0x4], $0x80, s19, s25, $0xb8;
	[tilespmem:$0x1FC00] =	vst v63  }
0x33f: {  	_ =	swait.ge [sflag:s23], $0x3200  }
0x340: {  	[sflag:s23] =	ssyncset.done $0x0  }
0x341: {  	s20 =	simm.s32 $0x880;
	[sflag:s23] =	ssyncadd.s32 $0xFFFFCE00  }
0x342: {  	[tilespmem:s30], [sflag:$0x3] =	stream.indirect.gather [hbm4b:s4+s25], $0x80, s20, s25, $0xb8;
	[tilespmem:$0x1FC00] =	vst v63  }
0x343: {  	_ =	swait.ge [sflag:s31], $0x3200  }
0x344: {  	[sflag:s31] =	ssyncset.done $0x0  }
0x345: {  	s21 =	simm.s32 $0x1780;
	[sflag:s31] =	ssyncadd.s32 $0xFFFFCE00  }
0x346: {  	[spmem:s2] =	stream.indirect.scatter.add.f32 [tilespmem:s22], [sflag:$0x4], $0x80, s21, s25, $0xb8;
	[tilespmem:$0x1FC00] =	vst v63  }
0x347: {  	_ =	swait.ge [sflag:s23], $0x3200  }
0x348: {  	[sflag:s23] =	ssyncset.done $0x0  }
0x349: {  	s24 =	simm.s32 $0x900;
	[sflag:s23] =	ssyncadd.s32 $0xFFFFCE00  }
0x34a: {  	[tilespmem:s22], [sflag:$0x1] =	stream.indirect.gather [hbm4b:s4+s25], $0x80, s24, s25, $0xb8;
	[tilespmem:$0x1FC00] =	vst v63  }
0x34b: {  	_ =	swait.ge [sflag:s1], $0x3200  }
0x34c: {  	[sflag:s1] =	ssyncset.done $0x0  }
0x34d: {  	s26 =	simm.s32 $0x1800;
	[sflag:s1] =	ssyncadd.s32 $0xFFFFCE00  }
0x34e: {  	[spmem:s2] =	stream.indirect.scatter.add.f32 [tilespmem:s28], [sflag:$0x4], $0x80, s26, s25, $0xb8;
	[tilespmem:$0x1FC00] =	vst v63  }
0x34f: {  	_ =	swait.ge [sflag:s23], $0x3200  }
0x350: {  	[sflag:s23] =	ssyncset.done $0x0  }
0x351: {  	s29 =	simm.s32 $0x980;
	[sflag:s23] =	ssyncadd.s32 $0xFFFFCE00  }
0x352: {  	[tilespmem:s28], [sflag:$0x2] =	stream.indirect.gather [hbm4b:s4+s25], $0x80, s29, s25, $0xb8;
	[tilespmem:$0x1FC00] =	vst v63  }
0x353: {  	_ =	swait.ge [sflag:s8], $0x3200  }
0x354: {  	[sflag:s8] =	ssyncset.done $0x0  }
0x355: {  	s3 =	simm.s32 $0x1880;
	[sflag:s8] =	ssyncadd.s32 $0xFFFFCE00  }
0x356: {  	[spmem:s2] =	stream.indirect.scatter.add.f32 [tilespmem:s30], [sflag:$0x4], $0x80, s3, s25, $0xb8;
	[tilespmem:$0x1FC00] =	vst v63  }
0x357: {  	_ =	swait.ge [sflag:s23], $0x3200  }
0x358: {  	[sflag:s23] =	ssyncset.done $0x0  }
0x359: {  	s5 =	simm.s32 $0xA00;
	[sflag:s23] =	ssyncadd.s32 $0xFFFFCE00  }
0x35a: {  	[tilespmem:s30], [sflag:$0x3] =	stream.indirect.gather [hbm4b:s4+s25], $0x80, s5, s25, $0xb8;
	[tilespmem:$0x1FC00] =	vst v63  }
0x35b: {  	_ =	swait.ge [sflag:s31], $0x3200  }
0x35c: {  	[sflag:s31] =	ssyncset.done $0x0  }
0x35d: {  	s6 =	simm.s32 $0x1900;
	[sflag:s31] =	ssyncadd.s32 $0xFFFFCE00  }
0x35e: {  	[spmem:s2] =	stream.indirect.scatter.add.f32 [tilespmem:s22], [sflag:$0x4], $0x80, s6, s25, $0xb8;
	[tilespmem:$0x1FC00] =	vst v63  }
0x35f: {  	_ =	swait.ge [sflag:s23], $0x3200  }
0x360: {  	[sflag:s23] =	ssyncset.done $0x0  }
0x361: {  	s7 =	simm.s32 $0xA80;
	[sflag:s23] =	ssyncadd.s32 $0xFFFFCE00  }
0x362: {  	[tilespmem:s22], [sflag:$0x1] =	stream.indirect.gather [hbm4b:s4+s25], $0x80, s7, s25, $0xb8;
	[tilespmem:$0x1FC00] =	vst v63  }
0x363: {  	_ =	swait.ge [sflag:s1], $0x3200  }
0x364: {  	[sflag:s1] =	ssyncset.done $0x0  }
0x365: {  	s9 =	simm.s32 $0x1980;
	[sflag:s1] =	ssyncadd.s32 $0xFFFFCE00  }
0x366: {  	[spmem:s2] =	stream.indirect.scatter.add.f32 [tilespmem:s28], [sflag:$0x4], $0x80, s9, s25, $0xb8;
	[tilespmem:$0x1FC00] =	vst v63  }
0x367: {  	_ =	swait.ge [sflag:s23], $0x3200  }
0x368: {  	[sflag:s23] =	ssyncset.done $0x0  }
0x369: {  	s10 =	simm.s32 $0xB00;
	[sflag:s23] =	ssyncadd.s32 $0xFFFFCE00  }
0x36a: {  	[tilespmem:s28], [sflag:$0x2] =	stream.indirect.gather [hbm4b:s4+s25], $0x80, s10, s25, $0xb8;
	[tilespmem:$0x1FC00] =	vst v63  }
0x36b: {  	_ =	swait.ge [sflag:s8], $0x3200  }
0x36c: {  	[sflag:s8] =	ssyncset.done $0x0  }
0x36d: {  	s11 =	simm.s32 $0x1A00;
	[sflag:s8] =	ssyncadd.s32 $0xFFFFCE00  }
0x36e: {  	[spmem:s2] =	stream.indirect.scatter.add.f32 [tilespmem:s30], [sflag:$0x4], $0x80, s11, s25, $0xb8;
	[tilespmem:$0x1FC00] =	vst v63  }
0x36f: {  	_ =	swait.ge [sflag:s23], $0x3200  }
0x370: {  	[sflag:s23] =	ssyncset.done $0x0  }
0x371: {  	s12 =	simm.s32 $0xB80;
	[sflag:s23] =	ssyncadd.s32 $0xFFFFCE00  }
0x372: {  	[tilespmem:s30], [sflag:$0x3] =	stream.indirect.gather [hbm4b:s4+s25], $0x80, s12, s25, $0xb8;
	[tilespmem:$0x1FC00] =	vst v63  }
0x373: {  	_ =	swait.ge [sflag:s31], $0x3200  }
0x374: {  	[sflag:s31] =	ssyncset.done $0x0  }
0x375: {  	s13 =	simm.s32 $0x1A80;
	[sflag:s31] =	ssyncadd.s32 $0xFFFFCE00  }
0x376: {  	[spmem:s2] =	stream.indirect.scatter.add.f32 [tilespmem:s22], [sflag:$0x4], $0x80, s13, s25, $0xb8;
	[tilespmem:$0x1FC00] =	vst v63  }
0x377: {  	_ =	swait.ge [sflag:s23], $0x3200  }
0x378: {  	[sflag:s23] =	ssyncset.done $0x0  }
0x379: {  	s14 =	simm.s32 $0xC00;
	[sflag:s23] =	ssyncadd.s32 $0xFFFFCE00  }
0x37a: {  	[tilespmem:s22], [sflag:$0x1] =	stream.indirect.gather [hbm4b:s4+s25], $0x80, s14, s25, $0xb8;
	[tilespmem:$0x1FC00] =	vst v63  }
0x37b: {  	_ =	swait.ge [sflag:s1], $0x3200  }
0x37c: {  	[sflag:s1] =	ssyncset.done $0x0  }
0x37d: {  	s17 =	simm.s32 $0x1B00;
	[sflag:s1] =	ssyncadd.s32 $0xFFFFCE00  }
0x37e: {  	[spmem:s2] =	stream.indirect.scatter.add.f32 [tilespmem:s28], [sflag:$0x4], $0x80, s17, s25, $0xb8;
	[tilespmem:$0x1FC00] =	vst v63  }
0x37f: {  	_ =	swait.ge [sflag:s23], $0x3200  }
0x380: {  	[sflag:s23] =	ssyncset.done $0x0  }
0x381: {  	[sflag:s23] =	ssyncadd.s32 $0xFFFFCE00  }
0x382: {  	_ =	swait.ge [sflag:s8], $0x3200  }
0x383: {  	[sflag:s8] =	ssyncset.done $0x0  }
0x384: {  	s18 =	simm.s32 $0x1B80;
	[sflag:s8] =	ssyncadd.s32 $0xFFFFCE00  }
0x385: {  	[spmem:s2] =	stream.indirect.scatter.add.f32 [tilespmem:s30], [sflag:$0x4], $0x80, s18, s25, $0xb8;
	[tilespmem:$0x1FC00] =	vst v63  }
0x386: {  	_ =	swait.ge [sflag:s23], $0x3200  }
0x387: {  	[sflag:s23] =	ssyncset.done $0x0  }
0x388: {  	[sflag:s23] =	ssyncadd.s32 $0xFFFFCE00  }
0x389: {  	_ =	swait.ge [sflag:s31], $0x3200  }
0x38a: {  	[sflag:s31] =	ssyncset.done $0x0  }
0x38b: {  	s19 =	simm.s32 $0x1C00;
	[sflag:s31] =	ssyncadd.s32 $0xFFFFCE00  }
0x38c: {  	[spmem:s2] =	stream.indirect.scatter.add.f32 [tilespmem:s22], [sflag:$0x4], $0x80, s19, s25, $0xb8;
	[tilespmem:$0x1FC00] =	vst v63  }
0x38d: {  	_ =	swait.ge [sflag:s23], $0x3200  }
0x38e: {  	[sflag:s23] =	ssyncset.done $0x0  }
0x38f: {  	[sflag:s23] =	ssyncadd.s32 $0xFFFFCE00  }
0x390: {  	s20 =	stileid.u32;
	[bflag:$0x0] =	sbarrier.arrive $0xFFFF  }
0x391: {  	s17 =	sshll.u32 s20, $0x6;
	s21 =	rddreg [dreg:$0x13]  }
0x392: {  	s17 =	sor.u32 $0x1C04, s17;
	s26 =	rddreg [dreg:$0xc];
	s24 =	sshrl.u32 s21, $0x3  }
0x393: {  	[hbm:s26], [sflag:s17] =	dma.local [spmem:s24], $0x2800  }
0x394: {  	_ =	swait.ge [sflag:s23], $0x2800  }
0x395: {  	s16 =	sadd.s32 $0x1, s16;
	s29 =	rddreg [dreg:$0xd]  }
0x396: {  	p0 =	sne.s32 s16, s29  }
.Ltmp1:
0x397: {  	_ = 	snop;
	(pc) =	sbr.rel @p0 .LBB2_1-.Ltmp1, $3  }
0x398: {  	_ =	sdelay $0x1  }
0x399: {  	[sflag:s23] =	ssyncset.done $0x0  }
0x39a: {  	[sflag:s23] =	ssyncadd.s32 $0xFFFFD800  }
0x39b: {  	_ =	sfence.sel $0x180000  }
0x39c: {  	[bflag:$0x0] =	sbarrier.arrive $0xFFFF  }
0x39d: {  	_ =	strace $0x9000004A  }
0x39e: {  	s0 =	stileid.u32;
	[bflag:$0x2] =	sbarrier.arrive $0xFFFF  }
0x39f: {  	p0 =	sne.s32 s0, $0x0;
	s0 =	rddreg [dreg:$0x2]  }
0x3a0: {  	s0 =	sadd.s32 @!p0 $0x100000, s0  }
0x3a1: {  	[sflag:s0] =	ssyncadd.tile.s32 @!p0 $0x1;
	_ =	shalt  }
.Lfunc_end2:
_tile_overlayer_lowered:
.L_overlay_start_2:
0x3a2: {  	(tag) =	ssettag $0x2  }
0x3a3: {  	s0 =	rddreg [dreg:$0x0];
	s2 =	stileid.u32  }
0x3a4: {  	s1 =	rddreg [dreg:$0x1];
	p0 =	sne.s32 s2, $0x0  }
0x3a5: {  	s3 =	rddreg [dreg:$0x2];
	[bflag:$0x3] =	sbarrier.arrive $0xFFFF;
	s2 =	simm.s32 @!p0 $0x1C04  }
0x3a6: {  	[timem:s3], [sflag:s2] =	dma.local @!p0 [hbm:s0], s1  }
0x3a7: {  	s0 =	simm.s32 @!p0 $0x4  }
0x3a8: {  	_ =	swait.ge @!p0 [sflag:s0], s1  }
0x3a9: {  	s1 =	ssub.s32 @!p0 $0x0, s1;
	[sflag:s0] =	ssyncset.done @!p0 $0x0  }
0x3aa: {  	[sflag:s0] =	ssyncadd.s32 @!p0 s1  }
0x3ab: {  	[bflag:$0x3] =	sbarrier.arrive $0xFFFF  }
0x3ac: {  	_ =	shalt  }

// kernel: kernel.8.cloned.1.call-start
scs
__scs_entry_jumppad:
0x0: {  	(pc) =	sbr.rel $0x88, $3  }
0x1: {  	(tag) =	ssettag $0x0;
	lr =	simm.s32 $0x1  }
0x2: {  	[smem:$0x3F98] =	sst lr;
	_ =	strace $0xD0000000  }
0x3: {  	_ = 	snop  }
0x4: {  	_ = 	snop  }
0x5: {  	_ = 	snop  }
0x6: {  	_ = 	snop  }
0x7: {  	_ = 	snop  }
__scs_overlays_trampoline_lowered:
0x8: {  	[smem:$0x3FA7] =	sst s0  }
0x9: {  	[smem:$0x3FA8] =	sst s1  }
0xa: {  	[smem:$0x3FA9] =	sst s2  }
0xb: {  	[smem:$0x3FAA] =	sst s3  }
0xc: {  	[smem:$0x3FAB] =	sst s4  }
0xd: {  	[smem:$0x3FAC] =	sst s5  }
0xe: {  	[smem:$0x3FAD] =	sst s6  }
0xf: {  	[smem:$0x3FAE] =	sst s7  }
0x10: {  	[smem:$0x3FAF] =	sst s8  }
0x11: {  	[smem:$0x3FB0] =	sst s9;
	s0 =	simm.s32 @!p0 $0x0  }
0x12: {  	s1 =	sld [smem:$0x3F96];
	s0 =	simm.s32 @p0 $0x1  }
0x13: {  	[smem:$0x3FB1] =	sst s0;
	s0 =	simm.s32 @!p1 $0x0  }
0x14: {  	s2 =	sld [smem:$0x3F95];
	s0 =	simm.s32 @p1 $0x1  }
0x15: {  	[smem:$0x3FB2] =	sst s0;
	s0 =	simm.s32 @!p2 $0x0  }
0x16: {  	s3 =	sld [smem:$0x3FDB];
	s0 =	simm.s32 @p2 $0x1  }
0x17: {  	s4 =	simm.s32 $0x1BF5;
	[smem:$0x3FB4] =	sst s0  }
0x18: {  	s0 =	sld [smem:$0x3F97];
	_ =	swait.ge [sflag:s4], $0x0  }
0x19: {  	s7 =	sld [smem:$0x3F98]  }
0x1a: {  	s8 =	sadd.s32 $0xFFFFE003, lr  }
0x1b: {  	s9 =	sadd.s32 $0xFFFFFEF7, lr;
	s5 =	simm.s32 $0xFFFFFFFF;
	p2 =	slt.u32 s8, $0xFFFFF086  }
0x1c: {  	p1 =	slt.u32 s9, $0xF7A;
	s5 =	simm.s32 @!p2 $0x0  }
0x1d: {  	s5 =	simm.s32 @p1 $0x1;
	p0 =	seq.s32 s7, s2  }
0x1e: {  	s7 =	smul.u32 @!p0 $0xF7A, s2;
	p2 =	seq.s32 @!p0 s5, $0x0  }
0x1f: {  	s9 =	smul.u32 $0xF7A, s1;
	s8 =	simm.s32 @!p0 $0x1BF5;
	p2 =	por !p2, p0  }
0x20: {  	[sflag:s8] =	ssyncset.s32 @!p0 $0xFFFFF086;
	s6 =	sadd.s32 @!p0 s3, s7;
	s7 =	simm.s32 @!p0 $0x108  }
0x21: {  	s3 =	sadd.s32 s3, s9;
	s6 =	sadd.s32 @!p0 $0x88, s6;
	s7 =	simm.s32 @p2 $0x1082  }
0x22: {  	[simem:s7], [sflag:s8] =	dma.local @!p0 [hbm:s6], $0xF7A  }
0x23: {  	s9 =	sor.u32 $0xD0000000, s2;
	s6 =	simm.s32 $0x108;
	_ =	swait.ge @!p0 [sflag:s8], $0x0  }
0x24: {  	s3 =	sadd.s32 $0x88, s3;
	s6 =	simm.s32 @!p1 $0x1082;
	[sflag:s4] =	ssyncset.s32 $0xFFFFF086  }
0x25: {  	[simem:s6], [sflag:s4] =	dma.local [hbm:s3], $0xF7A  }
0x26: {  	[smem:$0x3F98] =	sst s1;
	(tag) =	ssettag s2;
	_ =	strace s9  }
0x27: {  	s1 =	sld [smem:$0x3FA8]  }
0x28: {  	s2 =	sld [smem:$0x3FA9]  }
0x29: {  	s4 =	sld [smem:$0x3FAB]  }
0x2a: {  	p0 =	seq.s32 s5, $0x0;
	s5 =	sld [smem:$0x3FAC]  }
0x2b: {  	s6 =	sld [smem:$0x3FAD]  }
0x2c: {  	s7 =	sld [smem:$0x3FAE]  }
0x2d: {  	s3 =	simm.s32 $0x108;
	s8 =	sld [smem:$0x3FAF]  }
0x2e: {  	s3 =	simm.s32 @!p0 $0x1082;
	s9 =	sld [smem:$0x3FB0]  }
0x2f: {  	lr =	sadd.s32 s0, s3;
	s0 =	sld [smem:$0x3FA7]  }
0x30: {  	s3 =	sld [smem:$0x3FAA]  }
0x31: {  	[smem:$0x3FB3] =	sst s10  }
0x32: {  	s10 =	sld [smem:$0x3FB1];
	_ =	sdelay $0x3  }
0x33: {  	p0 =	seq.s32 s10, $0x1;
	s10 =	sld [smem:$0x3FB3];
	_ =	sdelay $0x3  }
0x34: {  	[smem:$0x3FB3] =	sst s10  }
0x35: {  	s10 =	sld [smem:$0x3FB2];
	_ =	sdelay $0x3  }
0x36: {  	p1 =	seq.s32 s10, $0x1;
	s10 =	sld [smem:$0x3FB3];
	_ =	sdelay $0x3  }
0x37: {  	[smem:$0x3FB3] =	sst s10  }
0x38: {  	s10 =	sld [smem:$0x3FB4]  }
0x39: {  	_ = 	snop;
	(pc) =	sbr.ind lr, $3  }
0x3a: {  	_ = 	snop  }
0x3b: {  	_ = 	snop  }
0x3c: {  	p2 =	seq.s32 s10, $0x1;
	s10 =	sld [smem:$0x3FB3]  }
0x3d: {  	_ =	shalt  }
0x3e: {  	_ =	shalt  }
0x3f: {  	_ =	shalt  }
0x40: {  	_ =	shalt  }
0x41: {  	_ =	shalt  }
0x42: {  	_ =	shalt  }
0x43: {  	_ =	shalt  }
0x44: {  	_ =	shalt  }
0x45: {  	_ =	shalt  }
0x46: {  	_ =	shalt  }
0x47: {  	_ =	shalt  }
0x48: {  	_ =	shalt  }
0x49: {  	_ =	shalt  }
0x4a: {  	_ =	shalt  }
0x4b: {  	_ =	shalt  }
0x4c: {  	_ =	shalt  }
0x4d: {  	_ =	shalt  }
0x4e: {  	_ =	shalt  }
0x4f: {  	_ =	shalt  }
0x50: {  	_ =	shalt  }
0x51: {  	_ =	shalt  }
0x52: {  	_ =	shalt  }
0x53: {  	_ =	shalt  }
0x54: {  	_ =	shalt  }
0x55: {  	_ =	shalt  }
0x56: {  	_ =	shalt  }
0x57: {  	_ =	shalt  }
0x58: {  	_ =	shalt  }
0x59: {  	_ =	shalt  }
0x5a: {  	_ =	shalt  }
0x5b: {  	_ =	shalt  }
0x5c: {  	_ =	shalt  }
0x5d: {  	_ =	shalt  }
0x5e: {  	_ =	shalt  }
0x5f: {  	_ =	shalt  }
0x60: {  	_ =	shalt  }
0x61: {  	_ =	shalt  }
0x62: {  	_ =	shalt  }
0x63: {  	_ =	shalt  }
0x64: {  	_ =	shalt  }
0x65: {  	_ =	shalt  }
0x66: {  	_ =	shalt  }
0x67: {  	_ =	shalt  }
0x68: {  	_ =	shalt  }
0x69: {  	_ =	shalt  }
0x6a: {  	_ =	shalt  }
0x6b: {  	_ =	shalt  }
0x6c: {  	_ =	shalt  }
0x6d: {  	_ =	shalt  }
0x6e: {  	_ =	shalt  }
0x6f: {  	_ =	shalt  }
0x70: {  	_ =	shalt  }
0x71: {  	_ =	shalt  }
0x72: {  	_ =	shalt  }
0x73: {  	_ =	shalt  }
0x74: {  	_ =	shalt  }
0x75: {  	_ =	shalt  }
0x76: {  	_ =	shalt  }
0x77: {  	_ =	shalt  }
0x78: {  	_ =	shalt  }
0x79: {  	_ =	shalt  }
0x7a: {  	_ =	shalt  }
0x7b: {  	_ =	shalt  }
0x7c: {  	_ =	shalt  }
0x7d: {  	_ =	shalt  }
0x7e: {  	_ =	shalt  }
0x7f: {  	_ =	shalt  }
0x80: {  	_ =	shalt  }
0x81: {  	_ =	shalt  }
0x82: {  	_ =	shalt  }
0x83: {  	_ =	shalt  }
0x84: {  	_ =	shalt  }
0x85: {  	_ =	shalt  }
0x86: {  	_ =	shalt  }
0x87: {  	_ =	shalt  }
.Lfunc_end0:
.L_simem_size_0:
called_computation_lowered:
.L_overlay_start_0:
0x88: {  	s2 =	sld [smem:$0x3FD9]  }
0x89: {  	s3 =	sld [smem:$0x3FFE];
	_ =	sdelay $0x1  }
0x8a: {  	s1 =	srdreg.scid  }
0x8b: {  	s0 =	sand.u32 $0x1, s1  }
0x8c: {  	s17 =	sshll.u32 s0, $0xA;
	s2 =	sadd.s32 s3, s2  }
0x8d: {  	s2 =	sadd.s32 s2, s17  }
0x8e: {  	[smem:$0x3FBF] =	sst s2  }
0x8f: {  	_ = 	snop  }
0x90: {  	s2 =	sld [smem:$0x3FC9];
	(tm) =	ssettm $0x1  }
0x91: {  	s18 =	sld [smem:$0x3FFB];
	_ =	sdelay $0x3  }
0x92: {  	_ =	strace s18  }
0x93: {  	s3 =	sld [smem:$0x3FFC];
	_ =	sdelay $0x3  }
0x94: {  	_ =	strace s3  }
0x95: {  	s3 =	sld [smem:$0x3FFD];
	_ =	sdelay $0x3  }
0x96: {  	_ =	strace s3  }
0x97: {  	_ =	strace $0x8FFFFFFF  }
0x98: {  	s19 =	sld [smem:$0x3FDB];
	_ =	sdelay $0x1  }
0x99: {  	s4 =	simm.s32 $_scs_section_size  }
0x9a: {  	s5 =	simm.s32 $_size__tile_overlayer_lowered;
	s6 =	simm.s32 $_tile_overlayer_lowered  }
0x9b: {  	s22 =	simm.s32 $0x1BFF;
	s21 =	sshll.u32 s6, $0x1;
	s3 =	sadd.s32 s4, s19  }
0x9c: {  	s7 =	simm.s32 $0x0;
	s20 =	sshll.u32 s5, $0x1;
	s5 =	sadd.s32 s21, s3  }
0x9d: {  	[timem:s7], [sflag:s22] =	dma.local [hbm:s5], s20  }
0x9e: {  	_ =	swait.ge [sflag:s22], s20  }
0x9f: {  	s4 =	ssub.s32 $0x0, s20;
	[sflag:s22] =	ssyncset.done $0x0  }
0xa0: {  	[sflag:s22] =	ssyncadd.s32 s4;
	_ =	sdelay $0x1  }
0xa1: {  	s23 =	simm.s32 $0x1B8B  }
0xa2: {  	_ =	swait.ge [sflag:s23], $0x1  }
0xa3: {  	[sflag:s23] =	ssyncset.done $0x0  }
0xa4: {  	s25 =	simm.s32 $0x1B8E;
	s24 =	sld [smem:$0x3FFE];
	[sflag:s23] =	ssyncadd.s32 $0xFFFFFFFF  }
0xa5: {  	s26 =	simm.s32 $execute0_lowered;
	[smem:$0x3FD2] =	sst s25  }
0xa6: {  	s5 =	sshll.u32 s26, $0x1;
	_ =	strace $0x80000046;
	[dreg:$0x1] =	wrdreg $0xFFFFFFFF  }
0xa7: {  	s28 =	simm.s32 $_size_execute0_lowered;
	s3 =	sadd.s32 s3, s5;
	[dreg:$0x0] =	wrdreg $0x0  }
0xa8: {  	s5 =	sshll.u32 s28, $0x1;
	[dreg:$0x2] =	wrdreg s3  }
0xa9: {  	[dreg:$0x3] =	wrdreg s5  }
0xaa: {  	[dreg:$0x4] =	wrdreg $0xC0  }
0xab: {  	_ =	task [dreg:s7], $0x5FFFF  }
0xac: {  	[dreg:$0x1] =	wrdreg $0xFFFFFFFF  }
0xad: {  	[dreg:$0x0] =	wrdreg $0x60  }
0xae: {  	[dreg:$0x2] =	wrdreg s2  }
0xaf: {  	[dreg:$0x3] =	wrdreg s24  }
0xb0: {  	[dreg:$0x4] =	wrdreg $0xBC000  }
0xb1: {  	[dreg:$0x5] =	wrdreg $0x9  }
0xb2: {  	_ =	task.clear_ibuf [dreg:s7], $0x6FFFF;
	_ =	strace $0x90000046  }
0xb3: {  	s29 =	simm.s32 $0x9;
	_ =	strace $0x80000048  }
0xb4: {  	_ =	swait.ge [sflag:s29], $0x1  }
0xb5: {  	[sflag:s29] =	ssyncadd.s32 $0xFFFFFFFF  }
0xb6: {  	_ =	strace $0x90000048  }
0xb7: {  	_ =	sfence  }
0xb8: {  	s30 =	sld [smem:$0x0];
	_ =	sdelay $0x2  }
0xb9: {  	s31 =	sshll.u32 s1, $0xD;
	s1 =	sshrl.u32 s1, $0x2  }
0xba: {  	s3 =	sand.u32 $0x4000, s31;
	s1 =	sadd.s32 s1, s30  }
0xbb: {  	s0 =	sor.u32 s3, s0;
	s1 =	sshll.u32 s1, $0x11  }
0xbc: {  	s0 =	sor.u32 s1, s0  }
0xbd: {  	s0 =	sadd.s32 $0x8F2B, s0  }
0xbe: {  	[sflag:s0] =	ssyncadd.remote.s32 $0x1  }
0xbf: {  	_ =	sfence.sel $0xFFFF  }
0xc0: {  	[dreg:$0x0] =	wrdreg $0xFFFFFFFF;
	(pc) =	sbr.abs _section_cstart, $3  }
0xc1: {  	[dreg:$0x1] =	wrdreg $0xFFFFFFFF  }
0xc2: {  	_ =	task.clear_ibuf [dreg:s7], $0x2FFFF;
	_ =	strace $0x9FFFFFFF  }
0xc3: {  	(tm) =	ssettm $0x7FFFFFFF  }
tec
execute0_lowered:
.L_overlay_start_1:
0x0: {  	(tag) =	ssettag $0x1  }
0x1: {  	s0 =	rddreg [dreg:$0x0]  }
0x2: {  	s1 =	rddreg [dreg:$0x1];
	s2 =	srdreg.scid  }
0x3: {  	s3 =	rddreg [dreg:$0x2];
	s10 =	stileid.u32  }
0x4: {  	s15 =	simm.s32 $0x0;
	s2 =	sand.u32 $0x1, s2;
	s6 =	smul.u32 $0x14000, s10  }
0x5: {  	[smem:$0x7FF] =	sst s15;
	s29 =	sadd.s32 $0x1E00, s1;
	s11 =	sshll.u32 s10, $0xB  }
0x6: {  	s5 =	smul.u32 $0x140000, s2;
	s9 =	ssub.s32 $0x2, s2;
	s2 =	sshll.u32 s2, $0xF  }
0x7: {  	s4 =	smul.u32 $0x50000, s10;
	s8 =	sadd.s32 $0x11E00, s1;
	s2 =	sor.u32 s11, s2  }
0x8: {  	_ =	strace $0x80000047;
	s12 =	sshrl.u32 s9, $0x1;
	s17 =	sadd.s32 s29, s2  }
0x9: {  	s16 =	sor.u32 $0x200, s2;
	s18 =	sadd.s32 s8, s2;
	[dreg:$0x5] =	wrdreg s17  }
0xa: {  	s13 =	ssub.s32 s9, s12;
	[dreg:$0x6] =	wrdreg s18;
	s19 =	sadd.s32 s29, s16  }
0xb: {  	s20 =	sor.u32 $0x400, s2;
	s9 =	sadd.s32 s8, s16;
	[dreg:$0x7] =	wrdreg s19  }
0xc: {  	s2 =	sor.u32 $0x600, s2;
	s21 =	sadd.s32 s29, s20;
	[dreg:$0x8] =	wrdreg s9  }
0xd: {  	s5 =	sadd.s32 s6, s5;
	s6 =	sadd.s32 s29, s2;
	[dreg:$0x9] =	wrdreg s21  }
0xe: {  	s2 =	sadd.s32 s8, s2;
	[dreg:$0xb] =	wrdreg s6  }
0xf: {  	s7 =	sshrl.u32 s4, $0x2;
	s22 =	smax.u32 s13, $0x1;
	[dreg:$0xc] =	wrdreg s2  }
0x10: {  	s5 =	sshrl.u32 s5, $0x3;
	s9 =	sadd.s32 s8, s20;
	[dreg:$0xe] =	wrdreg s22  }
0x11: {  	s1 =	sadd.s32 s5, s1;
	s5 =	sadd.s32 s7, s3;
	[dreg:$0xa] =	wrdreg s9  }
0x12: {  	s28 =	simm.s32 $0x5400;
	s14 =	sadd.s32 $0x12C00, s5;
	[dreg:$0x14] =	wrdreg s5  }
0x13: {  	s30 =	simm.s32 $0x8800;
	s1 =	sadd.s32 $0x21E00, s1;
	[dreg:$0x4] =	wrdreg s14  }
0x14: {  	s31 =	simm.s32 $0x1;
	s23 =	sadd.s32 $0x3200, s5;
	[dreg:$0xd] =	wrdreg s1  }
0x15: {  	s16 =	simm.s32 $0x0;
	s24 =	sadd.s32 $0x6400, s5;
	[dreg:$0xf] =	wrdreg s23  }
0x16: {  	s22 =	simm.s32 $0x2000;
	s25 =	sadd.s32 $0x9600, s5;
	[dreg:$0x10] =	wrdreg s24  }
0x17: {  	s2 =	simm.s32 $0x2;
	s26 =	sadd.s32 $0xC800, s5;
	[dreg:$0x11] =	wrdreg s25  }
0x18: {  	s8 =	simm.s32 $0x3;
	s29 =	sadd.s32 $0xFA00, s5;
	[dreg:$0x12] =	wrdreg s26  }
0x19: {  	v0 =	vimm.f32 $0.0e+00;
	[dreg:$0x13] =	wrdreg s29;
	s23 =	simm.s32 $0x4;
	s25 =	simm.s32 $0x64  }
.LBB2_1:
0x1a: {  	s17 =	simm.s32 $0x0;
	s18 =	simm.s32 $0x200  }
.LBB2_2:
0x1b: {  	p0 =	sne.s32 s18, $0xC600;
	[tilespmem:s17+$0x2070] =	vst v0  }
0x1c: {  	[tilespmem:s17+$0x2000] =	vst v0  }
0x1d: {  	[tilespmem:s17+$0x2010] =	vst v0  }
.Ltmp0:
0x1e: {  	[tilespmem:s17+$0x2020] =	vst v0;
	(pc) =	sbr.rel @p0 .LBB2_2-.Ltmp0, $4  }
0x1f: {  	[tilespmem:s17+$0x2030] =	vst v0  }
0x20: {  	[tilespmem:s17+$0x2040] =	vst v0  }
0x21: {  	[tilespmem:s17+$0x2050] =	vst v0  }
0x22: {  	[tilespmem:s17+$0x2060] =	vst v0;
	s17 =	sshra.s32 s18, $0x2;
	s18 =	sadd.s32 $0x200, s18  }
0x23: {  	[tilespmem:s17+$0x2070] =	vst v0  }
0x24: {  	[tilespmem:s17+$0x2000] =	vst v0  }
0x25: {  	[tilespmem:s17+$0x2010] =	vst v0  }
0x26: {  	[tilespmem:s17+$0x2020] =	vst v0  }
0x27: {  	[tilespmem:s17+$0x2030] =	vst v0  }
0x28: {  	[tilespmem:s17+$0x2040] =	vst v0  }
0x29: {  	[tilespmem:s17+$0x2050] =	vst v0  }
0x2a: {  	[tilespmem:s17+$0x2060] =	vst v0;
	s1 =	rddreg [dreg:$0x14]  }
0x2b: {  	[spmem:s1] =	stream.linear.scatter [tilespmem:s22], [sflag:$0x4], $0x3200, $0x38;
	[tilespmem:$0x1FC00] =	vst v63  }
0x2c: {  	_ =	swait.ge [sflag:s23], $0x3200  }
0x2d: {  	[sflag:s23] =	ssyncset.done $0x0  }
0x2e: {  	s5 =	rddreg [dreg:$0xf];
	[sflag:s23] =	ssyncadd.s32 $0xFFFFCE00  }
0x2f: {  	[spmem:s5] =	stream.linear.scatter [tilespmem:s22], [sflag:$0x4], $0x3200, $0x38;
	[tilespmem:$0x1FC00] =	vst v63  }
0x30: {  	_ =	swait.ge [sflag:s23], $0x3200  }
0x31: {  	[sflag:s23] =	ssyncset.done $0x0  }
0x32: {  	s6 =	rddreg [dreg:$0x10];
	[sflag:s23] =	ssyncadd.s32 $0xFFFFCE00  }
0x33: {  	[spmem:s6] =	stream.linear.scatter [tilespmem:s22], [sflag:$0x4], $0x3200, $0x38;
	[tilespmem:$0x1FC00] =	vst v63  }
0x34: {  	_ =	swait.ge [sflag:s23], $0x3200  }
0x35: {  	[sflag:s23] =	ssyncset.done $0x0  }
0x36: {  	s7 =	rddreg [dreg:$0x11];
	[sflag:s23] =	ssyncadd.s32 $0xFFFFCE00  }
0x37: {  	[spmem:s7] =	stream.linear.scatter [tilespmem:s22], [sflag:$0x4], $0x3200, $0x38;
	[tilespmem:$0x1FC00] =	vst v63  }
0x38: {  	_ =	swait.ge [sflag:s23], $0x3200  }
0x39: {  	[sflag:s23] =	ssyncset.done $0x0  }
0x3a: {  	s9 =	rddreg [dreg:$0x12];
	[sflag:s23] =	ssyncadd.s32 $0xFFFFCE00  }
0x3b: {  	[spmem:s9] =	stream.linear.scatter [tilespmem:s22], [sflag:$0x4], $0x3200, $0x38;
	[tilespmem:$0x1FC00] =	vst v63  }
0x3c: {  	_ =	swait.ge [sflag:s23], $0x3200  }
0x3d: {  	[sflag:s23] =	ssyncset.done $0x0  }
0x3e: {  	s10 =	rddreg [dreg:$0x13];
	[sflag:s23] =	ssyncadd.s32 $0xFFFFCE00  }
0x3f: {  	[spmem:s10] =	stream.linear.scatter [tilespmem:s22], [sflag:$0x4], $0x3200, $0x38;
	[tilespmem:$0x1FC00] =	vst v63  }
0x40: {  	_ =	swait.ge [sflag:s23], $0x3200  }
0x41: {  	[sflag:s23] =	ssyncset.done $0x0  }
0x42: {  	s11 =	rddreg [dreg:$0x4];
	[sflag:s23] =	ssyncadd.s32 $0xFFFFCE00  }
0x43: {  	[spmem:s11] =	stream.linear.scatter [tilespmem:s22], [sflag:$0x4], $0x1400, $0x38;
	[tilespmem:$0x1FC00] =	vst v63  }
0x44: {  	_ =	swait.ge [sflag:s23], $0x1400  }
0x45: {  	[sflag:s23] =	ssyncset.done $0x0  }
0x46: {  	[sflag:s23] =	ssyncadd.s32 $0xFFFFEC00  }
0x47: {  	[bflag:$0x0] =	sbarrier.arrive $0xFFFF  }
0x48: {  	s12 =	rddreg [dreg:$0x5]  }
0x49: {  	[tilespmem:s15], [sflag:$0x4] =	stream.linear.gather [hbm4b:s12+s15], $0xC80, $0x38;
	[tilespmem:$0x1FC00] =	vst v63  }
0x4a: {  	_ =	swait.ge [sflag:s23], $0xC80  }
0x4b: {  	[sflag:s23] =	ssyncset.done $0x0  }
0x4c: {  	s4 =	simm.s32 $0x1000;
	s13 =	rddreg [dreg:$0x6];
	[sflag:s23] =	ssyncadd.s32 $0xFFFFF380  }
0x4d: {  	[tilespmem:s4], [sflag:$0x4] =	stream.linear.gather [hbm4b:s13+s15], $0xC80, $0x38;
	[tilespmem:$0x1FC00] =	vst v63  }
0x4e: {  	_ =	swait.ge [sflag:s23], $0xC80  }
0x4f: {  	[sflag:s23] =	ssyncset.done $0x0  }
0x50: {  	[sflag:s23] =	ssyncadd.s32 $0xFFFFF380  }
0x51: {  	[tilespmem:s22], [sflag:$0x1] =	stream.indirect.gather [hbm4b:s0+s25], $0x80, s15, s25, $0xb8;
	[tilespmem:$0x1FC00] =	vst v63  }
0x52: {  	s14 =	simm.s32 $0x80  }
0x53: {  	[tilespmem:s28], [sflag:$0x2] =	stream.indirect.gather [hbm4b:s0+s25], $0x80, s14, s25, $0xb8;
	[tilespmem:$0x1FC00] =	vst v63  }
0x54: {  	s17 =	simm.s32 $0x100  }
0x55: {  	[tilespmem:s30], [sflag:$0x3] =	stream.indirect.gather [hbm4b:s0+s25], $0x80, s17, s25, $0xb8;
	[tilespmem:$0x1FC00] =	vst v63  }
0x56: {  	_ =	swait.ge [sflag:s31], $0x3200  }
0x57: {  	[sflag:s31] =	ssyncset.done $0x0  }
0x58: {  	[sflag:s31] =	ssyncadd.s32 $0xFFFFCE00  }
0x59: {  	[spmem:s3] =	stream.indirect.scatter.add.f32 [tilespmem:s22], [sflag:$0x4], $0x80, s4, s25, $0xb8;
	[tilespmem:$0x1FC00] =	vst v63  }
0x5a: {  	_ =	swait.ge [sflag:s23], $0x3200  }
0x5b: {  	[sflag:s23] =	ssyncset.done $0x0  }
0x5c: {  	s18 =	simm.s32 $0x180;
	[sflag:s23] =	ssyncadd.s32 $0xFFFFCE00  }
0x5d: {  	[tilespmem:s22], [sflag:$0x1] =	stream.indirect.gather [hbm4b:s0+s25], $0x80, s18, s25, $0xb8;
	[tilespmem:$0x1FC00] =	vst v63  }
0x5e: {  	_ =	swait.ge [sflag:s2], $0x3200  }
0x5f: {  	[sflag:s2] =	ssyncset.done $0x0  }
0x60: {  	s19 =	simm.s32 $0x1080;
	[sflag:s2] =	ssyncadd.s32 $0xFFFFCE00  }
0x61: {  	[spmem:s3] =	stream.indirect.scatter.add.f32 [tilespmem:s28], [sflag:$0x4], $0x80, s19, s25, $0xb8;
	[tilespmem:$0x1FC00] =	vst v63  }
0x62: {  	_ =	swait.ge [sflag:s23], $0x3200  }
0x63: {  	[sflag:s23] =	ssyncset.done $0x0  }
0x64: {  	s20 =	simm.s32 $0x200;
	[sflag:s23] =	ssyncadd.s32 $0xFFFFCE00  }
0x65: {  	[tilespmem:s28], [sflag:$0x2] =	stream.indirect.gather [hbm4b:s0+s25], $0x80, s20, s25, $0xb8;
	[tilespmem:$0x1FC00] =	vst v63  }
0x66: {  	_ =	swait.ge [sflag:s8], $0x3200  }
0x67: {  	[sflag:s8] =	ssyncset.done $0x0  }
0x68: {  	s21 =	simm.s32 $0x1100;
	[sflag:s8] =	ssyncadd.s32 $0xFFFFCE00  }
0x69: {  	[spmem:s3] =	stream.indirect.scatter.add.f32 [tilespmem:s30], [sflag:$0x4], $0x80, s21, s25, $0xb8;
	[tilespmem:$0x1FC00] =	vst v63  }
0x6a: {  	_ =	swait.ge [sflag:s23], $0x3200  }
0x6b: {  	[sflag:s23] =	ssyncset.done $0x0  }
0x6c: {  	s24 =	simm.s32 $0x280;
	[sflag:s23] =	ssyncadd.s32 $0xFFFFCE00  }
0x6d: {  	[tilespmem:s30], [sflag:$0x3] =	stream.indirect.gather [hbm4b:s0+s25], $0x80, s24, s25, $0xb8;
	[tilespmem:$0x1FC00] =	vst v63  }
0x6e: {  	_ =	swait.ge [sflag:s31], $0x3200  }
0x6f: {  	[sflag:s31] =	ssyncset.done $0x0  }
0x70: {  	s26 =	simm.s32 $0x1180;
	[sflag:s31] =	ssyncadd.s32 $0xFFFFCE00  }
0x71: {  	[spmem:s3] =	stream.indirect.scatter.add.f32 [tilespmem:s22], [sflag:$0x4], $0x80, s26, s25, $0xb8;
	[tilespmem:$0x1FC00] =	vst v63  }
0x72: {  	_ =	swait.ge [sflag:s23], $0x3200  }
0x73: {  	[sflag:s23] =	ssyncset.done $0x0  }
0x74: {  	s29 =	simm.s32 $0x300;
	[sflag:s23] =	ssyncadd.s32 $0xFFFFCE00  }
0x75: {  	[tilespmem:s22], [sflag:$0x1] =	stream.indirect.gather [hbm4b:s0+s25], $0x80, s29, s25, $0xb8;
	[tilespmem:$0x1FC00] =	vst v63  }
0x76: {  	_ =	swait.ge [sflag:s2], $0x3200  }
0x77: {  	[sflag:s2] =	ssyncset.done $0x0  }
0x78: {  	s11 =	simm.s32 $0x1200;
	[sflag:s2] =	ssyncadd.s32 $0xFFFFCE00  }
0x79: {  	[spmem:s3] =	stream.indirect.scatter.add.f32 [tilespmem:s28], [sflag:$0x4], $0x80, s11, s25, $0xb8;
	[tilespmem:$0x1FC00] =	vst v63  }
0x7a: {  	_ =	swait.ge [sflag:s23], $0x3200  }
0x7b: {  	[sflag:s23] =	ssyncset.done $0x0  }
0x7c: {  	s12 =	simm.s32 $0x380;
	[sflag:s23] =	ssyncadd.s32 $0xFFFFCE00  }
0x7d: {  	[tilespmem:s28], [sflag:$0x2] =	stream.indirect.gather [hbm4b:s0+s25], $0x80, s12, s25, $0xb8;
	[tilespmem:$0x1FC00] =	vst v63  }
0x7e: {  	_ =	swait.ge [sflag:s8], $0x3200  }
0x7f: {  	[sflag:s8] =	ssyncset.done $0x0  }
0x80: {  	s13 =	simm.s32 $0x1280;
	[sflag:s8] =	ssyncadd.s32 $0xFFFFCE00  }
0x81: {  	[spmem:s3] =	stream.indirect.scatter.add.f32 [tilespmem:s30], [sflag:$0x4], $0x80, s13, s25, $0xb8;
	[tilespmem:$0x1FC00] =	vst v63  }
0x82: {  	_ =	swait.ge [sflag:s23], $0x3200  }
0x83: {  	[sflag:s23] =	ssyncset.done $0x0  }
0x84: {  	s14 =	simm.s32 $0x400;
	[sflag:s23] =	ssyncadd.s32 $0xFFFFCE00  }
0x85: {  	[tilespmem:s30], [sflag:$0x3] =	stream.indirect.gather [hbm4b:s0+s25], $0x80, s14, s25, $0xb8;
	[tilespmem:$0x1FC00] =	vst v63  }
0x86: {  	_ =	swait.ge [sflag:s31], $0x3200  }
0x87: {  	[sflag:s31] =	ssyncset.done $0x0  }
0x88: {  	s17 =	simm.s32 $0x1300;
	[sflag:s31] =	ssyncadd.s32 $0xFFFFCE00  }
0x89: {  	[spmem:s3] =	stream.indirect.scatter.add.f32 [tilespmem:s22], [sflag:$0x4], $0x80, s17, s25, $0xb8;
	[tilespmem:$0x1FC00] =	vst v63  }
0x8a: {  	_ =	swait.ge [sflag:s23], $0x3200  }
0x8b: {  	[sflag:s23] =	ssyncset.done $0x0  }
0x8c: {  	s18 =	simm.s32 $0x480;
	[sflag:s23] =	ssyncadd.s32 $0xFFFFCE00  }
0x8d: {  	[tilespmem:s22], [sflag:$0x1] =	stream.indirect.gather [hbm4b:s0+s25], $0x80, s18, s25, $0xb8;
	[tilespmem:$0x1FC00] =	vst v63  }
0x8e: {  	_ =	swait.ge [sflag:s2], $0x3200  }
0x8f: {  	[sflag:s2] =	ssyncset.done $0x0  }
0x90: {  	s19 =	simm.s32 $0x1380;
	[sflag:s2] =	ssyncadd.s32 $0xFFFFCE00  }
0x91: {  	[spmem:s3] =	stream.indirect.scatter.add.f32 [tilespmem:s28], [sflag:$0x4], $0x80, s19, s25, $0xb8;
	[tilespmem:$0x1FC00] =	vst v63  }
0x92: {  	_ =	swait.ge [sflag:s23], $0x3200  }
0x93: {  	[sflag:s23] =	ssyncset.done $0x0  }
0x94: {  	s20 =	simm.s32 $0x500;
	[sflag:s23] =	ssyncadd.s32 $0xFFFFCE00  }
0x95: {  	[tilespmem:s28], [sflag:$0x2] =	stream.indirect.gather [hbm4b:s0+s25], $0x80, s20, s25, $0xb8;
	[tilespmem:$0x1FC00] =	vst v63  }
0x96: {  	_ =	swait.ge [sflag:s8], $0x3200  }
0x97: {  	[sflag:s8] =	ssyncset.done $0x0  }
0x98: {  	s21 =	simm.s32 $0x1400;
	[sflag:s8] =	ssyncadd.s32 $0xFFFFCE00  }
0x99: {  	[spmem:s3] =	stream.indirect.scatter.add.f32 [tilespmem:s30], [sflag:$0x4], $0x80, s21, s25, $0xb8;
	[tilespmem:$0x1FC00] =	vst v63  }
0x9a: {  	_ =	swait.ge [sflag:s23], $0x3200  }
0x9b: {  	[sflag:s23] =	ssyncset.done $0x0  }
0x9c: {  	s24 =	simm.s32 $0x580;
	[sflag:s23] =	ssyncadd.s32 $0xFFFFCE00  }
0x9d: {  	[tilespmem:s30], [sflag:$0x3] =	stream.indirect.gather [hbm4b:s0+s25], $0x80, s24, s25, $0xb8;
	[tilespmem:$0x1FC00] =	vst v63  }
0x9e: {  	_ =	swait.ge [sflag:s31], $0x3200  }
0x9f: {  	[sflag:s31] =	ssyncset.done $0x0  }
0xa0: {  	s26 =	simm.s32 $0x1480;
	[sflag:s31] =	ssyncadd.s32 $0xFFFFCE00  }
0xa1: {  	[spmem:s3] =	stream.indirect.scatter.add.f32 [tilespmem:s22], [sflag:$0x4], $0x80, s26, s25, $0xb8;
	[tilespmem:$0x1FC00] =	vst v63  }
0xa2: {  	_ =	swait.ge [sflag:s23], $0x3200  }
0xa3: {  	[sflag:s23] =	ssyncset.done $0x0  }
0xa4: {  	s29 =	simm.s32 $0x600;
	[sflag:s23] =	ssyncadd.s32 $0xFFFFCE00  }
0xa5: {  	[tilespmem:s22], [sflag:$0x1] =	stream.indirect.gather [hbm4b:s0+s25], $0x80, s29, s25, $0xb8;
	[tilespmem:$0x1FC00] =	vst v63  }
0xa6: {  	_ =	swait.ge [sflag:s2], $0x3200  }
0xa7: {  	[sflag:s2] =	ssyncset.done $0x0  }
0xa8: {  	s1 =	simm.s32 $0x1500;
	[sflag:s2] =	ssyncadd.s32 $0xFFFFCE00  }
0xa9: {  	[spmem:s3] =	stream.indirect.scatter.add.f32 [tilespmem:s28], [sflag:$0x4], $0x80, s1, s25, $0xb8;
	[tilespmem:$0x1FC00] =	vst v63  }
0xaa: {  	_ =	swait.ge [sflag:s23], $0x3200  }
0xab: {  	[sflag:s23] =	ssyncset.done $0x0  }
0xac: {  	s11 =	simm.s32 $0x680;
	[sflag:s23] =	ssyncadd.s32 $0xFFFFCE00  }
0xad: {  	[tilespmem:s28], [sflag:$0x2] =	stream.indirect.gather [hbm4b:s0+s25], $0x80, s11, s25, $0xb8;
	[tilespmem:$0x1FC00] =	vst v63  }
0xae: {  	_ =	swait.ge [sflag:s8], $0x3200  }
0xaf: {  	[sflag:s8] =	ssyncset.done $0x0  }
0xb0: {  	s12 =	simm.s32 $0x1580;
	[sflag:s8] =	ssyncadd.s32 $0xFFFFCE00  }
0xb1: {  	[spmem:s3] =	stream.indirect.scatter.add.f32 [tilespmem:s30], [sflag:$0x4], $0x80, s12, s25, $0xb8;
	[tilespmem:$0x1FC00] =	vst v63  }
0xb2: {  	_ =	swait.ge [sflag:s23], $0x3200  }
0xb3: {  	[sflag:s23] =	ssyncset.done $0x0  }
0xb4: {  	s13 =	simm.s32 $0x700;
	[sflag:s23] =	ssyncadd.s32 $0xFFFFCE00  }
0xb5: {  	[tilespmem:s30], [sflag:$0x3] =	stream.indirect.gather [hbm4b:s0+s25], $0x80, s13, s25, $0xb8;
	[tilespmem:$0x1FC00] =	vst v63  }
0xb6: {  	_ =	swait.ge [sflag:s31], $0x3200  }
0xb7: {  	[sflag:s31] =	ssyncset.done $0x0  }
0xb8: {  	s14 =	simm.s32 $0x1600;
	[sflag:s31] =	ssyncadd.s32 $0xFFFFCE00  }
0xb9: {  	[spmem:s3] =	stream.indirect.scatter.add.f32 [tilespmem:s22], [sflag:$0x4], $0x80, s14, s25, $0xb8;
	[tilespmem:$0x1FC00] =	vst v63  }
0xba: {  	_ =	swait.ge [sflag:s23], $0x3200  }
0xbb: {  	[sflag:s23] =	ssyncset.done $0x0  }
0xbc: {  	s18 =	simm.s32 $0x780;
	[sflag:s23] =	ssyncadd.s32 $0xFFFFCE00  }
0xbd: {  	[tilespmem:s22], [sflag:$0x1] =	stream.indirect.gather [hbm4b:s0+s25], $0x80, s18, s25, $0xb8;
	[tilespmem:$0x1FC00] =	vst v63  }
0xbe: {  	_ =	swait.ge [sflag:s2], $0x3200  }
0xbf: {  	[sflag:s2] =	ssyncset.done $0x0  }
0xc0: {  	s19 =	simm.s32 $0x1680;
	[sflag:s2] =	ssyncadd.s32 $0xFFFFCE00  }
0xc1: {  	[spmem:s3] =	stream.indirect.scatter.add.f32 [tilespmem:s28], [sflag:$0x4], $0x80, s19, s25, $0xb8;
	[tilespmem:$0x1FC00] =	vst v63  }
0xc2: {  	_ =	swait.ge [sflag:s23], $0x3200  }
0xc3: {  	[sflag:s23] =	ssyncset.done $0x0  }
0xc4: {  	s20 =	simm.s32 $0x800;
	[sflag:s23] =	ssyncadd.s32 $0xFFFFCE00  }
0xc5: {  	[tilespmem:s28], [sflag:$0x2] =	stream.indirect.gather [hbm4b:s0+s25], $0x80, s20, s25, $0xb8;
	[tilespmem:$0x1FC00] =	vst v63  }
0xc6: {  	_ =	swait.ge [sflag:s8], $0x3200  }
0xc7: {  	[sflag:s8] =	ssyncset.done $0x0  }
0xc8: {  	s21 =	simm.s32 $0x1700;
	[sflag:s8] =	ssyncadd.s32 $0xFFFFCE00  }
0xc9: {  	[spmem:s3] =	stream.indirect.scatter.add.f32 [tilespmem:s30], [sflag:$0x4], $0x80, s21, s25, $0xb8;
	[tilespmem:$0x1FC00] =	vst v63  }
0xca: {  	_ =	swait.ge [sflag:s23], $0x3200  }
0xcb: {  	[sflag:s23] =	ssyncset.done $0x0  }
0xcc: {  	s24 =	simm.s32 $0x880;
	[sflag:s23] =	ssyncadd.s32 $0xFFFFCE00  }
0xcd: {  	[tilespmem:s30], [sflag:$0x3] =	stream.indirect.gather [hbm4b:s0+s25], $0x80, s24, s25, $0xb8;
	[tilespmem:$0x1FC00] =	vst v63  }
0xce: {  	_ =	swait.ge [sflag:s31], $0x3200  }
0xcf: {  	[sflag:s31] =	ssyncset.done $0x0  }
0xd0: {  	s26 =	simm.s32 $0x1780;
	[sflag:s31] =	ssyncadd.s32 $0xFFFFCE00  }
0xd1: {  	[spmem:s3] =	stream.indirect.scatter.add.f32 [tilespmem:s22], [sflag:$0x4], $0x80, s26, s25, $0xb8;
	[tilespmem:$0x1FC00] =	vst v63  }
0xd2: {  	_ =	swait.ge [sflag:s23], $0x3200  }
0xd3: {  	[sflag:s23] =	ssyncset.done $0x0  }
0xd4: {  	s29 =	simm.s32 $0x900;
	[sflag:s23] =	ssyncadd.s32 $0xFFFFCE00  }
0xd5: {  	[tilespmem:s22], [sflag:$0x1] =	stream.indirect.gather [hbm4b:s0+s25], $0x80, s29, s25, $0xb8;
	[tilespmem:$0x1FC00] =	vst v63  }
0xd6: {  	_ =	swait.ge [sflag:s2], $0x3200  }
0xd7: {  	[sflag:s2] =	ssyncset.done $0x0  }
0xd8: {  	s1 =	simm.s32 $0x1800;
	[sflag:s2] =	ssyncadd.s32 $0xFFFFCE00  }
0xd9: {  	[spmem:s3] =	stream.indirect.scatter.add.f32 [tilespmem:s28], [sflag:$0x4], $0x80, s1, s25, $0xb8;
	[tilespmem:$0x1FC00] =	vst v63  }
0xda: {  	_ =	swait.ge [sflag:s23], $0x3200  }
0xdb: {  	[sflag:s23] =	ssyncset.done $0x0  }
0xdc: {  	s11 =	simm.s32 $0x980;
	[sflag:s23] =	ssyncadd.s32 $0xFFFFCE00  }
0xdd: {  	[tilespmem:s28], [sflag:$0x2] =	stream.indirect.gather [hbm4b:s0+s25], $0x80, s11, s25, $0xb8;
	[tilespmem:$0x1FC00] =	vst v63  }
0xde: {  	_ =	swait.ge [sflag:s8], $0x3200  }
0xdf: {  	[sflag:s8] =	ssyncset.done $0x0  }
0xe0: {  	s12 =	simm.s32 $0x1880;
	[sflag:s8] =	ssyncadd.s32 $0xFFFFCE00  }
0xe1: {  	[spmem:s3] =	stream.indirect.scatter.add.f32 [tilespmem:s30], [sflag:$0x4], $0x80, s12, s25, $0xb8;
	[tilespmem:$0x1FC00] =	vst v63  }
0xe2: {  	_ =	swait.ge [sflag:s23], $0x3200  }
0xe3: {  	[sflag:s23] =	ssyncset.done $0x0  }
0xe4: {  	s13 =	simm.s32 $0xA00;
	[sflag:s23] =	ssyncadd.s32 $0xFFFFCE00  }
0xe5: {  	[tilespmem:s30], [sflag:$0x3] =	stream.indirect.gather [hbm4b:s0+s25], $0x80, s13, s25, $0xb8;
	[tilespmem:$0x1FC00] =	vst v63  }
0xe6: {  	_ =	swait.ge [sflag:s31], $0x3200  }
0xe7: {  	[sflag:s31] =	ssyncset.done $0x0  }
0xe8: {  	s14 =	simm.s32 $0x1900;
	[sflag:s31] =	ssyncadd.s32 $0xFFFFCE00  }
0xe9: {  	[spmem:s3] =	stream.indirect.scatter.add.f32 [tilespmem:s22], [sflag:$0x4], $0x80, s14, s25, $0xb8;
	[tilespmem:$0x1FC00] =	vst v63  }
0xea: {  	_ =	swait.ge [sflag:s23], $0x3200  }
0xeb: {  	[sflag:s23] =	ssyncset.done $0x0  }
0xec: {  	s24 =	simm.s32 $0xA80;
	[sflag:s23] =	ssyncadd.s32 $0xFFFFCE00  }
0xed: {  	[tilespmem:s22], [sflag:$0x1] =	stream.indirect.gather [hbm4b:s0+s25], $0x80, s24, s25, $0xb8;
	[tilespmem:$0x1FC00] =	vst v63  }
0xee: {  	_ =	swait.ge [sflag:s2], $0x3200  }
0xef: {  	[sflag:s2] =	ssyncset.done $0x0  }
0xf0: {  	s1 =	simm.s32 $0x1980;
	[sflag:s2] =	ssyncadd.s32 $0xFFFFCE00  }
0xf1: {  	[spmem:s3] =	stream.indirect.scatter.add.f32 [tilespmem:s28], [sflag:$0x4], $0x80, s1, s25, $0xb8;
	[tilespmem:$0x1FC00] =	vst v63  }
0xf2: {  	_ =	swait.ge [sflag:s23], $0x3200  }
0xf3: {  	[sflag:s23] =	ssyncset.done $0x0  }
0xf4: {  	s11 =	simm.s32 $0xB00;
	[sflag:s23] =	ssyncadd.s32 $0xFFFFCE00  }
0xf5: {  	[tilespmem:s28], [sflag:$0x2] =	stream.indirect.gather [hbm4b:s0+s25], $0x80, s11, s25, $0xb8;
	[tilespmem:$0x1FC00] =	vst v63  }
0xf6: {  	_ =	swait.ge [sflag:s8], $0x3200  }
0xf7: {  	[sflag:s8] =	ssyncset.done $0x0  }
0xf8: {  	s12 =	simm.s32 $0x1A00;
	[sflag:s8] =	ssyncadd.s32 $0xFFFFCE00  }
0xf9: {  	[spmem:s3] =	stream.indirect.scatter.add.f32 [tilespmem:s30], [sflag:$0x4], $0x80, s12, s25, $0xb8;
	[tilespmem:$0x1FC00] =	vst v63  }
0xfa: {  	_ =	swait.ge [sflag:s23], $0x3200  }
0xfb: {  	[sflag:s23] =	ssyncset.done $0x0  }
0xfc: {  	s13 =	simm.s32 $0xB80;
	[sflag:s23] =	ssyncadd.s32 $0xFFFFCE00  }
0xfd: {  	[tilespmem:s30], [sflag:$0x3] =	stream.indirect.gather [hbm4b:s0+s25], $0x80, s13, s25, $0xb8;
	[tilespmem:$0x1FC00] =	vst v63  }
0xfe: {  	_ =	swait.ge [sflag:s31], $0x3200  }
0xff: {  	[sflag:s31] =	ssyncset.done $0x0  }
0x100: {  	s14 =	simm.s32 $0x1A80;
	[sflag:s31] =	ssyncadd.s32 $0xFFFFCE00  }
0x101: {  	[spmem:s3] =	stream.indirect.scatter.add.f32 [tilespmem:s22], [sflag:$0x4], $0x80, s14, s25, $0xb8;
	[tilespmem:$0x1FC00] =	vst v63  }
0x102: {  	_ =	swait.ge [sflag:s23], $0x3200  }
0x103: {  	[sflag:s23] =	ssyncset.done $0x0  }
0x104: {  	s24 =	simm.s32 $0xC00;
	[sflag:s23] =	ssyncadd.s32 $0xFFFFCE00  }
0x105: {  	[tilespmem:s22], [sflag:$0x1] =	stream.indirect.gather [hbm4b:s0+s25], $0x80, s24, s25, $0xb8;
	[tilespmem:$0x1FC00] =	vst v63  }
0x106: {  	_ =	swait.ge [sflag:s2], $0x3200  }
0x107: {  	[sflag:s2] =	ssyncset.done $0x0  }
0x108: {  	s1 =	simm.s32 $0x1B00;
	[sflag:s2] =	ssyncadd.s32 $0xFFFFCE00  }
0x109: {  	[spmem:s3] =	stream.indirect.scatter.add.f32 [tilespmem:s28], [sflag:$0x4], $0x80, s1, s25, $0xb8;
	[tilespmem:$0x1FC00] =	vst v63  }
0x10a: {  	_ =	swait.ge [sflag:s23], $0x3200  }
0x10b: {  	[sflag:s23] =	ssyncset.done $0x0  }
0x10c: {  	[sflag:s23] =	ssyncadd.s32 $0xFFFFCE00  }
0x10d: {  	_ =	swait.ge [sflag:s8], $0x3200  }
0x10e: {  	[sflag:s8] =	ssyncset.done $0x0  }
0x10f: {  	s11 =	simm.s32 $0x1B80;
	[sflag:s8] =	ssyncadd.s32 $0xFFFFCE00  }
0x110: {  	[spmem:s3] =	stream.indirect.scatter.add.f32 [tilespmem:s30], [sflag:$0x4], $0x80, s11, s25, $0xb8;
	[tilespmem:$0x1FC00] =	vst v63  }
0x111: {  	_ =	swait.ge [sflag:s23], $0x3200  }
0x112: {  	[sflag:s23] =	ssyncset.done $0x0  }
0x113: {  	[sflag:s23] =	ssyncadd.s32 $0xFFFFCE00  }
0x114: {  	_ =	swait.ge [sflag:s31], $0x3200  }
0x115: {  	[sflag:s31] =	ssyncset.done $0x0  }
0x116: {  	s12 =	simm.s32 $0x1C00;
	[sflag:s31] =	ssyncadd.s32 $0xFFFFCE00  }
0x117: {  	[spmem:s3] =	stream.indirect.scatter.add.f32 [tilespmem:s22], [sflag:$0x4], $0x80, s12, s25, $0xb8;
	[tilespmem:$0x1FC00] =	vst v63  }
0x118: {  	_ =	swait.ge [sflag:s23], $0x3200  }
0x119: {  	[sflag:s23] =	ssyncset.done $0x0  }
0x11a: {  	s13 =	rddreg [dreg:$0x7];
	[sflag:s23] =	ssyncadd.s32 $0xFFFFCE00  }
0x11b: {  	[tilespmem:s15], [sflag:$0x4] =	stream.linear.gather [hbm4b:s13+s15], $0xC80, $0x38;
	[tilespmem:$0x1FC00] =	vst v63  }
0x11c: {  	_ =	swait.ge [sflag:s23], $0xC80  }
0x11d: {  	[sflag:s23] =	ssyncset.done $0x0  }
0x11e: {  	s14 =	rddreg [dreg:$0x8];
	[sflag:s23] =	ssyncadd.s32 $0xFFFFF380  }
0x11f: {  	[tilespmem:s4], [sflag:$0x4] =	stream.linear.gather [hbm4b:s14+s15], $0xC80, $0x38;
	[tilespmem:$0x1FC00] =	vst v63  }
0x120: {  	_ =	swait.ge [sflag:s23], $0xC80  }
0x121: {  	[sflag:s23] =	ssyncset.done $0x0  }
0x122: {  	[sflag:s23] =	ssyncadd.s32 $0xFFFFF380  }
0x123: {  	[tilespmem:s22], [sflag:$0x1] =	stream.indirect.gather [hbm4b:s0+s25], $0x80, s15, s25, $0xb8;
	[tilespmem:$0x1FC00] =	vst v63  }
0x124: {  	s24 =	simm.s32 $0x80  }
0x125: {  	[tilespmem:s28], [sflag:$0x2] =	stream.indirect.gather [hbm4b:s0+s25], $0x80, s24, s25, $0xb8;
	[tilespmem:$0x1FC00] =	vst v63  }
0x126: {  	s6 =	simm.s32 $0x100  }
0x127: {  	[tilespmem:s30], [sflag:$0x3] =	stream.indirect.gather [hbm4b:s0+s25], $0x80, s6, s25, $0xb8;
	[tilespmem:$0x1FC00] =	vst v63  }
0x128: {  	_ =	swait.ge [sflag:s31], $0x3200  }
0x129: {  	[sflag:s31] =	ssyncset.done $0x0  }
0x12a: {  	[sflag:s31] =	ssyncadd.s32 $0xFFFFCE00  }
0x12b: {  	[spmem:s3] =	stream.indirect.scatter.add.f32 [tilespmem:s22], [sflag:$0x4], $0x80, s4, s25, $0xb8;
	[tilespmem:$0x1FC00] =	vst v63  }
0x12c: {  	_ =	swait.ge [sflag:s23], $0x3200  }
0x12d: {  	[sflag:s23] =	ssyncset.done $0x0  }
0x12e: {  	s5 =	simm.s32 $0x180;
	[sflag:s23] =	ssyncadd.s32 $0xFFFFCE00  }
0x12f: {  	[tilespmem:s22], [sflag:$0x1] =	stream.indirect.gather [hbm4b:s0+s25], $0x80, s5, s25, $0xb8;
	[tilespmem:$0x1FC00] =	vst v63  }
0x130: {  	_ =	swait.ge [sflag:s2], $0x3200  }
0x131: {  	[sflag:s2] =	ssyncset.done $0x0  }
0x132: {  	s7 =	simm.s32 $0x1080;
	[sflag:s2] =	ssyncadd.s32 $0xFFFFCE00  }
0x133: {  	[spmem:s3] =	stream.indirect.scatter.add.f32 [tilespmem:s28], [sflag:$0x4], $0x80, s7, s25, $0xb8;
	[tilespmem:$0x1FC00] =	vst v63  }
0x134: {  	_ =	swait.ge [sflag:s23], $0x3200  }
0x135: {  	[sflag:s23] =	ssyncset.done $0x0  }
0x136: {  	s9 =	simm.s32 $0x200;
	[sflag:s23] =	ssyncadd.s32 $0xFFFFCE00  }
0x137: {  	[tilespmem:s28], [sflag:$0x2] =	stream.indirect.gather [hbm4b:s0+s25], $0x80, s9, s25, $0xb8;
	[tilespmem:$0x1FC00] =	vst v63  }
0x138: {  	_ =	swait.ge [sflag:s8], $0x3200  }
0x139: {  	[sflag:s8] =	ssyncset.done $0x0  }
0x13a: {  	s10 =	simm.s32 $0x1100;
	[sflag:s8] =	ssyncadd.s32 $0xFFFFCE00  }
0x13b: {  	[spmem:s3] =	stream.indirect.scatter.add.f32 [tilespmem:s30], [sflag:$0x4], $0x80, s10, s25, $0xb8;
	[tilespmem:$0x1FC00] =	vst v63  }
0x13c: {  	_ =	swait.ge [sflag:s23], $0x3200  }
0x13d: {  	[sflag:s23] =	ssyncset.done $0x0  }
0x13e: {  	s1 =	simm.s32 $0x280;
	[sflag:s23] =	ssyncadd.s32 $0xFFFFCE00  }
0x13f: {  	[tilespmem:s30], [sflag:$0x3] =	stream.indirect.gather [hbm4b:s0+s25], $0x80, s1, s25, $0xb8;
	[tilespmem:$0x1FC00] =	vst v63  }
0x140: {  	_ =	swait.ge [sflag:s31], $0x3200  }
0x141: {  	[sflag:s31] =	ssyncset.done $0x0  }
0x142: {  	s5 =	simm.s32 $0x1180;
	[sflag:s31] =	ssyncadd.s32 $0xFFFFCE00  }
0x143: {  	[spmem:s3] =	stream.indirect.scatter.add.f32 [tilespmem:s22], [sflag:$0x4], $0x80, s5, s25, $0xb8;
	[tilespmem:$0x1FC00] =	vst v63  }
0x144: {  	_ =	swait.ge [sflag:s23], $0x3200  }
0x145: {  	[sflag:s23] =	ssyncset.done $0x0  }
0x146: {  	s6 =	simm.s32 $0x300;
	[sflag:s23] =	ssyncadd.s32 $0xFFFFCE00  }
0x147: {  	[tilespmem:s22], [sflag:$0x1] =	stream.indirect.gather [hbm4b:s0+s25], $0x80, s6, s25, $0xb8;
	[tilespmem:$0x1FC00] =	vst v63  }
0x148: {  	_ =	swait.ge [sflag:s2], $0x3200  }
0x149: {  	[sflag:s2] =	ssyncset.done $0x0  }
0x14a: {  	s7 =	simm.s32 $0x1200;
	[sflag:s2] =	ssyncadd.s32 $0xFFFFCE00  }
0x14b: {  	[spmem:s3] =	stream.indirect.scatter.add.f32 [tilespmem:s28], [sflag:$0x4], $0x80, s7, s25, $0xb8;
	[tilespmem:$0x1FC00] =	vst v63  }
0x14c: {  	_ =	swait.ge [sflag:s23], $0x3200  }
0x14d: {  	[sflag:s23] =	ssyncset.done $0x0  }
0x14e: {  	s9 =	simm.s32 $0x380;
	[sflag:s23] =	ssyncadd.s32 $0xFFFFCE00  }
0x14f: {  	[tilespmem:s28], [sflag:$0x2] =	stream.indirect.gather [hbm4b:s0+s25], $0x80, s9, s25, $0xb8;
	[tilespmem:$0x1FC00] =	vst v63  }
0x150: {  	_ =	swait.ge [sflag:s8], $0x3200  }
0x151: {  	[sflag:s8] =	ssyncset.done $0x0  }
0x152: {  	s10 =	simm.s32 $0x1280;
	[sflag:s8] =	ssyncadd.s32 $0xFFFFCE00  }
0x153: {  	[spmem:s3] =	stream.indirect.scatter.add.f32 [tilespmem:s30], [sflag:$0x4], $0x80, s10, s25, $0xb8;
	[tilespmem:$0x1FC00] =	vst v63  }
0x154: {  	_ =	swait.ge [sflag:s23], $0x3200  }
0x155: {  	[sflag:s23] =	ssyncset.done $0x0  }
0x156: {  	s11 =	simm.s32 $0x400;
	[sflag:s23] =	ssyncadd.s32 $0xFFFFCE00  }
0x157: {  	[tilespmem:s30], [sflag:$0x3] =	stream.indirect.gather [hbm4b:s0+s25], $0x80, s11, s25, $0xb8;
	[tilespmem:$0x1FC00] =	vst v63  }
0x158: {  	_ =	swait.ge [sflag:s31], $0x3200  }
0x159: {  	[sflag:s31] =	ssyncset.done $0x0  }
0x15a: {  	s12 =	simm.s32 $0x1300;
	[sflag:s31] =	ssyncadd.s32 $0xFFFFCE00  }
0x15b: {  	[spmem:s3] =	stream.indirect.scatter.add.f32 [tilespmem:s22], [sflag:$0x4], $0x80, s12, s25, $0xb8;
	[tilespmem:$0x1FC00] =	vst v63  }
0x15c: {  	_ =	swait.ge [sflag:s23], $0x3200  }
0x15d: {  	[sflag:s23] =	ssyncset.done $0x0  }
0x15e: {  	s13 =	simm.s32 $0x480;
	[sflag:s23] =	ssyncadd.s32 $0xFFFFCE00  }
0x15f: {  	[tilespmem:s22], [sflag:$0x1] =	stream.indirect.gather [hbm4b:s0+s25], $0x80, s13, s25, $0xb8;
	[tilespmem:$0x1FC00] =	vst v63  }
0x160: {  	_ =	swait.ge [sflag:s2], $0x3200  }
0x161: {  	[sflag:s2] =	ssyncset.done $0x0  }
0x162: {  	s14 =	simm.s32 $0x1380;
	[sflag:s2] =	ssyncadd.s32 $0xFFFFCE00  }
0x163: {  	[spmem:s3] =	stream.indirect.scatter.add.f32 [tilespmem:s28], [sflag:$0x4], $0x80, s14, s25, $0xb8;
	[tilespmem:$0x1FC00] =	vst v63  }
0x164: {  	_ =	swait.ge [sflag:s23], $0x3200  }
0x165: {  	[sflag:s23] =	ssyncset.done $0x0  }
0x166: {  	s17 =	simm.s32 $0x500;
	[sflag:s23] =	ssyncadd.s32 $0xFFFFCE00  }
0x167: {  	[tilespmem:s28], [sflag:$0x2] =	stream.indirect.gather [hbm4b:s0+s25], $0x80, s17, s25, $0xb8;
	[tilespmem:$0x1FC00] =	vst v63  }
0x168: {  	_ =	swait.ge [sflag:s8], $0x3200  }
0x169: {  	[sflag:s8] =	ssyncset.done $0x0  }
0x16a: {  	s17 =	simm.s32 $0x1400;
	[sflag:s8] =	ssyncadd.s32 $0xFFFFCE00  }
0x16b: {  	[spmem:s3] =	stream.indirect.scatter.add.f32 [tilespmem:s30], [sflag:$0x4], $0x80, s17, s25, $0xb8;
	[tilespmem:$0x1FC00] =	vst v63  }
0x16c: {  	_ =	swait.ge [sflag:s23], $0x3200  }
0x16d: {  	[sflag:s23] =	ssyncset.done $0x0  }
0x16e: {  	s17 =	simm.s32 $0x580;
	[sflag:s23] =	ssyncadd.s32 $0xFFFFCE00  }
0x16f: {  	[tilespmem:s30], [sflag:$0x3] =	stream.indirect.gather [hbm4b:s0+s25], $0x80, s17, s25, $0xb8;
	[tilespmem:$0x1FC00] =	vst v63  }
0x170: {  	_ =	swait.ge [sflag:s31], $0x3200  }
0x171: {  	[sflag:s31] =	ssyncset.done $0x0  }
0x172: {  	s17 =	simm.s32 $0x1480;
	[sflag:s31] =	ssyncadd.s32 $0xFFFFCE00  }
0x173: {  	[spmem:s3] =	stream.indirect.scatter.add.f32 [tilespmem:s22], [sflag:$0x4], $0x80, s17, s25, $0xb8;
	[tilespmem:$0x1FC00] =	vst v63  }
0x174: {  	_ =	swait.ge [sflag:s23], $0x3200  }
0x175: {  	[sflag:s23] =	ssyncset.done $0x0  }
0x176: {  	s17 =	simm.s32 $0x600;
	[sflag:s23] =	ssyncadd.s32 $0xFFFFCE00  }
0x177: {  	[tilespmem:s22], [sflag:$0x1] =	stream.indirect.gather [hbm4b:s0+s25], $0x80, s17, s25, $0xb8;
	[tilespmem:$0x1FC00] =	vst v63  }
0x178: {  	_ =	swait.ge [sflag:s2], $0x3200  }
0x179: {  	[sflag:s2] =	ssyncset.done $0x0  }
0x17a: {  	s17 =	simm.s32 $0x1500;
	[sflag:s2] =	ssyncadd.s32 $0xFFFFCE00  }
0x17b: {  	[spmem:s3] =	stream.indirect.scatter.add.f32 [tilespmem:s28], [sflag:$0x4], $0x80, s17, s25, $0xb8;
	[tilespmem:$0x1FC00] =	vst v63  }
0x17c: {  	_ =	swait.ge [sflag:s23], $0x3200  }
0x17d: {  	[sflag:s23] =	ssyncset.done $0x0  }
0x17e: {  	s17 =	simm.s32 $0x680;
	[sflag:s23] =	ssyncadd.s32 $0xFFFFCE00  }
0x17f: {  	[tilespmem:s28], [sflag:$0x2] =	stream.indirect.gather [hbm4b:s0+s25], $0x80, s17, s25, $0xb8;
	[tilespmem:$0x1FC00] =	vst v63  }
0x180: {  	_ =	swait.ge [sflag:s8], $0x3200  }
0x181: {  	[sflag:s8] =	ssyncset.done $0x0  }
0x182: {  	s17 =	simm.s32 $0x1580;
	[sflag:s8] =	ssyncadd.s32 $0xFFFFCE00  }
0x183: {  	[spmem:s3] =	stream.indirect.scatter.add.f32 [tilespmem:s30], [sflag:$0x4], $0x80, s17, s25, $0xb8;
	[tilespmem:$0x1FC00] =	vst v63  }
0x184: {  	_ =	swait.ge [sflag:s23], $0x3200  }
0x185: {  	[sflag:s23] =	ssyncset.done $0x0  }
0x186: {  	s17 =	simm.s32 $0x700;
	[sflag:s23] =	ssyncadd.s32 $0xFFFFCE00  }
0x187: {  	[tilespmem:s30], [sflag:$0x3] =	stream.indirect.gather [hbm4b:s0+s25], $0x80, s17, s25, $0xb8;
	[tilespmem:$0x1FC00] =	vst v63  }
0x188: {  	_ =	swait.ge [sflag:s31], $0x3200  }
0x189: {  	[sflag:s31] =	ssyncset.done $0x0  }
0x18a: {  	s17 =	simm.s32 $0x1600;
	[sflag:s31] =	ssyncadd.s32 $0xFFFFCE00  }
0x18b: {  	[spmem:s3] =	stream.indirect.scatter.add.f32 [tilespmem:s22], [sflag:$0x4], $0x80, s17, s25, $0xb8;
	[tilespmem:$0x1FC00] =	vst v63  }
0x18c: {  	_ =	swait.ge [sflag:s23], $0x3200  }
0x18d: {  	[sflag:s23] =	ssyncset.done $0x0  }
0x18e: {  	s17 =	simm.s32 $0x780;
	[sflag:s23] =	ssyncadd.s32 $0xFFFFCE00  }
0x18f: {  	[tilespmem:s22], [sflag:$0x1] =	stream.indirect.gather [hbm4b:s0+s25], $0x80, s17, s25, $0xb8;
	[tilespmem:$0x1FC00] =	vst v63  }
0x190: {  	_ =	swait.ge [sflag:s2], $0x3200  }
0x191: {  	[sflag:s2] =	ssyncset.done $0x0  }
0x192: {  	s17 =	simm.s32 $0x1680;
	[sflag:s2] =	ssyncadd.s32 $0xFFFFCE00  }
0x193: {  	[spmem:s3] =	stream.indirect.scatter.add.f32 [tilespmem:s28], [sflag:$0x4], $0x80, s17, s25, $0xb8;
	[tilespmem:$0x1FC00] =	vst v63  }
0x194: {  	_ =	swait.ge [sflag:s23], $0x3200  }
0x195: {  	[sflag:s23] =	ssyncset.done $0x0  }
0x196: {  	s18 =	simm.s32 $0x800;
	[sflag:s23] =	ssyncadd.s32 $0xFFFFCE00  }
0x197: {  	[tilespmem:s28], [sflag:$0x2] =	stream.indirect.gather [hbm4b:s0+s25], $0x80, s18, s25, $0xb8;
	[tilespmem:$0x1FC00] =	vst v63  }
0x198: {  	_ =	swait.ge [sflag:s8], $0x3200  }
0x199: {  	[sflag:s8] =	ssyncset.done $0x0  }
0x19a: {  	s19 =	simm.s32 $0x1700;
	[sflag:s8] =	ssyncadd.s32 $0xFFFFCE00  }
0x19b: {  	[spmem:s3] =	stream.indirect.scatter.add.f32 [tilespmem:s30], [sflag:$0x4], $0x80, s19, s25, $0xb8;
	[tilespmem:$0x1FC00] =	vst v63  }
0x19c: {  	_ =	swait.ge [sflag:s23], $0x3200  }
0x19d: {  	[sflag:s23] =	ssyncset.done $0x0  }
0x19e: {  	s20 =	simm.s32 $0x880;
	[sflag:s23] =	ssyncadd.s32 $0xFFFFCE00  }
0x19f: {  	[tilespmem:s30], [sflag:$0x3] =	stream.indirect.gather [hbm4b:s0+s25], $0x80, s20, s25, $0xb8;
	[tilespmem:$0x1FC00] =	vst v63  }
0x1a0: {  	_ =	swait.ge [sflag:s31], $0x3200  }
0x1a1: {  	[sflag:s31] =	ssyncset.done $0x0  }
0x1a2: {  	s21 =	simm.s32 $0x1780;
	[sflag:s31] =	ssyncadd.s32 $0xFFFFCE00  }
0x1a3: {  	[spmem:s3] =	stream.indirect.scatter.add.f32 [tilespmem:s22], [sflag:$0x4], $0x80, s21, s25, $0xb8;
	[tilespmem:$0x1FC00] =	vst v63  }
0x1a4: {  	_ =	swait.ge [sflag:s23], $0x3200  }
0x1a5: {  	[sflag:s23] =	ssyncset.done $0x0  }
0x1a6: {  	s26 =	simm.s32 $0x900;
	[sflag:s23] =	ssyncadd.s32 $0xFFFFCE00  }
0x1a7: {  	[tilespmem:s22], [sflag:$0x1] =	stream.indirect.gather [hbm4b:s0+s25], $0x80, s26, s25, $0xb8;
	[tilespmem:$0x1FC00] =	vst v63  }
0x1a8: {  	_ =	swait.ge [sflag:s2], $0x3200  }
0x1a9: {  	[sflag:s2] =	ssyncset.done $0x0  }
0x1aa: {  	s29 =	simm.s32 $0x1800;
	[sflag:s2] =	ssyncadd.s32 $0xFFFFCE00  }
0x1ab: {  	[spmem:s3] =	stream.indirect.scatter.add.f32 [tilespmem:s28], [sflag:$0x4], $0x80, s29, s25, $0xb8;
	[tilespmem:$0x1FC00] =	vst v63  }
0x1ac: {  	_ =	swait.ge [sflag:s23], $0x3200  }
0x1ad: {  	[sflag:s23] =	ssyncset.done $0x0  }
0x1ae: {  	s19 =	simm.s32 $0x980;
	[sflag:s23] =	ssyncadd.s32 $0xFFFFCE00  }
0x1af: {  	[tilespmem:s28], [sflag:$0x2] =	stream.indirect.gather [hbm4b:s0+s25], $0x80, s19, s25, $0xb8;
	[tilespmem:$0x1FC00] =	vst v63  }
0x1b0: {  	_ =	swait.ge [sflag:s8], $0x3200  }
0x1b1: {  	[sflag:s8] =	ssyncset.done $0x0  }
0x1b2: {  	s20 =	simm.s32 $0x1880;
	[sflag:s8] =	ssyncadd.s32 $0xFFFFCE00  }
0x1b3: {  	[spmem:s3] =	stream.indirect.scatter.add.f32 [tilespmem:s30], [sflag:$0x4], $0x80, s20, s25, $0xb8;
	[tilespmem:$0x1FC00] =	vst v63  }
0x1b4: {  	_ =	swait.ge [sflag:s23], $0x3200  }
0x1b5: {  	[sflag:s23] =	ssyncset.done $0x0  }
0x1b6: {  	s21 =	simm.s32 $0xA00;
	[sflag:s23] =	ssyncadd.s32 $0xFFFFCE00  }
0x1b7: {  	[tilespmem:s30], [sflag:$0x3] =	stream.indirect.gather [hbm4b:s0+s25], $0x80, s21, s25, $0xb8;
	[tilespmem:$0x1FC00] =	vst v63  }
0x1b8: {  	_ =	swait.ge [sflag:s31], $0x3200  }
0x1b9: {  	[sflag:s31] =	ssyncset.done $0x0  }
0x1ba: {  	s26 =	simm.s32 $0x1900;
	[sflag:s31] =	ssyncadd.s32 $0xFFFFCE00  }
0x1bb: {  	[spmem:s3] =	stream.indirect.scatter.add.f32 [tilespmem:s22], [sflag:$0x4], $0x80, s26, s25, $0xb8;
	[tilespmem:$0x1FC00] =	vst v63  }
0x1bc: {  	_ =	swait.ge [sflag:s23], $0x3200  }
0x1bd: {  	[sflag:s23] =	ssyncset.done $0x0  }
0x1be: {  	s29 =	simm.s32 $0xA80;
	[sflag:s23] =	ssyncadd.s32 $0xFFFFCE00  }
0x1bf: {  	[tilespmem:s22], [sflag:$0x1] =	stream.indirect.gather [hbm4b:s0+s25], $0x80, s29, s25, $0xb8;
	[tilespmem:$0x1FC00] =	vst v63  }
0x1c0: {  	_ =	swait.ge [sflag:s2], $0x3200  }
0x1c1: {  	[sflag:s2] =	ssyncset.done $0x0  }
0x1c2: {  	s18 =	simm.s32 $0x1980;
	[sflag:s2] =	ssyncadd.s32 $0xFFFFCE00  }
0x1c3: {  	[spmem:s3] =	stream.indirect.scatter.add.f32 [tilespmem:s28], [sflag:$0x4], $0x80, s18, s25, $0xb8;
	[tilespmem:$0x1FC00] =	vst v63  }
0x1c4: {  	_ =	swait.ge [sflag:s23], $0x3200  }
0x1c5: {  	[sflag:s23] =	ssyncset.done $0x0  }
0x1c6: {  	s19 =	simm.s32 $0xB00;
	[sflag:s23] =	ssyncadd.s32 $0xFFFFCE00  }
0x1c7: {  	[tilespmem:s28], [sflag:$0x2] =	stream.indirect.gather [hbm4b:s0+s25], $0x80, s19, s25, $0xb8;
	[tilespmem:$0x1FC00] =	vst v63  }
0x1c8: {  	_ =	swait.ge [sflag:s8], $0x3200  }
0x1c9: {  	[sflag:s8] =	ssyncset.done $0x0  }
0x1ca: {  	s20 =	simm.s32 $0x1A00;
	[sflag:s8] =	ssyncadd.s32 $0xFFFFCE00  }
0x1cb: {  	[spmem:s3] =	stream.indirect.scatter.add.f32 [tilespmem:s30], [sflag:$0x4], $0x80, s20, s25, $0xb8;
	[tilespmem:$0x1FC00] =	vst v63  }
0x1cc: {  	_ =	swait.ge [sflag:s23], $0x3200  }
0x1cd: {  	[sflag:s23] =	ssyncset.done $0x0  }
0x1ce: {  	s21 =	simm.s32 $0xB80;
	[sflag:s23] =	ssyncadd.s32 $0xFFFFCE00  }
0x1cf: {  	[tilespmem:s30], [sflag:$0x3] =	stream.indirect.gather [hbm4b:s0+s25], $0x80, s21, s25, $0xb8;
	[tilespmem:$0x1FC00] =	vst v63  }
0x1d0: {  	_ =	swait.ge [sflag:s31], $0x3200  }
0x1d1: {  	[sflag:s31] =	ssyncset.done $0x0  }
0x1d2: {  	s26 =	simm.s32 $0x1A80;
	[sflag:s31] =	ssyncadd.s32 $0xFFFFCE00  }
0x1d3: {  	[spmem:s3] =	stream.indirect.scatter.add.f32 [tilespmem:s22], [sflag:$0x4], $0x80, s26, s25, $0xb8;
	[tilespmem:$0x1FC00] =	vst v63  }
0x1d4: {  	_ =	swait.ge [sflag:s23], $0x3200  }
0x1d5: {  	[sflag:s23] =	ssyncset.done $0x0  }
0x1d6: {  	s29 =	simm.s32 $0xC00;
	[sflag:s23] =	ssyncadd.s32 $0xFFFFCE00  }
0x1d7: {  	[tilespmem:s22], [sflag:$0x1] =	stream.indirect.gather [hbm4b:s0+s25], $0x80, s29, s25, $0xb8;
	[tilespmem:$0x1FC00] =	vst v63  }
0x1d8: {  	_ =	swait.ge [sflag:s2], $0x3200  }
0x1d9: {  	[sflag:s2] =	ssyncset.done $0x0  }
0x1da: {  	s18 =	simm.s32 $0x1B00;
	[sflag:s2] =	ssyncadd.s32 $0xFFFFCE00  }
0x1db: {  	[spmem:s3] =	stream.indirect.scatter.add.f32 [tilespmem:s28], [sflag:$0x4], $0x80, s18, s25, $0xb8;
	[tilespmem:$0x1FC00] =	vst v63  }
0x1dc: {  	_ =	swait.ge [sflag:s23], $0x3200  }
0x1dd: {  	[sflag:s23] =	ssyncset.done $0x0  }
0x1de: {  	[sflag:s23] =	ssyncadd.s32 $0xFFFFCE00  }
0x1df: {  	_ =	swait.ge [sflag:s8], $0x3200  }
0x1e0: {  	[sflag:s8] =	ssyncset.done $0x0  }
0x1e1: {  	s19 =	simm.s32 $0x1B80;
	[sflag:s8] =	ssyncadd.s32 $0xFFFFCE00  }
0x1e2: {  	[spmem:s3] =	stream.indirect.scatter.add.f32 [tilespmem:s30], [sflag:$0x4], $0x80, s19, s25, $0xb8;
	[tilespmem:$0x1FC00] =	vst v63  }
0x1e3: {  	_ =	swait.ge [sflag:s23], $0x3200  }
0x1e4: {  	[sflag:s23] =	ssyncset.done $0x0  }
0x1e5: {  	[sflag:s23] =	ssyncadd.s32 $0xFFFFCE00  }
0x1e6: {  	_ =	swait.ge [sflag:s31], $0x3200  }
0x1e7: {  	[sflag:s31] =	ssyncset.done $0x0  }
0x1e8: {  	s20 =	simm.s32 $0x1C00;
	[sflag:s31] =	ssyncadd.s32 $0xFFFFCE00  }
0x1e9: {  	[spmem:s3] =	stream.indirect.scatter.add.f32 [tilespmem:s22], [sflag:$0x4], $0x80, s20, s25, $0xb8;
	[tilespmem:$0x1FC00] =	vst v63  }
0x1ea: {  	_ =	swait.ge [sflag:s23], $0x3200  }
0x1eb: {  	[sflag:s23] =	ssyncset.done $0x0  }
0x1ec: {  	s21 =	rddreg [dreg:$0x9];
	[sflag:s23] =	ssyncadd.s32 $0xFFFFCE00  }
0x1ed: {  	[tilespmem:s15], [sflag:$0x4] =	stream.linear.gather [hbm4b:s21+s15], $0xC80, $0x38;
	[tilespmem:$0x1FC00] =	vst v63  }
0x1ee: {  	_ =	swait.ge [sflag:s23], $0xC80  }
0x1ef: {  	[sflag:s23] =	ssyncset.done $0x0  }
0x1f0: {  	s26 =	rddreg [dreg:$0xa];
	[sflag:s23] =	ssyncadd.s32 $0xFFFFF380  }
0x1f1: {  	[tilespmem:s4], [sflag:$0x4] =	stream.linear.gather [hbm4b:s26+s15], $0xC80, $0x38;
	[tilespmem:$0x1FC00] =	vst v63  }
0x1f2: {  	_ =	swait.ge [sflag:s23], $0xC80  }
0x1f3: {  	[sflag:s23] =	ssyncset.done $0x0  }
0x1f4: {  	[sflag:s23] =	ssyncadd.s32 $0xFFFFF380  }
0x1f5: {  	[tilespmem:s22], [sflag:$0x1] =	stream.indirect.gather [hbm4b:s0+s25], $0x80, s15, s25, $0xb8;
	[tilespmem:$0x1FC00] =	vst v63  }
0x1f6: {  	_ = 	snop  }
0x1f7: {  	[tilespmem:s28], [sflag:$0x2] =	stream.indirect.gather [hbm4b:s0+s25], $0x80, s24, s25, $0xb8;
	[tilespmem:$0x1FC00] =	vst v63  }
0x1f8: {  	s29 =	simm.s32 $0x100  }
0x1f9: {  	[tilespmem:s30], [sflag:$0x3] =	stream.indirect.gather [hbm4b:s0+s25], $0x80, s29, s25, $0xb8;
	[tilespmem:$0x1FC00] =	vst v63  }
0x1fa: {  	_ =	swait.ge [sflag:s31], $0x3200  }
0x1fb: {  	[sflag:s31] =	ssyncset.done $0x0  }
0x1fc: {  	[sflag:s31] =	ssyncadd.s32 $0xFFFFCE00  }
0x1fd: {  	[spmem:s3] =	stream.indirect.scatter.add.f32 [tilespmem:s22], [sflag:$0x4], $0x80, s4, s25, $0xb8;
	[tilespmem:$0x1FC00] =	vst v63  }
0x1fe: {  	_ =	swait.ge [sflag:s23], $0x3200  }
0x1ff: {  	[sflag:s23] =	ssyncset.done $0x0  }
0x200: {  	s19 =	simm.s32 $0x180;
	[sflag:s23] =	ssyncadd.s32 $0xFFFFCE00  }
0x201: {  	[tilespmem:s22], [sflag:$0x1] =	stream.indirect.gather [hbm4b:s0+s25], $0x80, s19, s25, $0xb8;
	[tilespmem:$0x1FC00] =	vst v63  }
0x202: {  	_ =	swait.ge [sflag:s2], $0x3200  }
0x203: {  	[sflag:s2] =	ssyncset.done $0x0  }
0x204: {  	s20 =	simm.s32 $0x1080;
	[sflag:s2] =	ssyncadd.s32 $0xFFFFCE00  }
0x205: {  	[spmem:s3] =	stream.indirect.scatter.add.f32 [tilespmem:s28], [sflag:$0x4], $0x80, s20, s25, $0xb8;
	[tilespmem:$0x1FC00] =	vst v63  }
0x206: {  	_ =	swait.ge [sflag:s23], $0x3200  }
0x207: {  	[sflag:s23] =	ssyncset.done $0x0  }
0x208: {  	s21 =	simm.s32 $0x200;
	[sflag:s23] =	ssyncadd.s32 $0xFFFFCE00  }
0x209: {  	[tilespmem:s28], [sflag:$0x2] =	stream.indirect.gather [hbm4b:s0+s25], $0x80, s21, s25, $0xb8;
	[tilespmem:$0x1FC00] =	vst v63  }
0x20a: {  	_ =	swait.ge [sflag:s8], $0x3200  }
0x20b: {  	[sflag:s8] =	ssyncset.done $0x0  }
0x20c: {  	s24 =	simm.s32 $0x1100;
	[sflag:s8] =	ssyncadd.s32 $0xFFFFCE00  }
0x20d: {  	[spmem:s3] =	stream.indirect.scatter.add.f32 [tilespmem:s30], [sflag:$0x4], $0x80, s24, s25, $0xb8;
	[tilespmem:$0x1FC00] =	vst v63  }
0x20e: {  	_ =	swait.ge [sflag:s23], $0x3200  }
0x20f: {  	[sflag:s23] =	ssyncset.done $0x0  }
0x210: {  	[sflag:s23] =	ssyncadd.s32 $0xFFFFCE00  }
0x211: {  	[tilespmem:s30], [sflag:$0x3] =	stream.indirect.gather [hbm4b:s0+s25], $0x80, s1, s25, $0xb8;
	[tilespmem:$0x1FC00] =	vst v63  }
0x212: {  	_ =	swait.ge [sflag:s31], $0x3200  }
0x213: {  	[sflag:s31] =	ssyncset.done $0x0  }
0x214: {  	[sflag:s31] =	ssyncadd.s32 $0xFFFFCE00  }
0x215: {  	[spmem:s3] =	stream.indirect.scatter.add.f32 [tilespmem:s22], [sflag:$0x4], $0x80, s5, s25, $0xb8;
	[tilespmem:$0x1FC00] =	vst v63  }
0x216: {  	_ =	swait.ge [sflag:s23], $0x3200  }
0x217: {  	[sflag:s23] =	ssyncset.done $0x0  }
0x218: {  	[sflag:s23] =	ssyncadd.s32 $0xFFFFCE00  }
0x219: {  	[tilespmem:s22], [sflag:$0x1] =	stream.indirect.gather [hbm4b:s0+s25], $0x80, s6, s25, $0xb8;
	[tilespmem:$0x1FC00] =	vst v63  }
0x21a: {  	_ =	swait.ge [sflag:s2], $0x3200  }
0x21b: {  	[sflag:s2] =	ssyncset.done $0x0  }
0x21c: {  	[sflag:s2] =	ssyncadd.s32 $0xFFFFCE00  }
0x21d: {  	[spmem:s3] =	stream.indirect.scatter.add.f32 [tilespmem:s28], [sflag:$0x4], $0x80, s7, s25, $0xb8;
	[tilespmem:$0x1FC00] =	vst v63  }
0x21e: {  	_ =	swait.ge [sflag:s23], $0x3200  }
0x21f: {  	[sflag:s23] =	ssyncset.done $0x0  }
0x220: {  	[sflag:s23] =	ssyncadd.s32 $0xFFFFCE00  }
0x221: {  	[tilespmem:s28], [sflag:$0x2] =	stream.indirect.gather [hbm4b:s0+s25], $0x80, s9, s25, $0xb8;
	[tilespmem:$0x1FC00] =	vst v63  }
0x222: {  	_ =	swait.ge [sflag:s8], $0x3200  }
0x223: {  	[sflag:s8] =	ssyncset.done $0x0  }
0x224: {  	[sflag:s8] =	ssyncadd.s32 $0xFFFFCE00  }
0x225: {  	[spmem:s3] =	stream.indirect.scatter.add.f32 [tilespmem:s30], [sflag:$0x4], $0x80, s10, s25, $0xb8;
	[tilespmem:$0x1FC00] =	vst v63  }
0x226: {  	_ =	swait.ge [sflag:s23], $0x3200  }
0x227: {  	[sflag:s23] =	ssyncset.done $0x0  }
0x228: {  	[sflag:s23] =	ssyncadd.s32 $0xFFFFCE00  }
0x229: {  	[tilespmem:s30], [sflag:$0x3] =	stream.indirect.gather [hbm4b:s0+s25], $0x80, s11, s25, $0xb8;
	[tilespmem:$0x1FC00] =	vst v63  }
0x22a: {  	_ =	swait.ge [sflag:s31], $0x3200  }
0x22b: {  	[sflag:s31] =	ssyncset.done $0x0  }
0x22c: {  	[sflag:s31] =	ssyncadd.s32 $0xFFFFCE00  }
0x22d: {  	[spmem:s3] =	stream.indirect.scatter.add.f32 [tilespmem:s22], [sflag:$0x4], $0x80, s12, s25, $0xb8;
	[tilespmem:$0x1FC00] =	vst v63  }
0x22e: {  	_ =	swait.ge [sflag:s23], $0x3200  }
0x22f: {  	[sflag:s23] =	ssyncset.done $0x0  }
0x230: {  	[sflag:s23] =	ssyncadd.s32 $0xFFFFCE00  }
0x231: {  	[tilespmem:s22], [sflag:$0x1] =	stream.indirect.gather [hbm4b:s0+s25], $0x80, s13, s25, $0xb8;
	[tilespmem:$0x1FC00] =	vst v63  }
0x232: {  	_ =	swait.ge [sflag:s2], $0x3200  }
0x233: {  	[sflag:s2] =	ssyncset.done $0x0  }
0x234: {  	[sflag:s2] =	ssyncadd.s32 $0xFFFFCE00  }
0x235: {  	[spmem:s3] =	stream.indirect.scatter.add.f32 [tilespmem:s28], [sflag:$0x4], $0x80, s14, s25, $0xb8;
	[tilespmem:$0x1FC00] =	vst v63  }
0x236: {  	_ =	swait.ge [sflag:s23], $0x3200  }
0x237: {  	[sflag:s23] =	ssyncset.done $0x0  }
0x238: {  	s26 =	simm.s32 $0x500;
	[sflag:s23] =	ssyncadd.s32 $0xFFFFCE00  }
0x239: {  	[tilespmem:s28], [sflag:$0x2] =	stream.indirect.gather [hbm4b:s0+s25], $0x80, s26, s25, $0xb8;
	[tilespmem:$0x1FC00] =	vst v63  }
0x23a: {  	_ =	swait.ge [sflag:s8], $0x3200  }
0x23b: {  	[sflag:s8] =	ssyncset.done $0x0  }
0x23c: {  	s29 =	simm.s32 $0x1400;
	[sflag:s8] =	ssyncadd.s32 $0xFFFFCE00  }
0x23d: {  	[spmem:s3] =	stream.indirect.scatter.add.f32 [tilespmem:s30], [sflag:$0x4], $0x80, s29, s25, $0xb8;
	[tilespmem:$0x1FC00] =	vst v63  }
0x23e: {  	_ =	swait.ge [sflag:s23], $0x3200  }
0x23f: {  	[sflag:s23] =	ssyncset.done $0x0  }
0x240: {  	s19 =	simm.s32 $0x580;
	[sflag:s23] =	ssyncadd.s32 $0xFFFFCE00  }
0x241: {  	[tilespmem:s30], [sflag:$0x3] =	stream.indirect.gather [hbm4b:s0+s25], $0x80, s19, s25, $0xb8;
	[tilespmem:$0x1FC00] =	vst v63  }
0x242: {  	_ =	swait.ge [sflag:s31], $0x3200  }
0x243: {  	[sflag:s31] =	ssyncset.done $0x0  }
0x244: {  	s20 =	simm.s32 $0x1480;
	[sflag:s31] =	ssyncadd.s32 $0xFFFFCE00  }
0x245: {  	[spmem:s3] =	stream.indirect.scatter.add.f32 [tilespmem:s22], [sflag:$0x4], $0x80, s20, s25, $0xb8;
	[tilespmem:$0x1FC00] =	vst v63  }
0x246: {  	_ =	swait.ge [sflag:s23], $0x3200  }
0x247: {  	[sflag:s23] =	ssyncset.done $0x0  }
0x248: {  	s21 =	simm.s32 $0x600;
	[sflag:s23] =	ssyncadd.s32 $0xFFFFCE00  }
0x249: {  	[tilespmem:s22], [sflag:$0x1] =	stream.indirect.gather [hbm4b:s0+s25], $0x80, s21, s25, $0xb8;
	[tilespmem:$0x1FC00] =	vst v63  }
0x24a: {  	_ =	swait.ge [sflag:s2], $0x3200  }
0x24b: {  	[sflag:s2] =	ssyncset.done $0x0  }
0x24c: {  	s26 =	simm.s32 $0x1500;
	[sflag:s2] =	ssyncadd.s32 $0xFFFFCE00  }
0x24d: {  	[spmem:s3] =	stream.indirect.scatter.add.f32 [tilespmem:s28], [sflag:$0x4], $0x80, s26, s25, $0xb8;
	[tilespmem:$0x1FC00] =	vst v63  }
0x24e: {  	_ =	swait.ge [sflag:s23], $0x3200  }
0x24f: {  	[sflag:s23] =	ssyncset.done $0x0  }
0x250: {  	s29 =	simm.s32 $0x680;
	[sflag:s23] =	ssyncadd.s32 $0xFFFFCE00  }
0x251: {  	[tilespmem:s28], [sflag:$0x2] =	stream.indirect.gather [hbm4b:s0+s25], $0x80, s29, s25, $0xb8;
	[tilespmem:$0x1FC00] =	vst v63  }
0x252: {  	_ =	swait.ge [sflag:s8], $0x3200  }
0x253: {  	[sflag:s8] =	ssyncset.done $0x0  }
0x254: {  	s17 =	simm.s32 $0x1580;
	[sflag:s8] =	ssyncadd.s32 $0xFFFFCE00  }
0x255: {  	[spmem:s3] =	stream.indirect.scatter.add.f32 [tilespmem:s30], [sflag:$0x4], $0x80, s17, s25, $0xb8;
	[tilespmem:$0x1FC00] =	vst v63  }
0x256: {  	_ =	swait.ge [sflag:s23], $0x3200  }
0x257: {  	[sflag:s23] =	ssyncset.done $0x0  }
0x258: {  	s17 =	simm.s32 $0x700;
	[sflag:s23] =	ssyncadd.s32 $0xFFFFCE00  }
0x259: {  	[tilespmem:s30], [sflag:$0x3] =	stream.indirect.gather [hbm4b:s0+s25], $0x80, s17, s25, $0xb8;
	[tilespmem:$0x1FC00] =	vst v63  }
0x25a: {  	_ =	swait.ge [sflag:s31], $0x3200  }
0x25b: {  	[sflag:s31] =	ssyncset.done $0x0  }
0x25c: {  	s17 =	simm.s32 $0x1600;
	[sflag:s31] =	ssyncadd.s32 $0xFFFFCE00  }
0x25d: {  	[spmem:s3] =	stream.indirect.scatter.add.f32 [tilespmem:s22], [sflag:$0x4], $0x80, s17, s25, $0xb8;
	[tilespmem:$0x1FC00] =	vst v63  }
0x25e: {  	_ =	swait.ge [sflag:s23], $0x3200  }
0x25f: {  	[sflag:s23] =	ssyncset.done $0x0  }
0x260: {  	s17 =	simm.s32 $0x780;
	[sflag:s23] =	ssyncadd.s32 $0xFFFFCE00  }
0x261: {  	[tilespmem:s22], [sflag:$0x1] =	stream.indirect.gather [hbm4b:s0+s25], $0x80, s17, s25, $0xb8;
	[tilespmem:$0x1FC00] =	vst v63  }
0x262: {  	_ =	swait.ge [sflag:s2], $0x3200  }
0x263: {  	[sflag:s2] =	ssyncset.done $0x0  }
0x264: {  	s17 =	simm.s32 $0x1680;
	[sflag:s2] =	ssyncadd.s32 $0xFFFFCE00  }
0x265: {  	[spmem:s3] =	stream.indirect.scatter.add.f32 [tilespmem:s28], [sflag:$0x4], $0x80, s17, s25, $0xb8;
	[tilespmem:$0x1FC00] =	vst v63  }
0x266: {  	_ =	swait.ge [sflag:s23], $0x3200  }
0x267: {  	[sflag:s23] =	ssyncset.done $0x0  }
0x268: {  	s17 =	simm.s32 $0x800;
	[sflag:s23] =	ssyncadd.s32 $0xFFFFCE00  }
0x269: {  	[tilespmem:s28], [sflag:$0x2] =	stream.indirect.gather [hbm4b:s0+s25], $0x80, s17, s25, $0xb8;
	[tilespmem:$0x1FC00] =	vst v63  }
0x26a: {  	_ =	swait.ge [sflag:s8], $0x3200  }
0x26b: {  	[sflag:s8] =	ssyncset.done $0x0  }
0x26c: {  	s17 =	simm.s32 $0x1700;
	[sflag:s8] =	ssyncadd.s32 $0xFFFFCE00  }
0x26d: {  	[spmem:s3] =	stream.indirect.scatter.add.f32 [tilespmem:s30], [sflag:$0x4], $0x80, s17, s25, $0xb8;
	[tilespmem:$0x1FC00] =	vst v63  }
0x26e: {  	_ =	swait.ge [sflag:s23], $0x3200  }
0x26f: {  	[sflag:s23] =	ssyncset.done $0x0  }
0x270: {  	s17 =	simm.s32 $0x880;
	[sflag:s23] =	ssyncadd.s32 $0xFFFFCE00  }
0x271: {  	[tilespmem:s30], [sflag:$0x3] =	stream.indirect.gather [hbm4b:s0+s25], $0x80, s17, s25, $0xb8;
	[tilespmem:$0x1FC00] =	vst v63  }
0x272: {  	_ =	swait.ge [sflag:s31], $0x3200  }
0x273: {  	[sflag:s31] =	ssyncset.done $0x0  }
0x274: {  	s17 =	simm.s32 $0x1780;
	[sflag:s31] =	ssyncadd.s32 $0xFFFFCE00  }
0x275: {  	[spmem:s3] =	stream.indirect.scatter.add.f32 [tilespmem:s22], [sflag:$0x4], $0x80, s17, s25, $0xb8;
	[tilespmem:$0x1FC00] =	vst v63  }
0x276: {  	_ =	swait.ge [sflag:s23], $0x3200  }
0x277: {  	[sflag:s23] =	ssyncset.done $0x0  }
0x278: {  	s17 =	simm.s32 $0x900;
	[sflag:s23] =	ssyncadd.s32 $0xFFFFCE00  }
0x279: {  	[tilespmem:s22], [sflag:$0x1] =	stream.indirect.gather [hbm4b:s0+s25], $0x80, s17, s25, $0xb8;
	[tilespmem:$0x1FC00] =	vst v63  }
0x27a: {  	_ =	swait.ge [sflag:s2], $0x3200  }
0x27b: {  	[sflag:s2] =	ssyncset.done $0x0  }
0x27c: {  	s17 =	simm.s32 $0x1800;
	[sflag:s2] =	ssyncadd.s32 $0xFFFFCE00  }
0x27d: {  	[spmem:s3] =	stream.indirect.scatter.add.f32 [tilespmem:s28], [sflag:$0x4], $0x80, s17, s25, $0xb8;
	[tilespmem:$0x1FC00] =	vst v63  }
0x27e: {  	_ =	swait.ge [sflag:s23], $0x3200  }
0x27f: {  	[sflag:s23] =	ssyncset.done $0x0  }
0x280: {  	s17 =	simm.s32 $0x980;
	[sflag:s23] =	ssyncadd.s32 $0xFFFFCE00  }
0x281: {  	[tilespmem:s28], [sflag:$0x2] =	stream.indirect.gather [hbm4b:s0+s25], $0x80, s17, s25, $0xb8;
	[tilespmem:$0x1FC00] =	vst v63  }
0x282: {  	_ =	swait.ge [sflag:s8], $0x3200  }
0x283: {  	[sflag:s8] =	ssyncset.done $0x0  }
0x284: {  	s17 =	simm.s32 $0x1880;
	[sflag:s8] =	ssyncadd.s32 $0xFFFFCE00  }
0x285: {  	[spmem:s3] =	stream.indirect.scatter.add.f32 [tilespmem:s30], [sflag:$0x4], $0x80, s17, s25, $0xb8;
	[tilespmem:$0x1FC00] =	vst v63  }
0x286: {  	_ =	swait.ge [sflag:s23], $0x3200  }
0x287: {  	[sflag:s23] =	ssyncset.done $0x0  }
0x288: {  	s17 =	simm.s32 $0xA00;
	[sflag:s23] =	ssyncadd.s32 $0xFFFFCE00  }
0x289: {  	[tilespmem:s30], [sflag:$0x3] =	stream.indirect.gather [hbm4b:s0+s25], $0x80, s17, s25, $0xb8;
	[tilespmem:$0x1FC00] =	vst v63  }
0x28a: {  	_ =	swait.ge [sflag:s31], $0x3200  }
0x28b: {  	[sflag:s31] =	ssyncset.done $0x0  }
0x28c: {  	s17 =	simm.s32 $0x1900;
	[sflag:s31] =	ssyncadd.s32 $0xFFFFCE00  }
0x28d: {  	[spmem:s3] =	stream.indirect.scatter.add.f32 [tilespmem:s22], [sflag:$0x4], $0x80, s17, s25, $0xb8;
	[tilespmem:$0x1FC00] =	vst v63  }
0x28e: {  	_ =	swait.ge [sflag:s23], $0x3200  }
0x28f: {  	[sflag:s23] =	ssyncset.done $0x0  }
0x290: {  	s17 =	simm.s32 $0xA80;
	[sflag:s23] =	ssyncadd.s32 $0xFFFFCE00  }
0x291: {  	[tilespmem:s22], [sflag:$0x1] =	stream.indirect.gather [hbm4b:s0+s25], $0x80, s17, s25, $0xb8;
	[tilespmem:$0x1FC00] =	vst v63  }
0x292: {  	_ =	swait.ge [sflag:s2], $0x3200  }
0x293: {  	[sflag:s2] =	ssyncset.done $0x0  }
0x294: {  	s17 =	simm.s32 $0x1980;
	[sflag:s2] =	ssyncadd.s32 $0xFFFFCE00  }
0x295: {  	[spmem:s3] =	stream.indirect.scatter.add.f32 [tilespmem:s28], [sflag:$0x4], $0x80, s17, s25, $0xb8;
	[tilespmem:$0x1FC00] =	vst v63  }
0x296: {  	_ =	swait.ge [sflag:s23], $0x3200  }
0x297: {  	[sflag:s23] =	ssyncset.done $0x0  }
0x298: {  	s17 =	simm.s32 $0xB00;
	[sflag:s23] =	ssyncadd.s32 $0xFFFFCE00  }
0x299: {  	[tilespmem:s28], [sflag:$0x2] =	stream.indirect.gather [hbm4b:s0+s25], $0x80, s17, s25, $0xb8;
	[tilespmem:$0x1FC00] =	vst v63  }
0x29a: {  	_ =	swait.ge [sflag:s8], $0x3200  }
0x29b: {  	[sflag:s8] =	ssyncset.done $0x0  }
0x29c: {  	s17 =	simm.s32 $0x1A00;
	[sflag:s8] =	ssyncadd.s32 $0xFFFFCE00  }
0x29d: {  	[spmem:s3] =	stream.indirect.scatter.add.f32 [tilespmem:s30], [sflag:$0x4], $0x80, s17, s25, $0xb8;
	[tilespmem:$0x1FC00] =	vst v63  }
0x29e: {  	_ =	swait.ge [sflag:s23], $0x3200  }
0x29f: {  	[sflag:s23] =	ssyncset.done $0x0  }
0x2a0: {  	s17 =	simm.s32 $0xB80;
	[sflag:s23] =	ssyncadd.s32 $0xFFFFCE00  }
0x2a1: {  	[tilespmem:s30], [sflag:$0x3] =	stream.indirect.gather [hbm4b:s0+s25], $0x80, s17, s25, $0xb8;
	[tilespmem:$0x1FC00] =	vst v63  }
0x2a2: {  	_ =	swait.ge [sflag:s31], $0x3200  }
0x2a3: {  	[sflag:s31] =	ssyncset.done $0x0  }
0x2a4: {  	s17 =	simm.s32 $0x1A80;
	[sflag:s31] =	ssyncadd.s32 $0xFFFFCE00  }
0x2a5: {  	[spmem:s3] =	stream.indirect.scatter.add.f32 [tilespmem:s22], [sflag:$0x4], $0x80, s17, s25, $0xb8;
	[tilespmem:$0x1FC00] =	vst v63  }
0x2a6: {  	_ =	swait.ge [sflag:s23], $0x3200  }
0x2a7: {  	[sflag:s23] =	ssyncset.done $0x0  }
0x2a8: {  	s17 =	simm.s32 $0xC00;
	[sflag:s23] =	ssyncadd.s32 $0xFFFFCE00  }
0x2a9: {  	[tilespmem:s22], [sflag:$0x1] =	stream.indirect.gather [hbm4b:s0+s25], $0x80, s17, s25, $0xb8;
	[tilespmem:$0x1FC00] =	vst v63  }
0x2aa: {  	_ =	swait.ge [sflag:s2], $0x3200  }
0x2ab: {  	[sflag:s2] =	ssyncset.done $0x0  }
0x2ac: {  	s17 =	simm.s32 $0x1B00;
	[sflag:s2] =	ssyncadd.s32 $0xFFFFCE00  }
0x2ad: {  	[spmem:s3] =	stream.indirect.scatter.add.f32 [tilespmem:s28], [sflag:$0x4], $0x80, s17, s25, $0xb8;
	[tilespmem:$0x1FC00] =	vst v63  }
0x2ae: {  	_ =	swait.ge [sflag:s23], $0x3200  }
0x2af: {  	[sflag:s23] =	ssyncset.done $0x0  }
0x2b0: {  	[sflag:s23] =	ssyncadd.s32 $0xFFFFCE00  }
0x2b1: {  	_ =	swait.ge [sflag:s8], $0x3200  }
0x2b2: {  	[sflag:s8] =	ssyncset.done $0x0  }
0x2b3: {  	s17 =	simm.s32 $0x1B80;
	[sflag:s8] =	ssyncadd.s32 $0xFFFFCE00  }
0x2b4: {  	[spmem:s3] =	stream.indirect.scatter.add.f32 [tilespmem:s30], [sflag:$0x4], $0x80, s17, s25, $0xb8;
	[tilespmem:$0x1FC00] =	vst v63  }
0x2b5: {  	_ =	swait.ge [sflag:s23], $0x3200  }
0x2b6: {  	[sflag:s23] =	ssyncset.done $0x0  }
0x2b7: {  	[sflag:s23] =	ssyncadd.s32 $0xFFFFCE00  }
0x2b8: {  	_ =	swait.ge [sflag:s31], $0x3200  }
0x2b9: {  	[sflag:s31] =	ssyncset.done $0x0  }
0x2ba: {  	s17 =	simm.s32 $0x1C00;
	[sflag:s31] =	ssyncadd.s32 $0xFFFFCE00  }
0x2bb: {  	[spmem:s3] =	stream.indirect.scatter.add.f32 [tilespmem:s22], [sflag:$0x4], $0x80, s17, s25, $0xb8;
	[tilespmem:$0x1FC00] =	vst v63  }
0x2bc: {  	_ =	swait.ge [sflag:s23], $0x3200  }
0x2bd: {  	[sflag:s23] =	ssyncset.done $0x0  }
0x2be: {  	s17 =	rddreg [dreg:$0xb];
	[sflag:s23] =	ssyncadd.s32 $0xFFFFCE00  }
0x2bf: {  	[tilespmem:s15], [sflag:$0x4] =	stream.linear.gather [hbm4b:s17+s15], $0xC80, $0x38;
	[tilespmem:$0x1FC00] =	vst v63  }
0x2c0: {  	_ =	swait.ge [sflag:s23], $0xC80  }
0x2c1: {  	[sflag:s23] =	ssyncset.done $0x0  }
0x2c2: {  	s17 =	rddreg [dreg:$0xc];
	[sflag:s23] =	ssyncadd.s32 $0xFFFFF380  }
0x2c3: {  	[tilespmem:s4], [sflag:$0x4] =	stream.linear.gather [hbm4b:s17+s15], $0xC80, $0x38;
	[tilespmem:$0x1FC00] =	vst v63  }
0x2c4: {  	_ =	swait.ge [sflag:s23], $0xC80  }
0x2c5: {  	[sflag:s23] =	ssyncset.done $0x0  }
0x2c6: {  	[sflag:s23] =	ssyncadd.s32 $0xFFFFF380  }
0x2c7: {  	[tilespmem:s22], [sflag:$0x1] =	stream.indirect.gather [hbm4b:s0+s25], $0x80, s15, s25, $0xb8;
	[tilespmem:$0x1FC00] =	vst v63  }
0x2c8: {  	s18 =	simm.s32 $0x80  }
0x2c9: {  	[tilespmem:s28], [sflag:$0x2] =	stream.indirect.gather [hbm4b:s0+s25], $0x80, s18, s25, $0xb8;
	[tilespmem:$0x1FC00] =	vst v63  }
0x2ca: {  	s18 =	simm.s32 $0x100  }
0x2cb: {  	[tilespmem:s30], [sflag:$0x3] =	stream.indirect.gather [hbm4b:s0+s25], $0x80, s18, s25, $0xb8;
	[tilespmem:$0x1FC00] =	vst v63  }
0x2cc: {  	_ =	swait.ge [sflag:s31], $0x3200  }
0x2cd: {  	[sflag:s31] =	ssyncset.done $0x0  }
0x2ce: {  	[sflag:s31] =	ssyncadd.s32 $0xFFFFCE00  }
0x2cf: {  	[spmem:s3] =	stream.indirect.scatter.add.f32 [tilespmem:s22], [sflag:$0x4], $0x80, s4, s25, $0xb8;
	[tilespmem:$0x1FC00] =	vst v63  }
0x2d0: {  	_ =	swait.ge [sflag:s23], $0x3200  }
0x2d1: {  	[sflag:s23] =	ssyncset.done $0x0  }
0x2d2: {  	s17 =	simm.s32 $0x180;
	[sflag:s23] =	ssyncadd.s32 $0xFFFFCE00  }
0x2d3: {  	[tilespmem:s22], [sflag:$0x1] =	stream.indirect.gather [hbm4b:s0+s25], $0x80, s17, s25, $0xb8;
	[tilespmem:$0x1FC00] =	vst v63  }
0x2d4: {  	_ =	swait.ge [sflag:s2], $0x3200  }
0x2d5: {  	[sflag:s2] =	ssyncset.done $0x0  }
0x2d6: {  	s18 =	simm.s32 $0x1080;
	[sflag:s2] =	ssyncadd.s32 $0xFFFFCE00  }
0x2d7: {  	[spmem:s3] =	stream.indirect.scatter.add.f32 [tilespmem:s28], [sflag:$0x4], $0x80, s18, s25, $0xb8;
	[tilespmem:$0x1FC00] =	vst v63  }
0x2d8: {  	_ =	swait.ge [sflag:s23], $0x3200  }
0x2d9: {  	[sflag:s23] =	ssyncset.done $0x0  }
0x2da: {  	s17 =	simm.s32 $0x200;
	[sflag:s23] =	ssyncadd.s32 $0xFFFFCE00  }
0x2db: {  	[tilespmem:s28], [sflag:$0x2] =	stream.indirect.gather [hbm4b:s0+s25], $0x80, s17, s25, $0xb8;
	[tilespmem:$0x1FC00] =	vst v63  }
0x2dc: {  	_ =	swait.ge [sflag:s8], $0x3200  }
0x2dd: {  	[sflag:s8] =	ssyncset.done $0x0  }
0x2de: {  	s18 =	simm.s32 $0x1100;
	[sflag:s8] =	ssyncadd.s32 $0xFFFFCE00  }
0x2df: {  	[spmem:s3] =	stream.indirect.scatter.add.f32 [tilespmem:s30], [sflag:$0x4], $0x80, s18, s25, $0xb8;
	[tilespmem:$0x1FC00] =	vst v63  }
0x2e0: {  	_ =	swait.ge [sflag:s23], $0x3200  }
0x2e1: {  	[sflag:s23] =	ssyncset.done $0x0  }
0x2e2: {  	s1 =	simm.s32 $0x280;
	[sflag:s23] =	ssyncadd.s32 $0xFFFFCE00  }
0x2e3: {  	[tilespmem:s30], [sflag:$0x3] =	stream.indirect.gather [hbm4b:s0+s25], $0x80, s1, s25, $0xb8;
	[tilespmem:$0x1FC00] =	vst v63  }
0x2e4: {  	_ =	swait.ge [sflag:s31], $0x3200  }
0x2e5: {  	[sflag:s31] =	ssyncset.done $0x0  }
0x2e6: {  	s5 =	simm.s32 $0x1180;
	[sflag:s31] =	ssyncadd.s32 $0xFFFFCE00  }
0x2e7: {  	[spmem:s3] =	stream.indirect.scatter.add.f32 [tilespmem:s22], [sflag:$0x4], $0x80, s5, s25, $0xb8;
	[tilespmem:$0x1FC00] =	vst v63  }
0x2e8: {  	_ =	swait.ge [sflag:s23], $0x3200  }
0x2e9: {  	[sflag:s23] =	ssyncset.done $0x0  }
0x2ea: {  	s6 =	simm.s32 $0x300;
	[sflag:s23] =	ssyncadd.s32 $0xFFFFCE00  }
0x2eb: {  	[tilespmem:s22], [sflag:$0x1] =	stream.indirect.gather [hbm4b:s0+s25], $0x80, s6, s25, $0xb8;
	[tilespmem:$0x1FC00] =	vst v63  }
0x2ec: {  	_ =	swait.ge [sflag:s2], $0x3200  }
0x2ed: {  	[sflag:s2] =	ssyncset.done $0x0  }
0x2ee: {  	s7 =	simm.s32 $0x1200;
	[sflag:s2] =	ssyncadd.s32 $0xFFFFCE00  }
0x2ef: {  	[spmem:s3] =	stream.indirect.scatter.add.f32 [tilespmem:s28], [sflag:$0x4], $0x80, s7, s25, $0xb8;
	[tilespmem:$0x1FC00] =	vst v63  }
0x2f0: {  	_ =	swait.ge [sflag:s23], $0x3200  }
0x2f1: {  	[sflag:s23] =	ssyncset.done $0x0  }
0x2f2: {  	s9 =	simm.s32 $0x380;
	[sflag:s23] =	ssyncadd.s32 $0xFFFFCE00  }
0x2f3: {  	[tilespmem:s28], [sflag:$0x2] =	stream.indirect.gather [hbm4b:s0+s25], $0x80, s9, s25, $0xb8;
	[tilespmem:$0x1FC00] =	vst v63  }
0x2f4: {  	_ =	swait.ge [sflag:s8], $0x3200  }
0x2f5: {  	[sflag:s8] =	ssyncset.done $0x0  }
0x2f6: {  	s10 =	simm.s32 $0x1280;
	[sflag:s8] =	ssyncadd.s32 $0xFFFFCE00  }
0x2f7: {  	[spmem:s3] =	stream.indirect.scatter.add.f32 [tilespmem:s30], [sflag:$0x4], $0x80, s10, s25, $0xb8;
	[tilespmem:$0x1FC00] =	vst v63  }
0x2f8: {  	_ =	swait.ge [sflag:s23], $0x3200  }
0x2f9: {  	[sflag:s23] =	ssyncset.done $0x0  }
0x2fa: {  	s11 =	simm.s32 $0x400;
	[sflag:s23] =	ssyncadd.s32 $0xFFFFCE00  }
0x2fb: {  	[tilespmem:s30], [sflag:$0x3] =	stream.indirect.gather [hbm4b:s0+s25], $0x80, s11, s25, $0xb8;
	[tilespmem:$0x1FC00] =	vst v63  }
0x2fc: {  	_ =	swait.ge [sflag:s31], $0x3200  }
0x2fd: {  	[sflag:s31] =	ssyncset.done $0x0  }
0x2fe: {  	s12 =	simm.s32 $0x1300;
	[sflag:s31] =	ssyncadd.s32 $0xFFFFCE00  }
0x2ff: {  	[spmem:s3] =	stream.indirect.scatter.add.f32 [tilespmem:s22], [sflag:$0x4], $0x80, s12, s25, $0xb8;
	[tilespmem:$0x1FC00] =	vst v63  }
0x300: {  	_ =	swait.ge [sflag:s23], $0x3200  }
0x301: {  	[sflag:s23] =	ssyncset.done $0x0  }
0x302: {  	s13 =	simm.s32 $0x480;
	[sflag:s23] =	ssyncadd.s32 $0xFFFFCE00  }
0x303: {  	[tilespmem:s22], [sflag:$0x1] =	stream.indirect.gather [hbm4b:s0+s25], $0x80, s13, s25, $0xb8;
	[tilespmem:$0x1FC00] =	vst v63  }
0x304: {  	_ =	swait.ge [sflag:s2], $0x3200  }
0x305: {  	[sflag:s2] =	ssyncset.done $0x0  }
0x306: {  	s14 =	simm.s32 $0x1380;
	[sflag:s2] =	ssyncadd.s32 $0xFFFFCE00  }
0x307: {  	[spmem:s3] =	stream.indirect.scatter.add.f32 [tilespmem:s28], [sflag:$0x4], $0x80, s14, s25, $0xb8;
	[tilespmem:$0x1FC00] =	vst v63  }
0x308: {  	_ =	swait.ge [sflag:s23], $0x3200  }
0x309: {  	[sflag:s23] =	ssyncset.done $0x0  }
0x30a: {  	s10 =	simm.s32 $0x500;
	[sflag:s23] =	ssyncadd.s32 $0xFFFFCE00  }
0x30b: {  	[tilespmem:s28], [sflag:$0x2] =	stream.indirect.gather [hbm4b:s0+s25], $0x80, s10, s25, $0xb8;
	[tilespmem:$0x1FC00] =	vst v63  }
0x30c: {  	_ =	swait.ge [sflag:s8], $0x3200  }
0x30d: {  	[sflag:s8] =	ssyncset.done $0x0  }
0x30e: {  	s24 =	simm.s32 $0x1400;
	[sflag:s8] =	ssyncadd.s32 $0xFFFFCE00  }
0x30f: {  	[spmem:s3] =	stream.indirect.scatter.add.f32 [tilespmem:s30], [sflag:$0x4], $0x80, s24, s25, $0xb8;
	[tilespmem:$0x1FC00] =	vst v63  }
0x310: {  	_ =	swait.ge [sflag:s23], $0x3200  }
0x311: {  	[sflag:s23] =	ssyncset.done $0x0  }
0x312: {  	s19 =	simm.s32 $0x580;
	[sflag:s23] =	ssyncadd.s32 $0xFFFFCE00  }
0x313: {  	[tilespmem:s30], [sflag:$0x3] =	stream.indirect.gather [hbm4b:s0+s25], $0x80, s19, s25, $0xb8;
	[tilespmem:$0x1FC00] =	vst v63  }
0x314: {  	_ =	swait.ge [sflag:s31], $0x3200  }
0x315: {  	[sflag:s31] =	ssyncset.done $0x0  }
0x316: {  	s20 =	simm.s32 $0x1480;
	[sflag:s31] =	ssyncadd.s32 $0xFFFFCE00  }
0x317: {  	[spmem:s3] =	stream.indirect.scatter.add.f32 [tilespmem:s22], [sflag:$0x4], $0x80, s20, s25, $0xb8;
	[tilespmem:$0x1FC00] =	vst v63  }
0x318: {  	_ =	swait.ge [sflag:s23], $0x3200  }
0x319: {  	[sflag:s23] =	ssyncset.done $0x0  }
0x31a: {  	s21 =	simm.s32 $0x600;
	[sflag:s23] =	ssyncadd.s32 $0xFFFFCE00  }
0x31b: {  	[tilespmem:s22], [sflag:$0x1] =	stream.indirect.gather [hbm4b:s0+s25], $0x80, s21, s25, $0xb8;
	[tilespmem:$0x1FC00] =	vst v63  }
0x31c: {  	_ =	swait.ge [sflag:s2], $0x3200  }
0x31d: {  	[sflag:s2] =	ssyncset.done $0x0  }
0x31e: {  	s26 =	simm.s32 $0x1500;
	[sflag:s2] =	ssyncadd.s32 $0xFFFFCE00  }
0x31f: {  	[spmem:s3] =	stream.indirect.scatter.add.f32 [tilespmem:s28], [sflag:$0x4], $0x80, s26, s25, $0xb8;
	[tilespmem:$0x1FC00] =	vst v63  }
0x320: {  	_ =	swait.ge [sflag:s23], $0x3200  }
0x321: {  	[sflag:s23] =	ssyncset.done $0x0  }
0x322: {  	s29 =	simm.s32 $0x680;
	[sflag:s23] =	ssyncadd.s32 $0xFFFFCE00  }
0x323: {  	[tilespmem:s28], [sflag:$0x2] =	stream.indirect.gather [hbm4b:s0+s25], $0x80, s29, s25, $0xb8;
	[tilespmem:$0x1FC00] =	vst v63  }
0x324: {  	_ =	swait.ge [sflag:s8], $0x3200  }
0x325: {  	[sflag:s8] =	ssyncset.done $0x0  }
0x326: {  	s11 =	simm.s32 $0x1580;
	[sflag:s8] =	ssyncadd.s32 $0xFFFFCE00  }
0x327: {  	[spmem:s3] =	stream.indirect.scatter.add.f32 [tilespmem:s30], [sflag:$0x4], $0x80, s11, s25, $0xb8;
	[tilespmem:$0x1FC00] =	vst v63  }
0x328: {  	_ =	swait.ge [sflag:s23], $0x3200  }
0x329: {  	[sflag:s23] =	ssyncset.done $0x0  }
0x32a: {  	s12 =	simm.s32 $0x700;
	[sflag:s23] =	ssyncadd.s32 $0xFFFFCE00  }
0x32b: {  	[tilespmem:s30], [sflag:$0x3] =	stream.indirect.gather [hbm4b:s0+s25], $0x80, s12, s25, $0xb8;
	[tilespmem:$0x1FC00] =	vst v63  }
0x32c: {  	_ =	swait.ge [sflag:s31], $0x3200  }
0x32d: {  	[sflag:s31] =	ssyncset.done $0x0  }
0x32e: {  	s13 =	simm.s32 $0x1600;
	[sflag:s31] =	ssyncadd.s32 $0xFFFFCE00  }
0x32f: {  	[spmem:s3] =	stream.indirect.scatter.add.f32 [tilespmem:s22], [sflag:$0x4], $0x80, s13, s25, $0xb8;
	[tilespmem:$0x1FC00] =	vst v63  }
0x330: {  	_ =	swait.ge [sflag:s23], $0x3200  }
0x331: {  	[sflag:s23] =	ssyncset.done $0x0  }
0x332: {  	s14 =	simm.s32 $0x780;
	[sflag:s23] =	ssyncadd.s32 $0xFFFFCE00  }
0x333: {  	[tilespmem:s22], [sflag:$0x1] =	stream.indirect.gather [hbm4b:s0+s25], $0x80, s14, s25, $0xb8;
	[tilespmem:$0x1FC00] =	vst v63  }
0x334: {  	_ =	swait.ge [sflag:s2], $0x3200  }
0x335: {  	[sflag:s2] =	ssyncset.done $0x0  }
0x336: {  	s17 =	simm.s32 $0x1680;
	[sflag:s2] =	ssyncadd.s32 $0xFFFFCE00  }
0x337: {  	[spmem:s3] =	stream.indirect.scatter.add.f32 [tilespmem:s28], [sflag:$0x4], $0x80, s17, s25, $0xb8;
	[tilespmem:$0x1FC00] =	vst v63  }
0x338: {  	_ =	swait.ge [sflag:s23], $0x3200  }
0x339: {  	[sflag:s23] =	ssyncset.done $0x0  }
0x33a: {  	s18 =	simm.s32 $0x800;
	[sflag:s23] =	ssyncadd.s32 $0xFFFFCE00  }
0x33b: {  	[tilespmem:s28], [sflag:$0x2] =	stream.indirect.gather [hbm4b:s0+s25], $0x80, s18, s25, $0xb8;
	[tilespmem:$0x1FC00] =	vst v63  }
0x33c: {  	_ =	swait.ge [sflag:s8], $0x3200  }
0x33d: {  	[sflag:s8] =	ssyncset.done $0x0  }
0x33e: {  	s19 =	simm.s32 $0x1700;
	[sflag:s8] =	ssyncadd.s32 $0xFFFFCE00  }
0x33f: {  	[spmem:s3] =	stream.indirect.scatter.add.f32 [tilespmem:s30], [sflag:$0x4], $0x80, s19, s25, $0xb8;
	[tilespmem:$0x1FC00] =	vst v63  }
0x340: {  	_ =	swait.ge [sflag:s23], $0x3200  }
0x341: {  	[sflag:s23] =	ssyncset.done $0x0  }
0x342: {  	s20 =	simm.s32 $0x880;
	[sflag:s23] =	ssyncadd.s32 $0xFFFFCE00  }
0x343: {  	[tilespmem:s30], [sflag:$0x3] =	stream.indirect.gather [hbm4b:s0+s25], $0x80, s20, s25, $0xb8;
	[tilespmem:$0x1FC00] =	vst v63  }
0x344: {  	_ =	swait.ge [sflag:s31], $0x3200  }
0x345: {  	[sflag:s31] =	ssyncset.done $0x0  }
0x346: {  	s21 =	simm.s32 $0x1780;
	[sflag:s31] =	ssyncadd.s32 $0xFFFFCE00  }
0x347: {  	[spmem:s3] =	stream.indirect.scatter.add.f32 [tilespmem:s22], [sflag:$0x4], $0x80, s21, s25, $0xb8;
	[tilespmem:$0x1FC00] =	vst v63  }
0x348: {  	_ =	swait.ge [sflag:s23], $0x3200  }
0x349: {  	[sflag:s23] =	ssyncset.done $0x0  }
0x34a: {  	s24 =	simm.s32 $0x900;
	[sflag:s23] =	ssyncadd.s32 $0xFFFFCE00  }
0x34b: {  	[tilespmem:s22], [sflag:$0x1] =	stream.indirect.gather [hbm4b:s0+s25], $0x80, s24, s25, $0xb8;
	[tilespmem:$0x1FC00] =	vst v63  }
0x34c: {  	_ =	swait.ge [sflag:s2], $0x3200  }
0x34d: {  	[sflag:s2] =	ssyncset.done $0x0  }
0x34e: {  	s26 =	simm.s32 $0x1800;
	[sflag:s2] =	ssyncadd.s32 $0xFFFFCE00  }
0x34f: {  	[spmem:s3] =	stream.indirect.scatter.add.f32 [tilespmem:s28], [sflag:$0x4], $0x80, s26, s25, $0xb8;
	[tilespmem:$0x1FC00] =	vst v63  }
0x350: {  	_ =	swait.ge [sflag:s23], $0x3200  }
0x351: {  	[sflag:s23] =	ssyncset.done $0x0  }
0x352: {  	s29 =	simm.s32 $0x980;
	[sflag:s23] =	ssyncadd.s32 $0xFFFFCE00  }
0x353: {  	[tilespmem:s28], [sflag:$0x2] =	stream.indirect.gather [hbm4b:s0+s25], $0x80, s29, s25, $0xb8;
	[tilespmem:$0x1FC00] =	vst v63  }
0x354: {  	_ =	swait.ge [sflag:s8], $0x3200  }
0x355: {  	[sflag:s8] =	ssyncset.done $0x0  }
0x356: {  	s4 =	simm.s32 $0x1880;
	[sflag:s8] =	ssyncadd.s32 $0xFFFFCE00  }
0x357: {  	[spmem:s3] =	stream.indirect.scatter.add.f32 [tilespmem:s30], [sflag:$0x4], $0x80, s4, s25, $0xb8;
	[tilespmem:$0x1FC00] =	vst v63  }
0x358: {  	_ =	swait.ge [sflag:s23], $0x3200  }
0x359: {  	[sflag:s23] =	ssyncset.done $0x0  }
0x35a: {  	s5 =	simm.s32 $0xA00;
	[sflag:s23] =	ssyncadd.s32 $0xFFFFCE00  }
0x35b: {  	[tilespmem:s30], [sflag:$0x3] =	stream.indirect.gather [hbm4b:s0+s25], $0x80, s5, s25, $0xb8;
	[tilespmem:$0x1FC00] =	vst v63  }
0x35c: {  	_ =	swait.ge [sflag:s31], $0x3200  }
0x35d: {  	[sflag:s31] =	ssyncset.done $0x0  }
0x35e: {  	s6 =	simm.s32 $0x1900;
	[sflag:s31] =	ssyncadd.s32 $0xFFFFCE00  }
0x35f: {  	[spmem:s3] =	stream.indirect.scatter.add.f32 [tilespmem:s22], [sflag:$0x4], $0x80, s6, s25, $0xb8;
	[tilespmem:$0x1FC00] =	vst v63  }
0x360: {  	_ =	swait.ge [sflag:s23], $0x3200  }
0x361: {  	[sflag:s23] =	ssyncset.done $0x0  }
0x362: {  	s7 =	simm.s32 $0xA80;
	[sflag:s23] =	ssyncadd.s32 $0xFFFFCE00  }
0x363: {  	[tilespmem:s22], [sflag:$0x1] =	stream.indirect.gather [hbm4b:s0+s25], $0x80, s7, s25, $0xb8;
	[tilespmem:$0x1FC00] =	vst v63  }
0x364: {  	_ =	swait.ge [sflag:s2], $0x3200  }
0x365: {  	[sflag:s2] =	ssyncset.done $0x0  }
0x366: {  	s9 =	simm.s32 $0x1980;
	[sflag:s2] =	ssyncadd.s32 $0xFFFFCE00  }
0x367: {  	[spmem:s3] =	stream.indirect.scatter.add.f32 [tilespmem:s28], [sflag:$0x4], $0x80, s9, s25, $0xb8;
	[tilespmem:$0x1FC00] =	vst v63  }
0x368: {  	_ =	swait.ge [sflag:s23], $0x3200  }
0x369: {  	[sflag:s23] =	ssyncset.done $0x0  }
0x36a: {  	s10 =	simm.s32 $0xB00;
	[sflag:s23] =	ssyncadd.s32 $0xFFFFCE00  }
0x36b: {  	[tilespmem:s28], [sflag:$0x2] =	stream.indirect.gather [hbm4b:s0+s25], $0x80, s10, s25, $0xb8;
	[tilespmem:$0x1FC00] =	vst v63  }
0x36c: {  	_ =	swait.ge [sflag:s8], $0x3200  }
0x36d: {  	[sflag:s8] =	ssyncset.done $0x0  }
0x36e: {  	s11 =	simm.s32 $0x1A00;
	[sflag:s8] =	ssyncadd.s32 $0xFFFFCE00  }
0x36f: {  	[spmem:s3] =	stream.indirect.scatter.add.f32 [tilespmem:s30], [sflag:$0x4], $0x80, s11, s25, $0xb8;
	[tilespmem:$0x1FC00] =	vst v63  }
0x370: {  	_ =	swait.ge [sflag:s23], $0x3200  }
0x371: {  	[sflag:s23] =	ssyncset.done $0x0  }
0x372: {  	s12 =	simm.s32 $0xB80;
	[sflag:s23] =	ssyncadd.s32 $0xFFFFCE00  }
0x373: {  	[tilespmem:s30], [sflag:$0x3] =	stream.indirect.gather [hbm4b:s0+s25], $0x80, s12, s25, $0xb8;
	[tilespmem:$0x1FC00] =	vst v63  }
0x374: {  	_ =	swait.ge [sflag:s31], $0x3200  }
0x375: {  	[sflag:s31] =	ssyncset.done $0x0  }
0x376: {  	s13 =	simm.s32 $0x1A80;
	[sflag:s31] =	ssyncadd.s32 $0xFFFFCE00  }
0x377: {  	[spmem:s3] =	stream.indirect.scatter.add.f32 [tilespmem:s22], [sflag:$0x4], $0x80, s13, s25, $0xb8;
	[tilespmem:$0x1FC00] =	vst v63  }
0x378: {  	_ =	swait.ge [sflag:s23], $0x3200  }
0x379: {  	[sflag:s23] =	ssyncset.done $0x0  }
0x37a: {  	s14 =	simm.s32 $0xC00;
	[sflag:s23] =	ssyncadd.s32 $0xFFFFCE00  }
0x37b: {  	[tilespmem:s22], [sflag:$0x1] =	stream.indirect.gather [hbm4b:s0+s25], $0x80, s14, s25, $0xb8;
	[tilespmem:$0x1FC00] =	vst v63  }
0x37c: {  	_ =	swait.ge [sflag:s2], $0x3200  }
0x37d: {  	[sflag:s2] =	ssyncset.done $0x0  }
0x37e: {  	s17 =	simm.s32 $0x1B00;
	[sflag:s2] =	ssyncadd.s32 $0xFFFFCE00  }
0x37f: {  	[spmem:s3] =	stream.indirect.scatter.add.f32 [tilespmem:s28], [sflag:$0x4], $0x80, s17, s25, $0xb8;
	[tilespmem:$0x1FC00] =	vst v63  }
0x380: {  	_ =	swait.ge [sflag:s23], $0x3200  }
0x381: {  	[sflag:s23] =	ssyncset.done $0x0  }
0x382: {  	[sflag:s23] =	ssyncadd.s32 $0xFFFFCE00  }
0x383: {  	_ =	swait.ge [sflag:s8], $0x3200  }
0x384: {  	[sflag:s8] =	ssyncset.done $0x0  }
0x385: {  	s18 =	simm.s32 $0x1B80;
	[sflag:s8] =	ssyncadd.s32 $0xFFFFCE00  }
0x386: {  	[spmem:s3] =	stream.indirect.scatter.add.f32 [tilespmem:s30], [sflag:$0x4], $0x80, s18, s25, $0xb8;
	[tilespmem:$0x1FC00] =	vst v63  }
0x387: {  	_ =	swait.ge [sflag:s23], $0x3200  }
0x388: {  	[sflag:s23] =	ssyncset.done $0x0  }
0x389: {  	[sflag:s23] =	ssyncadd.s32 $0xFFFFCE00  }
0x38a: {  	_ =	swait.ge [sflag:s31], $0x3200  }
0x38b: {  	[sflag:s31] =	ssyncset.done $0x0  }
0x38c: {  	s19 =	simm.s32 $0x1C00;
	[sflag:s31] =	ssyncadd.s32 $0xFFFFCE00  }
0x38d: {  	[spmem:s3] =	stream.indirect.scatter.add.f32 [tilespmem:s22], [sflag:$0x4], $0x80, s19, s25, $0xb8;
	[tilespmem:$0x1FC00] =	vst v63  }
0x38e: {  	_ =	swait.ge [sflag:s23], $0x3200  }
0x38f: {  	[sflag:s23] =	ssyncset.done $0x0  }
0x390: {  	[sflag:s23] =	ssyncadd.s32 $0xFFFFCE00  }
0x391: {  	s20 =	stileid.u32;
	[bflag:$0x0] =	sbarrier.arrive $0xFFFF  }
0x392: {  	s17 =	sshll.u32 s20, $0x6;
	s21 =	rddreg [dreg:$0x14]  }
0x393: {  	s17 =	sor.u32 $0x1C04, s17;
	s26 =	rddreg [dreg:$0xd];
	s24 =	sshrl.u32 s21, $0x3  }
0x394: {  	[hbm:s26], [sflag:s17] =	dma.local [spmem:s24], $0x2800  }
0x395: {  	_ =	swait.ge [sflag:s23], $0x2800  }
0x396: {  	s16 =	sadd.s32 $0x1, s16;
	s29 =	rddreg [dreg:$0xe]  }
0x397: {  	p0 =	sne.s32 s16, s29  }
.Ltmp1:
0x398: {  	_ = 	snop;
	(pc) =	sbr.rel @p0 .LBB2_1-.Ltmp1, $3  }
0x399: {  	_ =	sdelay $0x1  }
0x39a: {  	[sflag:s23] =	ssyncset.done $0x0  }
0x39b: {  	[sflag:s23] =	ssyncadd.s32 $0xFFFFD800  }
0x39c: {  	_ =	sfence.sel $0x180000  }
0x39d: {  	[bflag:$0x0] =	sbarrier.arrive $0xFFFF  }
0x39e: {  	_ =	strace $0x90000047  }
0x39f: {  	s0 =	stileid.u32;
	[bflag:$0x2] =	sbarrier.arrive $0xFFFF  }
0x3a0: {  	p0 =	sne.s32 s0, $0x0;
	s0 =	rddreg [dreg:$0x3]  }
0x3a1: {  	s0 =	sadd.s32 @!p0 $0x100000, s0  }
0x3a2: {  	[sflag:s0] =	ssyncadd.tile.s32 @!p0 $0x1;
	_ =	shalt  }
.Lfunc_end2:
_tile_overlayer_lowered:
.L_overlay_start_2:
0x3a3: {  	(tag) =	ssettag $0x2  }
0x3a4: {  	s0 =	rddreg [dreg:$0x0];
	s2 =	stileid.u32  }
0x3a5: {  	s1 =	rddreg [dreg:$0x1];
	p0 =	sne.s32 s2, $0x0  }
0x3a6: {  	s3 =	rddreg [dreg:$0x2];
	[bflag:$0x3] =	sbarrier.arrive $0xFFFF;
	s2 =	simm.s32 @!p0 $0x1C04  }
0x3a7: {  	[timem:s3], [sflag:s2] =	dma.local @!p0 [hbm:s0], s1  }
0x3a8: {  	s0 =	simm.s32 @!p0 $0x4  }
0x3a9: {  	_ =	swait.ge @!p0 [sflag:s0], s1  }
0x3aa: {  	s1 =	ssub.s32 @!p0 $0x0, s1;
	[sflag:s0] =	ssyncset.done @!p0 $0x0  }
0x3ab: {  	[sflag:s0] =	ssyncadd.s32 @!p0 s1  }
0x3ac: {  	[bflag:$0x3] =	sbarrier.arrive $0xFFFF  }
0x3ad: {  	_ =	shalt  }

</sc_bundles>
